<compile_context>
chip_gen: v7x
topology: tpu7x:2x2x1
jax: 0.10.2.dev20260603
libtpu: 0.0.44.dev20260713+nightly
codegen_flags: <defaults>
</compile_context>

<pallas_src>
import functools

import jax
import jax.numpy as jnp
from jax import lax
from jax.experimental import pallas as pl
from jax.experimental.pallas import tpu as pltpu
from jax.experimental.pallas import tpu_sc as plsc

N = 10000
E = 320000
H = 8
DK = 16
D = H * DK
DFF = 512
VOCAB = 1000
MAXPOS = 4096
NL = 2

NB = 10
BLK = N // NB
EB = 80
EBE = 80
NW = 32
EPW = E // NW
NEB = EPW // EBE
NTB = N // EB
NZB = N // EBE
SCALE = 1.0 / (DK ** 0.5)

_mesh = plsc.VectorSubcoreMesh(core_axis_name="c", subcore_axis_name="s")


def _embed_body(tok_hbm, tpos_hbm, vtab, ctab, ptab, x_hbm,
                tki, pix, cix, vb, pb, cb, xb, sem):
    c = lax.axis_index("c")
    s = lax.axis_index("s")
    wid = c * 16 + s
    three = jnp.full((16,), 3, jnp.int32)
    for jj in range(4):
        b = wid + 32 * jj

        @pl.when(b < NTB)
        def _():
            off = pl.multiple_of(b * EB, 8)
            pltpu.sync_copy(tok_hbm.at[pl.ds(off, EB)], tki)
            pltpu.sync_copy(tpos_hbm.at[pl.ds(off, EB)], pix)

            def ixb(i, carry):
                sl = pl.ds(i * 16, 16)
                pv = pix[sl]
                cix[sl] = lax.rem(pv, three)
                pix[sl] = lax.div(pv, three)
                return carry

            lax.fori_loop(0, EB // 16, ixb, 0)
            cv = pltpu.async_copy(vtab.at[tki], vb, sem)
            cp = pltpu.async_copy(ptab.at[pix], pb, sem)
            cc = pltpu.async_copy(ctab.at[cix], cb, sem)
            cv.wait()
            cp.wait()
            cc.wait()

            def rowb(i, carry):
                for h in range(H):
                    sl = pl.ds(h * 16, 16)
                    xb[i, sl] = vb[i, sl] + pb[i, sl] + cb[i, sl]
                return carry

            lax.fori_loop(0, EB, rowb, 0)
            pltpu.sync_copy(xb, x_hbm.at[pl.ds(off, EB)])


_embed_call = pl.kernel(
    _embed_body,
    out_type=jax.ShapeDtypeStruct((N, D), jnp.float32),
    mesh=_mesh,
    compiler_params=pltpu.CompilerParams(needs_layout_passes=False),
    scratch_types=[
        pltpu.VMEM((EB,), jnp.int32),
        pltpu.VMEM((EB,), jnp.int32),
        pltpu.VMEM((EB,), jnp.int32),
        pltpu.VMEM((EB, D), jnp.float32),
        pltpu.VMEM((EB, D), jnp.float32),
        pltpu.VMEM((EB, D), jnp.float32),
        pltpu.VMEM((EB, D), jnp.float32),
        pltpu.SemaphoreType.DMA,
    ],
)


NHALF = 5000
NH = 5040
NHB = NH // EBE


def _edge_body(q_hbm, k_hbm, v_hbm, src_hbm, dst_hbm, zout_hbm, wout_hbm,
               sidx, didx, ldx, kb, qb, shz, shw, sem):
    c = lax.axis_index("c")
    s = lax.axis_index("s")

    def zbody(i, carry):
        for h in range(H):
            qb[i, pl.ds(h * 16, 16)] = jnp.zeros((16,), jnp.float32)
        return carry

    lax.fori_loop(0, EBE, zbody, 0)
    for jj in range(4):
        b = jnp.minimum(s + 16 * jj, NHB - 1)
        off = pl.multiple_of(b * EBE, 8)
        pltpu.async_copy(qb, shz.at[pl.ds(off, EBE)], sem).wait()
        pltpu.async_copy(qb, shw.at[pl.ds(off, EBE)], sem).wait()

    plsc.subcore_barrier()

    base = s * (2 * EPW)
    lo = c * NHALF

    def batch(j, carry):
        off = pl.multiple_of(base + j * EBE, 8)
        ci = pltpu.async_copy(src_hbm.at[pl.ds(off, EBE)], sidx, sem)
        cj = pltpu.async_copy(dst_hbm.at[pl.ds(off, EBE)], didx, sem)
        ci.wait()
        cj.wait()

        def locb(i, carry2):
            sl = pl.ds(i * 16, 16)
            dv = didx[sl] - lo
            ok = (dv >= 0) & (dv < NHALF)
            ldx[sl] = jnp.where(ok, dv, jnp.full((16,), NHALF, jnp.int32))
            return carry2

        lax.fori_loop(0, EBE // 16, locb, 0)
        ck = pltpu.async_copy(k_hbm.at[sidx], kb, sem)
        cq = pltpu.async_copy(q_hbm.at[didx], qb, sem)
        ck.wait()
        cq.wait()

        def edge(e, icarry):
            for h in range(H):
                sl = pl.ds(h * 16, 16)
                sc = jnp.sum(kb[e, sl] * qb[e, sl])
                kb[e, sl] = jnp.exp(jnp.full((16,), sc))
            return icarry

        lax.fori_loop(0, EBE, edge, 0)

        cv = pltpu.async_copy(v_hbm.at[sidx], qb, sem)
        cv.wait()

        def scale(e, icarry):
            for h in range(H):
                sl = pl.ds(h * 16, 16)
                qb[e, sl] = qb[e, sl] * kb[e, sl]
            return icarry

        lax.fori_loop(0, EBE, scale, 0)
        cs = pltpu.async_copy(qb, shz.at[ldx], sem, add=True)
        cs.wait()
        cw = pltpu.async_copy(kb, shw.at[ldx], sem, add=True)
        cw.wait()
        return carry

    lax.fori_loop(0, 2 * EPW // EBE, batch, 0)
    plsc.subcore_barrier()

    for jj in range(4):
        b = jnp.minimum(s + 16 * jj, NHB - 1)
        off = pl.multiple_of(b * EBE, 8)
        gout = pl.multiple_of(c * NH + b * EBE, 8)
        pltpu.async_copy(shz.at[pl.ds(off, EBE)],
                         zout_hbm.at[pl.ds(gout, EBE)], sem).wait()
        pltpu.async_copy(shw.at[pl.ds(off, EBE)],
                         wout_hbm.at[pl.ds(gout, EBE)], sem).wait()


_edge_call = pl.kernel(
    _edge_body,
    out_type=[jax.ShapeDtypeStruct((2 * NH, D), jnp.float32),
              jax.ShapeDtypeStruct((2 * NH, D), jnp.float32)],
    mesh=_mesh,
    compiler_params=pltpu.CompilerParams(needs_layout_passes=False),
    scratch_types=[
        pltpu.VMEM((EBE,), jnp.int32),
        pltpu.VMEM((EBE,), jnp.int32),
        pltpu.VMEM((EBE,), jnp.int32),
        pltpu.VMEM((EBE, D), jnp.float32),
        pltpu.VMEM((EBE, D), jnp.float32),
        pltpu.VMEM_SHARED((NH, D), jnp.float32),
        pltpu.VMEM_SHARED((NH, D), jnp.float32),
        pltpu.SemaphoreType.DMA,
    ],
)


def _ln(x):
    mu = jnp.mean(x, axis=-1, keepdims=True)
    var = jnp.mean((x - mu) ** 2, axis=-1, keepdims=True)
    return (x - mu) * lax.rsqrt(var + 1e-5)


def _pre_body(x_ref, w_ref, q_ref, k_ref, v_ref):
    xn = _ln(x_ref[...])
    qkv = jnp.dot(xn, w_ref[...], preferred_element_type=jnp.float32)
    q_ref[...] = qkv[:, :D] * SCALE
    k_ref[...] = qkv[:, D:2 * D]
    v_ref[...] = qkv[:, 2 * D:]


_pre_call = pl.pallas_call(
    _pre_body,
    grid=(NB,),
    in_specs=[
        pl.BlockSpec((BLK, D), lambda i: (i, 0)),
        pl.BlockSpec((D, 3 * D), lambda i: (0, 0)),
    ],
    out_specs=[
        pl.BlockSpec((BLK, D), lambda i: (i, 0)),
        pl.BlockSpec((BLK, D), lambda i: (i, 0)),
        pl.BlockSpec((BLK, D), lambda i: (i, 0)),
    ],
    out_shape=[jax.ShapeDtypeStruct((N, D), jnp.float32)] * 3,
)


def _post_body(x_ref, zp_ref, wp_ref, wo_ref, w1_ref, w2_ref, o_ref):
    zn = zp_ref[...] / (wp_ref[...] + 1e-9)
    x = x_ref[...] + jnp.dot(zn, wo_ref[...],
                             preferred_element_type=jnp.float32)
    xn = _ln(x)
    hdn = jnp.maximum(
        jnp.dot(xn, w1_ref[...], preferred_element_type=jnp.float32), 0.0)
    o_ref[...] = x + jnp.dot(hdn, w2_ref[...],
                             preferred_element_type=jnp.float32)


_post_call = pl.pallas_call(
    _post_body,
    grid=(NB,),
    in_specs=[
        pl.BlockSpec((BLK, D), lambda i: (i, 0)),
        pl.BlockSpec((BLK, D), lambda i: (i, 0)),
        pl.BlockSpec((BLK, D), lambda i: (i, 0)),
        pl.BlockSpec((D, D), lambda i: (0, 0)),
        pl.BlockSpec((D, DFF), lambda i: (0, 0)),
        pl.BlockSpec((DFF, D), lambda i: (0, 0)),
    ],
    out_specs=pl.BlockSpec((BLK, D), lambda i: (i, 0)),
    out_shape=jax.ShapeDtypeStruct((N, D), jnp.float32),
)


def _gen_body(x_ref, wg_ref, o_ref):
    xn = _ln(x_ref[...])
    lg = jnp.dot(xn, wg_ref[...], preferred_element_type=jnp.float32)
    m = jnp.max(lg, axis=-1, keepdims=True)
    ex = jnp.exp(lg - m)
    o_ref[...] = lg - m - jnp.log(jnp.sum(ex, axis=-1, keepdims=True))


_gen_call = pl.pallas_call(
    _gen_body,
    grid=(NB,),
    in_specs=[
        pl.BlockSpec((BLK, D), lambda i: (i, 0)),
        pl.BlockSpec((D, VOCAB), lambda i: (0, 0)),
    ],
    out_specs=pl.BlockSpec((BLK, VOCAB), lambda i: (i, 0)),
    out_shape=jax.ShapeDtypeStruct((N, VOCAB), jnp.float32),
)


def kernel(tgt_tokens, tgt_pos, edge_index, value_table, coord_table,
           pos_table, Wqkv, Wo, W1, W2, Wgen):
    tok = tgt_tokens.astype(jnp.int32)
    tpos = tgt_pos.astype(jnp.int32)
    src = edge_index[0].astype(jnp.int32)
    dst = edge_index[1].astype(jnp.int32)
    x = _embed_call(tok, tpos, value_table, coord_table, pos_table)
    for i in range(NL):
        q, k, v = _pre_call(x, Wqkv[i])
        zp, wp = _edge_call(q, k, v, src, dst)
        zp = zp.reshape(2, NH, D)
        wp = wp.reshape(2, NH, D)
        z = jnp.concatenate([zp[0, :NHALF], zp[1, :NHALF]], axis=0)
        w = jnp.concatenate([wp[0, :NHALF], wp[1, :NHALF]], axis=0)
        x = _post_call(x, z, w, Wo[i], W1[i], W2[i])
    return _gen_call(x, Wgen)

# --- scband reference (transcript-rebuilt; emitter-appended) ---
"""Pipeline reference for scband-transformer-17463337025619 (READ-ONLY COPY).

The authoritative reference and input builder live on the scoring server;
editing this copy changes nothing except your own understanding.
"""

import jax, jax.numpy as jnp
import numpy as np

N_NODES = 10000
E = 320000
H = 8
DK = 16
D = H * DK
NL = 2
VOCAB = 1000
MAXPOS = 4096
DFF = 512


def _layernorm(x, eps=1e-5):
    mu = jnp.mean(x, axis=-1, keepdims=True)
    var = jnp.var(x, axis=-1, keepdims=True)
    return (x - mu) / jnp.sqrt(var + eps)


def setup_inputs(seed: int = 0):
    key = jax.random.key(seed)
    ks = jax.random.split(key, 12)
    tgt_tokens = jax.random.randint(ks[0], (N_NODES,), 0, VOCAB)
    tgt_pos = jax.random.randint(ks[1], (N_NODES,), 0, 3 * MAXPOS)
    edge_index = jax.random.randint(ks[2], (2, E), 0, N_NODES)
    value_table = jax.random.normal(ks[3], (VOCAB, D), dtype=jnp.float32) * 0.02
    coord_table = jax.random.normal(ks[4], (3, D), dtype=jnp.float32) * 0.02
    pos_table = jax.random.normal(ks[5], (MAXPOS, D), dtype=jnp.float32) * 0.02
    Wqkv = jax.random.normal(ks[6], (NL, D, 3 * D), dtype=jnp.float32) * 0.02
    Wo = jax.random.normal(ks[7], (NL, D, D), dtype=jnp.float32) * 0.02
    W1 = jax.random.normal(ks[8], (NL, D, DFF), dtype=jnp.float32) * 0.02
    W2 = jax.random.normal(ks[9], (NL, DFF, D), dtype=jnp.float32) * 0.02
    Wgen = jax.random.normal(ks[10], (D, VOCAB), dtype=jnp.float32) * 0.02
    return {"tgt_tokens": tgt_tokens, "tgt_pos": tgt_pos, "edge_index": edge_index,
            "value_table": value_table, "coord_table": coord_table, "pos_table": pos_table,
            "Wqkv": Wqkv, "Wo": Wo, "W1": W1, "W2": W2, "Wgen": Wgen}


def reference(tgt_tokens, tgt_pos, edge_index, value_table, coord_table, pos_table, Wqkv, Wo, W1, W2, Wgen):
    # embeddings: coord_embed(tgt_pos % 3) + pos_embed(tgt_pos // 3) + value_embed(tgt_tokens)
    x = coord_table[tgt_pos % 3] + pos_table[tgt_pos // 3] + value_table[tgt_tokens]
    src = edge_index[0]
    dst = edge_index[1]
    scale = 1.0 / jnp.sqrt(jnp.float32(DK))
    for i in range(NL):
        # pre_func: layernorm + qkv projection
        xn = _layernorm(x)
        qkv = xn @ Wqkv[i]
        q = qkv[:, :D].reshape(N_NODES, H, DK)
        k = qkv[:, D:2 * D].reshape(N_NODES, H, DK)
        v = qkv[:, 2 * D:].reshape(N_NODES, H, DK)
        # propagate_attention: u_dot_v('k','q','score') on edges
        score = jnp.sum(k[src] * q[dst], axis=-1) * scale  # [E, H]
        # edge_softmax over incoming edges of each dst node
        smax = jax.ops.segment_max(score, dst, num_segments=N_NODES)
        escore = jnp.exp(score - smax[dst])
        ssum = jax.ops.segment_sum(escore, dst, num_segments=N_NODES)
        alpha = escore / (ssum[dst] + 1e-9)  # [E, H]
        # send_and_recv: u_mul_e('v','softmax_score','z'), sum('z','z')
        z = jax.ops.segment_sum(v[src] * alpha[:, :, None], dst, num_segments=N_NODES)
        z = z.reshape(N_NODES, D)
        # post_func: output projection + residual, then FFN + residual
        x = x + z @ Wo[i]
        xn2 = _layernorm(x)
        x = x + jax.nn.relu(xn2 @ W1[i]) @ W2[i]
    # generator: norm + linear + log_softmax
    out = _layernorm(x) @ Wgen
    return jax.nn.log_softmax(out, axis=-1)

if __name__ == "__main__":
    import jax
    _d = setup_inputs()
    print(jax.jit(kernel)(*tuple(_d.values())))

</pallas_src>

<mosaic_0001>
#map = affine_map<(d0, d1) -> (0, 0)>
#map1 = affine_map<(d0, d1) -> (0)>
module attributes {stable_mosaic.version = 14 : i64} {
  func.func @_edge_body(%arg0: i32, %arg1: i32, %arg2: memref<10000x128xf32, #tpu.memory_space<hbm>>, %arg3: memref<10000x128xf32, #tpu.memory_space<hbm>>, %arg4: memref<10000x128xf32, #tpu.memory_space<hbm>>, %arg5: memref<320000xi32, #tpu.memory_space<hbm>>, %arg6: memref<320000xi32, #tpu.memory_space<hbm>>, %arg7: memref<10080x128xf32, #tpu.memory_space<hbm>>, %arg8: memref<10080x128xf32, #tpu.memory_space<hbm>>, %arg9: memref<80xi32, #tpu.memory_space<vmem>>, %arg10: memref<80xi32, #tpu.memory_space<vmem>>, %arg11: memref<80xi32, #tpu.memory_space<vmem>>, %arg12: memref<80x128xf32, #tpu.memory_space<vmem>>, %arg13: memref<80x128xf32, #tpu.memory_space<vmem>>, %arg14: memref<5040x128xf32, #tpu.memory_space<vmem_shared>>, %arg15: memref<5040x128xf32, #tpu.memory_space<vmem_shared>>, %arg16: memref<!tpu.dma_semaphore, #tpu.memory_space<semaphore_mem>>) attributes {dimension_semantics = [#tpu.dimension_semantics<core_parallel>, #tpu.dimension_semantics<subcore_parallel>], iteration_bounds = array<i64: 2, 16>, scalar_prefetch = 0 : i64, scratch_operands = 8 : i64, tpu.core_type = #tpu.core_type<sc_vector_subcore>, window_params = [{transform_indices = #map}, {transform_indices = #map}, {transform_indices = #map}, {transform_indices = #map1}, {transform_indices = #map1}, {transform_indices = #map}, {transform_indices = #map}]} {
    %scan3A = arith.constant 0 : i32
    %scan3A_0 = arith.constant 0 : i32
    %scan3A_1 = arith.constant 80 : i32
    %scan3A_2 = arith.addi %scan3A_0, %scan3A_1 : i32
    %scan3A_3 = arith.constant 1 : i32
    scf.for %scan3A_218 = %scan3A_0 to %scan3A_2 step %scan3A_3  : i32 {
      %broadcast_in_dim3A = arith.constant 0.000000e+00 : f32
      %broadcast_in_dim3A_219 = vector.broadcast %broadcast_in_dim3A : f32 to vector<16xf32>
      %swap3A = arith.index_cast %scan3A_218 : i32 to index
      %swap3A_220 = arith.constant 0 : index
      %swap3A_221 = tpu.vector_load %arg13[%swap3A, %swap3A_220] {strides = array<i32>} : memref<80x128xf32, #tpu.memory_space<vmem>>, vector<16xf32>,
      tpu.vector_store %arg13[%swap3A, %swap3A_220], %broadcast_in_dim3A_219 {strides = array<i32>} : memref<80x128xf32, #tpu.memory_space<vmem>>, vector<16xf32>,
      %broadcast_in_dim3A_222 = arith.constant 0.000000e+00 : f32
      %broadcast_in_dim3A_223 = vector.broadcast %broadcast_in_dim3A_222 : f32 to vector<16xf32>
      %swap3A_224 = arith.index_cast %scan3A_218 : i32 to index
      %swap3A_225 = arith.constant 16 : index
      %swap3A_226 = tpu.vector_load %arg13[%swap3A_224, %swap3A_225] {strides = array<i32>} : memref<80x128xf32, #tpu.memory_space<vmem>>, vector<16xf32>,
      tpu.vector_store %arg13[%swap3A_224, %swap3A_225], %broadcast_in_dim3A_223 {strides = array<i32>} : memref<80x128xf32, #tpu.memory_space<vmem>>, vector<16xf32>,
      %broadcast_in_dim3A_227 = arith.constant 0.000000e+00 : f32
      %broadcast_in_dim3A_228 = vector.broadcast %broadcast_in_dim3A_227 : f32 to vector<16xf32>
      %swap3A_229 = arith.index_cast %scan3A_218 : i32 to index
      %swap3A_230 = arith.constant 32 : index
      %swap3A_231 = tpu.vector_load %arg13[%swap3A_229, %swap3A_230] {strides = array<i32>} : memref<80x128xf32, #tpu.memory_space<vmem>>, vector<16xf32>,
      tpu.vector_store %arg13[%swap3A_229, %swap3A_230], %broadcast_in_dim3A_228 {strides = array<i32>} : memref<80x128xf32, #tpu.memory_space<vmem>>, vector<16xf32>,
      %broadcast_in_dim3A_232 = arith.constant 0.000000e+00 : f32
      %broadcast_in_dim3A_233 = vector.broadcast %broadcast_in_dim3A_232 : f32 to vector<16xf32>
      %swap3A_234 = arith.index_cast %scan3A_218 : i32 to index
      %swap3A_235 = arith.constant 48 : index
      %swap3A_236 = tpu.vector_load %arg13[%swap3A_234, %swap3A_235] {strides = array<i32>} : memref<80x128xf32, #tpu.memory_space<vmem>>, vector<16xf32>,
      tpu.vector_store %arg13[%swap3A_234, %swap3A_235], %broadcast_in_dim3A_233 {strides = array<i32>} : memref<80x128xf32, #tpu.memory_space<vmem>>, vector<16xf32>,
      %broadcast_in_dim3A_237 = arith.constant 0.000000e+00 : f32
      %broadcast_in_dim3A_238 = vector.broadcast %broadcast_in_dim3A_237 : f32 to vector<16xf32>
      %swap3A_239 = arith.index_cast %scan3A_218 : i32 to index
      %swap3A_240 = arith.constant 64 : index
      %swap3A_241 = tpu.vector_load %arg13[%swap3A_239, %swap3A_240] {strides = array<i32>} : memref<80x128xf32, #tpu.memory_space<vmem>>, vector<16xf32>,
      tpu.vector_store %arg13[%swap3A_239, %swap3A_240], %broadcast_in_dim3A_238 {strides = array<i32>} : memref<80x128xf32, #tpu.memory_space<vmem>>, vector<16xf32>,
      %broadcast_in_dim3A_242 = arith.constant 0.000000e+00 : f32
      %broadcast_in_dim3A_243 = vector.broadcast %broadcast_in_dim3A_242 : f32 to vector<16xf32>
      %swap3A_244 = arith.index_cast %scan3A_218 : i32 to index
      %swap3A_245 = arith.constant 80 : index
      %swap3A_246 = tpu.vector_load %arg13[%swap3A_244, %swap3A_245] {strides = array<i32>} : memref<80x128xf32, #tpu.memory_space<vmem>>, vector<16xf32>,
      tpu.vector_store %arg13[%swap3A_244, %swap3A_245], %broadcast_in_dim3A_243 {strides = array<i32>} : memref<80x128xf32, #tpu.memory_space<vmem>>, vector<16xf32>,
      %broadcast_in_dim3A_247 = arith.constant 0.000000e+00 : f32
      %broadcast_in_dim3A_248 = vector.broadcast %broadcast_in_dim3A_247 : f32 to vector<16xf32>
      %swap3A_249 = arith.index_cast %scan3A_218 : i32 to index
      %swap3A_250 = arith.constant 96 : index
      %swap3A_251 = tpu.vector_load %arg13[%swap3A_249, %swap3A_250] {strides = array<i32>} : memref<80x128xf32, #tpu.memory_space<vmem>>, vector<16xf32>,
      tpu.vector_store %arg13[%swap3A_249, %swap3A_250], %broadcast_in_dim3A_248 {strides = array<i32>} : memref<80x128xf32, #tpu.memory_space<vmem>>, vector<16xf32>,
      %broadcast_in_dim3A_252 = arith.constant 0.000000e+00 : f32
      %broadcast_in_dim3A_253 = vector.broadcast %broadcast_in_dim3A_252 : f32 to vector<16xf32>
      %swap3A_254 = arith.index_cast %scan3A_218 : i32 to index
      %swap3A_255 = arith.constant 112 : index
      %swap3A_256 = tpu.vector_load %arg13[%swap3A_254, %swap3A_255] {strides = array<i32>} : memref<80x128xf32, #tpu.memory_space<vmem>>, vector<16xf32>,
      tpu.vector_store %arg13[%swap3A_254, %swap3A_255], %broadcast_in_dim3A_253 {strides = array<i32>} : memref<80x128xf32, #tpu.memory_space<vmem>>, vector<16xf32>,
    }
    %scan3A_4 = arith.constant 80 : i32
    %add3A = arith.constant 0 : i32
    %add3A_5 = arith.addi %arg1, %add3A : i32
    %min3A = arith.constant 62 : i32
    %min3A_6 = arith.minsi %add3A_5, %min3A : i32
    %mul3A = arith.constant 80 : i32
    %mul3A_7 = arith.muli %min3A_6, %mul3A : i32
    %multiple_of3A = tpu.assume_multiple %mul3A_7, 8 : i32
    %dma_start3A = arith.constant 0 : i32
    %dma_start3A_8 = tpu.memref_slice %arg14[%multiple_of3A, %dma_start3A] : memref<5040x128xf32, #tpu.memory_space<vmem_shared>> -> memref<80x128xf32, #tpu.memory_space<vmem_shared>>
    %dma_start3A_9 = arith.constant 0 : i32
    %dma_start3A_10 = tpu.memref_slice %arg14[%multiple_of3A, %dma_start3A_9] : memref<5040x128xf32, #tpu.memory_space<vmem_shared>> -> memref<80x128xf32, #tpu.memory_space<vmem_shared>>
    tpu.enqueue_dma source(%arg13 : memref<80x128xf32, #tpu.memory_space<vmem>>) target(%dma_start3A_10 : memref<80x128xf32, #tpu.memory_space<vmem_shared>>) target_semaphore(%arg16 : memref<!tpu.dma_semaphore, #tpu.memory_space<semaphore_mem>>)
    %dma_wait3A = arith.constant 0 : i32
    %dma_wait3A_11 = tpu.memref_slice %arg14[%multiple_of3A, %dma_wait3A] : memref<5040x128xf32, #tpu.memory_space<vmem_shared>> -> memref<80x128xf32, #tpu.memory_space<vmem_shared>>
    %dma_wait3A_12 = arith.constant 0 : i32
    %dma_wait3A_13 = tpu.memref_slice %arg14[%multiple_of3A, %dma_wait3A_12] : memref<5040x128xf32, #tpu.memory_space<vmem_shared>> -> memref<80x128xf32, #tpu.memory_space<vmem_shared>>
    tpu.wait_dma2 semaphore(%arg16 : memref<!tpu.dma_semaphore, #tpu.memory_space<semaphore_mem>>) src(%arg13 : memref<80x128xf32, #tpu.memory_space<vmem>>) dst(%dma_wait3A_13 : memref<80x128xf32, #tpu.memory_space<vmem_shared>>)
    %dma_start3A_14 = arith.constant 0 : i32
    %dma_start3A_15 = tpu.memref_slice %arg15[%multiple_of3A, %dma_start3A_14] : memref<5040x128xf32, #tpu.memory_space<vmem_shared>> -> memref<80x128xf32, #tpu.memory_space<vmem_shared>>
    %dma_start3A_16 = arith.constant 0 : i32
    %dma_start3A_17 = tpu.memref_slice %arg15[%multiple_of3A, %dma_start3A_16] : memref<5040x128xf32, #tpu.memory_space<vmem_shared>> -> memref<80x128xf32, #tpu.memory_space<vmem_shared>>
    tpu.enqueue_dma source(%arg13 : memref<80x128xf32, #tpu.memory_space<vmem>>) target(%dma_start3A_17 : memref<80x128xf32, #tpu.memory_space<vmem_shared>>) target_semaphore(%arg16 : memref<!tpu.dma_semaphore, #tpu.memory_space<semaphore_mem>>)
    %dma_wait3A_18 = arith.constant 0 : i32
    %dma_wait3A_19 = tpu.memref_slice %arg15[%multiple_of3A, %dma_wait3A_18] : memref<5040x128xf32, #tpu.memory_space<vmem_shared>> -> memref<80x128xf32, #tpu.memory_space<vmem_shared>>
    %dma_wait3A_20 = arith.constant 0 : i32
    %dma_wait3A_21 = tpu.memref_slice %arg15[%multiple_of3A, %dma_wait3A_20] : memref<5040x128xf32, #tpu.memory_space<vmem_shared>> -> memref<80x128xf32, #tpu.memory_space<vmem_shared>>
    tpu.wait_dma2 semaphore(%arg16 : memref<!tpu.dma_semaphore, #tpu.memory_space<semaphore_mem>>) src(%arg13 : memref<80x128xf32, #tpu.memory_space<vmem>>) dst(%dma_wait3A_21 : memref<80x128xf32, #tpu.memory_space<vmem_shared>>)
    %add3A_22 = arith.constant 16 : i32
    %add3A_23 = arith.addi %arg1, %add3A_22 : i32
    %min3A_24 = arith.constant 62 : i32
    %min3A_25 = arith.minsi %add3A_23, %min3A_24 : i32
    %mul3A_26 = arith.constant 80 : i32
    %mul3A_27 = arith.muli %min3A_25, %mul3A_26 : i32
    %multiple_of3A_28 = tpu.assume_multiple %mul3A_27, 8 : i32
    %dma_start3A_29 = arith.constant 0 : i32
    %dma_start3A_30 = tpu.memref_slice %arg14[%multiple_of3A_28, %dma_start3A_29] : memref<5040x128xf32, #tpu.memory_space<vmem_shared>> -> memref<80x128xf32, #tpu.memory_space<vmem_shared>>
    %dma_start3A_31 = arith.constant 0 : i32
    %dma_start3A_32 = tpu.memref_slice %arg14[%multiple_of3A_28, %dma_start3A_31] : memref<5040x128xf32, #tpu.memory_space<vmem_shared>> -> memref<80x128xf32, #tpu.memory_space<vmem_shared>>
    tpu.enqueue_dma source(%arg13 : memref<80x128xf32, #tpu.memory_space<vmem>>) target(%dma_start3A_32 : memref<80x128xf32, #tpu.memory_space<vmem_shared>>) target_semaphore(%arg16 : memref<!tpu.dma_semaphore, #tpu.memory_space<semaphore_mem>>)
    %dma_wait3A_33 = arith.constant 0 : i32
    %dma_wait3A_34 = tpu.memref_slice %arg14[%multiple_of3A_28, %dma_wait3A_33] : memref<5040x128xf32, #tpu.memory_space<vmem_shared>> -> memref<80x128xf32, #tpu.memory_space<vmem_shared>>
    %dma_wait3A_35 = arith.constant 0 : i32
    %dma_wait3A_36 = tpu.memref_slice %arg14[%multiple_of3A_28, %dma_wait3A_35] : memref<5040x128xf32, #tpu.memory_space<vmem_shared>> -> memref<80x128xf32, #tpu.memory_space<vmem_shared>>
    tpu.wait_dma2 semaphore(%arg16 : memref<!tpu.dma_semaphore, #tpu.memory_space<semaphore_mem>>) src(%arg13 : memref<80x128xf32, #tpu.memory_space<vmem>>) dst(%dma_wait3A_36 : memref<80x128xf32, #tpu.memory_space<vmem_shared>>)
    %dma_start3A_37 = arith.constant 0 : i32
    %dma_start3A_38 = tpu.memref_slice %arg15[%multiple_of3A_28, %dma_start3A_37] : memref<5040x128xf32, #tpu.memory_space<vmem_shared>> -> memref<80x128xf32, #tpu.memory_space<vmem_shared>>
    %dma_start3A_39 = arith.constant 0 : i32
    %dma_start3A_40 = tpu.memref_slice %arg15[%multiple_of3A_28, %dma_start3A_39] : memref<5040x128xf32, #tpu.memory_space<vmem_shared>> -> memref<80x128xf32, #tpu.memory_space<vmem_shared>>
    tpu.enqueue_dma source(%arg13 : memref<80x128xf32, #tpu.memory_space<vmem>>) target(%dma_start3A_40 : memref<80x128xf32, #tpu.memory_space<vmem_shared>>) target_semaphore(%arg16 : memref<!tpu.dma_semaphore, #tpu.memory_space<semaphore_mem>>)
    %dma_wait3A_41 = arith.constant 0 : i32
    %dma_wait3A_42 = tpu.memref_slice %arg15[%multiple_of3A_28, %dma_wait3A_41] : memref<5040x128xf32, #tpu.memory_space<vmem_shared>> -> memref<80x128xf32, #tpu.memory_space<vmem_shared>>
    %dma_wait3A_43 = arith.constant 0 : i32
    %dma_wait3A_44 = tpu.memref_slice %arg15[%multiple_of3A_28, %dma_wait3A_43] : memref<5040x128xf32, #tpu.memory_space<vmem_shared>> -> memref<80x128xf32, #tpu.memory_space<vmem_shared>>
    tpu.wait_dma2 semaphore(%arg16 : memref<!tpu.dma_semaphore, #tpu.memory_space<semaphore_mem>>) src(%arg13 : memref<80x128xf32, #tpu.memory_space<vmem>>) dst(%dma_wait3A_44 : memref<80x128xf32, #tpu.memory_space<vmem_shared>>)
    %add3A_45 = arith.constant 32 : i32
    %add3A_46 = arith.addi %arg1, %add3A_45 : i32
    %min3A_47 = arith.constant 62 : i32
    %min3A_48 = arith.minsi %add3A_46, %min3A_47 : i32
    %mul3A_49 = arith.constant 80 : i32
    %mul3A_50 = arith.muli %min3A_48, %mul3A_49 : i32
    %multiple_of3A_51 = tpu.assume_multiple %mul3A_50, 8 : i32
    %dma_start3A_52 = arith.constant 0 : i32
    %dma_start3A_53 = tpu.memref_slice %arg14[%multiple_of3A_51, %dma_start3A_52] : memref<5040x128xf32, #tpu.memory_space<vmem_shared>> -> memref<80x128xf32, #tpu.memory_space<vmem_shared>>
    %dma_start3A_54 = arith.constant 0 : i32
    %dma_start3A_55 = tpu.memref_slice %arg14[%multiple_of3A_51, %dma_start3A_54] : memref<5040x128xf32, #tpu.memory_space<vmem_shared>> -> memref<80x128xf32, #tpu.memory_space<vmem_shared>>
    tpu.enqueue_dma source(%arg13 : memref<80x128xf32, #tpu.memory_space<vmem>>) target(%dma_start3A_55 : memref<80x128xf32, #tpu.memory_space<vmem_shared>>) target_semaphore(%arg16 : memref<!tpu.dma_semaphore, #tpu.memory_space<semaphore_mem>>)
    %dma_wait3A_56 = arith.constant 0 : i32
    %dma_wait3A_57 = tpu.memref_slice %arg14[%multiple_of3A_51, %dma_wait3A_56] : memref<5040x128xf32, #tpu.memory_space<vmem_shared>> -> memref<80x128xf32, #tpu.memory_space<vmem_shared>>
    %dma_wait3A_58 = arith.constant 0 : i32
    %dma_wait3A_59 = tpu.memref_slice %arg14[%multiple_of3A_51, %dma_wait3A_58] : memref<5040x128xf32, #tpu.memory_space<vmem_shared>> -> memref<80x128xf32, #tpu.memory_space<vmem_shared>>
    tpu.wait_dma2 semaphore(%arg16 : memref<!tpu.dma_semaphore, #tpu.memory_space<semaphore_mem>>) src(%arg13 : memref<80x128xf32, #tpu.memory_space<vmem>>) dst(%dma_wait3A_59 : memref<80x128xf32, #tpu.memory_space<vmem_shared>>)
    %dma_start3A_60 = arith.constant 0 : i32
    %dma_start3A_61 = tpu.memref_slice %arg15[%multiple_of3A_51, %dma_start3A_60] : memref<5040x128xf32, #tpu.memory_space<vmem_shared>> -> memref<80x128xf32, #tpu.memory_space<vmem_shared>>
    %dma_start3A_62 = arith.constant 0 : i32
    %dma_start3A_63 = tpu.memref_slice %arg15[%multiple_of3A_51, %dma_start3A_62] : memref<5040x128xf32, #tpu.memory_space<vmem_shared>> -> memref<80x128xf32, #tpu.memory_space<vmem_shared>>
    tpu.enqueue_dma source(%arg13 : memref<80x128xf32, #tpu.memory_space<vmem>>) target(%dma_start3A_63 : memref<80x128xf32, #tpu.memory_space<vmem_shared>>) target_semaphore(%arg16 : memref<!tpu.dma_semaphore, #tpu.memory_space<semaphore_mem>>)
    %dma_wait3A_64 = arith.constant 0 : i32
    %dma_wait3A_65 = tpu.memref_slice %arg15[%multiple_of3A_51, %dma_wait3A_64] : memref<5040x128xf32, #tpu.memory_space<vmem_shared>> -> memref<80x128xf32, #tpu.memory_space<vmem_shared>>
    %dma_wait3A_66 = arith.constant 0 : i32
    %dma_wait3A_67 = tpu.memref_slice %arg15[%multiple_of3A_51, %dma_wait3A_66] : memref<5040x128xf32, #tpu.memory_space<vmem_shared>> -> memref<80x128xf32, #tpu.memory_space<vmem_shared>>
    tpu.wait_dma2 semaphore(%arg16 : memref<!tpu.dma_semaphore, #tpu.memory_space<semaphore_mem>>) src(%arg13 : memref<80x128xf32, #tpu.memory_space<vmem>>) dst(%dma_wait3A_67 : memref<80x128xf32, #tpu.memory_space<vmem_shared>>)
    %add3A_68 = arith.constant 48 : i32
    %add3A_69 = arith.addi %arg1, %add3A_68 : i32
    %min3A_70 = arith.constant 62 : i32
    %min3A_71 = arith.minsi %add3A_69, %min3A_70 : i32
    %mul3A_72 = arith.constant 80 : i32
    %mul3A_73 = arith.muli %min3A_71, %mul3A_72 : i32
    %multiple_of3A_74 = tpu.assume_multiple %mul3A_73, 8 : i32
    %dma_start3A_75 = arith.constant 0 : i32
    %dma_start3A_76 = tpu.memref_slice %arg14[%multiple_of3A_74, %dma_start3A_75] : memref<5040x128xf32, #tpu.memory_space<vmem_shared>> -> memref<80x128xf32, #tpu.memory_space<vmem_shared>>
    %dma_start3A_77 = arith.constant 0 : i32
    %dma_start3A_78 = tpu.memref_slice %arg14[%multiple_of3A_74, %dma_start3A_77] : memref<5040x128xf32, #tpu.memory_space<vmem_shared>> -> memref<80x128xf32, #tpu.memory_space<vmem_shared>>
    tpu.enqueue_dma source(%arg13 : memref<80x128xf32, #tpu.memory_space<vmem>>) target(%dma_start3A_78 : memref<80x128xf32, #tpu.memory_space<vmem_shared>>) target_semaphore(%arg16 : memref<!tpu.dma_semaphore, #tpu.memory_space<semaphore_mem>>)
    %dma_wait3A_79 = arith.constant 0 : i32
    %dma_wait3A_80 = tpu.memref_slice %arg14[%multiple_of3A_74, %dma_wait3A_79] : memref<5040x128xf32, #tpu.memory_space<vmem_shared>> -> memref<80x128xf32, #tpu.memory_space<vmem_shared>>
    %dma_wait3A_81 = arith.constant 0 : i32
    %dma_wait3A_82 = tpu.memref_slice %arg14[%multiple_of3A_74, %dma_wait3A_81] : memref<5040x128xf32, #tpu.memory_space<vmem_shared>> -> memref<80x128xf32, #tpu.memory_space<vmem_shared>>
    tpu.wait_dma2 semaphore(%arg16 : memref<!tpu.dma_semaphore, #tpu.memory_space<semaphore_mem>>) src(%arg13 : memref<80x128xf32, #tpu.memory_space<vmem>>) dst(%dma_wait3A_82 : memref<80x128xf32, #tpu.memory_space<vmem_shared>>)
    %dma_start3A_83 = arith.constant 0 : i32
    %dma_start3A_84 = tpu.memref_slice %arg15[%multiple_of3A_74, %dma_start3A_83] : memref<5040x128xf32, #tpu.memory_space<vmem_shared>> -> memref<80x128xf32, #tpu.memory_space<vmem_shared>>
    %dma_start3A_85 = arith.constant 0 : i32
    %dma_start3A_86 = tpu.memref_slice %arg15[%multiple_of3A_74, %dma_start3A_85] : memref<5040x128xf32, #tpu.memory_space<vmem_shared>> -> memref<80x128xf32, #tpu.memory_space<vmem_shared>>
    tpu.enqueue_dma source(%arg13 : memref<80x128xf32, #tpu.memory_space<vmem>>) target(%dma_start3A_86 : memref<80x128xf32, #tpu.memory_space<vmem_shared>>) target_semaphore(%arg16 : memref<!tpu.dma_semaphore, #tpu.memory_space<semaphore_mem>>)
    %dma_wait3A_87 = arith.constant 0 : i32
    %dma_wait3A_88 = tpu.memref_slice %arg15[%multiple_of3A_74, %dma_wait3A_87] : memref<5040x128xf32, #tpu.memory_space<vmem_shared>> -> memref<80x128xf32, #tpu.memory_space<vmem_shared>>
    %dma_wait3A_89 = arith.constant 0 : i32
    %dma_wait3A_90 = tpu.memref_slice %arg15[%multiple_of3A_74, %dma_wait3A_89] : memref<5040x128xf32, #tpu.memory_space<vmem_shared>> -> memref<80x128xf32, #tpu.memory_space<vmem_shared>>
    tpu.wait_dma2 semaphore(%arg16 : memref<!tpu.dma_semaphore, #tpu.memory_space<semaphore_mem>>) src(%arg13 : memref<80x128xf32, #tpu.memory_space<vmem>>) dst(%dma_wait3A_90 : memref<80x128xf32, #tpu.memory_space<vmem_shared>>)
    %barrier3A = arith.constant 0 : index
    tpu.barrier barrier_id(%barrier3A)
    %mul3A_91 = arith.constant 20000 : i32
    %mul3A_92 = arith.muli %arg1, %mul3A_91 : i32
    %mul3A_93 = arith.constant 5000 : i32
    %mul3A_94 = arith.muli %arg0, %mul3A_93 : i32
    %scan3A_95 = arith.constant 0 : i32
    %scan3A_96 = arith.constant 0 : i32
    %scan3A_97 = arith.constant 250 : i32
    %scan3A_98 = arith.addi %scan3A_96, %scan3A_97 : i32
    %scan3A_99 = arith.constant 1 : i32
    scf.for %scan3A_218 = %scan3A_96 to %scan3A_98 step %scan3A_99  : i32 {
      %mul3A_219 = arith.constant 80 : i32
      %mul3A_220 = arith.muli %scan3A_218, %mul3A_219 : i32
      %add3A_221 = arith.addi %mul3A_92, %mul3A_220 : i32
      %multiple_of3A_222 = tpu.assume_multiple %add3A_221, 8 : i32
      %dma_start3A_223 = tpu.memref_slice %arg5[%multiple_of3A_222] : memref<320000xi32, #tpu.memory_space<hbm>> -> memref<80xi32, #tpu.memory_space<hbm>>
      %dma_start3A_224 = tpu.memref_slice %arg5[%multiple_of3A_222] : memref<320000xi32, #tpu.memory_space<hbm>> -> memref<80xi32, #tpu.memory_space<hbm>>
      tpu.enqueue_dma source(%dma_start3A_224 : memref<80xi32, #tpu.memory_space<hbm>>) target(%arg9 : memref<80xi32, #tpu.memory_space<vmem>>) target_semaphore(%arg16 : memref<!tpu.dma_semaphore, #tpu.memory_space<semaphore_mem>>)
      %dma_start3A_225 = tpu.memref_slice %arg6[%multiple_of3A_222] : memref<320000xi32, #tpu.memory_space<hbm>> -> memref<80xi32, #tpu.memory_space<hbm>>
      %dma_start3A_226 = tpu.memref_slice %arg6[%multiple_of3A_222] : memref<320000xi32, #tpu.memory_space<hbm>> -> memref<80xi32, #tpu.memory_space<hbm>>
      tpu.enqueue_dma source(%dma_start3A_226 : memref<80xi32, #tpu.memory_space<hbm>>) target(%arg10 : memref<80xi32, #tpu.memory_space<vmem>>) target_semaphore(%arg16 : memref<!tpu.dma_semaphore, #tpu.memory_space<semaphore_mem>>)
      %dma_wait3A_227 = tpu.memref_slice %arg5[%multiple_of3A_222] : memref<320000xi32, #tpu.memory_space<hbm>> -> memref<80xi32, #tpu.memory_space<hbm>>
      %dma_wait3A_228 = tpu.memref_slice %arg5[%multiple_of3A_222] : memref<320000xi32, #tpu.memory_space<hbm>> -> memref<80xi32, #tpu.memory_space<hbm>>
      tpu.wait_dma2 semaphore(%arg16 : memref<!tpu.dma_semaphore, #tpu.memory_space<semaphore_mem>>) src(%dma_wait3A_228 : memref<80xi32, #tpu.memory_space<hbm>>) dst(%arg9 : memref<80xi32, #tpu.memory_space<vmem>>)
      %dma_wait3A_229 = tpu.memref_slice %arg6[%multiple_of3A_222] : memref<320000xi32, #tpu.memory_space<hbm>> -> memref<80xi32, #tpu.memory_space<hbm>>
      %dma_wait3A_230 = tpu.memref_slice %arg6[%multiple_of3A_222] : memref<320000xi32, #tpu.memory_space<hbm>> -> memref<80xi32, #tpu.memory_space<hbm>>
      tpu.wait_dma2 semaphore(%arg16 : memref<!tpu.dma_semaphore, #tpu.memory_space<semaphore_mem>>) src(%dma_wait3A_230 : memref<80xi32, #tpu.memory_space<hbm>>) dst(%arg10 : memref<80xi32, #tpu.memory_space<vmem>>)
      %scan3A_231 = arith.constant 0 : i32
      %scan3A_232 = arith.constant 0 : i32
      %scan3A_233 = arith.constant 5 : i32
      %scan3A_234 = arith.addi %scan3A_232, %scan3A_233 : i32
      %scan3A_235 = arith.constant 1 : i32
      scf.for %scan3A_279 = %scan3A_232 to %scan3A_234 step %scan3A_235  : i32 {
        %mul3A_280 = arith.constant 16 : i32
        %mul3A_281 = arith.muli %scan3A_279, %mul3A_280 : i32
        %get3A = arith.index_cast %mul3A_281 : i32 to index
        %get3A_282 = tpu.vector_load %arg10[%get3A] {strides = array<i32>} : memref<80xi32, #tpu.memory_space<vmem>>, vector<16xi32>,
        %sub3A = vector.broadcast %mul3A_94 : i32 to vector<16xi32>
        %sub3A_283 = arith.subi %get3A_282, %sub3A : vector<16xi32>
        %ge3A = arith.constant 0 : i32
        %ge3A_284 = vector.broadcast %ge3A : i32 to vector<16xi32>
        %ge3A_285 = arith.cmpi sge, %sub3A_283, %ge3A_284 : vector<16xi32>
        %lt3A = arith.constant 5000 : i32
        %lt3A_286 = vector.broadcast %lt3A : i32 to vector<16xi32>
        %lt3A_287 = arith.cmpi slt, %sub3A_283, %lt3A_286 : vector<16xi32>
        %and3A = arith.andi %ge3A_285, %lt3A_287 : vector<16xi1>
        %broadcast_in_dim3A = arith.constant 5000 : i32
        %broadcast_in_dim3A_288 = vector.broadcast %broadcast_in_dim3A : i32 to vector<16xi32>
        %select_n3A = arith.select %and3A, %sub3A_283, %broadcast_in_dim3A_288 : vector<16xi1>, vector<16xi32>
        %swap3A = arith.index_cast %mul3A_281 : i32 to index
        %swap3A_289 = tpu.vector_load %arg11[%swap3A] {strides = array<i32>} : memref<80xi32, #tpu.memory_space<vmem>>, vector<16xi32>,
        tpu.vector_store %arg11[%swap3A], %select_n3A {strides = array<i32>} : memref<80xi32, #tpu.memory_space<vmem>>, vector<16xi32>,
      }
      %scan3A_236 = arith.constant 5 : i32
      %dma_start3A_237 = arith.constant 0 : i32
      %dma_start3A_238 = arith.constant 0 : i32
      %dma_start3A_239 = tpu.memref_slice %arg3[%dma_start3A_237, %dma_start3A_238] : memref<10000x128xf32, #tpu.memory_space<hbm>> -> memref<10000x128xf32, #tpu.memory_space<hbm>>
      tpu.enqueue_indirect_dma source(%dma_start3A_239 : memref<10000x128xf32, #tpu.memory_space<hbm>>) target(%arg12 : memref<80x128xf32, #tpu.memory_space<vmem>>) offsets(%arg9 : memref<80xi32, #tpu.memory_space<vmem>>) semaphore(%arg16 : memref<!tpu.dma_semaphore, #tpu.memory_space<semaphore_mem>>)
      %dma_start3A_240 = arith.constant 0 : i32
      %dma_start3A_241 = arith.constant 0 : i32
      %dma_start3A_242 = tpu.memref_slice %arg2[%dma_start3A_240, %dma_start3A_241] : memref<10000x128xf32, #tpu.memory_space<hbm>> -> memref<10000x128xf32, #tpu.memory_space<hbm>>
      tpu.enqueue_indirect_dma source(%dma_start3A_242 : memref<10000x128xf32, #tpu.memory_space<hbm>>) target(%arg13 : memref<80x128xf32, #tpu.memory_space<vmem>>) offsets(%arg10 : memref<80xi32, #tpu.memory_space<vmem>>) semaphore(%arg16 : memref<!tpu.dma_semaphore, #tpu.memory_space<semaphore_mem>>)
      %dma_wait3A_243 = arith.constant 0 : i32
      %dma_wait3A_244 = arith.constant 0 : i32
      %dma_wait3A_245 = tpu.memref_slice %arg3[%dma_wait3A_243, %dma_wait3A_244] : memref<10000x128xf32, #tpu.memory_space<hbm>> -> memref<10000x128xf32, #tpu.memory_space<hbm>>
      tpu.wait_indirect_dma semaphore(%arg16 : memref<!tpu.dma_semaphore, #tpu.memory_space<semaphore_mem>>) src(%dma_wait3A_245 : memref<10000x128xf32, #tpu.memory_space<hbm>>) dst(%arg12 : memref<80x128xf32, #tpu.memory_space<vmem>>)
      %dma_wait3A_246 = arith.constant 0 : i32
      %dma_wait3A_247 = arith.constant 0 : i32
      %dma_wait3A_248 = tpu.memref_slice %arg2[%dma_wait3A_246, %dma_wait3A_247] : memref<10000x128xf32, #tpu.memory_space<hbm>> -> memref<10000x128xf32, #tpu.memory_space<hbm>>
      tpu.wait_indirect_dma semaphore(%arg16 : memref<!tpu.dma_semaphore, #tpu.memory_space<semaphore_mem>>) src(%dma_wait3A_248 : memref<10000x128xf32, #tpu.memory_space<hbm>>) dst(%arg13 : memref<80x128xf32, #tpu.memory_space<vmem>>)
      %scan3A_249 = arith.constant 0 : i32
      %scan3A_250 = arith.constant 0 : i32
      %scan3A_251 = arith.constant 80 : i32
      %scan3A_252 = arith.addi %scan3A_250, %scan3A_251 : i32
      %scan3A_253 = arith.constant 1 : i32
      scf.for %scan3A_279 = %scan3A_250 to %scan3A_252 step %scan3A_253  : i32 {
        %get3A = arith.index_cast %scan3A_279 : i32 to index
        %get3A_280 = arith.constant 0 : index
        %get3A_281 = tpu.vector_load %arg12[%get3A, %get3A_280] {strides = array<i32>} : memref<80x128xf32, #tpu.memory_space<vmem>>, vector<16xf32>,
        %get3A_282 = arith.index_cast %scan3A_279 : i32 to index
        %get3A_283 = arith.constant 0 : index
        %get3A_284 = tpu.vector_load %arg13[%get3A_282, %get3A_283] {strides = array<i32>} : memref<80x128xf32, #tpu.memory_space<vmem>>, vector<16xf32>,
        %mul3A_285 = arith.mulf %get3A_281, %get3A_284 : vector<16xf32>
        %reduce_sum3A = arith.constant true
        %reduce_sum3A_286 = vector.broadcast %reduce_sum3A : i1 to vector<16xi1>
        %reduce_sum3A_287 = tpu.scan <sum>, %mul3A_285 masked %reduce_sum3A_286 : vector<16xf32>, vector<16xi1> -> vector<16xf32>
        %reduce_sum3A_288 = vector.extract %reduce_sum3A_287[15] : f32 from vector<16xf32>
        %broadcast_in_dim3A = vector.broadcast %reduce_sum3A_288 : f32 to vector<16xf32>
        %exp3A = math.exp %broadcast_in_dim3A : vector<16xf32>
        %swap3A = arith.index_cast %scan3A_279 : i32 to index
        %swap3A_289 = arith.constant 0 : index
        %swap3A_290 = tpu.vector_load %arg12[%swap3A, %swap3A_289] {strides = array<i32>} : memref<80x128xf32, #tpu.memory_space<vmem>>, vector<16xf32>,
        tpu.vector_store %arg12[%swap3A, %swap3A_289], %exp3A {strides = array<i32>} : memref<80x128xf32, #tpu.memory_space<vmem>>, vector<16xf32>,
        %get3A_291 = arith.index_cast %scan3A_279 : i32 to index
        %get3A_292 = arith.constant 16 : index
        %get3A_293 = tpu.vector_load %arg12[%get3A_291, %get3A_292] {strides = array<i32>} : memref<80x128xf32, #tpu.memory_space<vmem>>, vector<16xf32>,
        %get3A_294 = arith.index_cast %scan3A_279 : i32 to index
        %get3A_295 = arith.constant 16 : index
        %get3A_296 = tpu.vector_load %arg13[%get3A_294, %get3A_295] {strides = array<i32>} : memref<80x128xf32, #tpu.memory_space<vmem>>, vector<16xf32>,
        %mul3A_297 = arith.mulf %get3A_293, %get3A_296 : vector<16xf32>
        %reduce_sum3A_298 = arith.constant true
        %reduce_sum3A_299 = vector.broadcast %reduce_sum3A_298 : i1 to vector<16xi1>
        %reduce_sum3A_300 = tpu.scan <sum>, %mul3A_297 masked %reduce_sum3A_299 : vector<16xf32>, vector<16xi1> -> vector<16xf32>
        %reduce_sum3A_301 = vector.extract %reduce_sum3A_300[15] : f32 from vector<16xf32>
        %broadcast_in_dim3A_302 = vector.broadcast %reduce_sum3A_301 : f32 to vector<16xf32>
        %exp3A_303 = math.exp %broadcast_in_dim3A_302 : vector<16xf32>
        %swap3A_304 = arith.index_cast %scan3A_279 : i32 to index
        %swap3A_305 = arith.constant 16 : index
        %swap3A_306 = tpu.vector_load %arg12[%swap3A_304, %swap3A_305] {strides = array<i32>} : memref<80x128xf32, #tpu.memory_space<vmem>>, vector<16xf32>,
        tpu.vector_store %arg12[%swap3A_304, %swap3A_305], %exp3A_303 {strides = array<i32>} : memref<80x128xf32, #tpu.memory_space<vmem>>, vector<16xf32>,
        %get3A_307 = arith.index_cast %scan3A_279 : i32 to index
        %get3A_308 = arith.constant 32 : index
        %get3A_309 = tpu.vector_load %arg12[%get3A_307, %get3A_308] {strides = array<i32>} : memref<80x128xf32, #tpu.memory_space<vmem>>, vector<16xf32>,
        %get3A_310 = arith.index_cast %scan3A_279 : i32 to index
        %get3A_311 = arith.constant 32 : index
        %get3A_312 = tpu.vector_load %arg13[%get3A_310, %get3A_311] {strides = array<i32>} : memref<80x128xf32, #tpu.memory_space<vmem>>, vector<16xf32>,
        %mul3A_313 = arith.mulf %get3A_309, %get3A_312 : vector<16xf32>
        %reduce_sum3A_314 = arith.constant true
        %reduce_sum3A_315 = vector.broadcast %reduce_sum3A_314 : i1 to vector<16xi1>
        %reduce_sum3A_316 = tpu.scan <sum>, %mul3A_313 masked %reduce_sum3A_315 : vector<16xf32>, vector<16xi1> -> vector<16xf32>
        %reduce_sum3A_317 = vector.extract %reduce_sum3A_316[15] : f32 from vector<16xf32>
        %broadcast_in_dim3A_318 = vector.broadcast %reduce_sum3A_317 : f32 to vector<16xf32>
        %exp3A_319 = math.exp %broadcast_in_dim3A_318 : vector<16xf32>
        %swap3A_320 = arith.index_cast %scan3A_279 : i32 to index
        %swap3A_321 = arith.constant 32 : index
        %swap3A_322 = tpu.vector_load %arg12[%swap3A_320, %swap3A_321] {strides = array<i32>} : memref<80x128xf32, #tpu.memory_space<vmem>>, vector<16xf32>,
        tpu.vector_store %arg12[%swap3A_320, %swap3A_321], %exp3A_319 {strides = array<i32>} : memref<80x128xf32, #tpu.memory_space<vmem>>, vector<16xf32>,
        %get3A_323 = arith.index_cast %scan3A_279 : i32 to index
        %get3A_324 = arith.constant 48 : index
        %get3A_325 = tpu.vector_load %arg12[%get3A_323, %get3A_324] {strides = array<i32>} : memref<80x128xf32, #tpu.memory_space<vmem>>, vector<16xf32>,
        %get3A_326 = arith.index_cast %scan3A_279 : i32 to index
        %get3A_327 = arith.constant 48 : index
        %get3A_328 = tpu.vector_load %arg13[%get3A_326, %get3A_327] {strides = array<i32>} : memref<80x128xf32, #tpu.memory_space<vmem>>, vector<16xf32>,
        %mul3A_329 = arith.mulf %get3A_325, %get3A_328 : vector<16xf32>
        %reduce_sum3A_330 = arith.constant true
        %reduce_sum3A_331 = vector.broadcast %reduce_sum3A_330 : i1 to vector<16xi1>
        %reduce_sum3A_332 = tpu.scan <sum>, %mul3A_329 masked %reduce_sum3A_331 : vector<16xf32>, vector<16xi1> -> vector<16xf32>
        %reduce_sum3A_333 = vector.extract %reduce_sum3A_332[15] : f32 from vector<16xf32>
        %broadcast_in_dim3A_334 = vector.broadcast %reduce_sum3A_333 : f32 to vector<16xf32>
        %exp3A_335 = math.exp %broadcast_in_dim3A_334 : vector<16xf32>
        %swap3A_336 = arith.index_cast %scan3A_279 : i32 to index
        %swap3A_337 = arith.constant 48 : index
        %swap3A_338 = tpu.vector_load %arg12[%swap3A_336, %swap3A_337] {strides = array<i32>} : memref<80x128xf32, #tpu.memory_space<vmem>>, vector<16xf32>,
        tpu.vector_store %arg12[%swap3A_336, %swap3A_337], %exp3A_335 {strides = array<i32>} : memref<80x128xf32, #tpu.memory_space<vmem>>, vector<16xf32>,
        %get3A_339 = arith.index_cast %scan3A_279 : i32 to index
        %get3A_340 = arith.constant 64 : index
        %get3A_341 = tpu.vector_load %arg12[%get3A_339, %get3A_340] {strides = array<i32>} : memref<80x128xf32, #tpu.memory_space<vmem>>, vector<16xf32>,
        %get3A_342 = arith.index_cast %scan3A_279 : i32 to index
        %get3A_343 = arith.constant 64 : index
        %get3A_344 = tpu.vector_load %arg13[%get3A_342, %get3A_343] {strides = array<i32>} : memref<80x128xf32, #tpu.memory_space<vmem>>, vector<16xf32>,
        %mul3A_345 = arith.mulf %get3A_341, %get3A_344 : vector<16xf32>
        %reduce_sum3A_346 = arith.constant true
        %reduce_sum3A_347 = vector.broadcast %reduce_sum3A_346 : i1 to vector<16xi1>
        %reduce_sum3A_348 = tpu.scan <sum>, %mul3A_345 masked %reduce_sum3A_347 : vector<16xf32>, vector<16xi1> -> vector<16xf32>
        %reduce_sum3A_349 = vector.extract %reduce_sum3A_348[15] : f32 from vector<16xf32>
        %broadcast_in_dim3A_350 = vector.broadcast %reduce_sum3A_349 : f32 to vector<16xf32>
        %exp3A_351 = math.exp %broadcast_in_dim3A_350 : vector<16xf32>
        %swap3A_352 = arith.index_cast %scan3A_279 : i32 to index
        %swap3A_353 = arith.constant 64 : index
        %swap3A_354 = tpu.vector_load %arg12[%swap3A_352, %swap3A_353] {strides = array<i32>} : memref<80x128xf32, #tpu.memory_space<vmem>>, vector<16xf32>,
        tpu.vector_store %arg12[%swap3A_352, %swap3A_353], %exp3A_351 {strides = array<i32>} : memref<80x128xf32, #tpu.memory_space<vmem>>, vector<16xf32>,
        %get3A_355 = arith.index_cast %scan3A_279 : i32 to index
        %get3A_356 = arith.constant 80 : index
        %get3A_357 = tpu.vector_load %arg12[%get3A_355, %get3A_356] {strides = array<i32>} : memref<80x128xf32, #tpu.memory_space<vmem>>, vector<16xf32>,
        %get3A_358 = arith.index_cast %scan3A_279 : i32 to index
        %get3A_359 = arith.constant 80 : index
        %get3A_360 = tpu.vector_load %arg13[%get3A_358, %get3A_359] {strides = array<i32>} : memref<80x128xf32, #tpu.memory_space<vmem>>, vector<16xf32>,
        %mul3A_361 = arith.mulf %get3A_357, %get3A_360 : vector<16xf32>
        %reduce_sum3A_362 = arith.constant true
        %reduce_sum3A_363 = vector.broadcast %reduce_sum3A_362 : i1 to vector<16xi1>
        %reduce_sum3A_364 = tpu.scan <sum>, %mul3A_361 masked %reduce_sum3A_363 : vector<16xf32>, vector<16xi1> -> vector<16xf32>
        %reduce_sum3A_365 = vector.extract %reduce_sum3A_364[15] : f32 from vector<16xf32>
        %broadcast_in_dim3A_366 = vector.broadcast %reduce_sum3A_365 : f32 to vector<16xf32>
        %exp3A_367 = math.exp %broadcast_in_dim3A_366 : vector<16xf32>
        %swap3A_368 = arith.index_cast %scan3A_279 : i32 to index
        %swap3A_369 = arith.constant 80 : index
        %swap3A_370 = tpu.vector_load %arg12[%swap3A_368, %swap3A_369] {strides = array<i32>} : memref<80x128xf32, #tpu.memory_space<vmem>>, vector<16xf32>,
        tpu.vector_store %arg12[%swap3A_368, %swap3A_369], %exp3A_367 {strides = array<i32>} : memref<80x128xf32, #tpu.memory_space<vmem>>, vector<16xf32>,
        %get3A_371 = arith.index_cast %scan3A_279 : i32 to index
        %get3A_372 = arith.constant 96 : index
        %get3A_373 = tpu.vector_load %arg12[%get3A_371, %get3A_372] {strides = array<i32>} : memref<80x128xf32, #tpu.memory_space<vmem>>, vector<16xf32>,
        %get3A_374 = arith.index_cast %scan3A_279 : i32 to index
        %get3A_375 = arith.constant 96 : index
        %get3A_376 = tpu.vector_load %arg13[%get3A_374, %get3A_375] {strides = array<i32>} : memref<80x128xf32, #tpu.memory_space<vmem>>, vector<16xf32>,
        %mul3A_377 = arith.mulf %get3A_373, %get3A_376 : vector<16xf32>
        %reduce_sum3A_378 = arith.constant true
        %reduce_sum3A_379 = vector.broadcast %reduce_sum3A_378 : i1 to vector<16xi1>
        %reduce_sum3A_380 = tpu.scan <sum>, %mul3A_377 masked %reduce_sum3A_379 : vector<16xf32>, vector<16xi1> -> vector<16xf32>
        %reduce_sum3A_381 = vector.extract %reduce_sum3A_380[15] : f32 from vector<16xf32>
        %broadcast_in_dim3A_382 = vector.broadcast %reduce_sum3A_381 : f32 to vector<16xf32>
        %exp3A_383 = math.exp %broadcast_in_dim3A_382 : vector<16xf32>
        %swap3A_384 = arith.index_cast %scan3A_279 : i32 to index
        %swap3A_385 = arith.constant 96 : index
        %swap3A_386 = tpu.vector_load %arg12[%swap3A_384, %swap3A_385] {strides = array<i32>} : memref<80x128xf32, #tpu.memory_space<vmem>>, vector<16xf32>,
        tpu.vector_store %arg12[%swap3A_384, %swap3A_385], %exp3A_383 {strides = array<i32>} : memref<80x128xf32, #tpu.memory_space<vmem>>, vector<16xf32>,
        %get3A_387 = arith.index_cast %scan3A_279 : i32 to index
        %get3A_388 = arith.constant 112 : index
        %get3A_389 = tpu.vector_load %arg12[%get3A_387, %get3A_388] {strides = array<i32>} : memref<80x128xf32, #tpu.memory_space<vmem>>, vector<16xf32>,
        %get3A_390 = arith.index_cast %scan3A_279 : i32 to index
        %get3A_391 = arith.constant 112 : index
        %get3A_392 = tpu.vector_load %arg13[%get3A_390, %get3A_391] {strides = array<i32>} : memref<80x128xf32, #tpu.memory_space<vmem>>, vector<16xf32>,
        %mul3A_393 = arith.mulf %get3A_389, %get3A_392 : vector<16xf32>
        %reduce_sum3A_394 = arith.constant true
        %reduce_sum3A_395 = vector.broadcast %reduce_sum3A_394 : i1 to vector<16xi1>
        %reduce_sum3A_396 = tpu.scan <sum>, %mul3A_393 masked %reduce_sum3A_395 : vector<16xf32>, vector<16xi1> -> vector<16xf32>
        %reduce_sum3A_397 = vector.extract %reduce_sum3A_396[15] : f32 from vector<16xf32>
        %broadcast_in_dim3A_398 = vector.broadcast %reduce_sum3A_397 : f32 to vector<16xf32>
        %exp3A_399 = math.exp %broadcast_in_dim3A_398 : vector<16xf32>
        %swap3A_400 = arith.index_cast %scan3A_279 : i32 to index
        %swap3A_401 = arith.constant 112 : index
        %swap3A_402 = tpu.vector_load %arg12[%swap3A_400, %swap3A_401] {strides = array<i32>} : memref<80x128xf32, #tpu.memory_space<vmem>>, vector<16xf32>,
        tpu.vector_store %arg12[%swap3A_400, %swap3A_401], %exp3A_399 {strides = array<i32>} : memref<80x128xf32, #tpu.memory_space<vmem>>, vector<16xf32>,
      }
      %scan3A_254 = arith.constant 80 : i32
      %dma_start3A_255 = arith.constant 0 : i32
      %dma_start3A_256 = arith.constant 0 : i32
      %dma_start3A_257 = tpu.memref_slice %arg4[%dma_start3A_255, %dma_start3A_256] : memref<10000x128xf32, #tpu.memory_space<hbm>> -> memref<10000x128xf32, #tpu.memory_space<hbm>>
      tpu.enqueue_indirect_dma source(%dma_start3A_257 : memref<10000x128xf32, #tpu.memory_space<hbm>>) target(%arg13 : memref<80x128xf32, #tpu.memory_space<vmem>>) offsets(%arg9 : memref<80xi32, #tpu.memory_space<vmem>>) semaphore(%arg16 : memref<!tpu.dma_semaphore, #tpu.memory_space<semaphore_mem>>)
      %dma_wait3A_258 = arith.constant 0 : i32
      %dma_wait3A_259 = arith.constant 0 : i32
      %dma_wait3A_260 = tpu.memref_slice %arg4[%dma_wait3A_258, %dma_wait3A_259] : memref<10000x128xf32, #tpu.memory_space<hbm>> -> memref<10000x128xf32, #tpu.memory_space<hbm>>
      tpu.wait_indirect_dma semaphore(%arg16 : memref<!tpu.dma_semaphore, #tpu.memory_space<semaphore_mem>>) src(%dma_wait3A_260 : memref<10000x128xf32, #tpu.memory_space<hbm>>) dst(%arg13 : memref<80x128xf32, #tpu.memory_space<vmem>>)
      %scan3A_261 = arith.constant 0 : i32
      %scan3A_262 = arith.constant 0 : i32
      %scan3A_263 = arith.constant 80 : i32
      %scan3A_264 = arith.addi %scan3A_262, %scan3A_263 : i32
      %scan3A_265 = arith.constant 1 : i32
      scf.for %scan3A_279 = %scan3A_262 to %scan3A_264 step %scan3A_265  : i32 {
        %get3A = arith.index_cast %scan3A_279 : i32 to index
        %get3A_280 = arith.constant 0 : index
        %get3A_281 = tpu.vector_load %arg13[%get3A, %get3A_280] {strides = array<i32>} : memref<80x128xf32, #tpu.memory_space<vmem>>, vector<16xf32>,
        %get3A_282 = arith.index_cast %scan3A_279 : i32 to index
        %get3A_283 = arith.constant 0 : index
        %get3A_284 = tpu.vector_load %arg12[%get3A_282, %get3A_283] {strides = array<i32>} : memref<80x128xf32, #tpu.memory_space<vmem>>, vector<16xf32>,
        %mul3A_285 = arith.mulf %get3A_281, %get3A_284 : vector<16xf32>
        %swap3A = arith.index_cast %scan3A_279 : i32 to index
        %swap3A_286 = arith.constant 0 : index
        %swap3A_287 = tpu.vector_load %arg13[%swap3A, %swap3A_286] {strides = array<i32>} : memref<80x128xf32, #tpu.memory_space<vmem>>, vector<16xf32>,
        tpu.vector_store %arg13[%swap3A, %swap3A_286], %mul3A_285 {strides = array<i32>} : memref<80x128xf32, #tpu.memory_space<vmem>>, vector<16xf32>,
        %get3A_288 = arith.index_cast %scan3A_279 : i32 to index
        %get3A_289 = arith.constant 16 : index
        %get3A_290 = tpu.vector_load %arg13[%get3A_288, %get3A_289] {strides = array<i32>} : memref<80x128xf32, #tpu.memory_space<vmem>>, vector<16xf32>,
        %get3A_291 = arith.index_cast %scan3A_279 : i32 to index
        %get3A_292 = arith.constant 16 : index
        %get3A_293 = tpu.vector_load %arg12[%get3A_291, %get3A_292] {strides = array<i32>} : memref<80x128xf32, #tpu.memory_space<vmem>>, vector<16xf32>,
        %mul3A_294 = arith.mulf %get3A_290, %get3A_293 : vector<16xf32>
        %swap3A_295 = arith.index_cast %scan3A_279 : i32 to index
        %swap3A_296 = arith.constant 16 : index
        %swap3A_297 = tpu.vector_load %arg13[%swap3A_295, %swap3A_296] {strides = array<i32>} : memref<80x128xf32, #tpu.memory_space<vmem>>, vector<16xf32>,
        tpu.vector_store %arg13[%swap3A_295, %swap3A_296], %mul3A_294 {strides = array<i32>} : memref<80x128xf32, #tpu.memory_space<vmem>>, vector<16xf32>,
        %get3A_298 = arith.index_cast %scan3A_279 : i32 to index
        %get3A_299 = arith.constant 32 : index
        %get3A_300 = tpu.vector_load %arg13[%get3A_298, %get3A_299] {strides = array<i32>} : memref<80x128xf32, #tpu.memory_space<vmem>>, vector<16xf32>,
        %get3A_301 = arith.index_cast %scan3A_279 : i32 to index
        %get3A_302 = arith.constant 32 : index
        %get3A_303 = tpu.vector_load %arg12[%get3A_301, %get3A_302] {strides = array<i32>} : memref<80x128xf32, #tpu.memory_space<vmem>>, vector<16xf32>,
        %mul3A_304 = arith.mulf %get3A_300, %get3A_303 : vector<16xf32>
        %swap3A_305 = arith.index_cast %scan3A_279 : i32 to index
        %swap3A_306 = arith.constant 32 : index
        %swap3A_307 = tpu.vector_load %arg13[%swap3A_305, %swap3A_306] {strides = array<i32>} : memref<80x128xf32, #tpu.memory_space<vmem>>, vector<16xf32>,
        tpu.vector_store %arg13[%swap3A_305, %swap3A_306], %mul3A_304 {strides = array<i32>} : memref<80x128xf32, #tpu.memory_space<vmem>>, vector<16xf32>,
        %get3A_308 = arith.index_cast %scan3A_279 : i32 to index
        %get3A_309 = arith.constant 48 : index
        %get3A_310 = tpu.vector_load %arg13[%get3A_308, %get3A_309] {strides = array<i32>} : memref<80x128xf32, #tpu.memory_space<vmem>>, vector<16xf32>,
        %get3A_311 = arith.index_cast %scan3A_279 : i32 to index
        %get3A_312 = arith.constant 48 : index
        %get3A_313 = tpu.vector_load %arg12[%get3A_311, %get3A_312] {strides = array<i32>} : memref<80x128xf32, #tpu.memory_space<vmem>>, vector<16xf32>,
        %mul3A_314 = arith.mulf %get3A_310, %get3A_313 : vector<16xf32>
        %swap3A_315 = arith.index_cast %scan3A_279 : i32 to index
        %swap3A_316 = arith.constant 48 : index
        %swap3A_317 = tpu.vector_load %arg13[%swap3A_315, %swap3A_316] {strides = array<i32>} : memref<80x128xf32, #tpu.memory_space<vmem>>, vector<16xf32>,
        tpu.vector_store %arg13[%swap3A_315, %swap3A_316], %mul3A_314 {strides = array<i32>} : memref<80x128xf32, #tpu.memory_space<vmem>>, vector<16xf32>,
        %get3A_318 = arith.index_cast %scan3A_279 : i32 to index
        %get3A_319 = arith.constant 64 : index
        %get3A_320 = tpu.vector_load %arg13[%get3A_318, %get3A_319] {strides = array<i32>} : memref<80x128xf32, #tpu.memory_space<vmem>>, vector<16xf32>,
        %get3A_321 = arith.index_cast %scan3A_279 : i32 to index
        %get3A_322 = arith.constant 64 : index
        %get3A_323 = tpu.vector_load %arg12[%get3A_321, %get3A_322] {strides = array<i32>} : memref<80x128xf32, #tpu.memory_space<vmem>>, vector<16xf32>,
        %mul3A_324 = arith.mulf %get3A_320, %get3A_323 : vector<16xf32>
        %swap3A_325 = arith.index_cast %scan3A_279 : i32 to index
        %swap3A_326 = arith.constant 64 : index
        %swap3A_327 = tpu.vector_load %arg13[%swap3A_325, %swap3A_326] {strides = array<i32>} : memref<80x128xf32, #tpu.memory_space<vmem>>, vector<16xf32>,
        tpu.vector_store %arg13[%swap3A_325, %swap3A_326], %mul3A_324 {strides = array<i32>} : memref<80x128xf32, #tpu.memory_space<vmem>>, vector<16xf32>,
        %get3A_328 = arith.index_cast %scan3A_279 : i32 to index
        %get3A_329 = arith.constant 80 : index
        %get3A_330 = tpu.vector_load %arg13[%get3A_328, %get3A_329] {strides = array<i32>} : memref<80x128xf32, #tpu.memory_space<vmem>>, vector<16xf32>,
        %get3A_331 = arith.index_cast %scan3A_279 : i32 to index
        %get3A_332 = arith.constant 80 : index
        %get3A_333 = tpu.vector_load %arg12[%get3A_331, %get3A_332] {strides = array<i32>} : memref<80x128xf32, #tpu.memory_space<vmem>>, vector<16xf32>,
        %mul3A_334 = arith.mulf %get3A_330, %get3A_333 : vector<16xf32>
        %swap3A_335 = arith.index_cast %scan3A_279 : i32 to index
        %swap3A_336 = arith.constant 80 : index
        %swap3A_337 = tpu.vector_load %arg13[%swap3A_335, %swap3A_336] {strides = array<i32>} : memref<80x128xf32, #tpu.memory_space<vmem>>, vector<16xf32>,
        tpu.vector_store %arg13[%swap3A_335, %swap3A_336], %mul3A_334 {strides = array<i32>} : memref<80x128xf32, #tpu.memory_space<vmem>>, vector<16xf32>,
        %get3A_338 = arith.index_cast %scan3A_279 : i32 to index
        %get3A_339 = arith.constant 96 : index
        %get3A_340 = tpu.vector_load %arg13[%get3A_338, %get3A_339] {strides = array<i32>} : memref<80x128xf32, #tpu.memory_space<vmem>>, vector<16xf32>,
        %get3A_341 = arith.index_cast %scan3A_279 : i32 to index
        %get3A_342 = arith.constant 96 : index
        %get3A_343 = tpu.vector_load %arg12[%get3A_341, %get3A_342] {strides = array<i32>} : memref<80x128xf32, #tpu.memory_space<vmem>>, vector<16xf32>,
        %mul3A_344 = arith.mulf %get3A_340, %get3A_343 : vector<16xf32>
        %swap3A_345 = arith.index_cast %scan3A_279 : i32 to index
        %swap3A_346 = arith.constant 96 : index
        %swap3A_347 = tpu.vector_load %arg13[%swap3A_345, %swap3A_346] {strides = array<i32>} : memref<80x128xf32, #tpu.memory_space<vmem>>, vector<16xf32>,
        tpu.vector_store %arg13[%swap3A_345, %swap3A_346], %mul3A_344 {strides = array<i32>} : memref<80x128xf32, #tpu.memory_space<vmem>>, vector<16xf32>,
        %get3A_348 = arith.index_cast %scan3A_279 : i32 to index
        %get3A_349 = arith.constant 112 : index
        %get3A_350 = tpu.vector_load %arg13[%get3A_348, %get3A_349] {strides = array<i32>} : memref<80x128xf32, #tpu.memory_space<vmem>>, vector<16xf32>,
        %get3A_351 = arith.index_cast %scan3A_279 : i32 to index
        %get3A_352 = arith.constant 112 : index
        %get3A_353 = tpu.vector_load %arg12[%get3A_351, %get3A_352] {strides = array<i32>} : memref<80x128xf32, #tpu.memory_space<vmem>>, vector<16xf32>,
        %mul3A_354 = arith.mulf %get3A_350, %get3A_353 : vector<16xf32>
        %swap3A_355 = arith.index_cast %scan3A_279 : i32 to index
        %swap3A_356 = arith.constant 112 : index
        %swap3A_357 = tpu.vector_load %arg13[%swap3A_355, %swap3A_356] {strides = array<i32>} : memref<80x128xf32, #tpu.memory_space<vmem>>, vector<16xf32>,
        tpu.vector_store %arg13[%swap3A_355, %swap3A_356], %mul3A_354 {strides = array<i32>} : memref<80x128xf32, #tpu.memory_space<vmem>>, vector<16xf32>,
      }
      %scan3A_266 = arith.constant 80 : i32
      %dma_start3A_267 = arith.constant 0 : i32
      %dma_start3A_268 = arith.constant 0 : i32
      %dma_start3A_269 = tpu.memref_slice %arg14[%dma_start3A_267, %dma_start3A_268] : memref<5040x128xf32, #tpu.memory_space<vmem_shared>> -> memref<5040x128xf32, #tpu.memory_space<vmem_shared>>
      tpu.enqueue_indirect_dma source(%arg13 : memref<80x128xf32, #tpu.memory_space<vmem>>) target(%dma_start3A_269 : memref<5040x128xf32, #tpu.memory_space<vmem_shared>>) offsets(%arg11 : memref<80xi32, #tpu.memory_space<vmem>>) semaphore(%arg16 : memref<!tpu.dma_semaphore, #tpu.memory_space<semaphore_mem>>) {add = true}
      %dma_wait3A_270 = arith.constant 0 : i32
      %dma_wait3A_271 = arith.constant 0 : i32
      %dma_wait3A_272 = tpu.memref_slice %arg14[%dma_wait3A_270, %dma_wait3A_271] : memref<5040x128xf32, #tpu.memory_space<vmem_shared>> -> memref<5040x128xf32, #tpu.memory_space<vmem_shared>>
      tpu.wait_indirect_dma semaphore(%arg16 : memref<!tpu.dma_semaphore, #tpu.memory_space<semaphore_mem>>) src(%arg13 : memref<80x128xf32, #tpu.memory_space<vmem>>) dst(%dma_wait3A_272 : memref<5040x128xf32, #tpu.memory_space<vmem_shared>>)
      %dma_start3A_273 = arith.constant 0 : i32
      %dma_start3A_274 = arith.constant 0 : i32
      %dma_start3A_275 = tpu.memref_slice %arg15[%dma_start3A_273, %dma_start3A_274] : memref<5040x128xf32, #tpu.memory_space<vmem_shared>> -> memref<5040x128xf32, #tpu.memory_space<vmem_shared>>
      tpu.enqueue_indirect_dma source(%arg12 : memref<80x128xf32, #tpu.memory_space<vmem>>) target(%dma_start3A_275 : memref<5040x128xf32, #tpu.memory_space<vmem_shared>>) offsets(%arg11 : memref<80xi32, #tpu.memory_space<vmem>>) semaphore(%arg16 : memref<!tpu.dma_semaphore, #tpu.memory_space<semaphore_mem>>) {add = true}
      %dma_wait3A_276 = arith.constant 0 : i32
      %dma_wait3A_277 = arith.constant 0 : i32
      %dma_wait3A_278 = tpu.memref_slice %arg15[%dma_wait3A_276, %dma_wait3A_277] : memref<5040x128xf32, #tpu.memory_space<vmem_shared>> -> memref<5040x128xf32, #tpu.memory_space<vmem_shared>>
      tpu.wait_indirect_dma semaphore(%arg16 : memref<!tpu.dma_semaphore, #tpu.memory_space<semaphore_mem>>) src(%arg12 : memref<80x128xf32, #tpu.memory_space<vmem>>) dst(%dma_wait3A_278 : memref<5040x128xf32, #tpu.memory_space<vmem_shared>>)
    }
    %scan3A_100 = arith.constant 250 : i32
    %barrier3A_101 = arith.constant 0 : index
    tpu.barrier barrier_id(%barrier3A_101)
    %add3A_102 = arith.constant 0 : i32
    %add3A_103 = arith.addi %arg1, %add3A_102 : i32
    %min3A_104 = arith.constant 62 : i32
    %min3A_105 = arith.minsi %add3A_103, %min3A_104 : i32
    %mul3A_106 = arith.constant 80 : i32
    %mul3A_107 = arith.muli %min3A_105, %mul3A_106 : i32
    %multiple_of3A_108 = tpu.assume_multiple %mul3A_107, 8 : i32
    %mul3A_109 = arith.constant 5040 : i32
    %mul3A_110 = arith.muli %arg0, %mul3A_109 : i32
    %mul3A_111 = arith.constant 80 : i32
    %mul3A_112 = arith.muli %min3A_105, %mul3A_111 : i32
    %add3A_113 = arith.addi %mul3A_110, %mul3A_112 : i32
    %multiple_of3A_114 = tpu.assume_multiple %add3A_113, 8 : i32
    %dma_start3A_115 = arith.constant 0 : i32
    %dma_start3A_116 = tpu.memref_slice %arg7[%multiple_of3A_114, %dma_start3A_115] : memref<10080x128xf32, #tpu.memory_space<hbm>> -> memref<80x128xf32, #tpu.memory_space<hbm>>
    %dma_start3A_117 = arith.constant 0 : i32
    %dma_start3A_118 = tpu.memref_slice %arg14[%multiple_of3A_108, %dma_start3A_117] : memref<5040x128xf32, #tpu.memory_space<vmem_shared>> -> memref<80x128xf32, #tpu.memory_space<vmem_shared>>
    tpu.enqueue_dma source(%dma_start3A_118 : memref<80x128xf32, #tpu.memory_space<vmem_shared>>) target(%dma_start3A_116 : memref<80x128xf32, #tpu.memory_space<hbm>>) target_semaphore(%arg16 : memref<!tpu.dma_semaphore, #tpu.memory_space<semaphore_mem>>)
    %dma_wait3A_119 = arith.constant 0 : i32
    %dma_wait3A_120 = tpu.memref_slice %arg7[%multiple_of3A_114, %dma_wait3A_119] : memref<10080x128xf32, #tpu.memory_space<hbm>> -> memref<80x128xf32, #tpu.memory_space<hbm>>
    %dma_wait3A_121 = arith.constant 0 : i32
    %dma_wait3A_122 = tpu.memref_slice %arg14[%multiple_of3A_108, %dma_wait3A_121] : memref<5040x128xf32, #tpu.memory_space<vmem_shared>> -> memref<80x128xf32, #tpu.memory_space<vmem_shared>>
    tpu.wait_dma2 semaphore(%arg16 : memref<!tpu.dma_semaphore, #tpu.memory_space<semaphore_mem>>) src(%dma_wait3A_122 : memref<80x128xf32, #tpu.memory_space<vmem_shared>>) dst(%dma_wait3A_120 : memref<80x128xf32, #tpu.memory_space<hbm>>)
    %dma_start3A_123 = arith.constant 0 : i32
    %dma_start3A_124 = tpu.memref_slice %arg8[%multiple_of3A_114, %dma_start3A_123] : memref<10080x128xf32, #tpu.memory_space<hbm>> -> memref<80x128xf32, #tpu.memory_space<hbm>>
    %dma_start3A_125 = arith.constant 0 : i32
    %dma_start3A_126 = tpu.memref_slice %arg15[%multiple_of3A_108, %dma_start3A_125] : memref<5040x128xf32, #tpu.memory_space<vmem_shared>> -> memref<80x128xf32, #tpu.memory_space<vmem_shared>>
    tpu.enqueue_dma source(%dma_start3A_126 : memref<80x128xf32, #tpu.memory_space<vmem_shared>>) target(%dma_start3A_124 : memref<80x128xf32, #tpu.memory_space<hbm>>) target_semaphore(%arg16 : memref<!tpu.dma_semaphore, #tpu.memory_space<semaphore_mem>>)
    %dma_wait3A_127 = arith.constant 0 : i32
    %dma_wait3A_128 = tpu.memref_slice %arg8[%multiple_of3A_114, %dma_wait3A_127] : memref<10080x128xf32, #tpu.memory_space<hbm>> -> memref<80x128xf32, #tpu.memory_space<hbm>>
    %dma_wait3A_129 = arith.constant 0 : i32
    %dma_wait3A_130 = tpu.memref_slice %arg15[%multiple_of3A_108, %dma_wait3A_129] : memref<5040x128xf32, #tpu.memory_space<vmem_shared>> -> memref<80x128xf32, #tpu.memory_space<vmem_shared>>
    tpu.wait_dma2 semaphore(%arg16 : memref<!tpu.dma_semaphore, #tpu.memory_space<semaphore_mem>>) src(%dma_wait3A_130 : memref<80x128xf32, #tpu.memory_space<vmem_shared>>) dst(%dma_wait3A_128 : memref<80x128xf32, #tpu.memory_space<hbm>>)
    %add3A_131 = arith.constant 16 : i32
    %add3A_132 = arith.addi %arg1, %add3A_131 : i32
    %min3A_133 = arith.constant 62 : i32
    %min3A_134 = arith.minsi %add3A_132, %min3A_133 : i32
    %mul3A_135 = arith.constant 80 : i32
    %mul3A_136 = arith.muli %min3A_134, %mul3A_135 : i32
    %multiple_of3A_137 = tpu.assume_multiple %mul3A_136, 8 : i32
    %mul3A_138 = arith.constant 5040 : i32
    %mul3A_139 = arith.muli %arg0, %mul3A_138 : i32
    %mul3A_140 = arith.constant 80 : i32
    %mul3A_141 = arith.muli %min3A_134, %mul3A_140 : i32
    %add3A_142 = arith.addi %mul3A_139, %mul3A_141 : i32
    %multiple_of3A_143 = tpu.assume_multiple %add3A_142, 8 : i32
    %dma_start3A_144 = arith.constant 0 : i32
    %dma_start3A_145 = tpu.memref_slice %arg7[%multiple_of3A_143, %dma_start3A_144] : memref<10080x128xf32, #tpu.memory_space<hbm>> -> memref<80x128xf32, #tpu.memory_space<hbm>>
    %dma_start3A_146 = arith.constant 0 : i32
    %dma_start3A_147 = tpu.memref_slice %arg14[%multiple_of3A_137, %dma_start3A_146] : memref<5040x128xf32, #tpu.memory_space<vmem_shared>> -> memref<80x128xf32, #tpu.memory_space<vmem_shared>>
    tpu.enqueue_dma source(%dma_start3A_147 : memref<80x128xf32, #tpu.memory_space<vmem_shared>>) target(%dma_start3A_145 : memref<80x128xf32, #tpu.memory_space<hbm>>) target_semaphore(%arg16 : memref<!tpu.dma_semaphore, #tpu.memory_space<semaphore_mem>>)
    %dma_wait3A_148 = arith.constant 0 : i32
    %dma_wait3A_149 = tpu.memref_slice %arg7[%multiple_of3A_143, %dma_wait3A_148] : memref<10080x128xf32, #tpu.memory_space<hbm>> -> memref<80x128xf32, #tpu.memory_space<hbm>>
    %dma_wait3A_150 = arith.constant 0 : i32
    %dma_wait3A_151 = tpu.memref_slice %arg14[%multiple_of3A_137, %dma_wait3A_150] : memref<5040x128xf32, #tpu.memory_space<vmem_shared>> -> memref<80x128xf32, #tpu.memory_space<vmem_shared>>
    tpu.wait_dma2 semaphore(%arg16 : memref<!tpu.dma_semaphore, #tpu.memory_space<semaphore_mem>>) src(%dma_wait3A_151 : memref<80x128xf32, #tpu.memory_space<vmem_shared>>) dst(%dma_wait3A_149 : memref<80x128xf32, #tpu.memory_space<hbm>>)
    %dma_start3A_152 = arith.constant 0 : i32
    %dma_start3A_153 = tpu.memref_slice %arg8[%multiple_of3A_143, %dma_start3A_152] : memref<10080x128xf32, #tpu.memory_space<hbm>> -> memref<80x128xf32, #tpu.memory_space<hbm>>
    %dma_start3A_154 = arith.constant 0 : i32
    %dma_start3A_155 = tpu.memref_slice %arg15[%multiple_of3A_137, %dma_start3A_154] : memref<5040x128xf32, #tpu.memory_space<vmem_shared>> -> memref<80x128xf32, #tpu.memory_space<vmem_shared>>
    tpu.enqueue_dma source(%dma_start3A_155 : memref<80x128xf32, #tpu.memory_space<vmem_shared>>) target(%dma_start3A_153 : memref<80x128xf32, #tpu.memory_space<hbm>>) target_semaphore(%arg16 : memref<!tpu.dma_semaphore, #tpu.memory_space<semaphore_mem>>)
    %dma_wait3A_156 = arith.constant 0 : i32
    %dma_wait3A_157 = tpu.memref_slice %arg8[%multiple_of3A_143, %dma_wait3A_156] : memref<10080x128xf32, #tpu.memory_space<hbm>> -> memref<80x128xf32, #tpu.memory_space<hbm>>
    %dma_wait3A_158 = arith.constant 0 : i32
    %dma_wait3A_159 = tpu.memref_slice %arg15[%multiple_of3A_137, %dma_wait3A_158] : memref<5040x128xf32, #tpu.memory_space<vmem_shared>> -> memref<80x128xf32, #tpu.memory_space<vmem_shared>>
    tpu.wait_dma2 semaphore(%arg16 : memref<!tpu.dma_semaphore, #tpu.memory_space<semaphore_mem>>) src(%dma_wait3A_159 : memref<80x128xf32, #tpu.memory_space<vmem_shared>>) dst(%dma_wait3A_157 : memref<80x128xf32, #tpu.memory_space<hbm>>)
    %add3A_160 = arith.constant 32 : i32
    %add3A_161 = arith.addi %arg1, %add3A_160 : i32
    %min3A_162 = arith.constant 62 : i32
    %min3A_163 = arith.minsi %add3A_161, %min3A_162 : i32
    %mul3A_164 = arith.constant 80 : i32
    %mul3A_165 = arith.muli %min3A_163, %mul3A_164 : i32
    %multiple_of3A_166 = tpu.assume_multiple %mul3A_165, 8 : i32
    %mul3A_167 = arith.constant 5040 : i32
    %mul3A_168 = arith.muli %arg0, %mul3A_167 : i32
    %mul3A_169 = arith.constant 80 : i32
    %mul3A_170 = arith.muli %min3A_163, %mul3A_169 : i32
    %add3A_171 = arith.addi %mul3A_168, %mul3A_170 : i32
    %multiple_of3A_172 = tpu.assume_multiple %add3A_171, 8 : i32
    %dma_start3A_173 = arith.constant 0 : i32
    %dma_start3A_174 = tpu.memref_slice %arg7[%multiple_of3A_172, %dma_start3A_173] : memref<10080x128xf32, #tpu.memory_space<hbm>> -> memref<80x128xf32, #tpu.memory_space<hbm>>
    %dma_start3A_175 = arith.constant 0 : i32
    %dma_start3A_176 = tpu.memref_slice %arg14[%multiple_of3A_166, %dma_start3A_175] : memref<5040x128xf32, #tpu.memory_space<vmem_shared>> -> memref<80x128xf32, #tpu.memory_space<vmem_shared>>
    tpu.enqueue_dma source(%dma_start3A_176 : memref<80x128xf32, #tpu.memory_space<vmem_shared>>) target(%dma_start3A_174 : memref<80x128xf32, #tpu.memory_space<hbm>>) target_semaphore(%arg16 : memref<!tpu.dma_semaphore, #tpu.memory_space<semaphore_mem>>)
    %dma_wait3A_177 = arith.constant 0 : i32
    %dma_wait3A_178 = tpu.memref_slice %arg7[%multiple_of3A_172, %dma_wait3A_177] : memref<10080x128xf32, #tpu.memory_space<hbm>> -> memref<80x128xf32, #tpu.memory_space<hbm>>
    %dma_wait3A_179 = arith.constant 0 : i32
    %dma_wait3A_180 = tpu.memref_slice %arg14[%multiple_of3A_166, %dma_wait3A_179] : memref<5040x128xf32, #tpu.memory_space<vmem_shared>> -> memref<80x128xf32, #tpu.memory_space<vmem_shared>>
    tpu.wait_dma2 semaphore(%arg16 : memref<!tpu.dma_semaphore, #tpu.memory_space<semaphore_mem>>) src(%dma_wait3A_180 : memref<80x128xf32, #tpu.memory_space<vmem_shared>>) dst(%dma_wait3A_178 : memref<80x128xf32, #tpu.memory_space<hbm>>)
    %dma_start3A_181 = arith.constant 0 : i32
    %dma_start3A_182 = tpu.memref_slice %arg8[%multiple_of3A_172, %dma_start3A_181] : memref<10080x128xf32, #tpu.memory_space<hbm>> -> memref<80x128xf32, #tpu.memory_space<hbm>>
    %dma_start3A_183 = arith.constant 0 : i32
    %dma_start3A_184 = tpu.memref_slice %arg15[%multiple_of3A_166, %dma_start3A_183] : memref<5040x128xf32, #tpu.memory_space<vmem_shared>> -> memref<80x128xf32, #tpu.memory_space<vmem_shared>>
    tpu.enqueue_dma source(%dma_start3A_184 : memref<80x128xf32, #tpu.memory_space<vmem_shared>>) target(%dma_start3A_182 : memref<80x128xf32, #tpu.memory_space<hbm>>) target_semaphore(%arg16 : memref<!tpu.dma_semaphore, #tpu.memory_space<semaphore_mem>>)
    %dma_wait3A_185 = arith.constant 0 : i32
    %dma_wait3A_186 = tpu.memref_slice %arg8[%multiple_of3A_172, %dma_wait3A_185] : memref<10080x128xf32, #tpu.memory_space<hbm>> -> memref<80x128xf32, #tpu.memory_space<hbm>>
    %dma_wait3A_187 = arith.constant 0 : i32
    %dma_wait3A_188 = tpu.memref_slice %arg15[%multiple_of3A_166, %dma_wait3A_187] : memref<5040x128xf32, #tpu.memory_space<vmem_shared>> -> memref<80x128xf32, #tpu.memory_space<vmem_shared>>
    tpu.wait_dma2 semaphore(%arg16 : memref<!tpu.dma_semaphore, #tpu.memory_space<semaphore_mem>>) src(%dma_wait3A_188 : memref<80x128xf32, #tpu.memory_space<vmem_shared>>) dst(%dma_wait3A_186 : memref<80x128xf32, #tpu.memory_space<hbm>>)
    %add3A_189 = arith.constant 48 : i32
    %add3A_190 = arith.addi %arg1, %add3A_189 : i32
    %min3A_191 = arith.constant 62 : i32
    %min3A_192 = arith.minsi %add3A_190, %min3A_191 : i32
    %mul3A_193 = arith.constant 80 : i32
    %mul3A_194 = arith.muli %min3A_192, %mul3A_193 : i32
    %multiple_of3A_195 = tpu.assume_multiple %mul3A_194, 8 : i32
    %mul3A_196 = arith.constant 5040 : i32
    %mul3A_197 = arith.muli %arg0, %mul3A_196 : i32
    %mul3A_198 = arith.constant 80 : i32
    %mul3A_199 = arith.muli %min3A_192, %mul3A_198 : i32
    %add3A_200 = arith.addi %mul3A_197, %mul3A_199 : i32
    %multiple_of3A_201 = tpu.assume_multiple %add3A_200, 8 : i32
    %dma_start3A_202 = arith.constant 0 : i32
    %dma_start3A_203 = tpu.memref_slice %arg7[%multiple_of3A_201, %dma_start3A_202] : memref<10080x128xf32, #tpu.memory_space<hbm>> -> memref<80x128xf32, #tpu.memory_space<hbm>>
    %dma_start3A_204 = arith.constant 0 : i32
    %dma_start3A_205 = tpu.memref_slice %arg14[%multiple_of3A_195, %dma_start3A_204] : memref<5040x128xf32, #tpu.memory_space<vmem_shared>> -> memref<80x128xf32, #tpu.memory_space<vmem_shared>>
    tpu.enqueue_dma source(%dma_start3A_205 : memref<80x128xf32, #tpu.memory_space<vmem_shared>>) target(%dma_start3A_203 : memref<80x128xf32, #tpu.memory_space<hbm>>) target_semaphore(%arg16 : memref<!tpu.dma_semaphore, #tpu.memory_space<semaphore_mem>>)
    %dma_wait3A_206 = arith.constant 0 : i32
    %dma_wait3A_207 = tpu.memref_slice %arg7[%multiple_of3A_201, %dma_wait3A_206] : memref<10080x128xf32, #tpu.memory_space<hbm>> -> memref<80x128xf32, #tpu.memory_space<hbm>>
    %dma_wait3A_208 = arith.constant 0 : i32
    %dma_wait3A_209 = tpu.memref_slice %arg14[%multiple_of3A_195, %dma_wait3A_208] : memref<5040x128xf32, #tpu.memory_space<vmem_shared>> -> memref<80x128xf32, #tpu.memory_space<vmem_shared>>
    tpu.wait_dma2 semaphore(%arg16 : memref<!tpu.dma_semaphore, #tpu.memory_space<semaphore_mem>>) src(%dma_wait3A_209 : memref<80x128xf32, #tpu.memory_space<vmem_shared>>) dst(%dma_wait3A_207 : memref<80x128xf32, #tpu.memory_space<hbm>>)
    %dma_start3A_210 = arith.constant 0 : i32
    %dma_start3A_211 = tpu.memref_slice %arg8[%multiple_of3A_201, %dma_start3A_210] : memref<10080x128xf32, #tpu.memory_space<hbm>> -> memref<80x128xf32, #tpu.memory_space<hbm>>
    %dma_start3A_212 = arith.constant 0 : i32
    %dma_start3A_213 = tpu.memref_slice %arg15[%multiple_of3A_195, %dma_start3A_212] : memref<5040x128xf32, #tpu.memory_space<vmem_shared>> -> memref<80x128xf32, #tpu.memory_space<vmem_shared>>
    tpu.enqueue_dma source(%dma_start3A_213 : memref<80x128xf32, #tpu.memory_space<vmem_shared>>) target(%dma_start3A_211 : memref<80x128xf32, #tpu.memory_space<hbm>>) target_semaphore(%arg16 : memref<!tpu.dma_semaphore, #tpu.memory_space<semaphore_mem>>)
    %dma_wait3A_214 = arith.constant 0 : i32
    %dma_wait3A_215 = tpu.memref_slice %arg8[%multiple_of3A_201, %dma_wait3A_214] : memref<10080x128xf32, #tpu.memory_space<hbm>> -> memref<80x128xf32, #tpu.memory_space<hbm>>
    %dma_wait3A_216 = arith.constant 0 : i32
    %dma_wait3A_217 = tpu.memref_slice %arg15[%multiple_of3A_195, %dma_wait3A_216] : memref<5040x128xf32, #tpu.memory_space<vmem_shared>> -> memref<80x128xf32, #tpu.memory_space<vmem_shared>>
    tpu.wait_dma2 semaphore(%arg16 : memref<!tpu.dma_semaphore, #tpu.memory_space<semaphore_mem>>) src(%dma_wait3A_217 : memref<80x128xf32, #tpu.memory_space<vmem_shared>>) dst(%dma_wait3A_215 : memref<80x128xf32, #tpu.memory_space<hbm>>)
    return
  }
}

#map = affine_map<(d0, d1) -> (0)>
#map1 = affine_map<(d0, d1) -> (0, 0)>
module attributes {stable_mosaic.version = 14 : i64} {
  func.func @_embed_body(%arg0: i32, %arg1: i32, %arg2: memref<10000xi32, #tpu.memory_space<hbm>>, %arg3: memref<10000xi32, #tpu.memory_space<hbm>>, %arg4: memref<1000x128xf32, #tpu.memory_space<hbm>>, %arg5: memref<3x128xf32, #tpu.memory_space<hbm>>, %arg6: memref<4096x128xf32, #tpu.memory_space<hbm>>, %arg7: memref<10000x128xf32, #tpu.memory_space<hbm>>, %arg8: memref<80xi32, #tpu.memory_space<vmem>>, %arg9: memref<80xi32, #tpu.memory_space<vmem>>, %arg10: memref<80xi32, #tpu.memory_space<vmem>>, %arg11: memref<80x128xf32, #tpu.memory_space<vmem>>, %arg12: memref<80x128xf32, #tpu.memory_space<vmem>>, %arg13: memref<80x128xf32, #tpu.memory_space<vmem>>, %arg14: memref<80x128xf32, #tpu.memory_space<vmem>>, %arg15: memref<!tpu.dma_semaphore, #tpu.memory_space<semaphore_mem>>) attributes {dimension_semantics = [#tpu.dimension_semantics<core_parallel>, #tpu.dimension_semantics<subcore_parallel>], iteration_bounds = array<i64: 2, 16>, scalar_prefetch = 0 : i64, scratch_operands = 8 : i64, tpu.core_type = #tpu.core_type<sc_vector_subcore>, window_params = [{transform_indices = #map}, {transform_indices = #map}, {transform_indices = #map1}, {transform_indices = #map1}, {transform_indices = #map1}, {transform_indices = #map1}]} {
    %mul3A = arith.constant 16 : i32
    %mul3A_0 = arith.muli %arg0, %mul3A : i32
    %add3A = arith.addi %mul3A_0, %arg1 : i32
    %broadcast_in_dim3A = arith.constant 3 : i32
    %broadcast_in_dim3A_1 = vector.broadcast %broadcast_in_dim3A : i32 to vector<16xi32>
    %add3A_2 = arith.constant 0 : i32
    %add3A_3 = arith.addi %add3A, %add3A_2 : i32
    %lt3A = arith.constant 125 : i32
    %lt3A_4 = arith.cmpi slt, %add3A_3, %lt3A : i32
    %convert_element_type3A = arith.extui %lt3A_4 : i1 to i32
    %cond3A = arith.constant 0 : i32
    %cond3A_5 = arith.cmpi ne, %convert_element_type3A, %cond3A : i32
    scf.if %cond3A_5 {
      %mul3A_27 = arith.constant 80 : i32
      %mul3A_28 = arith.muli %add3A_3, %mul3A_27 : i32
      %multiple_of3A = tpu.assume_multiple %mul3A_28, 8 : i32
      "tpu.region"() ({
        %run_scoped3A = tpu.sem_alloc : memref<!tpu.dma_semaphore, #tpu.memory_space<semaphore_mem>>
        %dma_start3A_56 = tpu.memref_slice %arg2[%multiple_of3A] : memref<10000xi32, #tpu.memory_space<hbm>> -> memref<80xi32, #tpu.memory_space<hbm>>
        %dma_start3A_57 = tpu.memref_slice %arg2[%multiple_of3A] : memref<10000xi32, #tpu.memory_space<hbm>> -> memref<80xi32, #tpu.memory_space<hbm>>
        tpu.enqueue_dma source(%dma_start3A_57 : memref<80xi32, #tpu.memory_space<hbm>>) target(%arg8 : memref<80xi32, #tpu.memory_space<vmem>>) target_semaphore(%run_scoped3A : memref<!tpu.dma_semaphore, #tpu.memory_space<semaphore_mem>>)
        %dma_wait3A_58 = tpu.memref_slice %arg2[%multiple_of3A] : memref<10000xi32, #tpu.memory_space<hbm>> -> memref<80xi32, #tpu.memory_space<hbm>>
        %dma_wait3A_59 = tpu.memref_slice %arg2[%multiple_of3A] : memref<10000xi32, #tpu.memory_space<hbm>> -> memref<80xi32, #tpu.memory_space<hbm>>
        tpu.wait_dma2 semaphore(%run_scoped3A : memref<!tpu.dma_semaphore, #tpu.memory_space<semaphore_mem>>) src(%dma_wait3A_59 : memref<80xi32, #tpu.memory_space<hbm>>) dst(%arg8 : memref<80xi32, #tpu.memory_space<vmem>>)
        tpu.yield
      }) : () -> ()
      "tpu.region"() ({
        %run_scoped3A = tpu.sem_alloc : memref<!tpu.dma_semaphore, #tpu.memory_space<semaphore_mem>>
        %dma_start3A_56 = tpu.memref_slice %arg3[%multiple_of3A] : memref<10000xi32, #tpu.memory_space<hbm>> -> memref<80xi32, #tpu.memory_space<hbm>>
        %dma_start3A_57 = tpu.memref_slice %arg3[%multiple_of3A] : memref<10000xi32, #tpu.memory_space<hbm>> -> memref<80xi32, #tpu.memory_space<hbm>>
        tpu.enqueue_dma source(%dma_start3A_57 : memref<80xi32, #tpu.memory_space<hbm>>) target(%arg9 : memref<80xi32, #tpu.memory_space<vmem>>) target_semaphore(%run_scoped3A : memref<!tpu.dma_semaphore, #tpu.memory_space<semaphore_mem>>)
        %dma_wait3A_58 = tpu.memref_slice %arg3[%multiple_of3A] : memref<10000xi32, #tpu.memory_space<hbm>> -> memref<80xi32, #tpu.memory_space<hbm>>
        %dma_wait3A_59 = tpu.memref_slice %arg3[%multiple_of3A] : memref<10000xi32, #tpu.memory_space<hbm>> -> memref<80xi32, #tpu.memory_space<hbm>>
        tpu.wait_dma2 semaphore(%run_scoped3A : memref<!tpu.dma_semaphore, #tpu.memory_space<semaphore_mem>>) src(%dma_wait3A_59 : memref<80xi32, #tpu.memory_space<hbm>>) dst(%arg9 : memref<80xi32, #tpu.memory_space<vmem>>)
        tpu.yield
      }) : () -> ()
      %scan3A = arith.constant 0 : i32
      %scan3A_29 = arith.constant 0 : i32
      %scan3A_30 = arith.constant 5 : i32
      %scan3A_31 = arith.addi %scan3A_29, %scan3A_30 : i32
      %scan3A_32 = arith.constant 1 : i32
      scf.for %scan3A_56 = %scan3A_29 to %scan3A_31 step %scan3A_32  : i32 {
        %mul3A_57 = arith.constant 16 : i32
        %mul3A_58 = arith.muli %scan3A_56, %mul3A_57 : i32
        %get3A = arith.index_cast %mul3A_58 : i32 to index
        %get3A_59 = tpu.vector_load %arg9[%get3A] {strides = array<i32>} : memref<80xi32, #tpu.memory_space<vmem>>, vector<16xi32>,
        %rem3A = arith.remsi %get3A_59, %broadcast_in_dim3A_1 : vector<16xi32>
        %swap3A = arith.index_cast %mul3A_58 : i32 to index
        %swap3A_60 = tpu.vector_load %arg10[%swap3A] {strides = array<i32>} : memref<80xi32, #tpu.memory_space<vmem>>, vector<16xi32>,
        tpu.vector_store %arg10[%swap3A], %rem3A {strides = array<i32>} : memref<80xi32, #tpu.memory_space<vmem>>, vector<16xi32>,
        %div3A = arith.divsi %get3A_59, %broadcast_in_dim3A_1 : vector<16xi32>
        %swap3A_61 = arith.index_cast %mul3A_58 : i32 to index
        %swap3A_62 = tpu.vector_load %arg9[%swap3A_61] {strides = array<i32>} : memref<80xi32, #tpu.memory_space<vmem>>, vector<16xi32>,
        tpu.vector_store %arg9[%swap3A_61], %div3A {strides = array<i32>} : memref<80xi32, #tpu.memory_space<vmem>>, vector<16xi32>,
      }
      %scan3A_33 = arith.constant 5 : i32
      %dma_start3A = arith.constant 0 : i32
      %dma_start3A_34 = arith.constant 0 : i32
      %dma_start3A_35 = tpu.memref_slice %arg4[%dma_start3A, %dma_start3A_34] : memref<1000x128xf32, #tpu.memory_space<hbm>> -> memref<1000x128xf32, #tpu.memory_space<hbm>>
      tpu.enqueue_indirect_dma source(%dma_start3A_35 : memref<1000x128xf32, #tpu.memory_space<hbm>>) target(%arg11 : memref<80x128xf32, #tpu.memory_space<vmem>>) offsets(%arg8 : memref<80xi32, #tpu.memory_space<vmem>>) semaphore(%arg15 : memref<!tpu.dma_semaphore, #tpu.memory_space<semaphore_mem>>)
      %dma_start3A_36 = arith.constant 0 : i32
      %dma_start3A_37 = arith.constant 0 : i32
      %dma_start3A_38 = tpu.memref_slice %arg6[%dma_start3A_36, %dma_start3A_37] : memref<4096x128xf32, #tpu.memory_space<hbm>> -> memref<4096x128xf32, #tpu.memory_space<hbm>>
      tpu.enqueue_indirect_dma source(%dma_start3A_38 : memref<4096x128xf32, #tpu.memory_space<hbm>>) target(%arg12 : memref<80x128xf32, #tpu.memory_space<vmem>>) offsets(%arg9 : memref<80xi32, #tpu.memory_space<vmem>>) semaphore(%arg15 : memref<!tpu.dma_semaphore, #tpu.memory_space<semaphore_mem>>)
      %dma_start3A_39 = arith.constant 0 : i32
      %dma_start3A_40 = arith.constant 0 : i32
      %dma_start3A_41 = tpu.memref_slice %arg5[%dma_start3A_39, %dma_start3A_40] : memref<3x128xf32, #tpu.memory_space<hbm>> -> memref<3x128xf32, #tpu.memory_space<hbm>>
      tpu.enqueue_indirect_dma source(%dma_start3A_41 : memref<3x128xf32, #tpu.memory_space<hbm>>) target(%arg13 : memref<80x128xf32, #tpu.memory_space<vmem>>) offsets(%arg10 : memref<80xi32, #tpu.memory_space<vmem>>) semaphore(%arg15 : memref<!tpu.dma_semaphore, #tpu.memory_space<semaphore_mem>>)
      %dma_wait3A = arith.constant 0 : i32
      %dma_wait3A_42 = arith.constant 0 : i32
      %dma_wait3A_43 = tpu.memref_slice %arg4[%dma_wait3A, %dma_wait3A_42] : memref<1000x128xf32, #tpu.memory_space<hbm>> -> memref<1000x128xf32, #tpu.memory_space<hbm>>
      tpu.wait_indirect_dma semaphore(%arg15 : memref<!tpu.dma_semaphore, #tpu.memory_space<semaphore_mem>>) src(%dma_wait3A_43 : memref<1000x128xf32, #tpu.memory_space<hbm>>) dst(%arg11 : memref<80x128xf32, #tpu.memory_space<vmem>>)
      %dma_wait3A_44 = arith.constant 0 : i32
      %dma_wait3A_45 = arith.constant 0 : i32
      %dma_wait3A_46 = tpu.memref_slice %arg6[%dma_wait3A_44, %dma_wait3A_45] : memref<4096x128xf32, #tpu.memory_space<hbm>> -> memref<4096x128xf32, #tpu.memory_space<hbm>>
      tpu.wait_indirect_dma semaphore(%arg15 : memref<!tpu.dma_semaphore, #tpu.memory_space<semaphore_mem>>) src(%dma_wait3A_46 : memref<4096x128xf32, #tpu.memory_space<hbm>>) dst(%arg12 : memref<80x128xf32, #tpu.memory_space<vmem>>)
      %dma_wait3A_47 = arith.constant 0 : i32
      %dma_wait3A_48 = arith.constant 0 : i32
      %dma_wait3A_49 = tpu.memref_slice %arg5[%dma_wait3A_47, %dma_wait3A_48] : memref<3x128xf32, #tpu.memory_space<hbm>> -> memref<3x128xf32, #tpu.memory_space<hbm>>
      tpu.wait_indirect_dma semaphore(%arg15 : memref<!tpu.dma_semaphore, #tpu.memory_space<semaphore_mem>>) src(%dma_wait3A_49 : memref<3x128xf32, #tpu.memory_space<hbm>>) dst(%arg13 : memref<80x128xf32, #tpu.memory_space<vmem>>)
      %scan3A_50 = arith.constant 0 : i32
      %scan3A_51 = arith.constant 0 : i32
      %scan3A_52 = arith.constant 80 : i32
      %scan3A_53 = arith.addi %scan3A_51, %scan3A_52 : i32
      %scan3A_54 = arith.constant 1 : i32
      scf.for %scan3A_56 = %scan3A_51 to %scan3A_53 step %scan3A_54  : i32 {
        %get3A = arith.index_cast %scan3A_56 : i32 to index
        %get3A_57 = arith.constant 0 : index
        %get3A_58 = tpu.vector_load %arg11[%get3A, %get3A_57] {strides = array<i32>} : memref<80x128xf32, #tpu.memory_space<vmem>>, vector<16xf32>,
        %get3A_59 = arith.index_cast %scan3A_56 : i32 to index
        %get3A_60 = arith.constant 0 : index
        %get3A_61 = tpu.vector_load %arg12[%get3A_59, %get3A_60] {strides = array<i32>} : memref<80x128xf32, #tpu.memory_space<vmem>>, vector<16xf32>,
        %add3A_62 = arith.addf %get3A_58, %get3A_61 : vector<16xf32>
        %get3A_63 = arith.index_cast %scan3A_56 : i32 to index
        %get3A_64 = arith.constant 0 : index
        %get3A_65 = tpu.vector_load %arg13[%get3A_63, %get3A_64] {strides = array<i32>} : memref<80x128xf32, #tpu.memory_space<vmem>>, vector<16xf32>,
        %add3A_66 = arith.addf %add3A_62, %get3A_65 : vector<16xf32>
        %swap3A = arith.index_cast %scan3A_56 : i32 to index
        %swap3A_67 = arith.constant 0 : index
        %swap3A_68 = tpu.vector_load %arg14[%swap3A, %swap3A_67] {strides = array<i32>} : memref<80x128xf32, #tpu.memory_space<vmem>>, vector<16xf32>,
        tpu.vector_store %arg14[%swap3A, %swap3A_67], %add3A_66 {strides = array<i32>} : memref<80x128xf32, #tpu.memory_space<vmem>>, vector<16xf32>,
        %get3A_69 = arith.index_cast %scan3A_56 : i32 to index
        %get3A_70 = arith.constant 16 : index
        %get3A_71 = tpu.vector_load %arg11[%get3A_69, %get3A_70] {strides = array<i32>} : memref<80x128xf32, #tpu.memory_space<vmem>>, vector<16xf32>,
        %get3A_72 = arith.index_cast %scan3A_56 : i32 to index
        %get3A_73 = arith.constant 16 : index
        %get3A_74 = tpu.vector_load %arg12[%get3A_72, %get3A_73] {strides = array<i32>} : memref<80x128xf32, #tpu.memory_space<vmem>>, vector<16xf32>,
        %add3A_75 = arith.addf %get3A_71, %get3A_74 : vector<16xf32>
        %get3A_76 = arith.index_cast %scan3A_56 : i32 to index
        %get3A_77 = arith.constant 16 : index
        %get3A_78 = tpu.vector_load %arg13[%get3A_76, %get3A_77] {strides = array<i32>} : memref<80x128xf32, #tpu.memory_space<vmem>>, vector<16xf32>,
        %add3A_79 = arith.addf %add3A_75, %get3A_78 : vector<16xf32>
        %swap3A_80 = arith.index_cast %scan3A_56 : i32 to index
        %swap3A_81 = arith.constant 16 : index
        %swap3A_82 = tpu.vector_load %arg14[%swap3A_80, %swap3A_81] {strides = array<i32>} : memref<80x128xf32, #tpu.memory_space<vmem>>, vector<16xf32>,
        tpu.vector_store %arg14[%swap3A_80, %swap3A_81], %add3A_79 {strides = array<i32>} : memref<80x128xf32, #tpu.memory_space<vmem>>, vector<16xf32>,
        %get3A_83 = arith.index_cast %scan3A_56 : i32 to index
        %get3A_84 = arith.constant 32 : index
        %get3A_85 = tpu.vector_load %arg11[%get3A_83, %get3A_84] {strides = array<i32>} : memref<80x128xf32, #tpu.memory_space<vmem>>, vector<16xf32>,
        %get3A_86 = arith.index_cast %scan3A_56 : i32 to index
        %get3A_87 = arith.constant 32 : index
        %get3A_88 = tpu.vector_load %arg12[%get3A_86, %get3A_87] {strides = array<i32>} : memref<80x128xf32, #tpu.memory_space<vmem>>, vector<16xf32>,
        %add3A_89 = arith.addf %get3A_85, %get3A_88 : vector<16xf32>
        %get3A_90 = arith.index_cast %scan3A_56 : i32 to index
        %get3A_91 = arith.constant 32 : index
        %get3A_92 = tpu.vector_load %arg13[%get3A_90, %get3A_91] {strides = array<i32>} : memref<80x128xf32, #tpu.memory_space<vmem>>, vector<16xf32>,
        %add3A_93 = arith.addf %add3A_89, %get3A_92 : vector<16xf32>
        %swap3A_94 = arith.index_cast %scan3A_56 : i32 to index
        %swap3A_95 = arith.constant 32 : index
        %swap3A_96 = tpu.vector_load %arg14[%swap3A_94, %swap3A_95] {strides = array<i32>} : memref<80x128xf32, #tpu.memory_space<vmem>>, vector<16xf32>,
        tpu.vector_store %arg14[%swap3A_94, %swap3A_95], %add3A_93 {strides = array<i32>} : memref<80x128xf32, #tpu.memory_space<vmem>>, vector<16xf32>,
        %get3A_97 = arith.index_cast %scan3A_56 : i32 to index
        %get3A_98 = arith.constant 48 : index
        %get3A_99 = tpu.vector_load %arg11[%get3A_97, %get3A_98] {strides = array<i32>} : memref<80x128xf32, #tpu.memory_space<vmem>>, vector<16xf32>,
        %get3A_100 = arith.index_cast %scan3A_56 : i32 to index
        %get3A_101 = arith.constant 48 : index
        %get3A_102 = tpu.vector_load %arg12[%get3A_100, %get3A_101] {strides = array<i32>} : memref<80x128xf32, #tpu.memory_space<vmem>>, vector<16xf32>,
        %add3A_103 = arith.addf %get3A_99, %get3A_102 : vector<16xf32>
        %get3A_104 = arith.index_cast %scan3A_56 : i32 to index
        %get3A_105 = arith.constant 48 : index
        %get3A_106 = tpu.vector_load %arg13[%get3A_104, %get3A_105] {strides = array<i32>} : memref<80x128xf32, #tpu.memory_space<vmem>>, vector<16xf32>,
        %add3A_107 = arith.addf %add3A_103, %get3A_106 : vector<16xf32>
        %swap3A_108 = arith.index_cast %scan3A_56 : i32 to index
        %swap3A_109 = arith.constant 48 : index
        %swap3A_110 = tpu.vector_load %arg14[%swap3A_108, %swap3A_109] {strides = array<i32>} : memref<80x128xf32, #tpu.memory_space<vmem>>, vector<16xf32>,
        tpu.vector_store %arg14[%swap3A_108, %swap3A_109], %add3A_107 {strides = array<i32>} : memref<80x128xf32, #tpu.memory_space<vmem>>, vector<16xf32>,
        %get3A_111 = arith.index_cast %scan3A_56 : i32 to index
        %get3A_112 = arith.constant 64 : index
        %get3A_113 = tpu.vector_load %arg11[%get3A_111, %get3A_112] {strides = array<i32>} : memref<80x128xf32, #tpu.memory_space<vmem>>, vector<16xf32>,
        %get3A_114 = arith.index_cast %scan3A_56 : i32 to index
        %get3A_115 = arith.constant 64 : index
        %get3A_116 = tpu.vector_load %arg12[%get3A_114, %get3A_115] {strides = array<i32>} : memref<80x128xf32, #tpu.memory_space<vmem>>, vector<16xf32>,
        %add3A_117 = arith.addf %get3A_113, %get3A_116 : vector<16xf32>
        %get3A_118 = arith.index_cast %scan3A_56 : i32 to index
        %get3A_119 = arith.constant 64 : index
        %get3A_120 = tpu.vector_load %arg13[%get3A_118, %get3A_119] {strides = array<i32>} : memref<80x128xf32, #tpu.memory_space<vmem>>, vector<16xf32>,
        %add3A_121 = arith.addf %add3A_117, %get3A_120 : vector<16xf32>
        %swap3A_122 = arith.index_cast %scan3A_56 : i32 to index
        %swap3A_123 = arith.constant 64 : index
        %swap3A_124 = tpu.vector_load %arg14[%swap3A_122, %swap3A_123] {strides = array<i32>} : memref<80x128xf32, #tpu.memory_space<vmem>>, vector<16xf32>,
        tpu.vector_store %arg14[%swap3A_122, %swap3A_123], %add3A_121 {strides = array<i32>} : memref<80x128xf32, #tpu.memory_space<vmem>>, vector<16xf32>,
        %get3A_125 = arith.index_cast %scan3A_56 : i32 to index
        %get3A_126 = arith.constant 80 : index
        %get3A_127 = tpu.vector_load %arg11[%get3A_125, %get3A_126] {strides = array<i32>} : memref<80x128xf32, #tpu.memory_space<vmem>>, vector<16xf32>,
        %get3A_128 = arith.index_cast %scan3A_56 : i32 to index
        %get3A_129 = arith.constant 80 : index
        %get3A_130 = tpu.vector_load %arg12[%get3A_128, %get3A_129] {strides = array<i32>} : memref<80x128xf32, #tpu.memory_space<vmem>>, vector<16xf32>,
        %add3A_131 = arith.addf %get3A_127, %get3A_130 : vector<16xf32>
        %get3A_132 = arith.index_cast %scan3A_56 : i32 to index
        %get3A_133 = arith.constant 80 : index
        %get3A_134 = tpu.vector_load %arg13[%get3A_132, %get3A_133] {strides = array<i32>} : memref<80x128xf32, #tpu.memory_space<vmem>>, vector<16xf32>,
        %add3A_135 = arith.addf %add3A_131, %get3A_134 : vector<16xf32>
        %swap3A_136 = arith.index_cast %scan3A_56 : i32 to index
        %swap3A_137 = arith.constant 80 : index
        %swap3A_138 = tpu.vector_load %arg14[%swap3A_136, %swap3A_137] {strides = array<i32>} : memref<80x128xf32, #tpu.memory_space<vmem>>, vector<16xf32>,
        tpu.vector_store %arg14[%swap3A_136, %swap3A_137], %add3A_135 {strides = array<i32>} : memref<80x128xf32, #tpu.memory_space<vmem>>, vector<16xf32>,
        %get3A_139 = arith.index_cast %scan3A_56 : i32 to index
        %get3A_140 = arith.constant 96 : index
        %get3A_141 = tpu.vector_load %arg11[%get3A_139, %get3A_140] {strides = array<i32>} : memref<80x128xf32, #tpu.memory_space<vmem>>, vector<16xf32>,
        %get3A_142 = arith.index_cast %scan3A_56 : i32 to index
        %get3A_143 = arith.constant 96 : index
        %get3A_144 = tpu.vector_load %arg12[%get3A_142, %get3A_143] {strides = array<i32>} : memref<80x128xf32, #tpu.memory_space<vmem>>, vector<16xf32>,
        %add3A_145 = arith.addf %get3A_141, %get3A_144 : vector<16xf32>
        %get3A_146 = arith.index_cast %scan3A_56 : i32 to index
        %get3A_147 = arith.constant 96 : index
        %get3A_148 = tpu.vector_load %arg13[%get3A_146, %get3A_147] {strides = array<i32>} : memref<80x128xf32, #tpu.memory_space<vmem>>, vector<16xf32>,
        %add3A_149 = arith.addf %add3A_145, %get3A_148 : vector<16xf32>
        %swap3A_150 = arith.index_cast %scan3A_56 : i32 to index
        %swap3A_151 = arith.constant 96 : index
        %swap3A_152 = tpu.vector_load %arg14[%swap3A_150, %swap3A_151] {strides = array<i32>} : memref<80x128xf32, #tpu.memory_space<vmem>>, vector<16xf32>,
        tpu.vector_store %arg14[%swap3A_150, %swap3A_151], %add3A_149 {strides = array<i32>} : memref<80x128xf32, #tpu.memory_space<vmem>>, vector<16xf32>,
        %get3A_153 = arith.index_cast %scan3A_56 : i32 to index
        %get3A_154 = arith.constant 112 : index
        %get3A_155 = tpu.vector_load %arg11[%get3A_153, %get3A_154] {strides = array<i32>} : memref<80x128xf32, #tpu.memory_space<vmem>>, vector<16xf32>,
        %get3A_156 = arith.index_cast %scan3A_56 : i32 to index
        %get3A_157 = arith.constant 112 : index
        %get3A_158 = tpu.vector_load %arg12[%get3A_156, %get3A_157] {strides = array<i32>} : memref<80x128xf32, #tpu.memory_space<vmem>>, vector<16xf32>,
        %add3A_159 = arith.addf %get3A_155, %get3A_158 : vector<16xf32>
        %get3A_160 = arith.index_cast %scan3A_56 : i32 to index
        %get3A_161 = arith.constant 112 : index
        %get3A_162 = tpu.vector_load %arg13[%get3A_160, %get3A_161] {strides = array<i32>} : memref<80x128xf32, #tpu.memory_space<vmem>>, vector<16xf32>,
        %add3A_163 = arith.addf %add3A_159, %get3A_162 : vector<16xf32>
        %swap3A_164 = arith.index_cast %scan3A_56 : i32 to index
        %swap3A_165 = arith.constant 112 : index
        %swap3A_166 = tpu.vector_load %arg14[%swap3A_164, %swap3A_165] {strides = array<i32>} : memref<80x128xf32, #tpu.memory_space<vmem>>, vector<16xf32>,
        tpu.vector_store %arg14[%swap3A_164, %swap3A_165], %add3A_163 {strides = array<i32>} : memref<80x128xf32, #tpu.memory_space<vmem>>, vector<16xf32>,
      }
      %scan3A_55 = arith.constant 80 : i32
      "tpu.region"() ({
        %run_scoped3A = tpu.sem_alloc : memref<!tpu.dma_semaphore, #tpu.memory_space<semaphore_mem>>
        %dma_start3A_56 = arith.constant 0 : i32
        %dma_start3A_57 = tpu.memref_slice %arg7[%multiple_of3A, %dma_start3A_56] : memref<10000x128xf32, #tpu.memory_space<hbm>> -> memref<80x128xf32, #tpu.memory_space<hbm>>
        %dma_start3A_58 = arith.constant 0 : i32
        %dma_start3A_59 = tpu.memref_slice %arg7[%multiple_of3A, %dma_start3A_58] : memref<10000x128xf32, #tpu.memory_space<hbm>> -> memref<80x128xf32, #tpu.memory_space<hbm>>
        tpu.enqueue_dma source(%arg14 : memref<80x128xf32, #tpu.memory_space<vmem>>) target(%dma_start3A_59 : memref<80x128xf32, #tpu.memory_space<hbm>>) target_semaphore(%run_scoped3A : memref<!tpu.dma_semaphore, #tpu.memory_space<semaphore_mem>>)
        %dma_wait3A_60 = arith.constant 0 : i32
        %dma_wait3A_61 = tpu.memref_slice %arg7[%multiple_of3A, %dma_wait3A_60] : memref<10000x128xf32, #tpu.memory_space<hbm>> -> memref<80x128xf32, #tpu.memory_space<hbm>>
        %dma_wait3A_62 = arith.constant 0 : i32
        %dma_wait3A_63 = tpu.memref_slice %arg7[%multiple_of3A, %dma_wait3A_62] : memref<10000x128xf32, #tpu.memory_space<hbm>> -> memref<80x128xf32, #tpu.memory_space<hbm>>
        tpu.wait_dma2 semaphore(%run_scoped3A : memref<!tpu.dma_semaphore, #tpu.memory_space<semaphore_mem>>) src(%arg14 : memref<80x128xf32, #tpu.memory_space<vmem>>) dst(%dma_wait3A_63 : memref<80x128xf32, #tpu.memory_space<hbm>>)
        tpu.yield
      }) : () -> ()
    } else {
    }
    %add3A_6 = arith.constant 32 : i32
    %add3A_7 = arith.addi %add3A, %add3A_6 : i32
    %lt3A_8 = arith.constant 125 : i32
    %lt3A_9 = arith.cmpi slt, %add3A_7, %lt3A_8 : i32
    %convert_element_type3A_10 = arith.extui %lt3A_9 : i1 to i32
    %cond3A_11 = arith.constant 0 : i32
    %cond3A_12 = arith.cmpi ne, %convert_element_type3A_10, %cond3A_11 : i32
    scf.if %cond3A_12 {
      %mul3A_27 = arith.constant 80 : i32
      %mul3A_28 = arith.muli %add3A_7, %mul3A_27 : i32
      %multiple_of3A = tpu.assume_multiple %mul3A_28, 8 : i32
      "tpu.region"() ({
        %run_scoped3A = tpu.sem_alloc : memref<!tpu.dma_semaphore, #tpu.memory_space<semaphore_mem>>
        %dma_start3A_56 = tpu.memref_slice %arg2[%multiple_of3A] : memref<10000xi32, #tpu.memory_space<hbm>> -> memref<80xi32, #tpu.memory_space<hbm>>
        %dma_start3A_57 = tpu.memref_slice %arg2[%multiple_of3A] : memref<10000xi32, #tpu.memory_space<hbm>> -> memref<80xi32, #tpu.memory_space<hbm>>
        tpu.enqueue_dma source(%dma_start3A_57 : memref<80xi32, #tpu.memory_space<hbm>>) target(%arg8 : memref<80xi32, #tpu.memory_space<vmem>>) target_semaphore(%run_scoped3A : memref<!tpu.dma_semaphore, #tpu.memory_space<semaphore_mem>>)
        %dma_wait3A_58 = tpu.memref_slice %arg2[%multiple_of3A] : memref<10000xi32, #tpu.memory_space<hbm>> -> memref<80xi32, #tpu.memory_space<hbm>>
        %dma_wait3A_59 = tpu.memref_slice %arg2[%multiple_of3A] : memref<10000xi32, #tpu.memory_space<hbm>> -> memref<80xi32, #tpu.memory_space<hbm>>
        tpu.wait_dma2 semaphore(%run_scoped3A : memref<!tpu.dma_semaphore, #tpu.memory_space<semaphore_mem>>) src(%dma_wait3A_59 : memref<80xi32, #tpu.memory_space<hbm>>) dst(%arg8 : memref<80xi32, #tpu.memory_space<vmem>>)
        tpu.yield
      }) : () -> ()
      "tpu.region"() ({
        %run_scoped3A = tpu.sem_alloc : memref<!tpu.dma_semaphore, #tpu.memory_space<semaphore_mem>>
        %dma_start3A_56 = tpu.memref_slice %arg3[%multiple_of3A] : memref<10000xi32, #tpu.memory_space<hbm>> -> memref<80xi32, #tpu.memory_space<hbm>>
        %dma_start3A_57 = tpu.memref_slice %arg3[%multiple_of3A] : memref<10000xi32, #tpu.memory_space<hbm>> -> memref<80xi32, #tpu.memory_space<hbm>>
        tpu.enqueue_dma source(%dma_start3A_57 : memref<80xi32, #tpu.memory_space<hbm>>) target(%arg9 : memref<80xi32, #tpu.memory_space<vmem>>) target_semaphore(%run_scoped3A : memref<!tpu.dma_semaphore, #tpu.memory_space<semaphore_mem>>)
        %dma_wait3A_58 = tpu.memref_slice %arg3[%multiple_of3A] : memref<10000xi32, #tpu.memory_space<hbm>> -> memref<80xi32, #tpu.memory_space<hbm>>
        %dma_wait3A_59 = tpu.memref_slice %arg3[%multiple_of3A] : memref<10000xi32, #tpu.memory_space<hbm>> -> memref<80xi32, #tpu.memory_space<hbm>>
        tpu.wait_dma2 semaphore(%run_scoped3A : memref<!tpu.dma_semaphore, #tpu.memory_space<semaphore_mem>>) src(%dma_wait3A_59 : memref<80xi32, #tpu.memory_space<hbm>>) dst(%arg9 : memref<80xi32, #tpu.memory_space<vmem>>)
        tpu.yield
      }) : () -> ()
      %scan3A = arith.constant 0 : i32
      %scan3A_29 = arith.constant 0 : i32
      %scan3A_30 = arith.constant 5 : i32
      %scan3A_31 = arith.addi %scan3A_29, %scan3A_30 : i32
      %scan3A_32 = arith.constant 1 : i32
      scf.for %scan3A_56 = %scan3A_29 to %scan3A_31 step %scan3A_32  : i32 {
        %mul3A_57 = arith.constant 16 : i32
        %mul3A_58 = arith.muli %scan3A_56, %mul3A_57 : i32
        %get3A = arith.index_cast %mul3A_58 : i32 to index
        %get3A_59 = tpu.vector_load %arg9[%get3A] {strides = array<i32>} : memref<80xi32, #tpu.memory_space<vmem>>, vector<16xi32>,
        %rem3A = arith.remsi %get3A_59, %broadcast_in_dim3A_1 : vector<16xi32>
        %swap3A = arith.index_cast %mul3A_58 : i32 to index
        %swap3A_60 = tpu.vector_load %arg10[%swap3A] {strides = array<i32>} : memref<80xi32, #tpu.memory_space<vmem>>, vector<16xi32>,
        tpu.vector_store %arg10[%swap3A], %rem3A {strides = array<i32>} : memref<80xi32, #tpu.memory_space<vmem>>, vector<16xi32>,
        %div3A = arith.divsi %get3A_59, %broadcast_in_dim3A_1 : vector<16xi32>
        %swap3A_61 = arith.index_cast %mul3A_58 : i32 to index
        %swap3A_62 = tpu.vector_load %arg9[%swap3A_61] {strides = array<i32>} : memref<80xi32, #tpu.memory_space<vmem>>, vector<16xi32>,
        tpu.vector_store %arg9[%swap3A_61], %div3A {strides = array<i32>} : memref<80xi32, #tpu.memory_space<vmem>>, vector<16xi32>,
      }
      %scan3A_33 = arith.constant 5 : i32
      %dma_start3A = arith.constant 0 : i32
      %dma_start3A_34 = arith.constant 0 : i32
      %dma_start3A_35 = tpu.memref_slice %arg4[%dma_start3A, %dma_start3A_34] : memref<1000x128xf32, #tpu.memory_space<hbm>> -> memref<1000x128xf32, #tpu.memory_space<hbm>>
      tpu.enqueue_indirect_dma source(%dma_start3A_35 : memref<1000x128xf32, #tpu.memory_space<hbm>>) target(%arg11 : memref<80x128xf32, #tpu.memory_space<vmem>>) offsets(%arg8 : memref<80xi32, #tpu.memory_space<vmem>>) semaphore(%arg15 : memref<!tpu.dma_semaphore, #tpu.memory_space<semaphore_mem>>)
      %dma_start3A_36 = arith.constant 0 : i32
      %dma_start3A_37 = arith.constant 0 : i32
      %dma_start3A_38 = tpu.memref_slice %arg6[%dma_start3A_36, %dma_start3A_37] : memref<4096x128xf32, #tpu.memory_space<hbm>> -> memref<4096x128xf32, #tpu.memory_space<hbm>>
      tpu.enqueue_indirect_dma source(%dma_start3A_38 : memref<4096x128xf32, #tpu.memory_space<hbm>>) target(%arg12 : memref<80x128xf32, #tpu.memory_space<vmem>>) offsets(%arg9 : memref<80xi32, #tpu.memory_space<vmem>>) semaphore(%arg15 : memref<!tpu.dma_semaphore, #tpu.memory_space<semaphore_mem>>)
      %dma_start3A_39 = arith.constant 0 : i32
      %dma_start3A_40 = arith.constant 0 : i32
      %dma_start3A_41 = tpu.memref_slice %arg5[%dma_start3A_39, %dma_start3A_40] : memref<3x128xf32, #tpu.memory_space<hbm>> -> memref<3x128xf32, #tpu.memory_space<hbm>>
      tpu.enqueue_indirect_dma source(%dma_start3A_41 : memref<3x128xf32, #tpu.memory_space<hbm>>) target(%arg13 : memref<80x128xf32, #tpu.memory_space<vmem>>) offsets(%arg10 : memref<80xi32, #tpu.memory_space<vmem>>) semaphore(%arg15 : memref<!tpu.dma_semaphore, #tpu.memory_space<semaphore_mem>>)
      %dma_wait3A = arith.constant 0 : i32
      %dma_wait3A_42 = arith.constant 0 : i32
      %dma_wait3A_43 = tpu.memref_slice %arg4[%dma_wait3A, %dma_wait3A_42] : memref<1000x128xf32, #tpu.memory_space<hbm>> -> memref<1000x128xf32, #tpu.memory_space<hbm>>
      tpu.wait_indirect_dma semaphore(%arg15 : memref<!tpu.dma_semaphore, #tpu.memory_space<semaphore_mem>>) src(%dma_wait3A_43 : memref<1000x128xf32, #tpu.memory_space<hbm>>) dst(%arg11 : memref<80x128xf32, #tpu.memory_space<vmem>>)
      %dma_wait3A_44 = arith.constant 0 : i32
      %dma_wait3A_45 = arith.constant 0 : i32
      %dma_wait3A_46 = tpu.memref_slice %arg6[%dma_wait3A_44, %dma_wait3A_45] : memref<4096x128xf32, #tpu.memory_space<hbm>> -> memref<4096x128xf32, #tpu.memory_space<hbm>>
      tpu.wait_indirect_dma semaphore(%arg15 : memref<!tpu.dma_semaphore, #tpu.memory_space<semaphore_mem>>) src(%dma_wait3A_46 : memref<4096x128xf32, #tpu.memory_space<hbm>>) dst(%arg12 : memref<80x128xf32, #tpu.memory_space<vmem>>)
      %dma_wait3A_47 = arith.constant 0 : i32
      %dma_wait3A_48 = arith.constant 0 : i32
      %dma_wait3A_49 = tpu.memref_slice %arg5[%dma_wait3A_47, %dma_wait3A_48] : memref<3x128xf32, #tpu.memory_space<hbm>> -> memref<3x128xf32, #tpu.memory_space<hbm>>
      tpu.wait_indirect_dma semaphore(%arg15 : memref<!tpu.dma_semaphore, #tpu.memory_space<semaphore_mem>>) src(%dma_wait3A_49 : memref<3x128xf32, #tpu.memory_space<hbm>>) dst(%arg13 : memref<80x128xf32, #tpu.memory_space<vmem>>)
      %scan3A_50 = arith.constant 0 : i32
      %scan3A_51 = arith.constant 0 : i32
      %scan3A_52 = arith.constant 80 : i32
      %scan3A_53 = arith.addi %scan3A_51, %scan3A_52 : i32
      %scan3A_54 = arith.constant 1 : i32
      scf.for %scan3A_56 = %scan3A_51 to %scan3A_53 step %scan3A_54  : i32 {
        %get3A = arith.index_cast %scan3A_56 : i32 to index
        %get3A_57 = arith.constant 0 : index
        %get3A_58 = tpu.vector_load %arg11[%get3A, %get3A_57] {strides = array<i32>} : memref<80x128xf32, #tpu.memory_space<vmem>>, vector<16xf32>,
        %get3A_59 = arith.index_cast %scan3A_56 : i32 to index
        %get3A_60 = arith.constant 0 : index
        %get3A_61 = tpu.vector_load %arg12[%get3A_59, %get3A_60] {strides = array<i32>} : memref<80x128xf32, #tpu.memory_space<vmem>>, vector<16xf32>,
        %add3A_62 = arith.addf %get3A_58, %get3A_61 : vector<16xf32>
        %get3A_63 = arith.index_cast %scan3A_56 : i32 to index
        %get3A_64 = arith.constant 0 : index
        %get3A_65 = tpu.vector_load %arg13[%get3A_63, %get3A_64] {strides = array<i32>} : memref<80x128xf32, #tpu.memory_space<vmem>>, vector<16xf32>,
        %add3A_66 = arith.addf %add3A_62, %get3A_65 : vector<16xf32>
        %swap3A = arith.index_cast %scan3A_56 : i32 to index
        %swap3A_67 = arith.constant 0 : index
        %swap3A_68 = tpu.vector_load %arg14[%swap3A, %swap3A_67] {strides = array<i32>} : memref<80x128xf32, #tpu.memory_space<vmem>>, vector<16xf32>,
        tpu.vector_store %arg14[%swap3A, %swap3A_67], %add3A_66 {strides = array<i32>} : memref<80x128xf32, #tpu.memory_space<vmem>>, vector<16xf32>,
        %get3A_69 = arith.index_cast %scan3A_56 : i32 to index
        %get3A_70 = arith.constant 16 : index
        %get3A_71 = tpu.vector_load %arg11[%get3A_69, %get3A_70] {strides = array<i32>} : memref<80x128xf32, #tpu.memory_space<vmem>>, vector<16xf32>,
        %get3A_72 = arith.index_cast %scan3A_56 : i32 to index
        %get3A_73 = arith.constant 16 : index
        %get3A_74 = tpu.vector_load %arg12[%get3A_72, %get3A_73] {strides = array<i32>} : memref<80x128xf32, #tpu.memory_space<vmem>>, vector<16xf32>,
        %add3A_75 = arith.addf %get3A_71, %get3A_74 : vector<16xf32>
        %get3A_76 = arith.index_cast %scan3A_56 : i32 to index
        %get3A_77 = arith.constant 16 : index
        %get3A_78 = tpu.vector_load %arg13[%get3A_76, %get3A_77] {strides = array<i32>} : memref<80x128xf32, #tpu.memory_space<vmem>>, vector<16xf32>,
        %add3A_79 = arith.addf %add3A_75, %get3A_78 : vector<16xf32>
        %swap3A_80 = arith.index_cast %scan3A_56 : i32 to index
        %swap3A_81 = arith.constant 16 : index
        %swap3A_82 = tpu.vector_load %arg14[%swap3A_80, %swap3A_81] {strides = array<i32>} : memref<80x128xf32, #tpu.memory_space<vmem>>, vector<16xf32>,
        tpu.vector_store %arg14[%swap3A_80, %swap3A_81], %add3A_79 {strides = array<i32>} : memref<80x128xf32, #tpu.memory_space<vmem>>, vector<16xf32>,
        %get3A_83 = arith.index_cast %scan3A_56 : i32 to index
        %get3A_84 = arith.constant 32 : index
        %get3A_85 = tpu.vector_load %arg11[%get3A_83, %get3A_84] {strides = array<i32>} : memref<80x128xf32, #tpu.memory_space<vmem>>, vector<16xf32>,
        %get3A_86 = arith.index_cast %scan3A_56 : i32 to index
        %get3A_87 = arith.constant 32 : index
        %get3A_88 = tpu.vector_load %arg12[%get3A_86, %get3A_87] {strides = array<i32>} : memref<80x128xf32, #tpu.memory_space<vmem>>, vector<16xf32>,
        %add3A_89 = arith.addf %get3A_85, %get3A_88 : vector<16xf32>
        %get3A_90 = arith.index_cast %scan3A_56 : i32 to index
        %get3A_91 = arith.constant 32 : index
        %get3A_92 = tpu.vector_load %arg13[%get3A_90, %get3A_91] {strides = array<i32>} : memref<80x128xf32, #tpu.memory_space<vmem>>, vector<16xf32>,
        %add3A_93 = arith.addf %add3A_89, %get3A_92 : vector<16xf32>
        %swap3A_94 = arith.index_cast %scan3A_56 : i32 to index
        %swap3A_95 = arith.constant 32 : index
        %swap3A_96 = tpu.vector_load %arg14[%swap3A_94, %swap3A_95] {strides = array<i32>} : memref<80x128xf32, #tpu.memory_space<vmem>>, vector<16xf32>,
        tpu.vector_store %arg14[%swap3A_94, %swap3A_95], %add3A_93 {strides = array<i32>} : memref<80x128xf32, #tpu.memory_space<vmem>>, vector<16xf32>,
        %get3A_97 = arith.index_cast %scan3A_56 : i32 to index
        %get3A_98 = arith.constant 48 : index
        %get3A_99 = tpu.vector_load %arg11[%get3A_97, %get3A_98] {strides = array<i32>} : memref<80x128xf32, #tpu.memory_space<vmem>>, vector<16xf32>,
        %get3A_100 = arith.index_cast %scan3A_56 : i32 to index
        %get3A_101 = arith.constant 48 : index
        %get3A_102 = tpu.vector_load %arg12[%get3A_100, %get3A_101] {strides = array<i32>} : memref<80x128xf32, #tpu.memory_space<vmem>>, vector<16xf32>,
        %add3A_103 = arith.addf %get3A_99, %get3A_102 : vector<16xf32>
        %get3A_104 = arith.index_cast %scan3A_56 : i32 to index
        %get3A_105 = arith.constant 48 : index
        %get3A_106 = tpu.vector_load %arg13[%get3A_104, %get3A_105] {strides = array<i32>} : memref<80x128xf32, #tpu.memory_space<vmem>>, vector<16xf32>,
        %add3A_107 = arith.addf %add3A_103, %get3A_106 : vector<16xf32>
        %swap3A_108 = arith.index_cast %scan3A_56 : i32 to index
        %swap3A_109 = arith.constant 48 : index
        %swap3A_110 = tpu.vector_load %arg14[%swap3A_108, %swap3A_109] {strides = array<i32>} : memref<80x128xf32, #tpu.memory_space<vmem>>, vector<16xf32>,
        tpu.vector_store %arg14[%swap3A_108, %swap3A_109], %add3A_107 {strides = array<i32>} : memref<80x128xf32, #tpu.memory_space<vmem>>, vector<16xf32>,
        %get3A_111 = arith.index_cast %scan3A_56 : i32 to index
        %get3A_112 = arith.constant 64 : index
        %get3A_113 = tpu.vector_load %arg11[%get3A_111, %get3A_112] {strides = array<i32>} : memref<80x128xf32, #tpu.memory_space<vmem>>, vector<16xf32>,
        %get3A_114 = arith.index_cast %scan3A_56 : i32 to index
        %get3A_115 = arith.constant 64 : index
        %get3A_116 = tpu.vector_load %arg12[%get3A_114, %get3A_115] {strides = array<i32>} : memref<80x128xf32, #tpu.memory_space<vmem>>, vector<16xf32>,
        %add3A_117 = arith.addf %get3A_113, %get3A_116 : vector<16xf32>
        %get3A_118 = arith.index_cast %scan3A_56 : i32 to index
        %get3A_119 = arith.constant 64 : index
        %get3A_120 = tpu.vector_load %arg13[%get3A_118, %get3A_119] {strides = array<i32>} : memref<80x128xf32, #tpu.memory_space<vmem>>, vector<16xf32>,
        %add3A_121 = arith.addf %add3A_117, %get3A_120 : vector<16xf32>
        %swap3A_122 = arith.index_cast %scan3A_56 : i32 to index
        %swap3A_123 = arith.constant 64 : index
        %swap3A_124 = tpu.vector_load %arg14[%swap3A_122, %swap3A_123] {strides = array<i32>} : memref<80x128xf32, #tpu.memory_space<vmem>>, vector<16xf32>,
        tpu.vector_store %arg14[%swap3A_122, %swap3A_123], %add3A_121 {strides = array<i32>} : memref<80x128xf32, #tpu.memory_space<vmem>>, vector<16xf32>,
        %get3A_125 = arith.index_cast %scan3A_56 : i32 to index
        %get3A_126 = arith.constant 80 : index
        %get3A_127 = tpu.vector_load %arg11[%get3A_125, %get3A_126] {strides = array<i32>} : memref<80x128xf32, #tpu.memory_space<vmem>>, vector<16xf32>,
        %get3A_128 = arith.index_cast %scan3A_56 : i32 to index
        %get3A_129 = arith.constant 80 : index
        %get3A_130 = tpu.vector_load %arg12[%get3A_128, %get3A_129] {strides = array<i32>} : memref<80x128xf32, #tpu.memory_space<vmem>>, vector<16xf32>,
        %add3A_131 = arith.addf %get3A_127, %get3A_130 : vector<16xf32>
        %get3A_132 = arith.index_cast %scan3A_56 : i32 to index
        %get3A_133 = arith.constant 80 : index
        %get3A_134 = tpu.vector_load %arg13[%get3A_132, %get3A_133] {strides = array<i32>} : memref<80x128xf32, #tpu.memory_space<vmem>>, vector<16xf32>,
        %add3A_135 = arith.addf %add3A_131, %get3A_134 : vector<16xf32>
        %swap3A_136 = arith.index_cast %scan3A_56 : i32 to index
        %swap3A_137 = arith.constant 80 : index
        %swap3A_138 = tpu.vector_load %arg14[%swap3A_136, %swap3A_137] {strides = array<i32>} : memref<80x128xf32, #tpu.memory_space<vmem>>, vector<16xf32>,
        tpu.vector_store %arg14[%swap3A_136, %swap3A_137], %add3A_135 {strides = array<i32>} : memref<80x128xf32, #tpu.memory_space<vmem>>, vector<16xf32>,
        %get3A_139 = arith.index_cast %scan3A_56 : i32 to index
        %get3A_140 = arith.constant 96 : index
        %get3A_141 = tpu.vector_load %arg11[%get3A_139, %get3A_140] {strides = array<i32>} : memref<80x128xf32, #tpu.memory_space<vmem>>, vector<16xf32>,
        %get3A_142 = arith.index_cast %scan3A_56 : i32 to index
        %get3A_143 = arith.constant 96 : index
        %get3A_144 = tpu.vector_load %arg12[%get3A_142, %get3A_143] {strides = array<i32>} : memref<80x128xf32, #tpu.memory_space<vmem>>, vector<16xf32>,
        %add3A_145 = arith.addf %get3A_141, %get3A_144 : vector<16xf32>
        %get3A_146 = arith.index_cast %scan3A_56 : i32 to index
        %get3A_147 = arith.constant 96 : index
        %get3A_148 = tpu.vector_load %arg13[%get3A_146, %get3A_147] {strides = array<i32>} : memref<80x128xf32, #tpu.memory_space<vmem>>, vector<16xf32>,
        %add3A_149 = arith.addf %add3A_145, %get3A_148 : vector<16xf32>
        %swap3A_150 = arith.index_cast %scan3A_56 : i32 to index
        %swap3A_151 = arith.constant 96 : index
        %swap3A_152 = tpu.vector_load %arg14[%swap3A_150, %swap3A_151] {strides = array<i32>} : memref<80x128xf32, #tpu.memory_space<vmem>>, vector<16xf32>,
        tpu.vector_store %arg14[%swap3A_150, %swap3A_151], %add3A_149 {strides = array<i32>} : memref<80x128xf32, #tpu.memory_space<vmem>>, vector<16xf32>,
        %get3A_153 = arith.index_cast %scan3A_56 : i32 to index
        %get3A_154 = arith.constant 112 : index
        %get3A_155 = tpu.vector_load %arg11[%get3A_153, %get3A_154] {strides = array<i32>} : memref<80x128xf32, #tpu.memory_space<vmem>>, vector<16xf32>,
        %get3A_156 = arith.index_cast %scan3A_56 : i32 to index
        %get3A_157 = arith.constant 112 : index
        %get3A_158 = tpu.vector_load %arg12[%get3A_156, %get3A_157] {strides = array<i32>} : memref<80x128xf32, #tpu.memory_space<vmem>>, vector<16xf32>,
        %add3A_159 = arith.addf %get3A_155, %get3A_158 : vector<16xf32>
        %get3A_160 = arith.index_cast %scan3A_56 : i32 to index
        %get3A_161 = arith.constant 112 : index
        %get3A_162 = tpu.vector_load %arg13[%get3A_160, %get3A_161] {strides = array<i32>} : memref<80x128xf32, #tpu.memory_space<vmem>>, vector<16xf32>,
        %add3A_163 = arith.addf %add3A_159, %get3A_162 : vector<16xf32>
        %swap3A_164 = arith.index_cast %scan3A_56 : i32 to index
        %swap3A_165 = arith.constant 112 : index
        %swap3A_166 = tpu.vector_load %arg14[%swap3A_164, %swap3A_165] {strides = array<i32>} : memref<80x128xf32, #tpu.memory_space<vmem>>, vector<16xf32>,
        tpu.vector_store %arg14[%swap3A_164, %swap3A_165], %add3A_163 {strides = array<i32>} : memref<80x128xf32, #tpu.memory_space<vmem>>, vector<16xf32>,
      }
      %scan3A_55 = arith.constant 80 : i32
      "tpu.region"() ({
        %run_scoped3A = tpu.sem_alloc : memref<!tpu.dma_semaphore, #tpu.memory_space<semaphore_mem>>
        %dma_start3A_56 = arith.constant 0 : i32
        %dma_start3A_57 = tpu.memref_slice %arg7[%multiple_of3A, %dma_start3A_56] : memref<10000x128xf32, #tpu.memory_space<hbm>> -> memref<80x128xf32, #tpu.memory_space<hbm>>
        %dma_start3A_58 = arith.constant 0 : i32
        %dma_start3A_59 = tpu.memref_slice %arg7[%multiple_of3A, %dma_start3A_58] : memref<10000x128xf32, #tpu.memory_space<hbm>> -> memref<80x128xf32, #tpu.memory_space<hbm>>
        tpu.enqueue_dma source(%arg14 : memref<80x128xf32, #tpu.memory_space<vmem>>) target(%dma_start3A_59 : memref<80x128xf32, #tpu.memory_space<hbm>>) target_semaphore(%run_scoped3A : memref<!tpu.dma_semaphore, #tpu.memory_space<semaphore_mem>>)
        %dma_wait3A_60 = arith.constant 0 : i32
        %dma_wait3A_61 = tpu.memref_slice %arg7[%multiple_of3A, %dma_wait3A_60] : memref<10000x128xf32, #tpu.memory_space<hbm>> -> memref<80x128xf32, #tpu.memory_space<hbm>>
        %dma_wait3A_62 = arith.constant 0 : i32
        %dma_wait3A_63 = tpu.memref_slice %arg7[%multiple_of3A, %dma_wait3A_62] : memref<10000x128xf32, #tpu.memory_space<hbm>> -> memref<80x128xf32, #tpu.memory_space<hbm>>
        tpu.wait_dma2 semaphore(%run_scoped3A : memref<!tpu.dma_semaphore, #tpu.memory_space<semaphore_mem>>) src(%arg14 : memref<80x128xf32, #tpu.memory_space<vmem>>) dst(%dma_wait3A_63 : memref<80x128xf32, #tpu.memory_space<hbm>>)
        tpu.yield
      }) : () -> ()
    } else {
    }
    %add3A_13 = arith.constant 64 : i32
    %add3A_14 = arith.addi %add3A, %add3A_13 : i32
    %lt3A_15 = arith.constant 125 : i32
    %lt3A_16 = arith.cmpi slt, %add3A_14, %lt3A_15 : i32
    %convert_element_type3A_17 = arith.extui %lt3A_16 : i1 to i32
    %cond3A_18 = arith.constant 0 : i32
    %cond3A_19 = arith.cmpi ne, %convert_element_type3A_17, %cond3A_18 : i32
    scf.if %cond3A_19 {
      %mul3A_27 = arith.constant 80 : i32
      %mul3A_28 = arith.muli %add3A_14, %mul3A_27 : i32
      %multiple_of3A = tpu.assume_multiple %mul3A_28, 8 : i32
      "tpu.region"() ({
        %run_scoped3A = tpu.sem_alloc : memref<!tpu.dma_semaphore, #tpu.memory_space<semaphore_mem>>
        %dma_start3A_56 = tpu.memref_slice %arg2[%multiple_of3A] : memref<10000xi32, #tpu.memory_space<hbm>> -> memref<80xi32, #tpu.memory_space<hbm>>
        %dma_start3A_57 = tpu.memref_slice %arg2[%multiple_of3A] : memref<10000xi32, #tpu.memory_space<hbm>> -> memref<80xi32, #tpu.memory_space<hbm>>
        tpu.enqueue_dma source(%dma_start3A_57 : memref<80xi32, #tpu.memory_space<hbm>>) target(%arg8 : memref<80xi32, #tpu.memory_space<vmem>>) target_semaphore(%run_scoped3A : memref<!tpu.dma_semaphore, #tpu.memory_space<semaphore_mem>>)
        %dma_wait3A_58 = tpu.memref_slice %arg2[%multiple_of3A] : memref<10000xi32, #tpu.memory_space<hbm>> -> memref<80xi32, #tpu.memory_space<hbm>>
        %dma_wait3A_59 = tpu.memref_slice %arg2[%multiple_of3A] : memref<10000xi32, #tpu.memory_space<hbm>> -> memref<80xi32, #tpu.memory_space<hbm>>
        tpu.wait_dma2 semaphore(%run_scoped3A : memref<!tpu.dma_semaphore, #tpu.memory_space<semaphore_mem>>) src(%dma_wait3A_59 : memref<80xi32, #tpu.memory_space<hbm>>) dst(%arg8 : memref<80xi32, #tpu.memory_space<vmem>>)
        tpu.yield
      }) : () -> ()
      "tpu.region"() ({
        %run_scoped3A = tpu.sem_alloc : memref<!tpu.dma_semaphore, #tpu.memory_space<semaphore_mem>>
        %dma_start3A_56 = tpu.memref_slice %arg3[%multiple_of3A] : memref<10000xi32, #tpu.memory_space<hbm>> -> memref<80xi32, #tpu.memory_space<hbm>>
        %dma_start3A_57 = tpu.memref_slice %arg3[%multiple_of3A] : memref<10000xi32, #tpu.memory_space<hbm>> -> memref<80xi32, #tpu.memory_space<hbm>>
        tpu.enqueue_dma source(%dma_start3A_57 : memref<80xi32, #tpu.memory_space<hbm>>) target(%arg9 : memref<80xi32, #tpu.memory_space<vmem>>) target_semaphore(%run_scoped3A : memref<!tpu.dma_semaphore, #tpu.memory_space<semaphore_mem>>)
        %dma_wait3A_58 = tpu.memref_slice %arg3[%multiple_of3A] : memref<10000xi32, #tpu.memory_space<hbm>> -> memref<80xi32, #tpu.memory_space<hbm>>
        %dma_wait3A_59 = tpu.memref_slice %arg3[%multiple_of3A] : memref<10000xi32, #tpu.memory_space<hbm>> -> memref<80xi32, #tpu.memory_space<hbm>>
        tpu.wait_dma2 semaphore(%run_scoped3A : memref<!tpu.dma_semaphore, #tpu.memory_space<semaphore_mem>>) src(%dma_wait3A_59 : memref<80xi32, #tpu.memory_space<hbm>>) dst(%arg9 : memref<80xi32, #tpu.memory_space<vmem>>)
        tpu.yield
      }) : () -> ()
      %scan3A = arith.constant 0 : i32
      %scan3A_29 = arith.constant 0 : i32
      %scan3A_30 = arith.constant 5 : i32
      %scan3A_31 = arith.addi %scan3A_29, %scan3A_30 : i32
      %scan3A_32 = arith.constant 1 : i32
      scf.for %scan3A_56 = %scan3A_29 to %scan3A_31 step %scan3A_32  : i32 {
        %mul3A_57 = arith.constant 16 : i32
        %mul3A_58 = arith.muli %scan3A_56, %mul3A_57 : i32
        %get3A = arith.index_cast %mul3A_58 : i32 to index
        %get3A_59 = tpu.vector_load %arg9[%get3A] {strides = array<i32>} : memref<80xi32, #tpu.memory_space<vmem>>, vector<16xi32>,
        %rem3A = arith.remsi %get3A_59, %broadcast_in_dim3A_1 : vector<16xi32>
        %swap3A = arith.index_cast %mul3A_58 : i32 to index
        %swap3A_60 = tpu.vector_load %arg10[%swap3A] {strides = array<i32>} : memref<80xi32, #tpu.memory_space<vmem>>, vector<16xi32>,
        tpu.vector_store %arg10[%swap3A], %rem3A {strides = array<i32>} : memref<80xi32, #tpu.memory_space<vmem>>, vector<16xi32>,
        %div3A = arith.divsi %get3A_59, %broadcast_in_dim3A_1 : vector<16xi32>
        %swap3A_61 = arith.index_cast %mul3A_58 : i32 to index
        %swap3A_62 = tpu.vector_load %arg9[%swap3A_61] {strides = array<i32>} : memref<80xi32, #tpu.memory_space<vmem>>, vector<16xi32>,
        tpu.vector_store %arg9[%swap3A_61], %div3A {strides = array<i32>} : memref<80xi32, #tpu.memory_space<vmem>>, vector<16xi32>,
      }
      %scan3A_33 = arith.constant 5 : i32
      %dma_start3A = arith.constant 0 : i32
      %dma_start3A_34 = arith.constant 0 : i32
      %dma_start3A_35 = tpu.memref_slice %arg4[%dma_start3A, %dma_start3A_34] : memref<1000x128xf32, #tpu.memory_space<hbm>> -> memref<1000x128xf32, #tpu.memory_space<hbm>>
      tpu.enqueue_indirect_dma source(%dma_start3A_35 : memref<1000x128xf32, #tpu.memory_space<hbm>>) target(%arg11 : memref<80x128xf32, #tpu.memory_space<vmem>>) offsets(%arg8 : memref<80xi32, #tpu.memory_space<vmem>>) semaphore(%arg15 : memref<!tpu.dma_semaphore, #tpu.memory_space<semaphore_mem>>)
      %dma_start3A_36 = arith.constant 0 : i32
      %dma_start3A_37 = arith.constant 0 : i32
      %dma_start3A_38 = tpu.memref_slice %arg6[%dma_start3A_36, %dma_start3A_37] : memref<4096x128xf32, #tpu.memory_space<hbm>> -> memref<4096x128xf32, #tpu.memory_space<hbm>>
      tpu.enqueue_indirect_dma source(%dma_start3A_38 : memref<4096x128xf32, #tpu.memory_space<hbm>>) target(%arg12 : memref<80x128xf32, #tpu.memory_space<vmem>>) offsets(%arg9 : memref<80xi32, #tpu.memory_space<vmem>>) semaphore(%arg15 : memref<!tpu.dma_semaphore, #tpu.memory_space<semaphore_mem>>)
      %dma_start3A_39 = arith.constant 0 : i32
      %dma_start3A_40 = arith.constant 0 : i32
      %dma_start3A_41 = tpu.memref_slice %arg5[%dma_start3A_39, %dma_start3A_40] : memref<3x128xf32, #tpu.memory_space<hbm>> -> memref<3x128xf32, #tpu.memory_space<hbm>>
      tpu.enqueue_indirect_dma source(%dma_start3A_41 : memref<3x128xf32, #tpu.memory_space<hbm>>) target(%arg13 : memref<80x128xf32, #tpu.memory_space<vmem>>) offsets(%arg10 : memref<80xi32, #tpu.memory_space<vmem>>) semaphore(%arg15 : memref<!tpu.dma_semaphore, #tpu.memory_space<semaphore_mem>>)
      %dma_wait3A = arith.constant 0 : i32
      %dma_wait3A_42 = arith.constant 0 : i32
      %dma_wait3A_43 = tpu.memref_slice %arg4[%dma_wait3A, %dma_wait3A_42] : memref<1000x128xf32, #tpu.memory_space<hbm>> -> memref<1000x128xf32, #tpu.memory_space<hbm>>
      tpu.wait_indirect_dma semaphore(%arg15 : memref<!tpu.dma_semaphore, #tpu.memory_space<semaphore_mem>>) src(%dma_wait3A_43 : memref<1000x128xf32, #tpu.memory_space<hbm>>) dst(%arg11 : memref<80x128xf32, #tpu.memory_space<vmem>>)
      %dma_wait3A_44 = arith.constant 0 : i32
      %dma_wait3A_45 = arith.constant 0 : i32
      %dma_wait3A_46 = tpu.memref_slice %arg6[%dma_wait3A_44, %dma_wait3A_45] : memref<4096x128xf32, #tpu.memory_space<hbm>> -> memref<4096x128xf32, #tpu.memory_space<hbm>>
      tpu.wait_indirect_dma semaphore(%arg15 : memref<!tpu.dma_semaphore, #tpu.memory_space<semaphore_mem>>) src(%dma_wait3A_46 : memref<4096x128xf32, #tpu.memory_space<hbm>>) dst(%arg12 : memref<80x128xf32, #tpu.memory_space<vmem>>)
      %dma_wait3A_47 = arith.constant 0 : i32
      %dma_wait3A_48 = arith.constant 0 : i32
      %dma_wait3A_49 = tpu.memref_slice %arg5[%dma_wait3A_47, %dma_wait3A_48] : memref<3x128xf32, #tpu.memory_space<hbm>> -> memref<3x128xf32, #tpu.memory_space<hbm>>
      tpu.wait_indirect_dma semaphore(%arg15 : memref<!tpu.dma_semaphore, #tpu.memory_space<semaphore_mem>>) src(%dma_wait3A_49 : memref<3x128xf32, #tpu.memory_space<hbm>>) dst(%arg13 : memref<80x128xf32, #tpu.memory_space<vmem>>)
      %scan3A_50 = arith.constant 0 : i32
      %scan3A_51 = arith.constant 0 : i32
      %scan3A_52 = arith.constant 80 : i32
      %scan3A_53 = arith.addi %scan3A_51, %scan3A_52 : i32
      %scan3A_54 = arith.constant 1 : i32
      scf.for %scan3A_56 = %scan3A_51 to %scan3A_53 step %scan3A_54  : i32 {
        %get3A = arith.index_cast %scan3A_56 : i32 to index
        %get3A_57 = arith.constant 0 : index
        %get3A_58 = tpu.vector_load %arg11[%get3A, %get3A_57] {strides = array<i32>} : memref<80x128xf32, #tpu.memory_space<vmem>>, vector<16xf32>,
        %get3A_59 = arith.index_cast %scan3A_56 : i32 to index
        %get3A_60 = arith.constant 0 : index
        %get3A_61 = tpu.vector_load %arg12[%get3A_59, %get3A_60] {strides = array<i32>} : memref<80x128xf32, #tpu.memory_space<vmem>>, vector<16xf32>,
        %add3A_62 = arith.addf %get3A_58, %get3A_61 : vector<16xf32>
        %get3A_63 = arith.index_cast %scan3A_56 : i32 to index
        %get3A_64 = arith.constant 0 : index
        %get3A_65 = tpu.vector_load %arg13[%get3A_63, %get3A_64] {strides = array<i32>} : memref<80x128xf32, #tpu.memory_space<vmem>>, vector<16xf32>,
        %add3A_66 = arith.addf %add3A_62, %get3A_65 : vector<16xf32>
        %swap3A = arith.index_cast %scan3A_56 : i32 to index
        %swap3A_67 = arith.constant 0 : index
        %swap3A_68 = tpu.vector_load %arg14[%swap3A, %swap3A_67] {strides = array<i32>} : memref<80x128xf32, #tpu.memory_space<vmem>>, vector<16xf32>,
        tpu.vector_store %arg14[%swap3A, %swap3A_67], %add3A_66 {strides = array<i32>} : memref<80x128xf32, #tpu.memory_space<vmem>>, vector<16xf32>,
        %get3A_69 = arith.index_cast %scan3A_56 : i32 to index
        %get3A_70 = arith.constant 16 : index
        %get3A_71 = tpu.vector_load %arg11[%get3A_69, %get3A_70] {strides = array<i32>} : memref<80x128xf32, #tpu.memory_space<vmem>>, vector<16xf32>,
        %get3A_72 = arith.index_cast %scan3A_56 : i32 to index
        %get3A_73 = arith.constant 16 : index
        %get3A_74 = tpu.vector_load %arg12[%get3A_72, %get3A_73] {strides = array<i32>} : memref<80x128xf32, #tpu.memory_space<vmem>>, vector<16xf32>,
        %add3A_75 = arith.addf %get3A_71, %get3A_74 : vector<16xf32>
        %get3A_76 = arith.index_cast %scan3A_56 : i32 to index
        %get3A_77 = arith.constant 16 : index
        %get3A_78 = tpu.vector_load %arg13[%get3A_76, %get3A_77] {strides = array<i32>} : memref<80x128xf32, #tpu.memory_space<vmem>>, vector<16xf32>,
        %add3A_79 = arith.addf %add3A_75, %get3A_78 : vector<16xf32>
        %swap3A_80 = arith.index_cast %scan3A_56 : i32 to index
        %swap3A_81 = arith.constant 16 : index
        %swap3A_82 = tpu.vector_load %arg14[%swap3A_80, %swap3A_81] {strides = array<i32>} : memref<80x128xf32, #tpu.memory_space<vmem>>, vector<16xf32>,
        tpu.vector_store %arg14[%swap3A_80, %swap3A_81], %add3A_79 {strides = array<i32>} : memref<80x128xf32, #tpu.memory_space<vmem>>, vector<16xf32>,
        %get3A_83 = arith.index_cast %scan3A_56 : i32 to index
        %get3A_84 = arith.constant 32 : index
        %get3A_85 = tpu.vector_load %arg11[%get3A_83, %get3A_84] {strides = array<i32>} : memref<80x128xf32, #tpu.memory_space<vmem>>, vector<16xf32>,
        %get3A_86 = arith.index_cast %scan3A_56 : i32 to index
        %get3A_87 = arith.constant 32 : index
        %get3A_88 = tpu.vector_load %arg12[%get3A_86, %get3A_87] {strides = array<i32>} : memref<80x128xf32, #tpu.memory_space<vmem>>, vector<16xf32>,
        %add3A_89 = arith.addf %get3A_85, %get3A_88 : vector<16xf32>
        %get3A_90 = arith.index_cast %scan3A_56 : i32 to index
        %get3A_91 = arith.constant 32 : index
        %get3A_92 = tpu.vector_load %arg13[%get3A_90, %get3A_91] {strides = array<i32>} : memref<80x128xf32, #tpu.memory_space<vmem>>, vector<16xf32>,
        %add3A_93 = arith.addf %add3A_89, %get3A_92 : vector<16xf32>
        %swap3A_94 = arith.index_cast %scan3A_56 : i32 to index
        %swap3A_95 = arith.constant 32 : index
        %swap3A_96 = tpu.vector_load %arg14[%swap3A_94, %swap3A_95] {strides = array<i32>} : memref<80x128xf32, #tpu.memory_space<vmem>>, vector<16xf32>,
        tpu.vector_store %arg14[%swap3A_94, %swap3A_95], %add3A_93 {strides = array<i32>} : memref<80x128xf32, #tpu.memory_space<vmem>>, vector<16xf32>,
        %get3A_97 = arith.index_cast %scan3A_56 : i32 to index
        %get3A_98 = arith.constant 48 : index
        %get3A_99 = tpu.vector_load %arg11[%get3A_97, %get3A_98] {strides = array<i32>} : memref<80x128xf32, #tpu.memory_space<vmem>>, vector<16xf32>,
        %get3A_100 = arith.index_cast %scan3A_56 : i32 to index
        %get3A_101 = arith.constant 48 : index
        %get3A_102 = tpu.vector_load %arg12[%get3A_100, %get3A_101] {strides = array<i32>} : memref<80x128xf32, #tpu.memory_space<vmem>>, vector<16xf32>,
        %add3A_103 = arith.addf %get3A_99, %get3A_102 : vector<16xf32>
        %get3A_104 = arith.index_cast %scan3A_56 : i32 to index
        %get3A_105 = arith.constant 48 : index
        %get3A_106 = tpu.vector_load %arg13[%get3A_104, %get3A_105] {strides = array<i32>} : memref<80x128xf32, #tpu.memory_space<vmem>>, vector<16xf32>,
        %add3A_107 = arith.addf %add3A_103, %get3A_106 : vector<16xf32>
        %swap3A_108 = arith.index_cast %scan3A_56 : i32 to index
        %swap3A_109 = arith.constant 48 : index
        %swap3A_110 = tpu.vector_load %arg14[%swap3A_108, %swap3A_109] {strides = array<i32>} : memref<80x128xf32, #tpu.memory_space<vmem>>, vector<16xf32>,
        tpu.vector_store %arg14[%swap3A_108, %swap3A_109], %add3A_107 {strides = array<i32>} : memref<80x128xf32, #tpu.memory_space<vmem>>, vector<16xf32>,
        %get3A_111 = arith.index_cast %scan3A_56 : i32 to index
        %get3A_112 = arith.constant 64 : index
        %get3A_113 = tpu.vector_load %arg11[%get3A_111, %get3A_112] {strides = array<i32>} : memref<80x128xf32, #tpu.memory_space<vmem>>, vector<16xf32>,
        %get3A_114 = arith.index_cast %scan3A_56 : i32 to index
        %get3A_115 = arith.constant 64 : index
        %get3A_116 = tpu.vector_load %arg12[%get3A_114, %get3A_115] {strides = array<i32>} : memref<80x128xf32, #tpu.memory_space<vmem>>, vector<16xf32>,
        %add3A_117 = arith.addf %get3A_113, %get3A_116 : vector<16xf32>
        %get3A_118 = arith.index_cast %scan3A_56 : i32 to index
        %get3A_119 = arith.constant 64 : index
        %get3A_120 = tpu.vector_load %arg13[%get3A_118, %get3A_119] {strides = array<i32>} : memref<80x128xf32, #tpu.memory_space<vmem>>, vector<16xf32>,
        %add3A_121 = arith.addf %add3A_117, %get3A_120 : vector<16xf32>
        %swap3A_122 = arith.index_cast %scan3A_56 : i32 to index
        %swap3A_123 = arith.constant 64 : index
        %swap3A_124 = tpu.vector_load %arg14[%swap3A_122, %swap3A_123] {strides = array<i32>} : memref<80x128xf32, #tpu.memory_space<vmem>>, vector<16xf32>,
        tpu.vector_store %arg14[%swap3A_122, %swap3A_123], %add3A_121 {strides = array<i32>} : memref<80x128xf32, #tpu.memory_space<vmem>>, vector<16xf32>,
        %get3A_125 = arith.index_cast %scan3A_56 : i32 to index
        %get3A_126 = arith.constant 80 : index
        %get3A_127 = tpu.vector_load %arg11[%get3A_125, %get3A_126] {strides = array<i32>} : memref<80x128xf32, #tpu.memory_space<vmem>>, vector<16xf32>,
        %get3A_128 = arith.index_cast %scan3A_56 : i32 to index
        %get3A_129 = arith.constant 80 : index
        %get3A_130 = tpu.vector_load %arg12[%get3A_128, %get3A_129] {strides = array<i32>} : memref<80x128xf32, #tpu.memory_space<vmem>>, vector<16xf32>,
        %add3A_131 = arith.addf %get3A_127, %get3A_130 : vector<16xf32>
        %get3A_132 = arith.index_cast %scan3A_56 : i32 to index
        %get3A_133 = arith.constant 80 : index
        %get3A_134 = tpu.vector_load %arg13[%get3A_132, %get3A_133] {strides = array<i32>} : memref<80x128xf32, #tpu.memory_space<vmem>>, vector<16xf32>,
        %add3A_135 = arith.addf %add3A_131, %get3A_134 : vector<16xf32>
        %swap3A_136 = arith.index_cast %scan3A_56 : i32 to index
        %swap3A_137 = arith.constant 80 : index
        %swap3A_138 = tpu.vector_load %arg14[%swap3A_136, %swap3A_137] {strides = array<i32>} : memref<80x128xf32, #tpu.memory_space<vmem>>, vector<16xf32>,
        tpu.vector_store %arg14[%swap3A_136, %swap3A_137], %add3A_135 {strides = array<i32>} : memref<80x128xf32, #tpu.memory_space<vmem>>, vector<16xf32>,
        %get3A_139 = arith.index_cast %scan3A_56 : i32 to index
        %get3A_140 = arith.constant 96 : index
        %get3A_141 = tpu.vector_load %arg11[%get3A_139, %get3A_140] {strides = array<i32>} : memref<80x128xf32, #tpu.memory_space<vmem>>, vector<16xf32>,
        %get3A_142 = arith.index_cast %scan3A_56 : i32 to index
        %get3A_143 = arith.constant 96 : index
        %get3A_144 = tpu.vector_load %arg12[%get3A_142, %get3A_143] {strides = array<i32>} : memref<80x128xf32, #tpu.memory_space<vmem>>, vector<16xf32>,
        %add3A_145 = arith.addf %get3A_141, %get3A_144 : vector<16xf32>
        %get3A_146 = arith.index_cast %scan3A_56 : i32 to index
        %get3A_147 = arith.constant 96 : index
        %get3A_148 = tpu.vector_load %arg13[%get3A_146, %get3A_147] {strides = array<i32>} : memref<80x128xf32, #tpu.memory_space<vmem>>, vector<16xf32>,
        %add3A_149 = arith.addf %add3A_145, %get3A_148 : vector<16xf32>
        %swap3A_150 = arith.index_cast %scan3A_56 : i32 to index
        %swap3A_151 = arith.constant 96 : index
        %swap3A_152 = tpu.vector_load %arg14[%swap3A_150, %swap3A_151] {strides = array<i32>} : memref<80x128xf32, #tpu.memory_space<vmem>>, vector<16xf32>,
        tpu.vector_store %arg14[%swap3A_150, %swap3A_151], %add3A_149 {strides = array<i32>} : memref<80x128xf32, #tpu.memory_space<vmem>>, vector<16xf32>,
        %get3A_153 = arith.index_cast %scan3A_56 : i32 to index
        %get3A_154 = arith.constant 112 : index
        %get3A_155 = tpu.vector_load %arg11[%get3A_153, %get3A_154] {strides = array<i32>} : memref<80x128xf32, #tpu.memory_space<vmem>>, vector<16xf32>,
        %get3A_156 = arith.index_cast %scan3A_56 : i32 to index
        %get3A_157 = arith.constant 112 : index
        %get3A_158 = tpu.vector_load %arg12[%get3A_156, %get3A_157] {strides = array<i32>} : memref<80x128xf32, #tpu.memory_space<vmem>>, vector<16xf32>,
        %add3A_159 = arith.addf %get3A_155, %get3A_158 : vector<16xf32>
        %get3A_160 = arith.index_cast %scan3A_56 : i32 to index
        %get3A_161 = arith.constant 112 : index
        %get3A_162 = tpu.vector_load %arg13[%get3A_160, %get3A_161] {strides = array<i32>} : memref<80x128xf32, #tpu.memory_space<vmem>>, vector<16xf32>,
        %add3A_163 = arith.addf %add3A_159, %get3A_162 : vector<16xf32>
        %swap3A_164 = arith.index_cast %scan3A_56 : i32 to index
        %swap3A_165 = arith.constant 112 : index
        %swap3A_166 = tpu.vector_load %arg14[%swap3A_164, %swap3A_165] {strides = array<i32>} : memref<80x128xf32, #tpu.memory_space<vmem>>, vector<16xf32>,
        tpu.vector_store %arg14[%swap3A_164, %swap3A_165], %add3A_163 {strides = array<i32>} : memref<80x128xf32, #tpu.memory_space<vmem>>, vector<16xf32>,
      }
      %scan3A_55 = arith.constant 80 : i32
      "tpu.region"() ({
        %run_scoped3A = tpu.sem_alloc : memref<!tpu.dma_semaphore, #tpu.memory_space<semaphore_mem>>
        %dma_start3A_56 = arith.constant 0 : i32
        %dma_start3A_57 = tpu.memref_slice %arg7[%multiple_of3A, %dma_start3A_56] : memref<10000x128xf32, #tpu.memory_space<hbm>> -> memref<80x128xf32, #tpu.memory_space<hbm>>
        %dma_start3A_58 = arith.constant 0 : i32
        %dma_start3A_59 = tpu.memref_slice %arg7[%multiple_of3A, %dma_start3A_58] : memref<10000x128xf32, #tpu.memory_space<hbm>> -> memref<80x128xf32, #tpu.memory_space<hbm>>
        tpu.enqueue_dma source(%arg14 : memref<80x128xf32, #tpu.memory_space<vmem>>) target(%dma_start3A_59 : memref<80x128xf32, #tpu.memory_space<hbm>>) target_semaphore(%run_scoped3A : memref<!tpu.dma_semaphore, #tpu.memory_space<semaphore_mem>>)
        %dma_wait3A_60 = arith.constant 0 : i32
        %dma_wait3A_61 = tpu.memref_slice %arg7[%multiple_of3A, %dma_wait3A_60] : memref<10000x128xf32, #tpu.memory_space<hbm>> -> memref<80x128xf32, #tpu.memory_space<hbm>>
        %dma_wait3A_62 = arith.constant 0 : i32
        %dma_wait3A_63 = tpu.memref_slice %arg7[%multiple_of3A, %dma_wait3A_62] : memref<10000x128xf32, #tpu.memory_space<hbm>> -> memref<80x128xf32, #tpu.memory_space<hbm>>
        tpu.wait_dma2 semaphore(%run_scoped3A : memref<!tpu.dma_semaphore, #tpu.memory_space<semaphore_mem>>) src(%arg14 : memref<80x128xf32, #tpu.memory_space<vmem>>) dst(%dma_wait3A_63 : memref<80x128xf32, #tpu.memory_space<hbm>>)
        tpu.yield
      }) : () -> ()
    } else {
    }
    %add3A_20 = arith.constant 96 : i32
    %add3A_21 = arith.addi %add3A, %add3A_20 : i32
    %lt3A_22 = arith.constant 125 : i32
    %lt3A_23 = arith.cmpi slt, %add3A_21, %lt3A_22 : i32
    %convert_element_type3A_24 = arith.extui %lt3A_23 : i1 to i32
    %cond3A_25 = arith.constant 0 : i32
    %cond3A_26 = arith.cmpi ne, %convert_element_type3A_24, %cond3A_25 : i32
    scf.if %cond3A_26 {
      %mul3A_27 = arith.constant 80 : i32
      %mul3A_28 = arith.muli %add3A_21, %mul3A_27 : i32
      %multiple_of3A = tpu.assume_multiple %mul3A_28, 8 : i32
      "tpu.region"() ({
        %run_scoped3A = tpu.sem_alloc : memref<!tpu.dma_semaphore, #tpu.memory_space<semaphore_mem>>
        %dma_start3A_56 = tpu.memref_slice %arg2[%multiple_of3A] : memref<10000xi32, #tpu.memory_space<hbm>> -> memref<80xi32, #tpu.memory_space<hbm>>
        %dma_start3A_57 = tpu.memref_slice %arg2[%multiple_of3A] : memref<10000xi32, #tpu.memory_space<hbm>> -> memref<80xi32, #tpu.memory_space<hbm>>
        tpu.enqueue_dma source(%dma_start3A_57 : memref<80xi32, #tpu.memory_space<hbm>>) target(%arg8 : memref<80xi32, #tpu.memory_space<vmem>>) target_semaphore(%run_scoped3A : memref<!tpu.dma_semaphore, #tpu.memory_space<semaphore_mem>>)
        %dma_wait3A_58 = tpu.memref_slice %arg2[%multiple_of3A] : memref<10000xi32, #tpu.memory_space<hbm>> -> memref<80xi32, #tpu.memory_space<hbm>>
        %dma_wait3A_59 = tpu.memref_slice %arg2[%multiple_of3A] : memref<10000xi32, #tpu.memory_space<hbm>> -> memref<80xi32, #tpu.memory_space<hbm>>
        tpu.wait_dma2 semaphore(%run_scoped3A : memref<!tpu.dma_semaphore, #tpu.memory_space<semaphore_mem>>) src(%dma_wait3A_59 : memref<80xi32, #tpu.memory_space<hbm>>) dst(%arg8 : memref<80xi32, #tpu.memory_space<vmem>>)
        tpu.yield
      }) : () -> ()
      "tpu.region"() ({
        %run_scoped3A = tpu.sem_alloc : memref<!tpu.dma_semaphore, #tpu.memory_space<semaphore_mem>>
        %dma_start3A_56 = tpu.memref_slice %arg3[%multiple_of3A] : memref<10000xi32, #tpu.memory_space<hbm>> -> memref<80xi32, #tpu.memory_space<hbm>>
        %dma_start3A_57 = tpu.memref_slice %arg3[%multiple_of3A] : memref<10000xi32, #tpu.memory_space<hbm>> -> memref<80xi32, #tpu.memory_space<hbm>>
        tpu.enqueue_dma source(%dma_start3A_57 : memref<80xi32, #tpu.memory_space<hbm>>) target(%arg9 : memref<80xi32, #tpu.memory_space<vmem>>) target_semaphore(%run_scoped3A : memref<!tpu.dma_semaphore, #tpu.memory_space<semaphore_mem>>)
        %dma_wait3A_58 = tpu.memref_slice %arg3[%multiple_of3A] : memref<10000xi32, #tpu.memory_space<hbm>> -> memref<80xi32, #tpu.memory_space<hbm>>
        %dma_wait3A_59 = tpu.memref_slice %arg3[%multiple_of3A] : memref<10000xi32, #tpu.memory_space<hbm>> -> memref<80xi32, #tpu.memory_space<hbm>>
        tpu.wait_dma2 semaphore(%run_scoped3A : memref<!tpu.dma_semaphore, #tpu.memory_space<semaphore_mem>>) src(%dma_wait3A_59 : memref<80xi32, #tpu.memory_space<hbm>>) dst(%arg9 : memref<80xi32, #tpu.memory_space<vmem>>)
        tpu.yield
      }) : () -> ()
      %scan3A = arith.constant 0 : i32
      %scan3A_29 = arith.constant 0 : i32
      %scan3A_30 = arith.constant 5 : i32
      %scan3A_31 = arith.addi %scan3A_29, %scan3A_30 : i32
      %scan3A_32 = arith.constant 1 : i32
      scf.for %scan3A_56 = %scan3A_29 to %scan3A_31 step %scan3A_32  : i32 {
        %mul3A_57 = arith.constant 16 : i32
        %mul3A_58 = arith.muli %scan3A_56, %mul3A_57 : i32
        %get3A = arith.index_cast %mul3A_58 : i32 to index
        %get3A_59 = tpu.vector_load %arg9[%get3A] {strides = array<i32>} : memref<80xi32, #tpu.memory_space<vmem>>, vector<16xi32>,
        %rem3A = arith.remsi %get3A_59, %broadcast_in_dim3A_1 : vector<16xi32>
        %swap3A = arith.index_cast %mul3A_58 : i32 to index
        %swap3A_60 = tpu.vector_load %arg10[%swap3A] {strides = array<i32>} : memref<80xi32, #tpu.memory_space<vmem>>, vector<16xi32>,
        tpu.vector_store %arg10[%swap3A], %rem3A {strides = array<i32>} : memref<80xi32, #tpu.memory_space<vmem>>, vector<16xi32>,
        %div3A = arith.divsi %get3A_59, %broadcast_in_dim3A_1 : vector<16xi32>
        %swap3A_61 = arith.index_cast %mul3A_58 : i32 to index
        %swap3A_62 = tpu.vector_load %arg9[%swap3A_61] {strides = array<i32>} : memref<80xi32, #tpu.memory_space<vmem>>, vector<16xi32>,
        tpu.vector_store %arg9[%swap3A_61], %div3A {strides = array<i32>} : memref<80xi32, #tpu.memory_space<vmem>>, vector<16xi32>,
      }
      %scan3A_33 = arith.constant 5 : i32
      %dma_start3A = arith.constant 0 : i32
      %dma_start3A_34 = arith.constant 0 : i32
      %dma_start3A_35 = tpu.memref_slice %arg4[%dma_start3A, %dma_start3A_34] : memref<1000x128xf32, #tpu.memory_space<hbm>> -> memref<1000x128xf32, #tpu.memory_space<hbm>>
      tpu.enqueue_indirect_dma source(%dma_start3A_35 : memref<1000x128xf32, #tpu.memory_space<hbm>>) target(%arg11 : memref<80x128xf32, #tpu.memory_space<vmem>>) offsets(%arg8 : memref<80xi32, #tpu.memory_space<vmem>>) semaphore(%arg15 : memref<!tpu.dma_semaphore, #tpu.memory_space<semaphore_mem>>)
      %dma_start3A_36 = arith.constant 0 : i32
      %dma_start3A_37 = arith.constant 0 : i32
      %dma_start3A_38 = tpu.memref_slice %arg6[%dma_start3A_36, %dma_start3A_37] : memref<4096x128xf32, #tpu.memory_space<hbm>> -> memref<4096x128xf32, #tpu.memory_space<hbm>>
      tpu.enqueue_indirect_dma source(%dma_start3A_38 : memref<4096x128xf32, #tpu.memory_space<hbm>>) target(%arg12 : memref<80x128xf32, #tpu.memory_space<vmem>>) offsets(%arg9 : memref<80xi32, #tpu.memory_space<vmem>>) semaphore(%arg15 : memref<!tpu.dma_semaphore, #tpu.memory_space<semaphore_mem>>)
      %dma_start3A_39 = arith.constant 0 : i32
      %dma_start3A_40 = arith.constant 0 : i32
      %dma_start3A_41 = tpu.memref_slice %arg5[%dma_start3A_39, %dma_start3A_40] : memref<3x128xf32, #tpu.memory_space<hbm>> -> memref<3x128xf32, #tpu.memory_space<hbm>>
      tpu.enqueue_indirect_dma source(%dma_start3A_41 : memref<3x128xf32, #tpu.memory_space<hbm>>) target(%arg13 : memref<80x128xf32, #tpu.memory_space<vmem>>) offsets(%arg10 : memref<80xi32, #tpu.memory_space<vmem>>) semaphore(%arg15 : memref<!tpu.dma_semaphore, #tpu.memory_space<semaphore_mem>>)
      %dma_wait3A = arith.constant 0 : i32
      %dma_wait3A_42 = arith.constant 0 : i32
      %dma_wait3A_43 = tpu.memref_slice %arg4[%dma_wait3A, %dma_wait3A_42] : memref<1000x128xf32, #tpu.memory_space<hbm>> -> memref<1000x128xf32, #tpu.memory_space<hbm>>
      tpu.wait_indirect_dma semaphore(%arg15 : memref<!tpu.dma_semaphore, #tpu.memory_space<semaphore_mem>>) src(%dma_wait3A_43 : memref<1000x128xf32, #tpu.memory_space<hbm>>) dst(%arg11 : memref<80x128xf32, #tpu.memory_space<vmem>>)
      %dma_wait3A_44 = arith.constant 0 : i32
      %dma_wait3A_45 = arith.constant 0 : i32
      %dma_wait3A_46 = tpu.memref_slice %arg6[%dma_wait3A_44, %dma_wait3A_45] : memref<4096x128xf32, #tpu.memory_space<hbm>> -> memref<4096x128xf32, #tpu.memory_space<hbm>>
      tpu.wait_indirect_dma semaphore(%arg15 : memref<!tpu.dma_semaphore, #tpu.memory_space<semaphore_mem>>) src(%dma_wait3A_46 : memref<4096x128xf32, #tpu.memory_space<hbm>>) dst(%arg12 : memref<80x128xf32, #tpu.memory_space<vmem>>)
      %dma_wait3A_47 = arith.constant 0 : i32
      %dma_wait3A_48 = arith.constant 0 : i32
      %dma_wait3A_49 = tpu.memref_slice %arg5[%dma_wait3A_47, %dma_wait3A_48] : memref<3x128xf32, #tpu.memory_space<hbm>> -> memref<3x128xf32, #tpu.memory_space<hbm>>
      tpu.wait_indirect_dma semaphore(%arg15 : memref<!tpu.dma_semaphore, #tpu.memory_space<semaphore_mem>>) src(%dma_wait3A_49 : memref<3x128xf32, #tpu.memory_space<hbm>>) dst(%arg13 : memref<80x128xf32, #tpu.memory_space<vmem>>)
      %scan3A_50 = arith.constant 0 : i32
      %scan3A_51 = arith.constant 0 : i32
      %scan3A_52 = arith.constant 80 : i32
      %scan3A_53 = arith.addi %scan3A_51, %scan3A_52 : i32
      %scan3A_54 = arith.constant 1 : i32
      scf.for %scan3A_56 = %scan3A_51 to %scan3A_53 step %scan3A_54  : i32 {
        %get3A = arith.index_cast %scan3A_56 : i32 to index
        %get3A_57 = arith.constant 0 : index
        %get3A_58 = tpu.vector_load %arg11[%get3A, %get3A_57] {strides = array<i32>} : memref<80x128xf32, #tpu.memory_space<vmem>>, vector<16xf32>,
        %get3A_59 = arith.index_cast %scan3A_56 : i32 to index
        %get3A_60 = arith.constant 0 : index
        %get3A_61 = tpu.vector_load %arg12[%get3A_59, %get3A_60] {strides = array<i32>} : memref<80x128xf32, #tpu.memory_space<vmem>>, vector<16xf32>,
        %add3A_62 = arith.addf %get3A_58, %get3A_61 : vector<16xf32>
        %get3A_63 = arith.index_cast %scan3A_56 : i32 to index
        %get3A_64 = arith.constant 0 : index
        %get3A_65 = tpu.vector_load %arg13[%get3A_63, %get3A_64] {strides = array<i32>} : memref<80x128xf32, #tpu.memory_space<vmem>>, vector<16xf32>,
        %add3A_66 = arith.addf %add3A_62, %get3A_65 : vector<16xf32>
        %swap3A = arith.index_cast %scan3A_56 : i32 to index
        %swap3A_67 = arith.constant 0 : index
        %swap3A_68 = tpu.vector_load %arg14[%swap3A, %swap3A_67] {strides = array<i32>} : memref<80x128xf32, #tpu.memory_space<vmem>>, vector<16xf32>,
        tpu.vector_store %arg14[%swap3A, %swap3A_67], %add3A_66 {strides = array<i32>} : memref<80x128xf32, #tpu.memory_space<vmem>>, vector<16xf32>,
        %get3A_69 = arith.index_cast %scan3A_56 : i32 to index
        %get3A_70 = arith.constant 16 : index
        %get3A_71 = tpu.vector_load %arg11[%get3A_69, %get3A_70] {strides = array<i32>} : memref<80x128xf32, #tpu.memory_space<vmem>>, vector<16xf32>,
        %get3A_72 = arith.index_cast %scan3A_56 : i32 to index
        %get3A_73 = arith.constant 16 : index
        %get3A_74 = tpu.vector_load %arg12[%get3A_72, %get3A_73] {strides = array<i32>} : memref<80x128xf32, #tpu.memory_space<vmem>>, vector<16xf32>,
        %add3A_75 = arith.addf %get3A_71, %get3A_74 : vector<16xf32>
        %get3A_76 = arith.index_cast %scan3A_56 : i32 to index
        %get3A_77 = arith.constant 16 : index
        %get3A_78 = tpu.vector_load %arg13[%get3A_76, %get3A_77] {strides = array<i32>} : memref<80x128xf32, #tpu.memory_space<vmem>>, vector<16xf32>,
        %add3A_79 = arith.addf %add3A_75, %get3A_78 : vector<16xf32>
        %swap3A_80 = arith.index_cast %scan3A_56 : i32 to index
        %swap3A_81 = arith.constant 16 : index
        %swap3A_82 = tpu.vector_load %arg14[%swap3A_80, %swap3A_81] {strides = array<i32>} : memref<80x128xf32, #tpu.memory_space<vmem>>, vector<16xf32>,
        tpu.vector_store %arg14[%swap3A_80, %swap3A_81], %add3A_79 {strides = array<i32>} : memref<80x128xf32, #tpu.memory_space<vmem>>, vector<16xf32>,
        %get3A_83 = arith.index_cast %scan3A_56 : i32 to index
        %get3A_84 = arith.constant 32 : index
        %get3A_85 = tpu.vector_load %arg11[%get3A_83, %get3A_84] {strides = array<i32>} : memref<80x128xf32, #tpu.memory_space<vmem>>, vector<16xf32>,
        %get3A_86 = arith.index_cast %scan3A_56 : i32 to index
        %get3A_87 = arith.constant 32 : index
        %get3A_88 = tpu.vector_load %arg12[%get3A_86, %get3A_87] {strides = array<i32>} : memref<80x128xf32, #tpu.memory_space<vmem>>, vector<16xf32>,
        %add3A_89 = arith.addf %get3A_85, %get3A_88 : vector<16xf32>
        %get3A_90 = arith.index_cast %scan3A_56 : i32 to index
        %get3A_91 = arith.constant 32 : index
        %get3A_92 = tpu.vector_load %arg13[%get3A_90, %get3A_91] {strides = array<i32>} : memref<80x128xf32, #tpu.memory_space<vmem>>, vector<16xf32>,
        %add3A_93 = arith.addf %add3A_89, %get3A_92 : vector<16xf32>
        %swap3A_94 = arith.index_cast %scan3A_56 : i32 to index
        %swap3A_95 = arith.constant 32 : index
        %swap3A_96 = tpu.vector_load %arg14[%swap3A_94, %swap3A_95] {strides = array<i32>} : memref<80x128xf32, #tpu.memory_space<vmem>>, vector<16xf32>,
        tpu.vector_store %arg14[%swap3A_94, %swap3A_95], %add3A_93 {strides = array<i32>} : memref<80x128xf32, #tpu.memory_space<vmem>>, vector<16xf32>,
        %get3A_97 = arith.index_cast %scan3A_56 : i32 to index
        %get3A_98 = arith.constant 48 : index
        %get3A_99 = tpu.vector_load %arg11[%get3A_97, %get3A_98] {strides = array<i32>} : memref<80x128xf32, #tpu.memory_space<vmem>>, vector<16xf32>,
        %get3A_100 = arith.index_cast %scan3A_56 : i32 to index
        %get3A_101 = arith.constant 48 : index
        %get3A_102 = tpu.vector_load %arg12[%get3A_100, %get3A_101] {strides = array<i32>} : memref<80x128xf32, #tpu.memory_space<vmem>>, vector<16xf32>,
        %add3A_103 = arith.addf %get3A_99, %get3A_102 : vector<16xf32>
        %get3A_104 = arith.index_cast %scan3A_56 : i32 to index
        %get3A_105 = arith.constant 48 : index
        %get3A_106 = tpu.vector_load %arg13[%get3A_104, %get3A_105] {strides = array<i32>} : memref<80x128xf32, #tpu.memory_space<vmem>>, vector<16xf32>,
        %add3A_107 = arith.addf %add3A_103, %get3A_106 : vector<16xf32>
        %swap3A_108 = arith.index_cast %scan3A_56 : i32 to index
        %swap3A_109 = arith.constant 48 : index
        %swap3A_110 = tpu.vector_load %arg14[%swap3A_108, %swap3A_109] {strides = array<i32>} : memref<80x128xf32, #tpu.memory_space<vmem>>, vector<16xf32>,
        tpu.vector_store %arg14[%swap3A_108, %swap3A_109], %add3A_107 {strides = array<i32>} : memref<80x128xf32, #tpu.memory_space<vmem>>, vector<16xf32>,
        %get3A_111 = arith.index_cast %scan3A_56 : i32 to index
        %get3A_112 = arith.constant 64 : index
        %get3A_113 = tpu.vector_load %arg11[%get3A_111, %get3A_112] {strides = array<i32>} : memref<80x128xf32, #tpu.memory_space<vmem>>, vector<16xf32>,
        %get3A_114 = arith.index_cast %scan3A_56 : i32 to index
        %get3A_115 = arith.constant 64 : index
        %get3A_116 = tpu.vector_load %arg12[%get3A_114, %get3A_115] {strides = array<i32>} : memref<80x128xf32, #tpu.memory_space<vmem>>, vector<16xf32>,
        %add3A_117 = arith.addf %get3A_113, %get3A_116 : vector<16xf32>
        %get3A_118 = arith.index_cast %scan3A_56 : i32 to index
        %get3A_119 = arith.constant 64 : index
        %get3A_120 = tpu.vector_load %arg13[%get3A_118, %get3A_119] {strides = array<i32>} : memref<80x128xf32, #tpu.memory_space<vmem>>, vector<16xf32>,
        %add3A_121 = arith.addf %add3A_117, %get3A_120 : vector<16xf32>
        %swap3A_122 = arith.index_cast %scan3A_56 : i32 to index
        %swap3A_123 = arith.constant 64 : index
        %swap3A_124 = tpu.vector_load %arg14[%swap3A_122, %swap3A_123] {strides = array<i32>} : memref<80x128xf32, #tpu.memory_space<vmem>>, vector<16xf32>,
        tpu.vector_store %arg14[%swap3A_122, %swap3A_123], %add3A_121 {strides = array<i32>} : memref<80x128xf32, #tpu.memory_space<vmem>>, vector<16xf32>,
        %get3A_125 = arith.index_cast %scan3A_56 : i32 to index
        %get3A_126 = arith.constant 80 : index
        %get3A_127 = tpu.vector_load %arg11[%get3A_125, %get3A_126] {strides = array<i32>} : memref<80x128xf32, #tpu.memory_space<vmem>>, vector<16xf32>,
        %get3A_128 = arith.index_cast %scan3A_56 : i32 to index
        %get3A_129 = arith.constant 80 : index
        %get3A_130 = tpu.vector_load %arg12[%get3A_128, %get3A_129] {strides = array<i32>} : memref<80x128xf32, #tpu.memory_space<vmem>>, vector<16xf32>,
        %add3A_131 = arith.addf %get3A_127, %get3A_130 : vector<16xf32>
        %get3A_132 = arith.index_cast %scan3A_56 : i32 to index
        %get3A_133 = arith.constant 80 : index
        %get3A_134 = tpu.vector_load %arg13[%get3A_132, %get3A_133] {strides = array<i32>} : memref<80x128xf32, #tpu.memory_space<vmem>>, vector<16xf32>,
        %add3A_135 = arith.addf %add3A_131, %get3A_134 : vector<16xf32>
        %swap3A_136 = arith.index_cast %scan3A_56 : i32 to index
        %swap3A_137 = arith.constant 80 : index
        %swap3A_138 = tpu.vector_load %arg14[%swap3A_136, %swap3A_137] {strides = array<i32>} : memref<80x128xf32, #tpu.memory_space<vmem>>, vector<16xf32>,
        tpu.vector_store %arg14[%swap3A_136, %swap3A_137], %add3A_135 {strides = array<i32>} : memref<80x128xf32, #tpu.memory_space<vmem>>, vector<16xf32>,
        %get3A_139 = arith.index_cast %scan3A_56 : i32 to index
        %get3A_140 = arith.constant 96 : index
        %get3A_141 = tpu.vector_load %arg11[%get3A_139, %get3A_140] {strides = array<i32>} : memref<80x128xf32, #tpu.memory_space<vmem>>, vector<16xf32>,
        %get3A_142 = arith.index_cast %scan3A_56 : i32 to index
        %get3A_143 = arith.constant 96 : index
        %get3A_144 = tpu.vector_load %arg12[%get3A_142, %get3A_143] {strides = array<i32>} : memref<80x128xf32, #tpu.memory_space<vmem>>, vector<16xf32>,
        %add3A_145 = arith.addf %get3A_141, %get3A_144 : vector<16xf32>
        %get3A_146 = arith.index_cast %scan3A_56 : i32 to index
        %get3A_147 = arith.constant 96 : index
        %get3A_148 = tpu.vector_load %arg13[%get3A_146, %get3A_147] {strides = array<i32>} : memref<80x128xf32, #tpu.memory_space<vmem>>, vector<16xf32>,
        %add3A_149 = arith.addf %add3A_145, %get3A_148 : vector<16xf32>
        %swap3A_150 = arith.index_cast %scan3A_56 : i32 to index
        %swap3A_151 = arith.constant 96 : index
        %swap3A_152 = tpu.vector_load %arg14[%swap3A_150, %swap3A_151] {strides = array<i32>} : memref<80x128xf32, #tpu.memory_space<vmem>>, vector<16xf32>,
        tpu.vector_store %arg14[%swap3A_150, %swap3A_151], %add3A_149 {strides = array<i32>} : memref<80x128xf32, #tpu.memory_space<vmem>>, vector<16xf32>,
        %get3A_153 = arith.index_cast %scan3A_56 : i32 to index
        %get3A_154 = arith.constant 112 : index
        %get3A_155 = tpu.vector_load %arg11[%get3A_153, %get3A_154] {strides = array<i32>} : memref<80x128xf32, #tpu.memory_space<vmem>>, vector<16xf32>,
        %get3A_156 = arith.index_cast %scan3A_56 : i32 to index
        %get3A_157 = arith.constant 112 : index
        %get3A_158 = tpu.vector_load %arg12[%get3A_156, %get3A_157] {strides = array<i32>} : memref<80x128xf32, #tpu.memory_space<vmem>>, vector<16xf32>,
        %add3A_159 = arith.addf %get3A_155, %get3A_158 : vector<16xf32>
        %get3A_160 = arith.index_cast %scan3A_56 : i32 to index
        %get3A_161 = arith.constant 112 : index
        %get3A_162 = tpu.vector_load %arg13[%get3A_160, %get3A_161] {strides = array<i32>} : memref<80x128xf32, #tpu.memory_space<vmem>>, vector<16xf32>,
        %add3A_163 = arith.addf %add3A_159, %get3A_162 : vector<16xf32>
        %swap3A_164 = arith.index_cast %scan3A_56 : i32 to index
        %swap3A_165 = arith.constant 112 : index
        %swap3A_166 = tpu.vector_load %arg14[%swap3A_164, %swap3A_165] {strides = array<i32>} : memref<80x128xf32, #tpu.memory_space<vmem>>, vector<16xf32>,
        tpu.vector_store %arg14[%swap3A_164, %swap3A_165], %add3A_163 {strides = array<i32>} : memref<80x128xf32, #tpu.memory_space<vmem>>, vector<16xf32>,
      }
      %scan3A_55 = arith.constant 80 : i32
      "tpu.region"() ({
        %run_scoped3A = tpu.sem_alloc : memref<!tpu.dma_semaphore, #tpu.memory_space<semaphore_mem>>
        %dma_start3A_56 = arith.constant 0 : i32
        %dma_start3A_57 = tpu.memref_slice %arg7[%multiple_of3A, %dma_start3A_56] : memref<10000x128xf32, #tpu.memory_space<hbm>> -> memref<80x128xf32, #tpu.memory_space<hbm>>
        %dma_start3A_58 = arith.constant 0 : i32
        %dma_start3A_59 = tpu.memref_slice %arg7[%multiple_of3A, %dma_start3A_58] : memref<10000x128xf32, #tpu.memory_space<hbm>> -> memref<80x128xf32, #tpu.memory_space<hbm>>
        tpu.enqueue_dma source(%arg14 : memref<80x128xf32, #tpu.memory_space<vmem>>) target(%dma_start3A_59 : memref<80x128xf32, #tpu.memory_space<hbm>>) target_semaphore(%run_scoped3A : memref<!tpu.dma_semaphore, #tpu.memory_space<semaphore_mem>>)
        %dma_wait3A_60 = arith.constant 0 : i32
        %dma_wait3A_61 = tpu.memref_slice %arg7[%multiple_of3A, %dma_wait3A_60] : memref<10000x128xf32, #tpu.memory_space<hbm>> -> memref<80x128xf32, #tpu.memory_space<hbm>>
        %dma_wait3A_62 = arith.constant 0 : i32
        %dma_wait3A_63 = tpu.memref_slice %arg7[%multiple_of3A, %dma_wait3A_62] : memref<10000x128xf32, #tpu.memory_space<hbm>> -> memref<80x128xf32, #tpu.memory_space<hbm>>
        tpu.wait_dma2 semaphore(%run_scoped3A : memref<!tpu.dma_semaphore, #tpu.memory_space<semaphore_mem>>) src(%arg14 : memref<80x128xf32, #tpu.memory_space<vmem>>) dst(%dma_wait3A_63 : memref<80x128xf32, #tpu.memory_space<hbm>>)
        tpu.yield
      }) : () -> ()
    } else {
    }
    return
  }
}

#map = affine_map<(d0, d1) -> (0, 0)>
#map1 = affine_map<(d0, d1) -> (0)>
module attributes {stable_mosaic.version = 14 : i64} {
  func.func @_edge_body(%arg0: i32, %arg1: i32, %arg2: memref<10000x128xf32, #tpu.memory_space<hbm>>, %arg3: memref<10000x128xf32, #tpu.memory_space<hbm>>, %arg4: memref<10000x128xf32, #tpu.memory_space<hbm>>, %arg5: memref<320000xi32, #tpu.memory_space<hbm>>, %arg6: memref<320000xi32, #tpu.memory_space<hbm>>, %arg7: memref<10080x128xf32, #tpu.memory_space<hbm>>, %arg8: memref<10080x128xf32, #tpu.memory_space<hbm>>, %arg9: memref<80xi32, #tpu.memory_space<vmem>>, %arg10: memref<80xi32, #tpu.memory_space<vmem>>, %arg11: memref<80xi32, #tpu.memory_space<vmem>>, %arg12: memref<80x128xf32, #tpu.memory_space<vmem>>, %arg13: memref<80x128xf32, #tpu.memory_space<vmem>>, %arg14: memref<5040x128xf32, #tpu.memory_space<vmem_shared>>, %arg15: memref<5040x128xf32, #tpu.memory_space<vmem_shared>>, %arg16: memref<!tpu.dma_semaphore, #tpu.memory_space<semaphore_mem>>) attributes {dimension_semantics = [#tpu.dimension_semantics<core_parallel>, #tpu.dimension_semantics<subcore_parallel>], iteration_bounds = array<i64: 2, 16>, scalar_prefetch = 0 : i64, scratch_operands = 8 : i64, tpu.core_type = #tpu.core_type<sc_vector_subcore>, window_params = [{transform_indices = #map}, {transform_indices = #map}, {transform_indices = #map}, {transform_indices = #map1}, {transform_indices = #map1}, {transform_indices = #map}, {transform_indices = #map}]} {
    %scan3A = arith.constant 0 : i32
    %scan3A_0 = arith.constant 0 : i32
    %scan3A_1 = arith.constant 80 : i32
    %scan3A_2 = arith.addi %scan3A_0, %scan3A_1 : i32
    %scan3A_3 = arith.constant 1 : i32
    scf.for %scan3A_218 = %scan3A_0 to %scan3A_2 step %scan3A_3  : i32 {
      %broadcast_in_dim3A = arith.constant 0.000000e+00 : f32
      %broadcast_in_dim3A_219 = vector.broadcast %broadcast_in_dim3A : f32 to vector<16xf32>
      %swap3A = arith.index_cast %scan3A_218 : i32 to index
      %swap3A_220 = arith.constant 0 : index
      %swap3A_221 = tpu.vector_load %arg13[%swap3A, %swap3A_220] {strides = array<i32>} : memref<80x128xf32, #tpu.memory_space<vmem>>, vector<16xf32>,
      tpu.vector_store %arg13[%swap3A, %swap3A_220], %broadcast_in_dim3A_219 {strides = array<i32>} : memref<80x128xf32, #tpu.memory_space<vmem>>, vector<16xf32>,
      %broadcast_in_dim3A_222 = arith.constant 0.000000e+00 : f32
      %broadcast_in_dim3A_223 = vector.broadcast %broadcast_in_dim3A_222 : f32 to vector<16xf32>
      %swap3A_224 = arith.index_cast %scan3A_218 : i32 to index
      %swap3A_225 = arith.constant 16 : index
      %swap3A_226 = tpu.vector_load %arg13[%swap3A_224, %swap3A_225] {strides = array<i32>} : memref<80x128xf32, #tpu.memory_space<vmem>>, vector<16xf32>,
      tpu.vector_store %arg13[%swap3A_224, %swap3A_225], %broadcast_in_dim3A_223 {strides = array<i32>} : memref<80x128xf32, #tpu.memory_space<vmem>>, vector<16xf32>,
      %broadcast_in_dim3A_227 = arith.constant 0.000000e+00 : f32
      %broadcast_in_dim3A_228 = vector.broadcast %broadcast_in_dim3A_227 : f32 to vector<16xf32>
      %swap3A_229 = arith.index_cast %scan3A_218 : i32 to index
      %swap3A_230 = arith.constant 32 : index
      %swap3A_231 = tpu.vector_load %arg13[%swap3A_229, %swap3A_230] {strides = array<i32>} : memref<80x128xf32, #tpu.memory_space<vmem>>, vector<16xf32>,
      tpu.vector_store %arg13[%swap3A_229, %swap3A_230], %broadcast_in_dim3A_228 {strides = array<i32>} : memref<80x128xf32, #tpu.memory_space<vmem>>, vector<16xf32>,
      %broadcast_in_dim3A_232 = arith.constant 0.000000e+00 : f32
      %broadcast_in_dim3A_233 = vector.broadcast %broadcast_in_dim3A_232 : f32 to vector<16xf32>
      %swap3A_234 = arith.index_cast %scan3A_218 : i32 to index
      %swap3A_235 = arith.constant 48 : index
      %swap3A_236 = tpu.vector_load %arg13[%swap3A_234, %swap3A_235] {strides = array<i32>} : memref<80x128xf32, #tpu.memory_space<vmem>>, vector<16xf32>,
      tpu.vector_store %arg13[%swap3A_234, %swap3A_235], %broadcast_in_dim3A_233 {strides = array<i32>} : memref<80x128xf32, #tpu.memory_space<vmem>>, vector<16xf32>,
      %broadcast_in_dim3A_237 = arith.constant 0.000000e+00 : f32
      %broadcast_in_dim3A_238 = vector.broadcast %broadcast_in_dim3A_237 : f32 to vector<16xf32>
      %swap3A_239 = arith.index_cast %scan3A_218 : i32 to index
      %swap3A_240 = arith.constant 64 : index
      %swap3A_241 = tpu.vector_load %arg13[%swap3A_239, %swap3A_240] {strides = array<i32>} : memref<80x128xf32, #tpu.memory_space<vmem>>, vector<16xf32>,
      tpu.vector_store %arg13[%swap3A_239, %swap3A_240], %broadcast_in_dim3A_238 {strides = array<i32>} : memref<80x128xf32, #tpu.memory_space<vmem>>, vector<16xf32>,
      %broadcast_in_dim3A_242 = arith.constant 0.000000e+00 : f32
      %broadcast_in_dim3A_243 = vector.broadcast %broadcast_in_dim3A_242 : f32 to vector<16xf32>
      %swap3A_244 = arith.index_cast %scan3A_218 : i32 to index
      %swap3A_245 = arith.constant 80 : index
      %swap3A_246 = tpu.vector_load %arg13[%swap3A_244, %swap3A_245] {strides = array<i32>} : memref<80x128xf32, #tpu.memory_space<vmem>>, vector<16xf32>,
      tpu.vector_store %arg13[%swap3A_244, %swap3A_245], %broadcast_in_dim3A_243 {strides = array<i32>} : memref<80x128xf32, #tpu.memory_space<vmem>>, vector<16xf32>,
      %broadcast_in_dim3A_247 = arith.constant 0.000000e+00 : f32
      %broadcast_in_dim3A_248 = vector.broadcast %broadcast_in_dim3A_247 : f32 to vector<16xf32>
      %swap3A_249 = arith.index_cast %scan3A_218 : i32 to index
      %swap3A_250 = arith.constant 96 : index
      %swap3A_251 = tpu.vector_load %arg13[%swap3A_249, %swap3A_250] {strides = array<i32>} : memref<80x128xf32, #tpu.memory_space<vmem>>, vector<16xf32>,
      tpu.vector_store %arg13[%swap3A_249, %swap3A_250], %broadcast_in_dim3A_248 {strides = array<i32>} : memref<80x128xf32, #tpu.memory_space<vmem>>, vector<16xf32>,
      %broadcast_in_dim3A_252 = arith.constant 0.000000e+00 : f32
      %broadcast_in_dim3A_253 = vector.broadcast %broadcast_in_dim3A_252 : f32 to vector<16xf32>
      %swap3A_254 = arith.index_cast %scan3A_218 : i32 to index
      %swap3A_255 = arith.constant 112 : index
      %swap3A_256 = tpu.vector_load %arg13[%swap3A_254, %swap3A_255] {strides = array<i32>} : memref<80x128xf32, #tpu.memory_space<vmem>>, vector<16xf32>,
      tpu.vector_store %arg13[%swap3A_254, %swap3A_255], %broadcast_in_dim3A_253 {strides = array<i32>} : memref<80x128xf32, #tpu.memory_space<vmem>>, vector<16xf32>,
    }
    %scan3A_4 = arith.constant 80 : i32
    %add3A = arith.constant 0 : i32
    %add3A_5 = arith.addi %arg1, %add3A : i32
    %min3A = arith.constant 62 : i32
    %min3A_6 = arith.minsi %add3A_5, %min3A : i32
    %mul3A = arith.constant 80 : i32
    %mul3A_7 = arith.muli %min3A_6, %mul3A : i32
    %multiple_of3A = tpu.assume_multiple %mul3A_7, 8 : i32
    %dma_start3A = arith.constant 0 : i32
    %dma_start3A_8 = tpu.memref_slice %arg14[%multiple_of3A, %dma_start3A] : memref<5040x128xf32, #tpu.memory_space<vmem_shared>> -> memref<80x128xf32, #tpu.memory_space<vmem_shared>>
    %dma_start3A_9 = arith.constant 0 : i32
    %dma_start3A_10 = tpu.memref_slice %arg14[%multiple_of3A, %dma_start3A_9] : memref<5040x128xf32, #tpu.memory_space<vmem_shared>> -> memref<80x128xf32, #tpu.memory_space<vmem_shared>>
    tpu.enqueue_dma source(%arg13 : memref<80x128xf32, #tpu.memory_space<vmem>>) target(%dma_start3A_10 : memref<80x128xf32, #tpu.memory_space<vmem_shared>>) target_semaphore(%arg16 : memref<!tpu.dma_semaphore, #tpu.memory_space<semaphore_mem>>)
    %dma_wait3A = arith.constant 0 : i32
    %dma_wait3A_11 = tpu.memref_slice %arg14[%multiple_of3A, %dma_wait3A] : memref<5040x128xf32, #tpu.memory_space<vmem_shared>> -> memref<80x128xf32, #tpu.memory_space<vmem_shared>>
    %dma_wait3A_12 = arith.constant 0 : i32
    %dma_wait3A_13 = tpu.memref_slice %arg14[%multiple_of3A, %dma_wait3A_12] : memref<5040x128xf32, #tpu.memory_space<vmem_shared>> -> memref<80x128xf32, #tpu.memory_space<vmem_shared>>
    tpu.wait_dma2 semaphore(%arg16 : memref<!tpu.dma_semaphore, #tpu.memory_space<semaphore_mem>>) src(%arg13 : memref<80x128xf32, #tpu.memory_space<vmem>>) dst(%dma_wait3A_13 : memref<80x128xf32, #tpu.memory_space<vmem_shared>>)
    %dma_start3A_14 = arith.constant 0 : i32
    %dma_start3A_15 = tpu.memref_slice %arg15[%multiple_of3A, %dma_start3A_14] : memref<5040x128xf32, #tpu.memory_space<vmem_shared>> -> memref<80x128xf32, #tpu.memory_space<vmem_shared>>
    %dma_start3A_16 = arith.constant 0 : i32
    %dma_start3A_17 = tpu.memref_slice %arg15[%multiple_of3A, %dma_start3A_16] : memref<5040x128xf32, #tpu.memory_space<vmem_shared>> -> memref<80x128xf32, #tpu.memory_space<vmem_shared>>
    tpu.enqueue_dma source(%arg13 : memref<80x128xf32, #tpu.memory_space<vmem>>) target(%dma_start3A_17 : memref<80x128xf32, #tpu.memory_space<vmem_shared>>) target_semaphore(%arg16 : memref<!tpu.dma_semaphore, #tpu.memory_space<semaphore_mem>>)
    %dma_wait3A_18 = arith.constant 0 : i32
    %dma_wait3A_19 = tpu.memref_slice %arg15[%multiple_of3A, %dma_wait3A_18] : memref<5040x128xf32, #tpu.memory_space<vmem_shared>> -> memref<80x128xf32, #tpu.memory_space<vmem_shared>>
    %dma_wait3A_20 = arith.constant 0 : i32
    %dma_wait3A_21 = tpu.memref_slice %arg15[%multiple_of3A, %dma_wait3A_20] : memref<5040x128xf32, #tpu.memory_space<vmem_shared>> -> memref<80x128xf32, #tpu.memory_space<vmem_shared>>
    tpu.wait_dma2 semaphore(%arg16 : memref<!tpu.dma_semaphore, #tpu.memory_space<semaphore_mem>>) src(%arg13 : memref<80x128xf32, #tpu.memory_space<vmem>>) dst(%dma_wait3A_21 : memref<80x128xf32, #tpu.memory_space<vmem_shared>>)
    %add3A_22 = arith.constant 16 : i32
    %add3A_23 = arith.addi %arg1, %add3A_22 : i32
    %min3A_24 = arith.constant 62 : i32
    %min3A_25 = arith.minsi %add3A_23, %min3A_24 : i32
    %mul3A_26 = arith.constant 80 : i32
    %mul3A_27 = arith.muli %min3A_25, %mul3A_26 : i32
    %multiple_of3A_28 = tpu.assume_multiple %mul3A_27, 8 : i32
    %dma_start3A_29 = arith.constant 0 : i32
    %dma_start3A_30 = tpu.memref_slice %arg14[%multiple_of3A_28, %dma_start3A_29] : memref<5040x128xf32, #tpu.memory_space<vmem_shared>> -> memref<80x128xf32, #tpu.memory_space<vmem_shared>>
    %dma_start3A_31 = arith.constant 0 : i32
    %dma_start3A_32 = tpu.memref_slice %arg14[%multiple_of3A_28, %dma_start3A_31] : memref<5040x128xf32, #tpu.memory_space<vmem_shared>> -> memref<80x128xf32, #tpu.memory_space<vmem_shared>>
    tpu.enqueue_dma source(%arg13 : memref<80x128xf32, #tpu.memory_space<vmem>>) target(%dma_start3A_32 : memref<80x128xf32, #tpu.memory_space<vmem_shared>>) target_semaphore(%arg16 : memref<!tpu.dma_semaphore, #tpu.memory_space<semaphore_mem>>)
    %dma_wait3A_33 = arith.constant 0 : i32
    %dma_wait3A_34 = tpu.memref_slice %arg14[%multiple_of3A_28, %dma_wait3A_33] : memref<5040x128xf32, #tpu.memory_space<vmem_shared>> -> memref<80x128xf32, #tpu.memory_space<vmem_shared>>
    %dma_wait3A_35 = arith.constant 0 : i32
    %dma_wait3A_36 = tpu.memref_slice %arg14[%multiple_of3A_28, %dma_wait3A_35] : memref<5040x128xf32, #tpu.memory_space<vmem_shared>> -> memref<80x128xf32, #tpu.memory_space<vmem_shared>>
    tpu.wait_dma2 semaphore(%arg16 : memref<!tpu.dma_semaphore, #tpu.memory_space<semaphore_mem>>) src(%arg13 : memref<80x128xf32, #tpu.memory_space<vmem>>) dst(%dma_wait3A_36 : memref<80x128xf32, #tpu.memory_space<vmem_shared>>)
    %dma_start3A_37 = arith.constant 0 : i32
    %dma_start3A_38 = tpu.memref_slice %arg15[%multiple_of3A_28, %dma_start3A_37] : memref<5040x128xf32, #tpu.memory_space<vmem_shared>> -> memref<80x128xf32, #tpu.memory_space<vmem_shared>>
    %dma_start3A_39 = arith.constant 0 : i32
    %dma_start3A_40 = tpu.memref_slice %arg15[%multiple_of3A_28, %dma_start3A_39] : memref<5040x128xf32, #tpu.memory_space<vmem_shared>> -> memref<80x128xf32, #tpu.memory_space<vmem_shared>>
    tpu.enqueue_dma source(%arg13 : memref<80x128xf32, #tpu.memory_space<vmem>>) target(%dma_start3A_40 : memref<80x128xf32, #tpu.memory_space<vmem_shared>>) target_semaphore(%arg16 : memref<!tpu.dma_semaphore, #tpu.memory_space<semaphore_mem>>)
    %dma_wait3A_41 = arith.constant 0 : i32
    %dma_wait3A_42 = tpu.memref_slice %arg15[%multiple_of3A_28, %dma_wait3A_41] : memref<5040x128xf32, #tpu.memory_space<vmem_shared>> -> memref<80x128xf32, #tpu.memory_space<vmem_shared>>
    %dma_wait3A_43 = arith.constant 0 : i32
    %dma_wait3A_44 = tpu.memref_slice %arg15[%multiple_of3A_28, %dma_wait3A_43] : memref<5040x128xf32, #tpu.memory_space<vmem_shared>> -> memref<80x128xf32, #tpu.memory_space<vmem_shared>>
    tpu.wait_dma2 semaphore(%arg16 : memref<!tpu.dma_semaphore, #tpu.memory_space<semaphore_mem>>) src(%arg13 : memref<80x128xf32, #tpu.memory_space<vmem>>) dst(%dma_wait3A_44 : memref<80x128xf32, #tpu.memory_space<vmem_shared>>)
    %add3A_45 = arith.constant 32 : i32
    %add3A_46 = arith.addi %arg1, %add3A_45 : i32
    %min3A_47 = arith.constant 62 : i32
    %min3A_48 = arith.minsi %add3A_46, %min3A_47 : i32
    %mul3A_49 = arith.constant 80 : i32
    %mul3A_50 = arith.muli %min3A_48, %mul3A_49 : i32
    %multiple_of3A_51 = tpu.assume_multiple %mul3A_50, 8 : i32
    %dma_start3A_52 = arith.constant 0 : i32
    %dma_start3A_53 = tpu.memref_slice %arg14[%multiple_of3A_51, %dma_start3A_52] : memref<5040x128xf32, #tpu.memory_space<vmem_shared>> -> memref<80x128xf32, #tpu.memory_space<vmem_shared>>
    %dma_start3A_54 = arith.constant 0 : i32
    %dma_start3A_55 = tpu.memref_slice %arg14[%multiple_of3A_51, %dma_start3A_54] : memref<5040x128xf32, #tpu.memory_space<vmem_shared>> -> memref<80x128xf32, #tpu.memory_space<vmem_shared>>
    tpu.enqueue_dma source(%arg13 : memref<80x128xf32, #tpu.memory_space<vmem>>) target(%dma_start3A_55 : memref<80x128xf32, #tpu.memory_space<vmem_shared>>) target_semaphore(%arg16 : memref<!tpu.dma_semaphore, #tpu.memory_space<semaphore_mem>>)
    %dma_wait3A_56 = arith.constant 0 : i32
    %dma_wait3A_57 = tpu.memref_slice %arg14[%multiple_of3A_51, %dma_wait3A_56] : memref<5040x128xf32, #tpu.memory_space<vmem_shared>> -> memref<80x128xf32, #tpu.memory_space<vmem_shared>>
    %dma_wait3A_58 = arith.constant 0 : i32
    %dma_wait3A_59 = tpu.memref_slice %arg14[%multiple_of3A_51, %dma_wait3A_58] : memref<5040x128xf32, #tpu.memory_space<vmem_shared>> -> memref<80x128xf32, #tpu.memory_space<vmem_shared>>
    tpu.wait_dma2 semaphore(%arg16 : memref<!tpu.dma_semaphore, #tpu.memory_space<semaphore_mem>>) src(%arg13 : memref<80x128xf32, #tpu.memory_space<vmem>>) dst(%dma_wait3A_59 : memref<80x128xf32, #tpu.memory_space<vmem_shared>>)
    %dma_start3A_60 = arith.constant 0 : i32
    %dma_start3A_61 = tpu.memref_slice %arg15[%multiple_of3A_51, %dma_start3A_60] : memref<5040x128xf32, #tpu.memory_space<vmem_shared>> -> memref<80x128xf32, #tpu.memory_space<vmem_shared>>
    %dma_start3A_62 = arith.constant 0 : i32
    %dma_start3A_63 = tpu.memref_slice %arg15[%multiple_of3A_51, %dma_start3A_62] : memref<5040x128xf32, #tpu.memory_space<vmem_shared>> -> memref<80x128xf32, #tpu.memory_space<vmem_shared>>
    tpu.enqueue_dma source(%arg13 : memref<80x128xf32, #tpu.memory_space<vmem>>) target(%dma_start3A_63 : memref<80x128xf32, #tpu.memory_space<vmem_shared>>) target_semaphore(%arg16 : memref<!tpu.dma_semaphore, #tpu.memory_space<semaphore_mem>>)
    %dma_wait3A_64 = arith.constant 0 : i32
    %dma_wait3A_65 = tpu.memref_slice %arg15[%multiple_of3A_51, %dma_wait3A_64] : memref<5040x128xf32, #tpu.memory_space<vmem_shared>> -> memref<80x128xf32, #tpu.memory_space<vmem_shared>>
    %dma_wait3A_66 = arith.constant 0 : i32
    %dma_wait3A_67 = tpu.memref_slice %arg15[%multiple_of3A_51, %dma_wait3A_66] : memref<5040x128xf32, #tpu.memory_space<vmem_shared>> -> memref<80x128xf32, #tpu.memory_space<vmem_shared>>
    tpu.wait_dma2 semaphore(%arg16 : memref<!tpu.dma_semaphore, #tpu.memory_space<semaphore_mem>>) src(%arg13 : memref<80x128xf32, #tpu.memory_space<vmem>>) dst(%dma_wait3A_67 : memref<80x128xf32, #tpu.memory_space<vmem_shared>>)
    %add3A_68 = arith.constant 48 : i32
    %add3A_69 = arith.addi %arg1, %add3A_68 : i32
    %min3A_70 = arith.constant 62 : i32
    %min3A_71 = arith.minsi %add3A_69, %min3A_70 : i32
    %mul3A_72 = arith.constant 80 : i32
    %mul3A_73 = arith.muli %min3A_71, %mul3A_72 : i32
    %multiple_of3A_74 = tpu.assume_multiple %mul3A_73, 8 : i32
    %dma_start3A_75 = arith.constant 0 : i32
    %dma_start3A_76 = tpu.memref_slice %arg14[%multiple_of3A_74, %dma_start3A_75] : memref<5040x128xf32, #tpu.memory_space<vmem_shared>> -> memref<80x128xf32, #tpu.memory_space<vmem_shared>>
    %dma_start3A_77 = arith.constant 0 : i32
    %dma_start3A_78 = tpu.memref_slice %arg14[%multiple_of3A_74, %dma_start3A_77] : memref<5040x128xf32, #tpu.memory_space<vmem_shared>> -> memref<80x128xf32, #tpu.memory_space<vmem_shared>>
    tpu.enqueue_dma source(%arg13 : memref<80x128xf32, #tpu.memory_space<vmem>>) target(%dma_start3A_78 : memref<80x128xf32, #tpu.memory_space<vmem_shared>>) target_semaphore(%arg16 : memref<!tpu.dma_semaphore, #tpu.memory_space<semaphore_mem>>)
    %dma_wait3A_79 = arith.constant 0 : i32
    %dma_wait3A_80 = tpu.memref_slice %arg14[%multiple_of3A_74, %dma_wait3A_79] : memref<5040x128xf32, #tpu.memory_space<vmem_shared>> -> memref<80x128xf32, #tpu.memory_space<vmem_shared>>
    %dma_wait3A_81 = arith.constant 0 : i32
    %dma_wait3A_82 = tpu.memref_slice %arg14[%multiple_of3A_74, %dma_wait3A_81] : memref<5040x128xf32, #tpu.memory_space<vmem_shared>> -> memref<80x128xf32, #tpu.memory_space<vmem_shared>>
    tpu.wait_dma2 semaphore(%arg16 : memref<!tpu.dma_semaphore, #tpu.memory_space<semaphore_mem>>) src(%arg13 : memref<80x128xf32, #tpu.memory_space<vmem>>) dst(%dma_wait3A_82 : memref<80x128xf32, #tpu.memory_space<vmem_shared>>)
    %dma_start3A_83 = arith.constant 0 : i32
    %dma_start3A_84 = tpu.memref_slice %arg15[%multiple_of3A_74, %dma_start3A_83] : memref<5040x128xf32, #tpu.memory_space<vmem_shared>> -> memref<80x128xf32, #tpu.memory_space<vmem_shared>>
    %dma_start3A_85 = arith.constant 0 : i32
    %dma_start3A_86 = tpu.memref_slice %arg15[%multiple_of3A_74, %dma_start3A_85] : memref<5040x128xf32, #tpu.memory_space<vmem_shared>> -> memref<80x128xf32, #tpu.memory_space<vmem_shared>>
    tpu.enqueue_dma source(%arg13 : memref<80x128xf32, #tpu.memory_space<vmem>>) target(%dma_start3A_86 : memref<80x128xf32, #tpu.memory_space<vmem_shared>>) target_semaphore(%arg16 : memref<!tpu.dma_semaphore, #tpu.memory_space<semaphore_mem>>)
    %dma_wait3A_87 = arith.constant 0 : i32
    %dma_wait3A_88 = tpu.memref_slice %arg15[%multiple_of3A_74, %dma_wait3A_87] : memref<5040x128xf32, #tpu.memory_space<vmem_shared>> -> memref<80x128xf32, #tpu.memory_space<vmem_shared>>
    %dma_wait3A_89 = arith.constant 0 : i32
    %dma_wait3A_90 = tpu.memref_slice %arg15[%multiple_of3A_74, %dma_wait3A_89] : memref<5040x128xf32, #tpu.memory_space<vmem_shared>> -> memref<80x128xf32, #tpu.memory_space<vmem_shared>>
    tpu.wait_dma2 semaphore(%arg16 : memref<!tpu.dma_semaphore, #tpu.memory_space<semaphore_mem>>) src(%arg13 : memref<80x128xf32, #tpu.memory_space<vmem>>) dst(%dma_wait3A_90 : memref<80x128xf32, #tpu.memory_space<vmem_shared>>)
    %barrier3A = arith.constant 0 : index
    tpu.barrier barrier_id(%barrier3A)
    %mul3A_91 = arith.constant 20000 : i32
    %mul3A_92 = arith.muli %arg1, %mul3A_91 : i32
    %mul3A_93 = arith.constant 5000 : i32
    %mul3A_94 = arith.muli %arg0, %mul3A_93 : i32
    %scan3A_95 = arith.constant 0 : i32
    %scan3A_96 = arith.constant 0 : i32
    %scan3A_97 = arith.constant 250 : i32
    %scan3A_98 = arith.addi %scan3A_96, %scan3A_97 : i32
    %scan3A_99 = arith.constant 1 : i32
    scf.for %scan3A_218 = %scan3A_96 to %scan3A_98 step %scan3A_99  : i32 {
      %mul3A_219 = arith.constant 80 : i32
      %mul3A_220 = arith.muli %scan3A_218, %mul3A_219 : i32
      %add3A_221 = arith.addi %mul3A_92, %mul3A_220 : i32
      %multiple_of3A_222 = tpu.assume_multiple %add3A_221, 8 : i32
      %dma_start3A_223 = tpu.memref_slice %arg5[%multiple_of3A_222] : memref<320000xi32, #tpu.memory_space<hbm>> -> memref<80xi32, #tpu.memory_space<hbm>>
      %dma_start3A_224 = tpu.memref_slice %arg5[%multiple_of3A_222] : memref<320000xi32, #tpu.memory_space<hbm>> -> memref<80xi32, #tpu.memory_space<hbm>>
      tpu.enqueue_dma source(%dma_start3A_224 : memref<80xi32, #tpu.memory_space<hbm>>) target(%arg9 : memref<80xi32, #tpu.memory_space<vmem>>) target_semaphore(%arg16 : memref<!tpu.dma_semaphore, #tpu.memory_space<semaphore_mem>>)
      %dma_start3A_225 = tpu.memref_slice %arg6[%multiple_of3A_222] : memref<320000xi32, #tpu.memory_space<hbm>> -> memref<80xi32, #tpu.memory_space<hbm>>
      %dma_start3A_226 = tpu.memref_slice %arg6[%multiple_of3A_222] : memref<320000xi32, #tpu.memory_space<hbm>> -> memref<80xi32, #tpu.memory_space<hbm>>
      tpu.enqueue_dma source(%dma_start3A_226 : memref<80xi32, #tpu.memory_space<hbm>>) target(%arg10 : memref<80xi32, #tpu.memory_space<vmem>>) target_semaphore(%arg16 : memref<!tpu.dma_semaphore, #tpu.memory_space<semaphore_mem>>)
      %dma_wait3A_227 = tpu.memref_slice %arg5[%multiple_of3A_222] : memref<320000xi32, #tpu.memory_space<hbm>> -> memref<80xi32, #tpu.memory_space<hbm>>
      %dma_wait3A_228 = tpu.memref_slice %arg5[%multiple_of3A_222] : memref<320000xi32, #tpu.memory_space<hbm>> -> memref<80xi32, #tpu.memory_space<hbm>>
      tpu.wait_dma2 semaphore(%arg16 : memref<!tpu.dma_semaphore, #tpu.memory_space<semaphore_mem>>) src(%dma_wait3A_228 : memref<80xi32, #tpu.memory_space<hbm>>) dst(%arg9 : memref<80xi32, #tpu.memory_space<vmem>>)
      %dma_wait3A_229 = tpu.memref_slice %arg6[%multiple_of3A_222] : memref<320000xi32, #tpu.memory_space<hbm>> -> memref<80xi32, #tpu.memory_space<hbm>>
      %dma_wait3A_230 = tpu.memref_slice %arg6[%multiple_of3A_222] : memref<320000xi32, #tpu.memory_space<hbm>> -> memref<80xi32, #tpu.memory_space<hbm>>
      tpu.wait_dma2 semaphore(%arg16 : memref<!tpu.dma_semaphore, #tpu.memory_space<semaphore_mem>>) src(%dma_wait3A_230 : memref<80xi32, #tpu.memory_space<hbm>>) dst(%arg10 : memref<80xi32, #tpu.memory_space<vmem>>)
      %scan3A_231 = arith.constant 0 : i32
      %scan3A_232 = arith.constant 0 : i32
      %scan3A_233 = arith.constant 5 : i32
      %scan3A_234 = arith.addi %scan3A_232, %scan3A_233 : i32
      %scan3A_235 = arith.constant 1 : i32
      scf.for %scan3A_279 = %scan3A_232 to %scan3A_234 step %scan3A_235  : i32 {
        %mul3A_280 = arith.constant 16 : i32
        %mul3A_281 = arith.muli %scan3A_279, %mul3A_280 : i32
        %get3A = arith.index_cast %mul3A_281 : i32 to index
        %get3A_282 = tpu.vector_load %arg10[%get3A] {strides = array<i32>} : memref<80xi32, #tpu.memory_space<vmem>>, vector<16xi32>,
        %sub3A = vector.broadcast %mul3A_94 : i32 to vector<16xi32>
        %sub3A_283 = arith.subi %get3A_282, %sub3A : vector<16xi32>
        %ge3A = arith.constant 0 : i32
        %ge3A_284 = vector.broadcast %ge3A : i32 to vector<16xi32>
        %ge3A_285 = arith.cmpi sge, %sub3A_283, %ge3A_284 : vector<16xi32>
        %lt3A = arith.constant 5000 : i32
        %lt3A_286 = vector.broadcast %lt3A : i32 to vector<16xi32>
        %lt3A_287 = arith.cmpi slt, %sub3A_283, %lt3A_286 : vector<16xi32>
        %and3A = arith.andi %ge3A_285, %lt3A_287 : vector<16xi1>
        %broadcast_in_dim3A = arith.constant 5000 : i32
        %broadcast_in_dim3A_288 = vector.broadcast %broadcast_in_dim3A : i32 to vector<16xi32>
        %select_n3A = arith.select %and3A, %sub3A_283, %broadcast_in_dim3A_288 : vector<16xi1>, vector<16xi32>
        %swap3A = arith.index_cast %mul3A_281 : i32 to index
        %swap3A_289 = tpu.vector_load %arg11[%swap3A] {strides = array<i32>} : memref<80xi32, #tpu.memory_space<vmem>>, vector<16xi32>,
        tpu.vector_store %arg11[%swap3A], %select_n3A {strides = array<i32>} : memref<80xi32, #tpu.memory_space<vmem>>, vector<16xi32>,
      }
      %scan3A_236 = arith.constant 5 : i32
      %dma_start3A_237 = arith.constant 0 : i32
      %dma_start3A_238 = arith.constant 0 : i32
      %dma_start3A_239 = tpu.memref_slice %arg3[%dma_start3A_237, %dma_start3A_238] : memref<10000x128xf32, #tpu.memory_space<hbm>> -> memref<10000x128xf32, #tpu.memory_space<hbm>>
      tpu.enqueue_indirect_dma source(%dma_start3A_239 : memref<10000x128xf32, #tpu.memory_space<hbm>>) target(%arg12 : memref<80x128xf32, #tpu.memory_space<vmem>>) offsets(%arg9 : memref<80xi32, #tpu.memory_space<vmem>>) semaphore(%arg16 : memref<!tpu.dma_semaphore, #tpu.memory_space<semaphore_mem>>)
      %dma_start3A_240 = arith.constant 0 : i32
      %dma_start3A_241 = arith.constant 0 : i32
      %dma_start3A_242 = tpu.memref_slice %arg2[%dma_start3A_240, %dma_start3A_241] : memref<10000x128xf32, #tpu.memory_space<hbm>> -> memref<10000x128xf32, #tpu.memory_space<hbm>>
      tpu.enqueue_indirect_dma source(%dma_start3A_242 : memref<10000x128xf32, #tpu.memory_space<hbm>>) target(%arg13 : memref<80x128xf32, #tpu.memory_space<vmem>>) offsets(%arg10 : memref<80xi32, #tpu.memory_space<vmem>>) semaphore(%arg16 : memref<!tpu.dma_semaphore, #tpu.memory_space<semaphore_mem>>)
      %dma_wait3A_243 = arith.constant 0 : i32
      %dma_wait3A_244 = arith.constant 0 : i32
      %dma_wait3A_245 = tpu.memref_slice %arg3[%dma_wait3A_243, %dma_wait3A_244] : memref<10000x128xf32, #tpu.memory_space<hbm>> -> memref<10000x128xf32, #tpu.memory_space<hbm>>
      tpu.wait_indirect_dma semaphore(%arg16 : memref<!tpu.dma_semaphore, #tpu.memory_space<semaphore_mem>>) src(%dma_wait3A_245 : memref<10000x128xf32, #tpu.memory_space<hbm>>) dst(%arg12 : memref<80x128xf32, #tpu.memory_space<vmem>>)
      %dma_wait3A_246 = arith.constant 0 : i32
      %dma_wait3A_247 = arith.constant 0 : i32
      %dma_wait3A_248 = tpu.memref_slice %arg2[%dma_wait3A_246, %dma_wait3A_247] : memref<10000x128xf32, #tpu.memory_space<hbm>> -> memref<10000x128xf32, #tpu.memory_space<hbm>>
      tpu.wait_indirect_dma semaphore(%arg16 : memref<!tpu.dma_semaphore, #tpu.memory_space<semaphore_mem>>) src(%dma_wait3A_248 : memref<10000x128xf32, #tpu.memory_space<hbm>>) dst(%arg13 : memref<80x128xf32, #tpu.memory_space<vmem>>)
      %scan3A_249 = arith.constant 0 : i32
      %scan3A_250 = arith.constant 0 : i32
      %scan3A_251 = arith.constant 80 : i32
      %scan3A_252 = arith.addi %scan3A_250, %scan3A_251 : i32
      %scan3A_253 = arith.constant 1 : i32
      scf.for %scan3A_279 = %scan3A_250 to %scan3A_252 step %scan3A_253  : i32 {
        %get3A = arith.index_cast %scan3A_279 : i32 to index
        %get3A_280 = arith.constant 0 : index
        %get3A_281 = tpu.vector_load %arg12[%get3A, %get3A_280] {strides = array<i32>} : memref<80x128xf32, #tpu.memory_space<vmem>>, vector<16xf32>,
        %get3A_282 = arith.index_cast %scan3A_279 : i32 to index
        %get3A_283 = arith.constant 0 : index
        %get3A_284 = tpu.vector_load %arg13[%get3A_282, %get3A_283] {strides = array<i32>} : memref<80x128xf32, #tpu.memory_space<vmem>>, vector<16xf32>,
        %mul3A_285 = arith.mulf %get3A_281, %get3A_284 : vector<16xf32>
        %reduce_sum3A = arith.constant true
        %reduce_sum3A_286 = vector.broadcast %reduce_sum3A : i1 to vector<16xi1>
        %reduce_sum3A_287 = tpu.scan <sum>, %mul3A_285 masked %reduce_sum3A_286 : vector<16xf32>, vector<16xi1> -> vector<16xf32>
        %reduce_sum3A_288 = vector.extract %reduce_sum3A_287[15] : f32 from vector<16xf32>
        %broadcast_in_dim3A = vector.broadcast %reduce_sum3A_288 : f32 to vector<16xf32>
        %exp3A = math.exp %broadcast_in_dim3A : vector<16xf32>
        %swap3A = arith.index_cast %scan3A_279 : i32 to index
        %swap3A_289 = arith.constant 0 : index
        %swap3A_290 = tpu.vector_load %arg12[%swap3A, %swap3A_289] {strides = array<i32>} : memref<80x128xf32, #tpu.memory_space<vmem>>, vector<16xf32>,
        tpu.vector_store %arg12[%swap3A, %swap3A_289], %exp3A {strides = array<i32>} : memref<80x128xf32, #tpu.memory_space<vmem>>, vector<16xf32>,
        %get3A_291 = arith.index_cast %scan3A_279 : i32 to index
        %get3A_292 = arith.constant 16 : index
        %get3A_293 = tpu.vector_load %arg12[%get3A_291, %get3A_292] {strides = array<i32>} : memref<80x128xf32, #tpu.memory_space<vmem>>, vector<16xf32>,
        %get3A_294 = arith.index_cast %scan3A_279 : i32 to index
        %get3A_295 = arith.constant 16 : index
        %get3A_296 = tpu.vector_load %arg13[%get3A_294, %get3A_295] {strides = array<i32>} : memref<80x128xf32, #tpu.memory_space<vmem>>, vector<16xf32>,
        %mul3A_297 = arith.mulf %get3A_293, %get3A_296 : vector<16xf32>
        %reduce_sum3A_298 = arith.constant true
        %reduce_sum3A_299 = vector.broadcast %reduce_sum3A_298 : i1 to vector<16xi1>
        %reduce_sum3A_300 = tpu.scan <sum>, %mul3A_297 masked %reduce_sum3A_299 : vector<16xf32>, vector<16xi1> -> vector<16xf32>
        %reduce_sum3A_301 = vector.extract %reduce_sum3A_300[15] : f32 from vector<16xf32>
        %broadcast_in_dim3A_302 = vector.broadcast %reduce_sum3A_301 : f32 to vector<16xf32>
        %exp3A_303 = math.exp %broadcast_in_dim3A_302 : vector<16xf32>
        %swap3A_304 = arith.index_cast %scan3A_279 : i32 to index
        %swap3A_305 = arith.constant 16 : index
        %swap3A_306 = tpu.vector_load %arg12[%swap3A_304, %swap3A_305] {strides = array<i32>} : memref<80x128xf32, #tpu.memory_space<vmem>>, vector<16xf32>,
        tpu.vector_store %arg12[%swap3A_304, %swap3A_305], %exp3A_303 {strides = array<i32>} : memref<80x128xf32, #tpu.memory_space<vmem>>, vector<16xf32>,
        %get3A_307 = arith.index_cast %scan3A_279 : i32 to index
        %get3A_308 = arith.constant 32 : index
        %get3A_309 = tpu.vector_load %arg12[%get3A_307, %get3A_308] {strides = array<i32>} : memref<80x128xf32, #tpu.memory_space<vmem>>, vector<16xf32>,
        %get3A_310 = arith.index_cast %scan3A_279 : i32 to index
        %get3A_311 = arith.constant 32 : index
        %get3A_312 = tpu.vector_load %arg13[%get3A_310, %get3A_311] {strides = array<i32>} : memref<80x128xf32, #tpu.memory_space<vmem>>, vector<16xf32>,
        %mul3A_313 = arith.mulf %get3A_309, %get3A_312 : vector<16xf32>
        %reduce_sum3A_314 = arith.constant true
        %reduce_sum3A_315 = vector.broadcast %reduce_sum3A_314 : i1 to vector<16xi1>
        %reduce_sum3A_316 = tpu.scan <sum>, %mul3A_313 masked %reduce_sum3A_315 : vector<16xf32>, vector<16xi1> -> vector<16xf32>
        %reduce_sum3A_317 = vector.extract %reduce_sum3A_316[15] : f32 from vector<16xf32>
        %broadcast_in_dim3A_318 = vector.broadcast %reduce_sum3A_317 : f32 to vector<16xf32>
        %exp3A_319 = math.exp %broadcast_in_dim3A_318 : vector<16xf32>
        %swap3A_320 = arith.index_cast %scan3A_279 : i32 to index
        %swap3A_321 = arith.constant 32 : index
        %swap3A_322 = tpu.vector_load %arg12[%swap3A_320, %swap3A_321] {strides = array<i32>} : memref<80x128xf32, #tpu.memory_space<vmem>>, vector<16xf32>,
        tpu.vector_store %arg12[%swap3A_320, %swap3A_321], %exp3A_319 {strides = array<i32>} : memref<80x128xf32, #tpu.memory_space<vmem>>, vector<16xf32>,
        %get3A_323 = arith.index_cast %scan3A_279 : i32 to index
        %get3A_324 = arith.constant 48 : index
        %get3A_325 = tpu.vector_load %arg12[%get3A_323, %get3A_324] {strides = array<i32>} : memref<80x128xf32, #tpu.memory_space<vmem>>, vector<16xf32>,
        %get3A_326 = arith.index_cast %scan3A_279 : i32 to index
        %get3A_327 = arith.constant 48 : index
        %get3A_328 = tpu.vector_load %arg13[%get3A_326, %get3A_327] {strides = array<i32>} : memref<80x128xf32, #tpu.memory_space<vmem>>, vector<16xf32>,
        %mul3A_329 = arith.mulf %get3A_325, %get3A_328 : vector<16xf32>
        %reduce_sum3A_330 = arith.constant true
        %reduce_sum3A_331 = vector.broadcast %reduce_sum3A_330 : i1 to vector<16xi1>
        %reduce_sum3A_332 = tpu.scan <sum>, %mul3A_329 masked %reduce_sum3A_331 : vector<16xf32>, vector<16xi1> -> vector<16xf32>
        %reduce_sum3A_333 = vector.extract %reduce_sum3A_332[15] : f32 from vector<16xf32>
        %broadcast_in_dim3A_334 = vector.broadcast %reduce_sum3A_333 : f32 to vector<16xf32>
        %exp3A_335 = math.exp %broadcast_in_dim3A_334 : vector<16xf32>
        %swap3A_336 = arith.index_cast %scan3A_279 : i32 to index
        %swap3A_337 = arith.constant 48 : index
        %swap3A_338 = tpu.vector_load %arg12[%swap3A_336, %swap3A_337] {strides = array<i32>} : memref<80x128xf32, #tpu.memory_space<vmem>>, vector<16xf32>,
        tpu.vector_store %arg12[%swap3A_336, %swap3A_337], %exp3A_335 {strides = array<i32>} : memref<80x128xf32, #tpu.memory_space<vmem>>, vector<16xf32>,
        %get3A_339 = arith.index_cast %scan3A_279 : i32 to index
        %get3A_340 = arith.constant 64 : index
        %get3A_341 = tpu.vector_load %arg12[%get3A_339, %get3A_340] {strides = array<i32>} : memref<80x128xf32, #tpu.memory_space<vmem>>, vector<16xf32>,
        %get3A_342 = arith.index_cast %scan3A_279 : i32 to index
        %get3A_343 = arith.constant 64 : index
        %get3A_344 = tpu.vector_load %arg13[%get3A_342, %get3A_343] {strides = array<i32>} : memref<80x128xf32, #tpu.memory_space<vmem>>, vector<16xf32>,
        %mul3A_345 = arith.mulf %get3A_341, %get3A_344 : vector<16xf32>
        %reduce_sum3A_346 = arith.constant true
        %reduce_sum3A_347 = vector.broadcast %reduce_sum3A_346 : i1 to vector<16xi1>
        %reduce_sum3A_348 = tpu.scan <sum>, %mul3A_345 masked %reduce_sum3A_347 : vector<16xf32>, vector<16xi1> -> vector<16xf32>
        %reduce_sum3A_349 = vector.extract %reduce_sum3A_348[15] : f32 from vector<16xf32>
        %broadcast_in_dim3A_350 = vector.broadcast %reduce_sum3A_349 : f32 to vector<16xf32>
        %exp3A_351 = math.exp %broadcast_in_dim3A_350 : vector<16xf32>
        %swap3A_352 = arith.index_cast %scan3A_279 : i32 to index
        %swap3A_353 = arith.constant 64 : index
        %swap3A_354 = tpu.vector_load %arg12[%swap3A_352, %swap3A_353] {strides = array<i32>} : memref<80x128xf32, #tpu.memory_space<vmem>>, vector<16xf32>,
        tpu.vector_store %arg12[%swap3A_352, %swap3A_353], %exp3A_351 {strides = array<i32>} : memref<80x128xf32, #tpu.memory_space<vmem>>, vector<16xf32>,
        %get3A_355 = arith.index_cast %scan3A_279 : i32 to index
        %get3A_356 = arith.constant 80 : index
        %get3A_357 = tpu.vector_load %arg12[%get3A_355, %get3A_356] {strides = array<i32>} : memref<80x128xf32, #tpu.memory_space<vmem>>, vector<16xf32>,
        %get3A_358 = arith.index_cast %scan3A_279 : i32 to index
        %get3A_359 = arith.constant 80 : index
        %get3A_360 = tpu.vector_load %arg13[%get3A_358, %get3A_359] {strides = array<i32>} : memref<80x128xf32, #tpu.memory_space<vmem>>, vector<16xf32>,
        %mul3A_361 = arith.mulf %get3A_357, %get3A_360 : vector<16xf32>
        %reduce_sum3A_362 = arith.constant true
        %reduce_sum3A_363 = vector.broadcast %reduce_sum3A_362 : i1 to vector<16xi1>
        %reduce_sum3A_364 = tpu.scan <sum>, %mul3A_361 masked %reduce_sum3A_363 : vector<16xf32>, vector<16xi1> -> vector<16xf32>
        %reduce_sum3A_365 = vector.extract %reduce_sum3A_364[15] : f32 from vector<16xf32>
        %broadcast_in_dim3A_366 = vector.broadcast %reduce_sum3A_365 : f32 to vector<16xf32>
        %exp3A_367 = math.exp %broadcast_in_dim3A_366 : vector<16xf32>
        %swap3A_368 = arith.index_cast %scan3A_279 : i32 to index
        %swap3A_369 = arith.constant 80 : index
        %swap3A_370 = tpu.vector_load %arg12[%swap3A_368, %swap3A_369] {strides = array<i32>} : memref<80x128xf32, #tpu.memory_space<vmem>>, vector<16xf32>,
        tpu.vector_store %arg12[%swap3A_368, %swap3A_369], %exp3A_367 {strides = array<i32>} : memref<80x128xf32, #tpu.memory_space<vmem>>, vector<16xf32>,
        %get3A_371 = arith.index_cast %scan3A_279 : i32 to index
        %get3A_372 = arith.constant 96 : index
        %get3A_373 = tpu.vector_load %arg12[%get3A_371, %get3A_372] {strides = array<i32>} : memref<80x128xf32, #tpu.memory_space<vmem>>, vector<16xf32>,
        %get3A_374 = arith.index_cast %scan3A_279 : i32 to index
        %get3A_375 = arith.constant 96 : index
        %get3A_376 = tpu.vector_load %arg13[%get3A_374, %get3A_375] {strides = array<i32>} : memref<80x128xf32, #tpu.memory_space<vmem>>, vector<16xf32>,
        %mul3A_377 = arith.mulf %get3A_373, %get3A_376 : vector<16xf32>
        %reduce_sum3A_378 = arith.constant true
        %reduce_sum3A_379 = vector.broadcast %reduce_sum3A_378 : i1 to vector<16xi1>
        %reduce_sum3A_380 = tpu.scan <sum>, %mul3A_377 masked %reduce_sum3A_379 : vector<16xf32>, vector<16xi1> -> vector<16xf32>
        %reduce_sum3A_381 = vector.extract %reduce_sum3A_380[15] : f32 from vector<16xf32>
        %broadcast_in_dim3A_382 = vector.broadcast %reduce_sum3A_381 : f32 to vector<16xf32>
        %exp3A_383 = math.exp %broadcast_in_dim3A_382 : vector<16xf32>
        %swap3A_384 = arith.index_cast %scan3A_279 : i32 to index
        %swap3A_385 = arith.constant 96 : index
        %swap3A_386 = tpu.vector_load %arg12[%swap3A_384, %swap3A_385] {strides = array<i32>} : memref<80x128xf32, #tpu.memory_space<vmem>>, vector<16xf32>,
        tpu.vector_store %arg12[%swap3A_384, %swap3A_385], %exp3A_383 {strides = array<i32>} : memref<80x128xf32, #tpu.memory_space<vmem>>, vector<16xf32>,
        %get3A_387 = arith.index_cast %scan3A_279 : i32 to index
        %get3A_388 = arith.constant 112 : index
        %get3A_389 = tpu.vector_load %arg12[%get3A_387, %get3A_388] {strides = array<i32>} : memref<80x128xf32, #tpu.memory_space<vmem>>, vector<16xf32>,
        %get3A_390 = arith.index_cast %scan3A_279 : i32 to index
        %get3A_391 = arith.constant 112 : index
        %get3A_392 = tpu.vector_load %arg13[%get3A_390, %get3A_391] {strides = array<i32>} : memref<80x128xf32, #tpu.memory_space<vmem>>, vector<16xf32>,
        %mul3A_393 = arith.mulf %get3A_389, %get3A_392 : vector<16xf32>
        %reduce_sum3A_394 = arith.constant true
        %reduce_sum3A_395 = vector.broadcast %reduce_sum3A_394 : i1 to vector<16xi1>
        %reduce_sum3A_396 = tpu.scan <sum>, %mul3A_393 masked %reduce_sum3A_395 : vector<16xf32>, vector<16xi1> -> vector<16xf32>
        %reduce_sum3A_397 = vector.extract %reduce_sum3A_396[15] : f32 from vector<16xf32>
        %broadcast_in_dim3A_398 = vector.broadcast %reduce_sum3A_397 : f32 to vector<16xf32>
        %exp3A_399 = math.exp %broadcast_in_dim3A_398 : vector<16xf32>
        %swap3A_400 = arith.index_cast %scan3A_279 : i32 to index
        %swap3A_401 = arith.constant 112 : index
        %swap3A_402 = tpu.vector_load %arg12[%swap3A_400, %swap3A_401] {strides = array<i32>} : memref<80x128xf32, #tpu.memory_space<vmem>>, vector<16xf32>,
        tpu.vector_store %arg12[%swap3A_400, %swap3A_401], %exp3A_399 {strides = array<i32>} : memref<80x128xf32, #tpu.memory_space<vmem>>, vector<16xf32>,
      }
      %scan3A_254 = arith.constant 80 : i32
      %dma_start3A_255 = arith.constant 0 : i32
      %dma_start3A_256 = arith.constant 0 : i32
      %dma_start3A_257 = tpu.memref_slice %arg4[%dma_start3A_255, %dma_start3A_256] : memref<10000x128xf32, #tpu.memory_space<hbm>> -> memref<10000x128xf32, #tpu.memory_space<hbm>>
      tpu.enqueue_indirect_dma source(%dma_start3A_257 : memref<10000x128xf32, #tpu.memory_space<hbm>>) target(%arg13 : memref<80x128xf32, #tpu.memory_space<vmem>>) offsets(%arg9 : memref<80xi32, #tpu.memory_space<vmem>>) semaphore(%arg16 : memref<!tpu.dma_semaphore, #tpu.memory_space<semaphore_mem>>)
      %dma_wait3A_258 = arith.constant 0 : i32
      %dma_wait3A_259 = arith.constant 0 : i32
      %dma_wait3A_260 = tpu.memref_slice %arg4[%dma_wait3A_258, %dma_wait3A_259] : memref<10000x128xf32, #tpu.memory_space<hbm>> -> memref<10000x128xf32, #tpu.memory_space<hbm>>
      tpu.wait_indirect_dma semaphore(%arg16 : memref<!tpu.dma_semaphore, #tpu.memory_space<semaphore_mem>>) src(%dma_wait3A_260 : memref<10000x128xf32, #tpu.memory_space<hbm>>) dst(%arg13 : memref<80x128xf32, #tpu.memory_space<vmem>>)
      %scan3A_261 = arith.constant 0 : i32
      %scan3A_262 = arith.constant 0 : i32
      %scan3A_263 = arith.constant 80 : i32
      %scan3A_264 = arith.addi %scan3A_262, %scan3A_263 : i32
      %scan3A_265 = arith.constant 1 : i32
      scf.for %scan3A_279 = %scan3A_262 to %scan3A_264 step %scan3A_265  : i32 {
        %get3A = arith.index_cast %scan3A_279 : i32 to index
        %get3A_280 = arith.constant 0 : index
        %get3A_281 = tpu.vector_load %arg13[%get3A, %get3A_280] {strides = array<i32>} : memref<80x128xf32, #tpu.memory_space<vmem>>, vector<16xf32>,
        %get3A_282 = arith.index_cast %scan3A_279 : i32 to index
        %get3A_283 = arith.constant 0 : index
        %get3A_284 = tpu.vector_load %arg12[%get3A_282, %get3A_283] {strides = array<i32>} : memref<80x128xf32, #tpu.memory_space<vmem>>, vector<16xf32>,
        %mul3A_285 = arith.mulf %get3A_281, %get3A_284 : vector<16xf32>
        %swap3A = arith.index_cast %scan3A_279 : i32 to index
        %swap3A_286 = arith.constant 0 : index
        %swap3A_287 = tpu.vector_load %arg13[%swap3A, %swap3A_286] {strides = array<i32>} : memref<80x128xf32, #tpu.memory_space<vmem>>, vector<16xf32>,
        tpu.vector_store %arg13[%swap3A, %swap3A_286], %mul3A_285 {strides = array<i32>} : memref<80x128xf32, #tpu.memory_space<vmem>>, vector<16xf32>,
        %get3A_288 = arith.index_cast %scan3A_279 : i32 to index
        %get3A_289 = arith.constant 16 : index
        %get3A_290 = tpu.vector_load %arg13[%get3A_288, %get3A_289] {strides = array<i32>} : memref<80x128xf32, #tpu.memory_space<vmem>>, vector<16xf32>,
        %get3A_291 = arith.index_cast %scan3A_279 : i32 to index
        %get3A_292 = arith.constant 16 : index
        %get3A_293 = tpu.vector_load %arg12[%get3A_291, %get3A_292] {strides = array<i32>} : memref<80x128xf32, #tpu.memory_space<vmem>>, vector<16xf32>,
        %mul3A_294 = arith.mulf %get3A_290, %get3A_293 : vector<16xf32>
        %swap3A_295 = arith.index_cast %scan3A_279 : i32 to index
        %swap3A_296 = arith.constant 16 : index
        %swap3A_297 = tpu.vector_load %arg13[%swap3A_295, %swap3A_296] {strides = array<i32>} : memref<80x128xf32, #tpu.memory_space<vmem>>, vector<16xf32>,
        tpu.vector_store %arg13[%swap3A_295, %swap3A_296], %mul3A_294 {strides = array<i32>} : memref<80x128xf32, #tpu.memory_space<vmem>>, vector<16xf32>,
        %get3A_298 = arith.index_cast %scan3A_279 : i32 to index
        %get3A_299 = arith.constant 32 : index
        %get3A_300 = tpu.vector_load %arg13[%get3A_298, %get3A_299] {strides = array<i32>} : memref<80x128xf32, #tpu.memory_space<vmem>>, vector<16xf32>,
        %get3A_301 = arith.index_cast %scan3A_279 : i32 to index
        %get3A_302 = arith.constant 32 : index
        %get3A_303 = tpu.vector_load %arg12[%get3A_301, %get3A_302] {strides = array<i32>} : memref<80x128xf32, #tpu.memory_space<vmem>>, vector<16xf32>,
        %mul3A_304 = arith.mulf %get3A_300, %get3A_303 : vector<16xf32>
        %swap3A_305 = arith.index_cast %scan3A_279 : i32 to index
        %swap3A_306 = arith.constant 32 : index
        %swap3A_307 = tpu.vector_load %arg13[%swap3A_305, %swap3A_306] {strides = array<i32>} : memref<80x128xf32, #tpu.memory_space<vmem>>, vector<16xf32>,
        tpu.vector_store %arg13[%swap3A_305, %swap3A_306], %mul3A_304 {strides = array<i32>} : memref<80x128xf32, #tpu.memory_space<vmem>>, vector<16xf32>,
        %get3A_308 = arith.index_cast %scan3A_279 : i32 to index
        %get3A_309 = arith.constant 48 : index
        %get3A_310 = tpu.vector_load %arg13[%get3A_308, %get3A_309] {strides = array<i32>} : memref<80x128xf32, #tpu.memory_space<vmem>>, vector<16xf32>,
        %get3A_311 = arith.index_cast %scan3A_279 : i32 to index
        %get3A_312 = arith.constant 48 : index
        %get3A_313 = tpu.vector_load %arg12[%get3A_311, %get3A_312] {strides = array<i32>} : memref<80x128xf32, #tpu.memory_space<vmem>>, vector<16xf32>,
        %mul3A_314 = arith.mulf %get3A_310, %get3A_313 : vector<16xf32>
        %swap3A_315 = arith.index_cast %scan3A_279 : i32 to index
        %swap3A_316 = arith.constant 48 : index
        %swap3A_317 = tpu.vector_load %arg13[%swap3A_315, %swap3A_316] {strides = array<i32>} : memref<80x128xf32, #tpu.memory_space<vmem>>, vector<16xf32>,
        tpu.vector_store %arg13[%swap3A_315, %swap3A_316], %mul3A_314 {strides = array<i32>} : memref<80x128xf32, #tpu.memory_space<vmem>>, vector<16xf32>,
        %get3A_318 = arith.index_cast %scan3A_279 : i32 to index
        %get3A_319 = arith.constant 64 : index
        %get3A_320 = tpu.vector_load %arg13[%get3A_318, %get3A_319] {strides = array<i32>} : memref<80x128xf32, #tpu.memory_space<vmem>>, vector<16xf32>,
        %get3A_321 = arith.index_cast %scan3A_279 : i32 to index
        %get3A_322 = arith.constant 64 : index
        %get3A_323 = tpu.vector_load %arg12[%get3A_321, %get3A_322] {strides = array<i32>} : memref<80x128xf32, #tpu.memory_space<vmem>>, vector<16xf32>,
        %mul3A_324 = arith.mulf %get3A_320, %get3A_323 : vector<16xf32>
        %swap3A_325 = arith.index_cast %scan3A_279 : i32 to index
        %swap3A_326 = arith.constant 64 : index
        %swap3A_327 = tpu.vector_load %arg13[%swap3A_325, %swap3A_326] {strides = array<i32>} : memref<80x128xf32, #tpu.memory_space<vmem>>, vector<16xf32>,
        tpu.vector_store %arg13[%swap3A_325, %swap3A_326], %mul3A_324 {strides = array<i32>} : memref<80x128xf32, #tpu.memory_space<vmem>>, vector<16xf32>,
        %get3A_328 = arith.index_cast %scan3A_279 : i32 to index
        %get3A_329 = arith.constant 80 : index
        %get3A_330 = tpu.vector_load %arg13[%get3A_328, %get3A_329] {strides = array<i32>} : memref<80x128xf32, #tpu.memory_space<vmem>>, vector<16xf32>,
        %get3A_331 = arith.index_cast %scan3A_279 : i32 to index
        %get3A_332 = arith.constant 80 : index
        %get3A_333 = tpu.vector_load %arg12[%get3A_331, %get3A_332] {strides = array<i32>} : memref<80x128xf32, #tpu.memory_space<vmem>>, vector<16xf32>,
        %mul3A_334 = arith.mulf %get3A_330, %get3A_333 : vector<16xf32>
        %swap3A_335 = arith.index_cast %scan3A_279 : i32 to index
        %swap3A_336 = arith.constant 80 : index
        %swap3A_337 = tpu.vector_load %arg13[%swap3A_335, %swap3A_336] {strides = array<i32>} : memref<80x128xf32, #tpu.memory_space<vmem>>, vector<16xf32>,
        tpu.vector_store %arg13[%swap3A_335, %swap3A_336], %mul3A_334 {strides = array<i32>} : memref<80x128xf32, #tpu.memory_space<vmem>>, vector<16xf32>,
        %get3A_338 = arith.index_cast %scan3A_279 : i32 to index
        %get3A_339 = arith.constant 96 : index
        %get3A_340 = tpu.vector_load %arg13[%get3A_338, %get3A_339] {strides = array<i32>} : memref<80x128xf32, #tpu.memory_space<vmem>>, vector<16xf32>,
        %get3A_341 = arith.index_cast %scan3A_279 : i32 to index
        %get3A_342 = arith.constant 96 : index
        %get3A_343 = tpu.vector_load %arg12[%get3A_341, %get3A_342] {strides = array<i32>} : memref<80x128xf32, #tpu.memory_space<vmem>>, vector<16xf32>,
        %mul3A_344 = arith.mulf %get3A_340, %get3A_343 : vector<16xf32>
        %swap3A_345 = arith.index_cast %scan3A_279 : i32 to index
        %swap3A_346 = arith.constant 96 : index
        %swap3A_347 = tpu.vector_load %arg13[%swap3A_345, %swap3A_346] {strides = array<i32>} : memref<80x128xf32, #tpu.memory_space<vmem>>, vector<16xf32>,
        tpu.vector_store %arg13[%swap3A_345, %swap3A_346], %mul3A_344 {strides = array<i32>} : memref<80x128xf32, #tpu.memory_space<vmem>>, vector<16xf32>,
        %get3A_348 = arith.index_cast %scan3A_279 : i32 to index
        %get3A_349 = arith.constant 112 : index
        %get3A_350 = tpu.vector_load %arg13[%get3A_348, %get3A_349] {strides = array<i32>} : memref<80x128xf32, #tpu.memory_space<vmem>>, vector<16xf32>,
        %get3A_351 = arith.index_cast %scan3A_279 : i32 to index
        %get3A_352 = arith.constant 112 : index
        %get3A_353 = tpu.vector_load %arg12[%get3A_351, %get3A_352] {strides = array<i32>} : memref<80x128xf32, #tpu.memory_space<vmem>>, vector<16xf32>,
        %mul3A_354 = arith.mulf %get3A_350, %get3A_353 : vector<16xf32>
        %swap3A_355 = arith.index_cast %scan3A_279 : i32 to index
        %swap3A_356 = arith.constant 112 : index
        %swap3A_357 = tpu.vector_load %arg13[%swap3A_355, %swap3A_356] {strides = array<i32>} : memref<80x128xf32, #tpu.memory_space<vmem>>, vector<16xf32>,
        tpu.vector_store %arg13[%swap3A_355, %swap3A_356], %mul3A_354 {strides = array<i32>} : memref<80x128xf32, #tpu.memory_space<vmem>>, vector<16xf32>,
      }
      %scan3A_266 = arith.constant 80 : i32
      %dma_start3A_267 = arith.constant 0 : i32
      %dma_start3A_268 = arith.constant 0 : i32
      %dma_start3A_269 = tpu.memref_slice %arg14[%dma_start3A_267, %dma_start3A_268] : memref<5040x128xf32, #tpu.memory_space<vmem_shared>> -> memref<5040x128xf32, #tpu.memory_space<vmem_shared>>
      tpu.enqueue_indirect_dma source(%arg13 : memref<80x128xf32, #tpu.memory_space<vmem>>) target(%dma_start3A_269 : memref<5040x128xf32, #tpu.memory_space<vmem_shared>>) offsets(%arg11 : memref<80xi32, #tpu.memory_space<vmem>>) semaphore(%arg16 : memref<!tpu.dma_semaphore, #tpu.memory_space<semaphore_mem>>) {add = true}
      %dma_wait3A_270 = arith.constant 0 : i32
      %dma_wait3A_271 = arith.constant 0 : i32
      %dma_wait3A_272 = tpu.memref_slice %arg14[%dma_wait3A_270, %dma_wait3A_271] : memref<5040x128xf32, #tpu.memory_space<vmem_shared>> -> memref<5040x128xf32, #tpu.memory_space<vmem_shared>>
      tpu.wait_indirect_dma semaphore(%arg16 : memref<!tpu.dma_semaphore, #tpu.memory_space<semaphore_mem>>) src(%arg13 : memref<80x128xf32, #tpu.memory_space<vmem>>) dst(%dma_wait3A_272 : memref<5040x128xf32, #tpu.memory_space<vmem_shared>>)
      %dma_start3A_273 = arith.constant 0 : i32
      %dma_start3A_274 = arith.constant 0 : i32
      %dma_start3A_275 = tpu.memref_slice %arg15[%dma_start3A_273, %dma_start3A_274] : memref<5040x128xf32, #tpu.memory_space<vmem_shared>> -> memref<5040x128xf32, #tpu.memory_space<vmem_shared>>
      tpu.enqueue_indirect_dma source(%arg12 : memref<80x128xf32, #tpu.memory_space<vmem>>) target(%dma_start3A_275 : memref<5040x128xf32, #tpu.memory_space<vmem_shared>>) offsets(%arg11 : memref<80xi32, #tpu.memory_space<vmem>>) semaphore(%arg16 : memref<!tpu.dma_semaphore, #tpu.memory_space<semaphore_mem>>) {add = true}
      %dma_wait3A_276 = arith.constant 0 : i32
      %dma_wait3A_277 = arith.constant 0 : i32
      %dma_wait3A_278 = tpu.memref_slice %arg15[%dma_wait3A_276, %dma_wait3A_277] : memref<5040x128xf32, #tpu.memory_space<vmem_shared>> -> memref<5040x128xf32, #tpu.memory_space<vmem_shared>>
      tpu.wait_indirect_dma semaphore(%arg16 : memref<!tpu.dma_semaphore, #tpu.memory_space<semaphore_mem>>) src(%arg12 : memref<80x128xf32, #tpu.memory_space<vmem>>) dst(%dma_wait3A_278 : memref<5040x128xf32, #tpu.memory_space<vmem_shared>>)
    }
    %scan3A_100 = arith.constant 250 : i32
    %barrier3A_101 = arith.constant 0 : index
    tpu.barrier barrier_id(%barrier3A_101)
    %add3A_102 = arith.constant 0 : i32
    %add3A_103 = arith.addi %arg1, %add3A_102 : i32
    %min3A_104 = arith.constant 62 : i32
    %min3A_105 = arith.minsi %add3A_103, %min3A_104 : i32
    %mul3A_106 = arith.constant 80 : i32
    %mul3A_107 = arith.muli %min3A_105, %mul3A_106 : i32
    %multiple_of3A_108 = tpu.assume_multiple %mul3A_107, 8 : i32
    %mul3A_109 = arith.constant 5040 : i32
    %mul3A_110 = arith.muli %arg0, %mul3A_109 : i32
    %mul3A_111 = arith.constant 80 : i32
    %mul3A_112 = arith.muli %min3A_105, %mul3A_111 : i32
    %add3A_113 = arith.addi %mul3A_110, %mul3A_112 : i32
    %multiple_of3A_114 = tpu.assume_multiple %add3A_113, 8 : i32
    %dma_start3A_115 = arith.constant 0 : i32
    %dma_start3A_116 = tpu.memref_slice %arg7[%multiple_of3A_114, %dma_start3A_115] : memref<10080x128xf32, #tpu.memory_space<hbm>> -> memref<80x128xf32, #tpu.memory_space<hbm>>
    %dma_start3A_117 = arith.constant 0 : i32
    %dma_start3A_118 = tpu.memref_slice %arg14[%multiple_of3A_108, %dma_start3A_117] : memref<5040x128xf32, #tpu.memory_space<vmem_shared>> -> memref<80x128xf32, #tpu.memory_space<vmem_shared>>
    tpu.enqueue_dma source(%dma_start3A_118 : memref<80x128xf32, #tpu.memory_space<vmem_shared>>) target(%dma_start3A_116 : memref<80x128xf32, #tpu.memory_space<hbm>>) target_semaphore(%arg16 : memref<!tpu.dma_semaphore, #tpu.memory_space<semaphore_mem>>)
    %dma_wait3A_119 = arith.constant 0 : i32
    %dma_wait3A_120 = tpu.memref_slice %arg7[%multiple_of3A_114, %dma_wait3A_119] : memref<10080x128xf32, #tpu.memory_space<hbm>> -> memref<80x128xf32, #tpu.memory_space<hbm>>
    %dma_wait3A_121 = arith.constant 0 : i32
    %dma_wait3A_122 = tpu.memref_slice %arg14[%multiple_of3A_108, %dma_wait3A_121] : memref<5040x128xf32, #tpu.memory_space<vmem_shared>> -> memref<80x128xf32, #tpu.memory_space<vmem_shared>>
    tpu.wait_dma2 semaphore(%arg16 : memref<!tpu.dma_semaphore, #tpu.memory_space<semaphore_mem>>) src(%dma_wait3A_122 : memref<80x128xf32, #tpu.memory_space<vmem_shared>>) dst(%dma_wait3A_120 : memref<80x128xf32, #tpu.memory_space<hbm>>)
    %dma_start3A_123 = arith.constant 0 : i32
    %dma_start3A_124 = tpu.memref_slice %arg8[%multiple_of3A_114, %dma_start3A_123] : memref<10080x128xf32, #tpu.memory_space<hbm>> -> memref<80x128xf32, #tpu.memory_space<hbm>>
    %dma_start3A_125 = arith.constant 0 : i32
    %dma_start3A_126 = tpu.memref_slice %arg15[%multiple_of3A_108, %dma_start3A_125] : memref<5040x128xf32, #tpu.memory_space<vmem_shared>> -> memref<80x128xf32, #tpu.memory_space<vmem_shared>>
    tpu.enqueue_dma source(%dma_start3A_126 : memref<80x128xf32, #tpu.memory_space<vmem_shared>>) target(%dma_start3A_124 : memref<80x128xf32, #tpu.memory_space<hbm>>) target_semaphore(%arg16 : memref<!tpu.dma_semaphore, #tpu.memory_space<semaphore_mem>>)
    %dma_wait3A_127 = arith.constant 0 : i32
    %dma_wait3A_128 = tpu.memref_slice %arg8[%multiple_of3A_114, %dma_wait3A_127] : memref<10080x128xf32, #tpu.memory_space<hbm>> -> memref<80x128xf32, #tpu.memory_space<hbm>>
    %dma_wait3A_129 = arith.constant 0 : i32
    %dma_wait3A_130 = tpu.memref_slice %arg15[%multiple_of3A_108, %dma_wait3A_129] : memref<5040x128xf32, #tpu.memory_space<vmem_shared>> -> memref<80x128xf32, #tpu.memory_space<vmem_shared>>
    tpu.wait_dma2 semaphore(%arg16 : memref<!tpu.dma_semaphore, #tpu.memory_space<semaphore_mem>>) src(%dma_wait3A_130 : memref<80x128xf32, #tpu.memory_space<vmem_shared>>) dst(%dma_wait3A_128 : memref<80x128xf32, #tpu.memory_space<hbm>>)
    %add3A_131 = arith.constant 16 : i32
    %add3A_132 = arith.addi %arg1, %add3A_131 : i32
    %min3A_133 = arith.constant 62 : i32
    %min3A_134 = arith.minsi %add3A_132, %min3A_133 : i32
    %mul3A_135 = arith.constant 80 : i32
    %mul3A_136 = arith.muli %min3A_134, %mul3A_135 : i32
    %multiple_of3A_137 = tpu.assume_multiple %mul3A_136, 8 : i32
    %mul3A_138 = arith.constant 5040 : i32
    %mul3A_139 = arith.muli %arg0, %mul3A_138 : i32
    %mul3A_140 = arith.constant 80 : i32
    %mul3A_141 = arith.muli %min3A_134, %mul3A_140 : i32
    %add3A_142 = arith.addi %mul3A_139, %mul3A_141 : i32
    %multiple_of3A_143 = tpu.assume_multiple %add3A_142, 8 : i32
    %dma_start3A_144 = arith.constant 0 : i32
    %dma_start3A_145 = tpu.memref_slice %arg7[%multiple_of3A_143, %dma_start3A_144] : memref<10080x128xf32, #tpu.memory_space<hbm>> -> memref<80x128xf32, #tpu.memory_space<hbm>>
    %dma_start3A_146 = arith.constant 0 : i32
    %dma_start3A_147 = tpu.memref_slice %arg14[%multiple_of3A_137, %dma_start3A_146] : memref<5040x128xf32, #tpu.memory_space<vmem_shared>> -> memref<80x128xf32, #tpu.memory_space<vmem_shared>>
    tpu.enqueue_dma source(%dma_start3A_147 : memref<80x128xf32, #tpu.memory_space<vmem_shared>>) target(%dma_start3A_145 : memref<80x128xf32, #tpu.memory_space<hbm>>) target_semaphore(%arg16 : memref<!tpu.dma_semaphore, #tpu.memory_space<semaphore_mem>>)
    %dma_wait3A_148 = arith.constant 0 : i32
    %dma_wait3A_149 = tpu.memref_slice %arg7[%multiple_of3A_143, %dma_wait3A_148] : memref<10080x128xf32, #tpu.memory_space<hbm>> -> memref<80x128xf32, #tpu.memory_space<hbm>>
    %dma_wait3A_150 = arith.constant 0 : i32
    %dma_wait3A_151 = tpu.memref_slice %arg14[%multiple_of3A_137, %dma_wait3A_150] : memref<5040x128xf32, #tpu.memory_space<vmem_shared>> -> memref<80x128xf32, #tpu.memory_space<vmem_shared>>
    tpu.wait_dma2 semaphore(%arg16 : memref<!tpu.dma_semaphore, #tpu.memory_space<semaphore_mem>>) src(%dma_wait3A_151 : memref<80x128xf32, #tpu.memory_space<vmem_shared>>) dst(%dma_wait3A_149 : memref<80x128xf32, #tpu.memory_space<hbm>>)
    %dma_start3A_152 = arith.constant 0 : i32
    %dma_start3A_153 = tpu.memref_slice %arg8[%multiple_of3A_143, %dma_start3A_152] : memref<10080x128xf32, #tpu.memory_space<hbm>> -> memref<80x128xf32, #tpu.memory_space<hbm>>
    %dma_start3A_154 = arith.constant 0 : i32
    %dma_start3A_155 = tpu.memref_slice %arg15[%multiple_of3A_137, %dma_start3A_154] : memref<5040x128xf32, #tpu.memory_space<vmem_shared>> -> memref<80x128xf32, #tpu.memory_space<vmem_shared>>
    tpu.enqueue_dma source(%dma_start3A_155 : memref<80x128xf32, #tpu.memory_space<vmem_shared>>) target(%dma_start3A_153 : memref<80x128xf32, #tpu.memory_space<hbm>>) target_semaphore(%arg16 : memref<!tpu.dma_semaphore, #tpu.memory_space<semaphore_mem>>)
    %dma_wait3A_156 = arith.constant 0 : i32
    %dma_wait3A_157 = tpu.memref_slice %arg8[%multiple_of3A_143, %dma_wait3A_156] : memref<10080x128xf32, #tpu.memory_space<hbm>> -> memref<80x128xf32, #tpu.memory_space<hbm>>
    %dma_wait3A_158 = arith.constant 0 : i32
    %dma_wait3A_159 = tpu.memref_slice %arg15[%multiple_of3A_137, %dma_wait3A_158] : memref<5040x128xf32, #tpu.memory_space<vmem_shared>> -> memref<80x128xf32, #tpu.memory_space<vmem_shared>>
    tpu.wait_dma2 semaphore(%arg16 : memref<!tpu.dma_semaphore, #tpu.memory_space<semaphore_mem>>) src(%dma_wait3A_159 : memref<80x128xf32, #tpu.memory_space<vmem_shared>>) dst(%dma_wait3A_157 : memref<80x128xf32, #tpu.memory_space<hbm>>)
    %add3A_160 = arith.constant 32 : i32
    %add3A_161 = arith.addi %arg1, %add3A_160 : i32
    %min3A_162 = arith.constant 62 : i32
    %min3A_163 = arith.minsi %add3A_161, %min3A_162 : i32
    %mul3A_164 = arith.constant 80 : i32
    %mul3A_165 = arith.muli %min3A_163, %mul3A_164 : i32
    %multiple_of3A_166 = tpu.assume_multiple %mul3A_165, 8 : i32
    %mul3A_167 = arith.constant 5040 : i32
    %mul3A_168 = arith.muli %arg0, %mul3A_167 : i32
    %mul3A_169 = arith.constant 80 : i32
    %mul3A_170 = arith.muli %min3A_163, %mul3A_169 : i32
    %add3A_171 = arith.addi %mul3A_168, %mul3A_170 : i32
    %multiple_of3A_172 = tpu.assume_multiple %add3A_171, 8 : i32
    %dma_start3A_173 = arith.constant 0 : i32
    %dma_start3A_174 = tpu.memref_slice %arg7[%multiple_of3A_172, %dma_start3A_173] : memref<10080x128xf32, #tpu.memory_space<hbm>> -> memref<80x128xf32, #tpu.memory_space<hbm>>
    %dma_start3A_175 = arith.constant 0 : i32
    %dma_start3A_176 = tpu.memref_slice %arg14[%multiple_of3A_166, %dma_start3A_175] : memref<5040x128xf32, #tpu.memory_space<vmem_shared>> -> memref<80x128xf32, #tpu.memory_space<vmem_shared>>
    tpu.enqueue_dma source(%dma_start3A_176 : memref<80x128xf32, #tpu.memory_space<vmem_shared>>) target(%dma_start3A_174 : memref<80x128xf32, #tpu.memory_space<hbm>>) target_semaphore(%arg16 : memref<!tpu.dma_semaphore, #tpu.memory_space<semaphore_mem>>)
    %dma_wait3A_177 = arith.constant 0 : i32
    %dma_wait3A_178 = tpu.memref_slice %arg7[%multiple_of3A_172, %dma_wait3A_177] : memref<10080x128xf32, #tpu.memory_space<hbm>> -> memref<80x128xf32, #tpu.memory_space<hbm>>
    %dma_wait3A_179 = arith.constant 0 : i32
    %dma_wait3A_180 = tpu.memref_slice %arg14[%multiple_of3A_166, %dma_wait3A_179] : memref<5040x128xf32, #tpu.memory_space<vmem_shared>> -> memref<80x128xf32, #tpu.memory_space<vmem_shared>>
    tpu.wait_dma2 semaphore(%arg16 : memref<!tpu.dma_semaphore, #tpu.memory_space<semaphore_mem>>) src(%dma_wait3A_180 : memref<80x128xf32, #tpu.memory_space<vmem_shared>>) dst(%dma_wait3A_178 : memref<80x128xf32, #tpu.memory_space<hbm>>)
    %dma_start3A_181 = arith.constant 0 : i32
    %dma_start3A_182 = tpu.memref_slice %arg8[%multiple_of3A_172, %dma_start3A_181] : memref<10080x128xf32, #tpu.memory_space<hbm>> -> memref<80x128xf32, #tpu.memory_space<hbm>>
    %dma_start3A_183 = arith.constant 0 : i32
    %dma_start3A_184 = tpu.memref_slice %arg15[%multiple_of3A_166, %dma_start3A_183] : memref<5040x128xf32, #tpu.memory_space<vmem_shared>> -> memref<80x128xf32, #tpu.memory_space<vmem_shared>>
    tpu.enqueue_dma source(%dma_start3A_184 : memref<80x128xf32, #tpu.memory_space<vmem_shared>>) target(%dma_start3A_182 : memref<80x128xf32, #tpu.memory_space<hbm>>) target_semaphore(%arg16 : memref<!tpu.dma_semaphore, #tpu.memory_space<semaphore_mem>>)
    %dma_wait3A_185 = arith.constant 0 : i32
    %dma_wait3A_186 = tpu.memref_slice %arg8[%multiple_of3A_172, %dma_wait3A_185] : memref<10080x128xf32, #tpu.memory_space<hbm>> -> memref<80x128xf32, #tpu.memory_space<hbm>>
    %dma_wait3A_187 = arith.constant 0 : i32
    %dma_wait3A_188 = tpu.memref_slice %arg15[%multiple_of3A_166, %dma_wait3A_187] : memref<5040x128xf32, #tpu.memory_space<vmem_shared>> -> memref<80x128xf32, #tpu.memory_space<vmem_shared>>
    tpu.wait_dma2 semaphore(%arg16 : memref<!tpu.dma_semaphore, #tpu.memory_space<semaphore_mem>>) src(%dma_wait3A_188 : memref<80x128xf32, #tpu.memory_space<vmem_shared>>) dst(%dma_wait3A_186 : memref<80x128xf32, #tpu.memory_space<hbm>>)
    %add3A_189 = arith.constant 48 : i32
    %add3A_190 = arith.addi %arg1, %add3A_189 : i32
    %min3A_191 = arith.constant 62 : i32
    %min3A_192 = arith.minsi %add3A_190, %min3A_191 : i32
    %mul3A_193 = arith.constant 80 : i32
    %mul3A_194 = arith.muli %min3A_192, %mul3A_193 : i32
    %multiple_of3A_195 = tpu.assume_multiple %mul3A_194, 8 : i32
    %mul3A_196 = arith.constant 5040 : i32
    %mul3A_197 = arith.muli %arg0, %mul3A_196 : i32
    %mul3A_198 = arith.constant 80 : i32
    %mul3A_199 = arith.muli %min3A_192, %mul3A_198 : i32
    %add3A_200 = arith.addi %mul3A_197, %mul3A_199 : i32
    %multiple_of3A_201 = tpu.assume_multiple %add3A_200, 8 : i32
    %dma_start3A_202 = arith.constant 0 : i32
    %dma_start3A_203 = tpu.memref_slice %arg7[%multiple_of3A_201, %dma_start3A_202] : memref<10080x128xf32, #tpu.memory_space<hbm>> -> memref<80x128xf32, #tpu.memory_space<hbm>>
    %dma_start3A_204 = arith.constant 0 : i32
    %dma_start3A_205 = tpu.memref_slice %arg14[%multiple_of3A_195, %dma_start3A_204] : memref<5040x128xf32, #tpu.memory_space<vmem_shared>> -> memref<80x128xf32, #tpu.memory_space<vmem_shared>>
    tpu.enqueue_dma source(%dma_start3A_205 : memref<80x128xf32, #tpu.memory_space<vmem_shared>>) target(%dma_start3A_203 : memref<80x128xf32, #tpu.memory_space<hbm>>) target_semaphore(%arg16 : memref<!tpu.dma_semaphore, #tpu.memory_space<semaphore_mem>>)
    %dma_wait3A_206 = arith.constant 0 : i32
    %dma_wait3A_207 = tpu.memref_slice %arg7[%multiple_of3A_201, %dma_wait3A_206] : memref<10080x128xf32, #tpu.memory_space<hbm>> -> memref<80x128xf32, #tpu.memory_space<hbm>>
    %dma_wait3A_208 = arith.constant 0 : i32
    %dma_wait3A_209 = tpu.memref_slice %arg14[%multiple_of3A_195, %dma_wait3A_208] : memref<5040x128xf32, #tpu.memory_space<vmem_shared>> -> memref<80x128xf32, #tpu.memory_space<vmem_shared>>
    tpu.wait_dma2 semaphore(%arg16 : memref<!tpu.dma_semaphore, #tpu.memory_space<semaphore_mem>>) src(%dma_wait3A_209 : memref<80x128xf32, #tpu.memory_space<vmem_shared>>) dst(%dma_wait3A_207 : memref<80x128xf32, #tpu.memory_space<hbm>>)
    %dma_start3A_210 = arith.constant 0 : i32
    %dma_start3A_211 = tpu.memref_slice %arg8[%multiple_of3A_201, %dma_start3A_210] : memref<10080x128xf32, #tpu.memory_space<hbm>> -> memref<80x128xf32, #tpu.memory_space<hbm>>
    %dma_start3A_212 = arith.constant 0 : i32
    %dma_start3A_213 = tpu.memref_slice %arg15[%multiple_of3A_195, %dma_start3A_212] : memref<5040x128xf32, #tpu.memory_space<vmem_shared>> -> memref<80x128xf32, #tpu.memory_space<vmem_shared>>
    tpu.enqueue_dma source(%dma_start3A_213 : memref<80x128xf32, #tpu.memory_space<vmem_shared>>) target(%dma_start3A_211 : memref<80x128xf32, #tpu.memory_space<hbm>>) target_semaphore(%arg16 : memref<!tpu.dma_semaphore, #tpu.memory_space<semaphore_mem>>)
    %dma_wait3A_214 = arith.constant 0 : i32
    %dma_wait3A_215 = tpu.memref_slice %arg8[%multiple_of3A_201, %dma_wait3A_214] : memref<10080x128xf32, #tpu.memory_space<hbm>> -> memref<80x128xf32, #tpu.memory_space<hbm>>
    %dma_wait3A_216 = arith.constant 0 : i32
    %dma_wait3A_217 = tpu.memref_slice %arg15[%multiple_of3A_195, %dma_wait3A_216] : memref<5040x128xf32, #tpu.memory_space<vmem_shared>> -> memref<80x128xf32, #tpu.memory_space<vmem_shared>>
    tpu.wait_dma2 semaphore(%arg16 : memref<!tpu.dma_semaphore, #tpu.memory_space<semaphore_mem>>) src(%dma_wait3A_217 : memref<80x128xf32, #tpu.memory_space<vmem_shared>>) dst(%dma_wait3A_215 : memref<80x128xf32, #tpu.memory_space<hbm>>)
    return
  }
}

module attributes {stable_mosaic.version = 14 : i64} {
  func.func @_pre_body(%arg0: i32, %arg1: memref<1000x128xf32, #tpu.memory_space<vmem>>, %arg2: memref<128x384xf32, #tpu.memory_space<vmem>>, %arg3: memref<1000x128xf32, #tpu.memory_space<vmem>>, %arg4: memref<1000x128xf32, #tpu.memory_space<vmem>>, %arg5: memref<1000x128xf32, #tpu.memory_space<vmem>>) attributes {dimension_semantics = [#tpu.dimension_semantics<arbitrary>], iteration_bounds = array<i64: 10>, scalar_prefetch = 0 : i64, scratch_operands = 0 : i64, tpu.core_type = #tpu.core_type<tc>, window_params = [{transform_indices = @transform_0, window_bounds = array<i64: 1000, 128>}, {pipeline_mode = #tpu.pipeline_mode<synchronous>, transform_indices = @transform_1, window_bounds = array<i64: 128, 384>}, {transform_indices = @transform_2, window_bounds = array<i64: 1000, 128>}, {transform_indices = @transform_3, window_bounds = array<i64: 1000, 128>}, {transform_indices = @transform_4, window_bounds = array<i64: 1000, 128>}]} {
    %get3A = arith.constant 0 : index
    %get3A_0 = arith.constant 0 : index
    %get3A_1 = vector.load %arg1[%get3A, %get3A_0] : memref<1000x128xf32, #tpu.memory_space<vmem>>, vector<1000x128xf32>
    %reduce_sum3A = arith.constant dense<0.000000e+00> : vector<1000xf32>
    %reduce_sum3A_2 = vector.multi_reduction <add>, %get3A_1, %reduce_sum3A [1] : vector<1000x128xf32> to vector<1000xf32>
    %broadcast_in_dim3A = vector.shape_cast %reduce_sum3A_2 : vector<1000xf32> to vector<1000x1xf32>
    %div3A = arith.constant 1.280000e+02 : f32
    %div3A_3 = vector.broadcast %div3A : f32 to vector<1000x1xf32>
    %div3A_4 = arith.divf %broadcast_in_dim3A, %div3A_3 : vector<1000x1xf32>
    %sub3A = vector.broadcast %div3A_4 : vector<1000x1xf32> to vector<1000x128xf32>
    %sub3A_5 = arith.subf %get3A_1, %sub3A : vector<1000x128xf32>
    %integer_pow3A = arith.mulf %sub3A_5, %sub3A_5 : vector<1000x128xf32>
    %reduce_sum3A_6 = arith.constant dense<0.000000e+00> : vector<1000xf32>
    %reduce_sum3A_7 = vector.multi_reduction <add>, %integer_pow3A, %reduce_sum3A_6 [1] : vector<1000x128xf32> to vector<1000xf32>
    %broadcast_in_dim3A_8 = vector.shape_cast %reduce_sum3A_7 : vector<1000xf32> to vector<1000x1xf32>
    %div3A_9 = arith.constant 1.280000e+02 : f32
    %div3A_10 = vector.broadcast %div3A_9 : f32 to vector<1000x1xf32>
    %div3A_11 = arith.divf %broadcast_in_dim3A_8, %div3A_10 : vector<1000x1xf32>
    %sub3A_12 = vector.broadcast %div3A_4 : vector<1000x1xf32> to vector<1000x128xf32>
    %sub3A_13 = arith.subf %get3A_1, %sub3A_12 : vector<1000x128xf32>
    %add3A = arith.constant 9.99999974E-6 : f32
    %add3A_14 = vector.broadcast %add3A : f32 to vector<1000x1xf32>
    %add3A_15 = arith.addf %div3A_11, %add3A_14 : vector<1000x1xf32>
    %rsqrt3A = math.rsqrt %add3A_15 : vector<1000x1xf32>
    %mul3A = vector.broadcast %rsqrt3A : vector<1000x1xf32> to vector<1000x128xf32>
    %mul3A_16 = arith.mulf %sub3A_13, %mul3A : vector<1000x128xf32>
    %get3A_17 = arith.constant 0 : index
    %get3A_18 = arith.constant 0 : index
    %get3A_19 = vector.load %arg2[%get3A_17, %get3A_18] : memref<128x384xf32, #tpu.memory_space<vmem>>, vector<128x384xf32>
    %dot_general3A = arith.constant dense<0.000000e+00> : vector<1000x384xf32>
    %dot_general3A_20 = tpu.matmul %mul3A_16, %get3A_19, %dot_general3A {dimension_numbers = #tpu.dot_dimension_numbers<[1], [0], [0], [1], [0, 0, 1, 1], [], []>, transpose_lhs_hint = false} : vector<1000x128xf32>, vector<128x384xf32>, vector<1000x384xf32> -> vector<1000x384xf32>
    %slice3A = vector.extract_strided_slice %dot_general3A_20 {offsets = [0, 0], sizes = [1000, 128], strides = [1, 1]} : vector<1000x384xf32> to vector<1000x128xf32>
    %mul3A_21 = arith.constant 2.500000e-01 : f32
    %mul3A_22 = vector.broadcast %mul3A_21 : f32 to vector<1000x128xf32>
    %mul3A_23 = arith.mulf %slice3A, %mul3A_22 : vector<1000x128xf32>
    %swap3A = arith.constant 0 : index
    %swap3A_24 = arith.constant 0 : index
    %swap3A_25 = vector.load %arg3[%swap3A, %swap3A_24] : memref<1000x128xf32, #tpu.memory_space<vmem>>, vector<1000x128xf32>
    tpu.vector_store %arg3[%swap3A, %swap3A_24], %mul3A_23 {strides = array<i32>} : memref<1000x128xf32, #tpu.memory_space<vmem>>, vector<1000x128xf32>,
    %slice3A_26 = vector.extract_strided_slice %dot_general3A_20 {offsets = [0, 128], sizes = [1000, 128], strides = [1, 1]} : vector<1000x384xf32> to vector<1000x128xf32>
    %swap3A_27 = arith.constant 0 : index
    %swap3A_28 = arith.constant 0 : index
    %swap3A_29 = vector.load %arg4[%swap3A_27, %swap3A_28] : memref<1000x128xf32, #tpu.memory_space<vmem>>, vector<1000x128xf32>
    tpu.vector_store %arg4[%swap3A_27, %swap3A_28], %slice3A_26 {strides = array<i32>} : memref<1000x128xf32, #tpu.memory_space<vmem>>, vector<1000x128xf32>,
    %slice3A_30 = vector.extract_strided_slice %dot_general3A_20 {offsets = [0, 256], sizes = [1000, 128], strides = [1, 1]} : vector<1000x384xf32> to vector<1000x128xf32>
    %swap3A_31 = arith.constant 0 : index
    %swap3A_32 = arith.constant 0 : index
    %swap3A_33 = vector.load %arg5[%swap3A_31, %swap3A_32] : memref<1000x128xf32, #tpu.memory_space<vmem>>, vector<1000x128xf32>
    tpu.vector_store %arg5[%swap3A_31, %swap3A_32], %slice3A_30 {strides = array<i32>} : memref<1000x128xf32, #tpu.memory_space<vmem>>, vector<1000x128xf32>,
    return
  }
  func.func @transform_0(%arg0: i32) -> (i32, i32) {
    %c0_i32 = arith.constant 0 : i32
    %c0_i32_0 = arith.constant 0 : i32
    return %arg0, %c0_i32 : i32, i32
  }
  func.func @transform_1(%arg0: i32) -> (i32, i32) {
    %c0_i32 = arith.constant 0 : i32
    %c0_i32_0 = arith.constant 0 : i32
    %c0_i32_1 = arith.constant 0 : i32
    return %c0_i32, %c0_i32_0 : i32, i32
  }
  func.func @transform_2(%arg0: i32) -> (i32, i32) {
    %c0_i32 = arith.constant 0 : i32
    %c0_i32_0 = arith.constant 0 : i32
    return %arg0, %c0_i32 : i32, i32
  }
  func.func @transform_3(%arg0: i32) -> (i32, i32) {
    %c0_i32 = arith.constant 0 : i32
    %c0_i32_0 = arith.constant 0 : i32
    return %arg0, %c0_i32 : i32, i32
  }
  func.func @transform_4(%arg0: i32) -> (i32, i32) {
    %c0_i32 = arith.constant 0 : i32
    %c0_i32_0 = arith.constant 0 : i32
    return %arg0, %c0_i32 : i32, i32
  }
}

module attributes {stable_mosaic.version = 14 : i64} {
  func.func @_post_body(%arg0: i32, %arg1: memref<1000x128xf32, #tpu.memory_space<vmem>>, %arg2: memref<1000x128xf32, #tpu.memory_space<vmem>>, %arg3: memref<1000x128xf32, #tpu.memory_space<vmem>>, %arg4: memref<128x128xf32, #tpu.memory_space<vmem>>, %arg5: memref<128x512xf32, #tpu.memory_space<vmem>>, %arg6: memref<512x128xf32, #tpu.memory_space<vmem>>, %arg7: memref<1000x128xf32, #tpu.memory_space<vmem>>) attributes {dimension_semantics = [#tpu.dimension_semantics<arbitrary>], iteration_bounds = array<i64: 10>, scalar_prefetch = 0 : i64, scratch_operands = 0 : i64, tpu.core_type = #tpu.core_type<tc>, window_params = [{transform_indices = @transform_0, window_bounds = array<i64: 1000, 128>}, {transform_indices = @transform_1, window_bounds = array<i64: 1000, 128>}, {transform_indices = @transform_2, window_bounds = array<i64: 1000, 128>}, {pipeline_mode = #tpu.pipeline_mode<synchronous>, transform_indices = @transform_3, window_bounds = array<i64: 128, 128>}, {pipeline_mode = #tpu.pipeline_mode<synchronous>, transform_indices = @transform_4, window_bounds = array<i64: 128, 512>}, {pipeline_mode = #tpu.pipeline_mode<synchronous>, transform_indices = @transform_5, window_bounds = array<i64: 512, 128>}, {transform_indices = @transform_6, window_bounds = array<i64: 1000, 128>}]} {
    %get3A = arith.constant 0 : index
    %get3A_0 = arith.constant 0 : index
    %get3A_1 = vector.load %arg2[%get3A, %get3A_0] : memref<1000x128xf32, #tpu.memory_space<vmem>>, vector<1000x128xf32>
    %get3A_2 = arith.constant 0 : index
    %get3A_3 = arith.constant 0 : index
    %get3A_4 = vector.load %arg3[%get3A_2, %get3A_3] : memref<1000x128xf32, #tpu.memory_space<vmem>>, vector<1000x128xf32>
    %add3A = arith.constant 9.99999971E-10 : f32
    %add3A_5 = vector.broadcast %add3A : f32 to vector<1000x128xf32>
    %add3A_6 = arith.addf %get3A_4, %add3A_5 : vector<1000x128xf32>
    %div3A = arith.divf %get3A_1, %add3A_6 : vector<1000x128xf32>
    %get3A_7 = arith.constant 0 : index
    %get3A_8 = arith.constant 0 : index
    %get3A_9 = vector.load %arg1[%get3A_7, %get3A_8] : memref<1000x128xf32, #tpu.memory_space<vmem>>, vector<1000x128xf32>
    %get3A_10 = arith.constant 0 : index
    %get3A_11 = arith.constant 0 : index
    %get3A_12 = vector.load %arg4[%get3A_10, %get3A_11] : memref<128x128xf32, #tpu.memory_space<vmem>>, vector<128x128xf32>
    %dot_general3A = arith.constant dense<0.000000e+00> : vector<1000x128xf32>
    %dot_general3A_13 = tpu.matmul %div3A, %get3A_12, %dot_general3A {dimension_numbers = #tpu.dot_dimension_numbers<[1], [0], [0], [1], [0, 0, 1, 1], [], []>, transpose_lhs_hint = false} : vector<1000x128xf32>, vector<128x128xf32>, vector<1000x128xf32> -> vector<1000x128xf32>
    %add3A_14 = arith.addf %get3A_9, %dot_general3A_13 : vector<1000x128xf32>
    %reduce_sum3A = arith.constant dense<0.000000e+00> : vector<1000xf32>
    %reduce_sum3A_15 = vector.multi_reduction <add>, %add3A_14, %reduce_sum3A [1] : vector<1000x128xf32> to vector<1000xf32>
    %broadcast_in_dim3A = vector.shape_cast %reduce_sum3A_15 : vector<1000xf32> to vector<1000x1xf32>
    %div3A_16 = arith.constant 1.280000e+02 : f32
    %div3A_17 = vector.broadcast %div3A_16 : f32 to vector<1000x1xf32>
    %div3A_18 = arith.divf %broadcast_in_dim3A, %div3A_17 : vector<1000x1xf32>
    %sub3A = vector.broadcast %div3A_18 : vector<1000x1xf32> to vector<1000x128xf32>
    %sub3A_19 = arith.subf %add3A_14, %sub3A : vector<1000x128xf32>
    %integer_pow3A = arith.mulf %sub3A_19, %sub3A_19 : vector<1000x128xf32>
    %reduce_sum3A_20 = arith.constant dense<0.000000e+00> : vector<1000xf32>
    %reduce_sum3A_21 = vector.multi_reduction <add>, %integer_pow3A, %reduce_sum3A_20 [1] : vector<1000x128xf32> to vector<1000xf32>
    %broadcast_in_dim3A_22 = vector.shape_cast %reduce_sum3A_21 : vector<1000xf32> to vector<1000x1xf32>
    %div3A_23 = arith.constant 1.280000e+02 : f32
    %div3A_24 = vector.broadcast %div3A_23 : f32 to vector<1000x1xf32>
    %div3A_25 = arith.divf %broadcast_in_dim3A_22, %div3A_24 : vector<1000x1xf32>
    %sub3A_26 = vector.broadcast %div3A_18 : vector<1000x1xf32> to vector<1000x128xf32>
    %sub3A_27 = arith.subf %add3A_14, %sub3A_26 : vector<1000x128xf32>
    %add3A_28 = arith.constant 9.99999974E-6 : f32
    %add3A_29 = vector.broadcast %add3A_28 : f32 to vector<1000x1xf32>
    %add3A_30 = arith.addf %div3A_25, %add3A_29 : vector<1000x1xf32>
    %rsqrt3A = math.rsqrt %add3A_30 : vector<1000x1xf32>
    %mul3A = vector.broadcast %rsqrt3A : vector<1000x1xf32> to vector<1000x128xf32>
    %mul3A_31 = arith.mulf %sub3A_27, %mul3A : vector<1000x128xf32>
    %get3A_32 = arith.constant 0 : index
    %get3A_33 = arith.constant 0 : index
    %get3A_34 = vector.load %arg5[%get3A_32, %get3A_33] : memref<128x512xf32, #tpu.memory_space<vmem>>, vector<128x512xf32>
    %dot_general3A_35 = arith.constant dense<0.000000e+00> : vector<1000x512xf32>
    %dot_general3A_36 = tpu.matmul %mul3A_31, %get3A_34, %dot_general3A_35 {dimension_numbers = #tpu.dot_dimension_numbers<[1], [0], [0], [1], [0, 0, 1, 1], [], []>, transpose_lhs_hint = false} : vector<1000x128xf32>, vector<128x512xf32>, vector<1000x512xf32> -> vector<1000x512xf32>
    %max3A = arith.constant 0.000000e+00 : f32
    %max3A_37 = vector.broadcast %max3A : f32 to vector<1000x512xf32>
    %max3A_38 = arith.maximumf %dot_general3A_36, %max3A_37 : vector<1000x512xf32>
    %get3A_39 = arith.constant 0 : index
    %get3A_40 = arith.constant 0 : index
    %get3A_41 = vector.load %arg6[%get3A_39, %get3A_40] : memref<512x128xf32, #tpu.memory_space<vmem>>, vector<512x128xf32>
    %dot_general3A_42 = arith.constant dense<0.000000e+00> : vector<1000x128xf32>
    %dot_general3A_43 = tpu.matmul %max3A_38, %get3A_41, %dot_general3A_42 {dimension_numbers = #tpu.dot_dimension_numbers<[1], [0], [0], [1], [0, 0, 1, 1], [], []>, transpose_lhs_hint = false} : vector<1000x512xf32>, vector<512x128xf32>, vector<1000x128xf32> -> vector<1000x128xf32>
    %add3A_44 = arith.addf %add3A_14, %dot_general3A_43 : vector<1000x128xf32>
    %swap3A = arith.constant 0 : index
    %swap3A_45 = arith.constant 0 : index
    %swap3A_46 = vector.load %arg7[%swap3A, %swap3A_45] : memref<1000x128xf32, #tpu.memory_space<vmem>>, vector<1000x128xf32>
    tpu.vector_store %arg7[%swap3A, %swap3A_45], %add3A_44 {strides = array<i32>} : memref<1000x128xf32, #tpu.memory_space<vmem>>, vector<1000x128xf32>,
    return
  }
  func.func @transform_0(%arg0: i32) -> (i32, i32) {
    %c0_i32 = arith.constant 0 : i32
    %c0_i32_0 = arith.constant 0 : i32
    return %arg0, %c0_i32 : i32, i32
  }
  func.func @transform_1(%arg0: i32) -> (i32, i32) {
    %c0_i32 = arith.constant 0 : i32
    %c0_i32_0 = arith.constant 0 : i32
    return %arg0, %c0_i32 : i32, i32
  }
  func.func @transform_2(%arg0: i32) -> (i32, i32) {
    %c0_i32 = arith.constant 0 : i32
    %c0_i32_0 = arith.constant 0 : i32
    return %arg0, %c0_i32 : i32, i32
  }
  func.func @transform_3(%arg0: i32) -> (i32, i32) {
    %c0_i32 = arith.constant 0 : i32
    %c0_i32_0 = arith.constant 0 : i32
    %c0_i32_1 = arith.constant 0 : i32
    return %c0_i32, %c0_i32_0 : i32, i32
  }
  func.func @transform_4(%arg0: i32) -> (i32, i32) {
    %c0_i32 = arith.constant 0 : i32
    %c0_i32_0 = arith.constant 0 : i32
    %c0_i32_1 = arith.constant 0 : i32
    return %c0_i32, %c0_i32_0 : i32, i32
  }
  func.func @transform_5(%arg0: i32) -> (i32, i32) {
    %c0_i32 = arith.constant 0 : i32
    %c0_i32_0 = arith.constant 0 : i32
    %c0_i32_1 = arith.constant 0 : i32
    return %c0_i32, %c0_i32_0 : i32, i32
  }
  func.func @transform_6(%arg0: i32) -> (i32, i32) {
    %c0_i32 = arith.constant 0 : i32
    %c0_i32_0 = arith.constant 0 : i32
    return %arg0, %c0_i32 : i32, i32
  }
}

module attributes {stable_mosaic.version = 14 : i64} {
  func.func @_gen_body(%arg0: i32, %arg1: memref<1000x128xf32, #tpu.memory_space<vmem>>, %arg2: memref<128x1000xf32, #tpu.memory_space<vmem>>, %arg3: memref<1000x1000xf32, #tpu.memory_space<vmem>>) attributes {dimension_semantics = [#tpu.dimension_semantics<arbitrary>], iteration_bounds = array<i64: 10>, scalar_prefetch = 0 : i64, scratch_operands = 0 : i64, tpu.core_type = #tpu.core_type<tc>, window_params = [{transform_indices = @transform_0, window_bounds = array<i64: 1000, 128>}, {pipeline_mode = #tpu.pipeline_mode<synchronous>, transform_indices = @transform_1, window_bounds = array<i64: 128, 1000>}, {transform_indices = @transform_2, window_bounds = array<i64: 1000, 1000>}]} {
    %get3A = arith.constant 0 : index
    %get3A_0 = arith.constant 0 : index
    %get3A_1 = vector.load %arg1[%get3A, %get3A_0] : memref<1000x128xf32, #tpu.memory_space<vmem>>, vector<1000x128xf32>
    %reduce_sum3A = arith.constant dense<0.000000e+00> : vector<1000xf32>
    %reduce_sum3A_2 = vector.multi_reduction <add>, %get3A_1, %reduce_sum3A [1] : vector<1000x128xf32> to vector<1000xf32>
    %broadcast_in_dim3A = vector.shape_cast %reduce_sum3A_2 : vector<1000xf32> to vector<1000x1xf32>
    %div3A = arith.constant 1.280000e+02 : f32
    %div3A_3 = vector.broadcast %div3A : f32 to vector<1000x1xf32>
    %div3A_4 = arith.divf %broadcast_in_dim3A, %div3A_3 : vector<1000x1xf32>
    %sub3A = vector.broadcast %div3A_4 : vector<1000x1xf32> to vector<1000x128xf32>
    %sub3A_5 = arith.subf %get3A_1, %sub3A : vector<1000x128xf32>
    %integer_pow3A = arith.mulf %sub3A_5, %sub3A_5 : vector<1000x128xf32>
    %reduce_sum3A_6 = arith.constant dense<0.000000e+00> : vector<1000xf32>
    %reduce_sum3A_7 = vector.multi_reduction <add>, %integer_pow3A, %reduce_sum3A_6 [1] : vector<1000x128xf32> to vector<1000xf32>
    %broadcast_in_dim3A_8 = vector.shape_cast %reduce_sum3A_7 : vector<1000xf32> to vector<1000x1xf32>
    %div3A_9 = arith.constant 1.280000e+02 : f32
    %div3A_10 = vector.broadcast %div3A_9 : f32 to vector<1000x1xf32>
    %div3A_11 = arith.divf %broadcast_in_dim3A_8, %div3A_10 : vector<1000x1xf32>
    %sub3A_12 = vector.broadcast %div3A_4 : vector<1000x1xf32> to vector<1000x128xf32>
    %sub3A_13 = arith.subf %get3A_1, %sub3A_12 : vector<1000x128xf32>
    %add3A = arith.constant 9.99999974E-6 : f32
    %add3A_14 = vector.broadcast %add3A : f32 to vector<1000x1xf32>
    %add3A_15 = arith.addf %div3A_11, %add3A_14 : vector<1000x1xf32>
    %rsqrt3A = math.rsqrt %add3A_15 : vector<1000x1xf32>
    %mul3A = vector.broadcast %rsqrt3A : vector<1000x1xf32> to vector<1000x128xf32>
    %mul3A_16 = arith.mulf %sub3A_13, %mul3A : vector<1000x128xf32>
    %get3A_17 = arith.constant 0 : index
    %get3A_18 = arith.constant 0 : index
    %get3A_19 = vector.load %arg2[%get3A_17, %get3A_18] : memref<128x1000xf32, #tpu.memory_space<vmem>>, vector<128x1000xf32>
    %dot_general3A = arith.constant dense<0.000000e+00> : vector<1000x1000xf32>
    %dot_general3A_20 = tpu.matmul %mul3A_16, %get3A_19, %dot_general3A {dimension_numbers = #tpu.dot_dimension_numbers<[1], [0], [0], [1], [0, 0, 1, 1], [], []>, transpose_lhs_hint = false} : vector<1000x128xf32>, vector<128x1000xf32>, vector<1000x1000xf32> -> vector<1000x1000xf32>
    %reduce_max3A = arith.constant dense<0xFF800000> : vector<1000xf32>
    %reduce_max3A_21 = vector.multi_reduction <maximumf>, %dot_general3A_20, %reduce_max3A [1] : vector<1000x1000xf32> to vector<1000xf32>
    %broadcast_in_dim3A_22 = vector.shape_cast %reduce_max3A_21 : vector<1000xf32> to vector<1000x1xf32>
    %sub3A_23 = vector.broadcast %broadcast_in_dim3A_22 : vector<1000x1xf32> to vector<1000x1000xf32>
    %sub3A_24 = arith.subf %dot_general3A_20, %sub3A_23 : vector<1000x1000xf32>
    %exp3A = math.exp %sub3A_24 : vector<1000x1000xf32>
    %sub3A_25 = vector.broadcast %broadcast_in_dim3A_22 : vector<1000x1xf32> to vector<1000x1000xf32>
    %sub3A_26 = arith.subf %dot_general3A_20, %sub3A_25 : vector<1000x1000xf32>
    %reduce_sum3A_27 = arith.constant dense<0.000000e+00> : vector<1000xf32>
    %reduce_sum3A_28 = vector.multi_reduction <add>, %exp3A, %reduce_sum3A_27 [1] : vector<1000x1000xf32> to vector<1000xf32>
    %broadcast_in_dim3A_29 = vector.shape_cast %reduce_sum3A_28 : vector<1000xf32> to vector<1000x1xf32>
    %log3A = math.log %broadcast_in_dim3A_29 : vector<1000x1xf32>
    %sub3A_30 = vector.broadcast %log3A : vector<1000x1xf32> to vector<1000x1000xf32>
    %sub3A_31 = arith.subf %sub3A_26, %sub3A_30 : vector<1000x1000xf32>
    %swap3A = arith.constant 0 : index
    %swap3A_32 = arith.constant 0 : index
    %swap3A_33 = vector.load %arg3[%swap3A, %swap3A_32] : memref<1000x1000xf32, #tpu.memory_space<vmem>>, vector<1000x1000xf32>
    tpu.vector_store %arg3[%swap3A, %swap3A_32], %sub3A_31 {strides = array<i32>} : memref<1000x1000xf32, #tpu.memory_space<vmem>>, vector<1000x1000xf32>,
    return
  }
  func.func @transform_0(%arg0: i32) -> (i32, i32) {
    %c0_i32 = arith.constant 0 : i32
    %c0_i32_0 = arith.constant 0 : i32
    return %arg0, %c0_i32 : i32, i32
  }
  func.func @transform_1(%arg0: i32) -> (i32, i32) {
    %c0_i32 = arith.constant 0 : i32
    %c0_i32_0 = arith.constant 0 : i32
    %c0_i32_1 = arith.constant 0 : i32
    return %c0_i32, %c0_i32_0 : i32, i32
  }
  func.func @transform_2(%arg0: i32) -> (i32, i32) {
    %c0_i32 = arith.constant 0 : i32
    %c0_i32_0 = arith.constant 0 : i32
    return %arg0, %c0_i32 : i32, i32
  }
}

</mosaic_0001>

<sc_bundles>
// kernel: kernel.10.cloned.1.call-start
scs
__scs_entry_jumppad:
0x0: {  	(pc) =	sbr.rel $0x88, $3  }
0x1: {  	(tag) =	ssettag $0x0;
	lr =	simm.s32 $0x1  }
0x2: {  	[smem:$0x3F96] =	sst lr;
	_ =	strace $0xD0000000  }
0x3: {  	_ = 	snop  }
0x4: {  	_ = 	snop  }
0x5: {  	_ = 	snop  }
0x6: {  	_ = 	snop  }
0x7: {  	_ = 	snop  }
__scs_overlays_trampoline_lowered:
0x8: {  	[smem:$0x3FA5] =	sst s0  }
0x9: {  	[smem:$0x3FA6] =	sst s1  }
0xa: {  	[smem:$0x3FA7] =	sst s2  }
0xb: {  	[smem:$0x3FA8] =	sst s3  }
0xc: {  	[smem:$0x3FA9] =	sst s4  }
0xd: {  	[smem:$0x3FAA] =	sst s5  }
0xe: {  	[smem:$0x3FAB] =	sst s6  }
0xf: {  	[smem:$0x3FAC] =	sst s7  }
0x10: {  	[smem:$0x3FAD] =	sst s8  }
0x11: {  	[smem:$0x3FAE] =	sst s9;
	s0 =	simm.s32 @!p0 $0x0  }
0x12: {  	s1 =	sld [smem:$0x3F94];
	s0 =	simm.s32 @p0 $0x1  }
0x13: {  	[smem:$0x3FAF] =	sst s0;
	s0 =	simm.s32 @!p1 $0x0  }
0x14: {  	s2 =	sld [smem:$0x3F93];
	s0 =	simm.s32 @p1 $0x1  }
0x15: {  	[smem:$0x3FB0] =	sst s0;
	s0 =	simm.s32 @!p2 $0x0  }
0x16: {  	s3 =	sld [smem:$0x3FDB];
	s0 =	simm.s32 @p2 $0x1  }
0x17: {  	s4 =	simm.s32 $0x1BF5;
	[smem:$0x3FB2] =	sst s0  }
0x18: {  	s0 =	sld [smem:$0x3F95];
	_ =	swait.ge [sflag:s4], $0x0  }
0x19: {  	s7 =	sld [smem:$0x3F96]  }
0x1a: {  	s8 =	sadd.s32 $0xFFFFE003, lr  }
0x1b: {  	s9 =	sadd.s32 $0xFFFFFEF7, lr;
	s5 =	simm.s32 $0xFFFFFFFF;
	p2 =	slt.u32 s8, $0xFFFFF086  }
0x1c: {  	p1 =	slt.u32 s9, $0xF7A;
	s5 =	simm.s32 @!p2 $0x0  }
0x1d: {  	s5 =	simm.s32 @p1 $0x1;
	p0 =	seq.s32 s7, s2  }
0x1e: {  	s7 =	smul.u32 @!p0 $0xF7A, s2;
	p2 =	seq.s32 @!p0 s5, $0x0  }
0x1f: {  	s9 =	smul.u32 $0xF7A, s1;
	s8 =	simm.s32 @!p0 $0x1BF5;
	p2 =	por !p2, p0  }
0x20: {  	[sflag:s8] =	ssyncset.s32 @!p0 $0xFFFFF086;
	s6 =	sadd.s32 @!p0 s3, s7;
	s7 =	simm.s32 @!p0 $0x108  }
0x21: {  	s3 =	sadd.s32 s3, s9;
	s6 =	sadd.s32 @!p0 $0x88, s6;
	s7 =	simm.s32 @p2 $0x1082  }
0x22: {  	[simem:s7], [sflag:s8] =	dma.local @!p0 [hbm:s6], $0xF7A  }
0x23: {  	s9 =	sor.u32 $0xD0000000, s2;
	s6 =	simm.s32 $0x108;
	_ =	swait.ge @!p0 [sflag:s8], $0x0  }
0x24: {  	s3 =	sadd.s32 $0x88, s3;
	s6 =	simm.s32 @!p1 $0x1082;
	[sflag:s4] =	ssyncset.s32 $0xFFFFF086  }
0x25: {  	[simem:s6], [sflag:s4] =	dma.local [hbm:s3], $0xF7A  }
0x26: {  	[smem:$0x3F96] =	sst s1;
	(tag) =	ssettag s2;
	_ =	strace s9  }
0x27: {  	s1 =	sld [smem:$0x3FA6]  }
0x28: {  	s2 =	sld [smem:$0x3FA7]  }
0x29: {  	s4 =	sld [smem:$0x3FA9]  }
0x2a: {  	p0 =	seq.s32 s5, $0x0;
	s5 =	sld [smem:$0x3FAA]  }
0x2b: {  	s6 =	sld [smem:$0x3FAB]  }
0x2c: {  	s7 =	sld [smem:$0x3FAC]  }
0x2d: {  	s3 =	simm.s32 $0x108;
	s8 =	sld [smem:$0x3FAD]  }
0x2e: {  	s3 =	simm.s32 @!p0 $0x1082;
	s9 =	sld [smem:$0x3FAE]  }
0x2f: {  	lr =	sadd.s32 s0, s3;
	s0 =	sld [smem:$0x3FA5]  }
0x30: {  	s3 =	sld [smem:$0x3FA8]  }
0x31: {  	[smem:$0x3FB1] =	sst s10  }
0x32: {  	s10 =	sld [smem:$0x3FAF];
	_ =	sdelay $0x3  }
0x33: {  	p0 =	seq.s32 s10, $0x1;
	s10 =	sld [smem:$0x3FB1];
	_ =	sdelay $0x3  }
0x34: {  	[smem:$0x3FB1] =	sst s10  }
0x35: {  	s10 =	sld [smem:$0x3FB0];
	_ =	sdelay $0x3  }
0x36: {  	p1 =	seq.s32 s10, $0x1;
	s10 =	sld [smem:$0x3FB1];
	_ =	sdelay $0x3  }
0x37: {  	[smem:$0x3FB1] =	sst s10  }
0x38: {  	s10 =	sld [smem:$0x3FB2]  }
0x39: {  	_ = 	snop;
	(pc) =	sbr.ind lr, $3  }
0x3a: {  	_ = 	snop  }
0x3b: {  	_ = 	snop  }
0x3c: {  	p2 =	seq.s32 s10, $0x1;
	s10 =	sld [smem:$0x3FB1]  }
0x3d: {  	_ =	shalt  }
0x3e: {  	_ =	shalt  }
0x3f: {  	_ =	shalt  }
0x40: {  	_ =	shalt  }
0x41: {  	_ =	shalt  }
0x42: {  	_ =	shalt  }
0x43: {  	_ =	shalt  }
0x44: {  	_ =	shalt  }
0x45: {  	_ =	shalt  }
0x46: {  	_ =	shalt  }
0x47: {  	_ =	shalt  }
0x48: {  	_ =	shalt  }
0x49: {  	_ =	shalt  }
0x4a: {  	_ =	shalt  }
0x4b: {  	_ =	shalt  }
0x4c: {  	_ =	shalt  }
0x4d: {  	_ =	shalt  }
0x4e: {  	_ =	shalt  }
0x4f: {  	_ =	shalt  }
0x50: {  	_ =	shalt  }
0x51: {  	_ =	shalt  }
0x52: {  	_ =	shalt  }
0x53: {  	_ =	shalt  }
0x54: {  	_ =	shalt  }
0x55: {  	_ =	shalt  }
0x56: {  	_ =	shalt  }
0x57: {  	_ =	shalt  }
0x58: {  	_ =	shalt  }
0x59: {  	_ =	shalt  }
0x5a: {  	_ =	shalt  }
0x5b: {  	_ =	shalt  }
0x5c: {  	_ =	shalt  }
0x5d: {  	_ =	shalt  }
0x5e: {  	_ =	shalt  }
0x5f: {  	_ =	shalt  }
0x60: {  	_ =	shalt  }
0x61: {  	_ =	shalt  }
0x62: {  	_ =	shalt  }
0x63: {  	_ =	shalt  }
0x64: {  	_ =	shalt  }
0x65: {  	_ =	shalt  }
0x66: {  	_ =	shalt  }
0x67: {  	_ =	shalt  }
0x68: {  	_ =	shalt  }
0x69: {  	_ =	shalt  }
0x6a: {  	_ =	shalt  }
0x6b: {  	_ =	shalt  }
0x6c: {  	_ =	shalt  }
0x6d: {  	_ =	shalt  }
0x6e: {  	_ =	shalt  }
0x6f: {  	_ =	shalt  }
0x70: {  	_ =	shalt  }
0x71: {  	_ =	shalt  }
0x72: {  	_ =	shalt  }
0x73: {  	_ =	shalt  }
0x74: {  	_ =	shalt  }
0x75: {  	_ =	shalt  }
0x76: {  	_ =	shalt  }
0x77: {  	_ =	shalt  }
0x78: {  	_ =	shalt  }
0x79: {  	_ =	shalt  }
0x7a: {  	_ =	shalt  }
0x7b: {  	_ =	shalt  }
0x7c: {  	_ =	shalt  }
0x7d: {  	_ =	shalt  }
0x7e: {  	_ =	shalt  }
0x7f: {  	_ =	shalt  }
0x80: {  	_ =	shalt  }
0x81: {  	_ =	shalt  }
0x82: {  	_ =	shalt  }
0x83: {  	_ =	shalt  }
0x84: {  	_ =	shalt  }
0x85: {  	_ =	shalt  }
0x86: {  	_ =	shalt  }
0x87: {  	_ =	shalt  }
.Lfunc_end0:
.L_simem_size_0:
called_computation_lowered:
.L_overlay_start_0:
0x88: {  	s2 =	sld [smem:$0x3FD9]  }
0x89: {  	s3 =	sld [smem:$0x3FFE];
	_ =	sdelay $0x1  }
0x8a: {  	s1 =	srdreg.scid  }
0x8b: {  	s0 =	sand.u32 $0x1, s1  }
0x8c: {  	s18 =	sshll.u32 s0, $0xA;
	s2 =	sadd.s32 s3, s2  }
0x8d: {  	s2 =	sadd.s32 s2, s18  }
0x8e: {  	[smem:$0x3FBD] =	sst s2  }
0x8f: {  	_ = 	snop  }
0x90: {  	s2 =	sld [smem:$0x3FC9]  }
0x91: {  	s19 =	sld [smem:$0x3FC8]  }
0x92: {  	s4 =	sld [smem:$0x3FC6]  }
0x93: {  	s5 =	sld [smem:$0x3FC5]  }
0x94: {  	s6 =	sld [smem:$0x3FC4]  }
0x95: {  	s7 =	sld [smem:$0x3FD0];
	(tm) =	ssettm $0x1  }
0x96: {  	s8 =	sld [smem:$0x3FFB];
	_ =	sdelay $0x3  }
0x97: {  	_ =	strace s8  }
0x98: {  	s8 =	sld [smem:$0x3FFC];
	_ =	sdelay $0x3  }
0x99: {  	_ =	strace s8  }
0x9a: {  	s8 =	sld [smem:$0x3FFD];
	_ =	sdelay $0x3  }
0x9b: {  	_ =	strace s8  }
0x9c: {  	_ =	strace $0x8FFFFFFF  }
0x9d: {  	s20 =	sld [smem:$0x3FDB];
	_ =	sdelay $0x1  }
0x9e: {  	s9 =	simm.s32 $_scs_section_size  }
0x9f: {  	s10 =	simm.s32 $_size__tile_overlayer_lowered;
	s11 =	simm.s32 $_tile_overlayer_lowered  }
0xa0: {  	s23 =	simm.s32 $0x1BFF;
	s22 =	sshll.u32 s11, $0x1;
	s8 =	sadd.s32 s9, s20  }
0xa1: {  	s12 =	simm.s32 $0x0;
	s21 =	sshll.u32 s10, $0x1;
	s10 =	sadd.s32 s22, s8  }
0xa2: {  	[timem:s12], [sflag:s23] =	dma.local [hbm:s10], s21  }
0xa3: {  	_ =	swait.ge [sflag:s23], s21  }
0xa4: {  	s9 =	ssub.s32 $0x0, s21;
	[sflag:s23] =	ssyncset.done $0x0  }
0xa5: {  	[sflag:s23] =	ssyncadd.s32 s9;
	_ =	sdelay $0x1  }
0xa6: {  	s24 =	simm.s32 $0x1B8B  }
0xa7: {  	_ =	swait.ge [sflag:s24], $0x1  }
0xa8: {  	[sflag:s24] =	ssyncset.done $0x0  }
0xa9: {  	s25 =	simm.s32 $0x1B8E;
	[sflag:s24] =	ssyncadd.s32 $0xFFFFFFFF  }
0xaa: {  	s26 =	simm.s32 $execute0_lowered;
	[smem:$0x3FD2] =	sst s25  }
0xab: {  	s9 =	sshll.u32 s26, $0x1;
	_ =	strace $0x80000046;
	[dreg:$0x1] =	wrdreg $0xFFFFFFFF  }
0xac: {  	s28 =	simm.s32 $_size_execute0_lowered;
	s8 =	sadd.s32 s8, s9;
	[dreg:$0x0] =	wrdreg $0x0  }
0xad: {  	s9 =	sshll.u32 s28, $0x1;
	[dreg:$0x2] =	wrdreg s8  }
0xae: {  	[dreg:$0x3] =	wrdreg s9  }
0xaf: {  	[dreg:$0x4] =	wrdreg $0xC0  }
0xb0: {  	_ =	task [dreg:s12], $0x5FFFF  }
0xb1: {  	[dreg:$0x1] =	wrdreg $0xFFFFFFFF  }
0xb2: {  	[dreg:$0x0] =	wrdreg $0x60  }
0xb3: {  	[dreg:$0x2] =	wrdreg s2  }
0xb4: {  	[dreg:$0x3] =	wrdreg s19  }
0xb5: {  	[dreg:$0x4] =	wrdreg s4  }
0xb6: {  	[dreg:$0x5] =	wrdreg s5  }
0xb7: {  	[dreg:$0x6] =	wrdreg s6  }
0xb8: {  	[dreg:$0x7] =	wrdreg s7  }
0xb9: {  	[dreg:$0x8] =	wrdreg $0x9  }
0xba: {  	_ =	task.clear_ibuf [dreg:s12], $0x9FFFF;
	_ =	strace $0x90000046  }
0xbb: {  	s29 =	simm.s32 $0x9;
	_ =	strace $0x80000048  }
0xbc: {  	_ =	swait.ge [sflag:s29], $0x1  }
0xbd: {  	[sflag:s29] =	ssyncadd.s32 $0xFFFFFFFF  }
0xbe: {  	_ =	strace $0x90000048  }
0xbf: {  	_ =	sfence  }
0xc0: {  	s30 =	sld [smem:$0x0];
	_ =	sdelay $0x2  }
0xc1: {  	s31 =	sshll.u32 s1, $0xD;
	s1 =	sshrl.u32 s1, $0x2  }
0xc2: {  	s3 =	sand.u32 $0x4000, s31;
	s1 =	sadd.s32 s1, s30  }
0xc3: {  	s0 =	sor.u32 s3, s0;
	s1 =	sshll.u32 s1, $0x11  }
0xc4: {  	s0 =	sor.u32 s1, s0  }
0xc5: {  	s0 =	sadd.s32 $0x8F2B, s0  }
0xc6: {  	[sflag:s0] =	ssyncadd.remote.s32 $0x1  }
0xc7: {  	_ =	sfence.sel $0xFFFF  }
0xc8: {  	[dreg:$0x0] =	wrdreg $0xFFFFFFFF;
	(pc) =	sbr.abs _section_cstart, $3  }
0xc9: {  	[dreg:$0x1] =	wrdreg $0xFFFFFFFF  }
0xca: {  	_ =	task.clear_ibuf [dreg:s12], $0x2FFFF;
	_ =	strace $0x9FFFFFFF  }
0xcb: {  	(tm) =	ssettm $0x7FFFFFFF  }
tec
execute0_lowered:
.L_overlay_start_1:
0x0: {  	(tag) =	ssettag $0x1  }
0x1: {  	s0 =	rddreg [dreg:$0x0];
	s2 =	srdreg.scid  }
0x2: {  	s1 =	rddreg [dreg:$0x1];
	s5 =	stileid.u32;
	s2 =	sand.u32 $0x1, s2  }
0x3: {  	s4 =	rddreg [dreg:$0x5];
	s3 =	sshll.u32 s2, $0x4;
	s2 =	ssub.s32 $0x2, s2  }
0x4: {  	s6 =	simm.s32 $0x0;
	s3 =	sor.u32 s5, s3;
	s9 =	sshrl.u32 s2, $0x1  }
0x5: {  	[smem:$0x7FF] =	sst s6;
	s5 =	smul.u32 $0xA, s3;
	s2 =	ssub.s32 s2, s9  }
0x6: {  	_ =	strace $0x80000047;
	s18 =	smul.u32 $0x500, s3;
	s31 =	smax.u32 s2, $0x1  }
0x7: {  	s7 =	sor.u32 $0x20, s3;
	s19 =	sadd.s32 s0, s5;
	[smem:$0x7FD] =	sst s31  }
0x8: {  	s8 =	smul.u32 $0xA, s7;
	s5 =	sadd.s32 s1, s5;
	[dreg:$0x17] =	wrdreg s19  }
0x9: {  	s10 =	sor.u32 $0x40, s3;
	s6 =	sadd.s32 s4, s18;
	[dreg:$0x18] =	wrdreg s5  }
0xa: {  	s7 =	smul.u32 $0x500, s7;
	[dreg:$0x19] =	wrdreg s6;
	s23 =	sadd.s32 s0, s8  }
0xb: {  	s20 =	smul.u32 $0xA, s10;
	s8 =	sadd.s32 s1, s8;
	[dreg:$0x1a] =	wrdreg s23  }
0xc: {  	s22 =	sor.u32 $0x60, s3;
	s7 =	sadd.s32 s4, s7;
	[dreg:$0x1b] =	wrdreg s8  }
0xd: {  	s21 =	smul.u32 $0x500, s10;
	s26 =	sadd.s32 s0, s20;
	[dreg:$0x1c] =	wrdreg s7  }
0xe: {  	s24 =	smul.u32 $0xA, s22;
	s28 =	sadd.s32 s1, s20;
	[dreg:$0x1d] =	wrdreg s26  }
.Ltmp0:
0xf: {  	v0 =	vimm.s32 $0xECA86420;
	vm0 =	vcmask $0xB08;
	s5 =	sadd.s32 s4, s21;
	[dreg:$0x1e] =	wrdreg s28;
	(pc) =	sbr.rel .LBB2_1-.Ltmp0, $4  }
0x10: {  	vm1 =	vcmask $0x1310;
	vm2 =	vcmask $0x1B18;
	vm3 =	vcmask $0x300;
	s25 =	smul.u32 $0x500, s22;
	s0 =	sadd.s32 s0, s24;
	[dreg:$0x1f] =	wrdreg s5  }
0x11: {  	vm4 =	vcmask $0x2320;
	vm5 =	vcmask $0x2B28;
	v0 =	vunpack.c.l.s4.s8 v0;
	s29 =	sadd.s32 s1, s24;
	[smem:$0x7FA] =	sst s0  }
0x12: {  	vm6 =	vcmask $0x3330;
	v1 =	vlaneseq.u32;
	vm7 =	vcmask $0x3B38;
	p0 =	sgt.u32 s3, $0x1C;
	s30 =	sadd.s32 s4, s25;
	[smem:$0x7FB] =	sst s29  }
0x13: {  	vm8 =	vmmov $0xff;
	v1 =	vmul.u32 $0x2, v1;
	v0 =	vunpack.c.0.s8.s32 v0;
	s4 =	simm.s32 $0x80;
	s1 =	simm.s32 $0x0;
	[smem:$0x7FC] =	sst s30  }
.LBB2_18:
0x14: {  	v13 =	vld [tilespmem:s3+$0x29F0];
	[tilespmem:s1+$0x7990] =	vst v11;
	v2 =	vadd.f32 v10, v2  }
0x15: {  	v3 =	vadd.f32 v7, v3;
	v11 =	vld [tilespmem:s3+$0x180];
	[tilespmem:s1+$0x79A0] =	vst v12  }
0x16: {  	v6 =	vadd.f32 v8, v6;
	v49 =	vld [tilespmem:s3+$0x51F0];
	[tilespmem:s1+$0x79B0] =	vst v2  }
0x17: {  	v4 =	vadd.f32 v9, v4;
	v2 =	vld [tilespmem:s3+$0x2980];
	[tilespmem:s1+$0x79C0] =	vst v3  }
0x18: {  	v3 =	vld [tilespmem:s3+$0x190];
	[tilespmem:s1+$0x79D0] =	vst v6  }
0x19: {  	v6 =	vld [tilespmem:s3+$0x2990];
	[tilespmem:s1+$0x79E0] =	vst v4  }
0x1a: {  	v51 =	vld [tilespmem:s3+$0x1A0]  }
0x1b: {  	v52 =	vld [tilespmem:s3+$0x29A0]  }
0x1c: {  	v53 =	vld [tilespmem:s3+$0x1B0]  }
0x1d: {  	v54 =	vld [tilespmem:s3+$0x29B0]  }
0x1e: {  	v55 =	vld [tilespmem:s3+$0x1C0]  }
0x1f: {  	v56 =	vld [tilespmem:s3+$0x29C0]  }
0x20: {  	v12 =	vld [tilespmem:s3+$0x1D0]  }
0x21: {  	v57 =	vld [tilespmem:s3+$0x29D0]  }
0x22: {  	v14 =	vld [tilespmem:s3+$0x1E0]  }
0x23: {  	v15 =	vld [tilespmem:s3+$0x29E0]  }
0x24: {  	v16 =	vld [tilespmem:s3+$0x5180]  }
0x25: {  	v17 =	vld [tilespmem:s3+$0x5190]  }
0x26: {  	v50 =	vadd.f32 v13, v5;
	v18 =	vld [tilespmem:s3+$0x51A0]  }
0x27: {  	v58 =	vld [tilespmem:s3+$0x51B0];
	v2 =	vadd.f32 v2, v11  }
0x28: {  	v59 =	vld [tilespmem:s3+$0x51C0];
	v4 =	vadd.f32 v49, v50;
	v3 =	vadd.f32 v6, v3  }
0x29: {  	v60 =	vld [tilespmem:s3+$0x51D0];
	v5 =	vadd.f32 v52, v51;
	v2 =	vadd.f32 v16, v2  }
0x2a: {  	v61 =	vld [tilespmem:s3+$0x51E0];
	[tilespmem:s3+$0x79F0] =	vst v4;
	v8 =	vadd.f32 v54, v53;
	v3 =	vadd.f32 v17, v3  }
0x2b: {  	v4 =	vadd.f32 v56, v55;
	[tilespmem:s3+$0x7980] =	vst v2;
	v2 =	vadd.f32 v18, v5  }
0x2c: {  	v62 =	vadd.f32 v57, v12;
	[tilespmem:s3+$0x7990] =	vst v3;
	v3 =	vadd.f32 v58, v8  }
0x2d: {  	v63 =	vadd.f32 v15, v14;
	[tilespmem:s3+$0x79A0] =	vst v2;
	v2 =	vadd.f32 v59, v4  }
0x2e: {  	[tilespmem:s3+$0x79B0] =	vst v3;
	v3 =	vadd.f32 v60, v62  }
0x2f: {  	s30 =	sld [smem:$0x7FC];
	[tilespmem:s3+$0x79C0] =	vst v2;
	v2 =	vadd.f32 v61, v63  }
0x30: {  	[tilespmem:s3+$0x79D0] =	vst v3  }
0x31: {  	s0 =	simm.s32 $0x0;
	s2 =	simm.s32 $0x7980;
	s31 =	simm.s32 $0x2;
	[tilespmem:s3+$0x79E0] =	vst v2  }
0x32: {  	[hbm4b:s30+s0] =	stream.linear.scatter [tilespmem:s2], [sflag:$0x2], $0x2800, $0x38;
	[tilespmem:$0xA180] =	vst v63  }
0x33: {  	_ =	swait.ge [sflag:s31], $0x2800  }
0x34: {  	[sflag:s31] =	ssyncset.done $0x0  }
0x35: {  	s1 =	sld [smem:$0x7F9];
	[sflag:s31] =	ssyncadd.s32 $0xFFFFD800  }
.LBB2_19:
0x36: {  	s0 =	sld [smem:$0x7FD];
	_ =	sdelay $0x1  }
0x37: {  	s1 =	sadd.s32 $0x1, s1  }
0x38: {  	p1 =	sne.s32 s1, s0  }
.Ltmp1:
0x39: {  	_ = 	snop;
	(pc) =	sbr.rel @!p1 .LBB2_20-.Ltmp1, $1  }
0x3a: {  	_ =	sdelay $0x3  }
.LBB2_1:
0x3b: {  	[smem:$0x7F9] =	sst s1  }
0x3c: {  	s0 =	simm.s32 $0x0;
	s26 =	rddreg [dreg:$0x17];
	s2 =	simm.s32 $0x2  }
0x3d: {  	[tilespmem:s0], [sflag:$0x2] =	stream.linear.gather [hbm4b:s26+s0], $0x50, $0x38;
	[tilespmem:$0xA180] =	vst v63  }
0x3e: {  	_ =	swait.ge [sflag:s2], $0x50  }
0x3f: {  	[sflag:s2] =	ssyncset.done $0x0  }
0x40: {  	s31 =	rddreg [dreg:$0x18];
	[sflag:s2] =	ssyncadd.s32 $0xFFFFFFB0  }
0x41: {  	[tilespmem:s4], [sflag:$0x2] =	stream.linear.gather [hbm4b:s31+s0], $0x50, $0x38;
	[tilespmem:$0xA180] =	vst v63  }
0x42: {  	_ =	swait.ge [sflag:s2], $0x50  }
0x43: {  	[sflag:s2] =	ssyncset.done $0x0  }
0x44: {  	s28 =	simm.s32 $0x0;
	[sflag:s2] =	ssyncadd.s32 $0xFFFFFFB0  }
0x45: {  	v2 =	vld [tilespmem:s28+$0x80];
	_ =	sdelay $0x4  }
0x46: {  	(v2sf) =	vpush v2, $0x7  }
0x47: {  	(v2sf) =	vpush v2, $0x6  }
0x48: {  	(v2sf) =	vpush v2, $0xF  }
0x49: {  	(v2sf) =	vpush v2, $0xB  }
0x4a: {  	(v2sf) =	vpush v2, $0x5  }
0x4b: {  	(v2sf) =	vpush v2, $0xE;
	_ =	sdelay $0x5  }
0x4c: {  	(v2sf) =	vpush v2, $0xA  }
0x4d: {  	(v2sf) =	vpush v2, $0x4  }
0x4e: {  	(v2sf) =	vpush v2, $0xD  }
0x4f: {  	(v2sf) =	vpush v2, $0x9  }
0x50: {  	(v2sf) =	vpush v2, $0x3;
	s6 =	spop (v2sf)  }
0x51: {  	(v2sf) =	vpush v2, $0xC;
	s9 =	smulhi.u32 $0x55555556, s6;
	s7 =	spop (v2sf)  }
0x52: {  	(v2sf) =	vpush v2, $0x8;
	s29 =	smulhi.u32 $0x55555556, s7;
	s11 =	spop (v2sf)  }
0x53: {  	(v2sf) =	vpush v2, $0x2;
	s17 =	smulhi.u32 $0x55555556, s11;
	s10 =	spop (v2sf)  }
0x54: {  	(v2sf) =	vpush v2, $0x1;
	s16 =	smulhi.u32 $0x55555556, s10;
	s8 =	spop (v2sf)  }
0x55: {  	s1 =	simm.s32 $0x40;
	(v2sf) =	vpush v2, $0x0;
	s30 =	smulhi.u32 $0x55555556, s8;
	s5 =	spop (v2sf)  }
.LBB2_2:
0x56: {  	s13 =	smulhi.u32 $0x55555556, s5;
	s6 =	sshra.s32 s6, $0x1F  }
0x57: {  	s7 =	sshra.s32 s7, $0x1F;
	s6 =	smul.u32 $0x55555556, s6  }
0x58: {  	s11 =	sshra.s32 s11, $0x1F;
	s7 =	smul.u32 $0x55555556, s7  }
0x59: {  	s10 =	sshra.s32 s10, $0x1F;
	s11 =	smul.u32 $0x55555556, s11  }
0x5a: {  	s15 =	sshra.s32 s5, $0x1F;
	s5 =	smul.u32 $0x55555556, s10  }
0x5b: {  	s8 =	sshra.s32 s8, $0x1F;
	s15 =	smul.u32 $0x55555556, s15  }
0x5c: {  	s8 =	smul.u32 $0x55555556, s8;
	s22 =	spop (v2sf)  }
0x5d: {  	s14 =	smulhi.u32 $0x55555556, s22;
	s23 =	spop (v2sf)  }
0x5e: {  	s22 =	sshra.s32 s22, $0x1F;
	s0 =	smulhi.u32 $0x55555556, s23  }
0x5f: {  	s24 =	spop (v2sf);
	s22 =	smul.u32 $0x55555556, s22  }
0x60: {  	[dreg:$0x13] =	wrdreg s30;
	s23 =	sshra.s32 s23, $0x1F;
	s2 =	smulhi.u32 $0x55555556, s24  }
0x61: {  	s25 =	spop (v2sf);
	s10 =	smul.u32 $0x55555556, s23  }
0x62: {  	[dreg:$0x7] =	wrdreg s9;
	s24 =	sshra.s32 s24, $0x1F;
	s4 =	smulhi.u32 $0x55555556, s25  }
0x63: {  	s9 =	smov.u32 s28;
	s28 =	spop (v2sf);
	s23 =	smul.u32 $0x55555556, s24  }
0x64: {  	[dreg:$0xb] =	wrdreg s29;
	s25 =	sshra.s32 s25, $0x1F;
	s12 =	smulhi.u32 $0x55555556, s28  }
0x65: {  	s13 =	sadd.s32 s15, s13;
	s20 =	spop (v2sf);
	s24 =	smul.u32 $0x55555556, s25  }
0x66: {  	[dreg:$0xc] =	wrdreg s0;
	s25 =	sshra.s32 s28, $0x1F;
	s21 =	smulhi.u32 $0x55555556, s20  }
0x67: {  	s14 =	sadd.s32 s22, s14;
	s29 =	spop (v2sf);
	s25 =	smul.u32 $0x55555556, s25  }
0x68: {  	s22 =	rddreg [dreg:$0xb];
	s20 =	sshra.s32 s20, $0x1F;
	s19 =	smulhi.u32 $0x55555556, s29  }
0x69: {  	s5 =	sadd.s32 s5, s16;
	s26 =	spop (v2sf);
	s20 =	smul.u32 $0x55555556, s20  }
0x6a: {  	s2 =	sadd.s32 s23, s2;
	s28 =	sshra.s32 s29, $0x1F;
	s18 =	smulhi.u32 $0x55555556, s26  }
0x6b: {  	s4 =	sadd.s32 s24, s4;
	s30 =	spop (v2sf);
	s28 =	smul.u32 $0x55555556, s28  }
0x6c: {  	s0 =	smulhi.u32 $0x55555556, s30;
	s31 =	spop (v2sf);
	s20 =	sadd.s32 s20, s21  }
0x6d: {  	s3 =	smulhi.u32 $0x55555556, s31;
	s29 =	sshra.s32 s31, $0x1F;
	s19 =	sadd.s32 s28, s19  }
0x6e: {  	s26 =	sshra.s32 s26, $0x1F;
	v3 =	vmov s20;
	s20 =	sshrl.u32 s20, $0x1F;
	s29 =	smul.u32 $0x55555556, s29;
	v4 =	vmov s19  }
0x6f: {  	s30 =	sshra.s32 s30, $0x1F;
	v3 =	vsel vm0, s2, v3;
	s19 =	sshrl.u32 s19, $0x1F;
	v6 =	vmov s20;
	s2 =	sshrl.u32 s2, $0x1F;
	v4 =	vsel vm0, s4, v4  }
0x70: {  	s24 =	smul.u32 $0x55555556, s30;
	v7 =	vmov s19;
	v3 =	vsel vm1, s13, v3;
	s4 =	sshrl.u32 s4, $0x1F;
	v6 =	vsel vm0, s2, v6;
	s3 =	sadd.s32 s29, s3  }
0x71: {  	s31 =	smul.u32 $0x55555556, s26;
	s26 =	sadd.s32 s11, s17;
	v4 =	vsel vm1, s14, v4;
	v7 =	vsel vm0, s4, v7;
	v5 =	vmov s3;
	s3 =	sshrl.u32 s3, $0x1F  }
0x72: {  	s15 =	sshrl.u32 s14, $0x1F;
	s0 =	sadd.s32 s24, s0;
	s13 =	sshrl.u32 s13, $0x1F;
	v3 =	vsel vm2, s26, v3;
	v5 =	vnsel vm3, $0x0, v5;
	v8 =	vmov s3  }
0x73: {  	s12 =	sadd.s32 s25, s12;
	s31 =	sadd.s32 s31, s18;
	v6 =	vsel vm1, s13, v6;
	v5 =	vsel vm0, s0, v5;
	v8 =	vnsel vm3, $0x0, v8;
	s0 =	sshrl.u32 s0, $0x1F  }
0x74: {  	s17 =	rddreg [dreg:$0xc];
	s20 =	sshrl.u32 s5, $0x1F;
	s16 =	sshrl.u32 s31, $0x1F;
	v4 =	vsel vm2, s5, v4;
	v7 =	vsel vm1, s15, v7;
	v8 =	vsel vm0, s0, v8  }
0x75: {  	s2 =	sadd.s32 s10, s17;
	s18 =	sshrl.u32 s12, $0x1F;
	s19 =	rddreg [dreg:$0x13];
	v3 =	vcombine.low v4, v3;
	v61 =	vsel vm1, s31, v5;
	v62 =	vsel vm1, s16, v8  }
0x76: {  	s4 =	sadd.s32 s8, s19;
	s21 =	sshrl.u32 s2, $0x1F;
	s3 =	sshrl.u32 s26, $0x1F;
	v7 =	vsel vm2, s20, v7;
	v4 =	vsel vm2, s12, v61;
	v5 =	vsel vm2, s18, v62  }
0x77: {  	s24 =	rddreg [dreg:$0x7];
	s23 =	sshrl.u32 s4, $0x1F;
	v6 =	vsel vm2, s3, v6;
	v4 =	vsel vm4, s2, v4;
	s2 =	sadd.s32 s7, s22;
	v5 =	vsel vm4, s21, v5  }
0x78: {  	s3 =	sadd.s32 s6, s24;
	v6 =	vcombine.low v7, v6;
	v4 =	vsel vm5, s4, v4;
	s25 =	sshrl.u32 s2, $0x1F;
	v5 =	vsel vm5, s23, v5  }
0x79: {  	v3 =	vperm.xlane v3, v0;
	s26 =	sshrl.u32 s3, $0x1F;
	v4 =	vsel vm6, s2, v4;
	v5 =	vsel vm6, s25, v5  }
0x7a: {  	v6 =	vperm.xlane v6, v0;
	v4 =	vsel vm7, s3, v4;
	v5 =	vsel vm7, s26, v5  }
0x7b: {  	v4 =	vperm.xlane v4, v1;
	v5 =	vperm.xlane v5, v1;
	_ =	sdelay $0x1  }
0x7c: {  	v3 =	vsel vm8, v4, v3;
	v63 =	vsel vm8, v5, v6  }
0x7d: {  	v3 =	vadd.s32 v63, v3  }
0x7e: {  	s31 =	sshra.s32 s1, $0x2;
	[tilespmem:s9+$0x80] =	vst v3  }
0x7f: {  	v4 =	vmul.u32 $0xFFFFFFFD, v3;
	v3 =	vld [tilespmem:s31+$0x80];
	_ =	sdelay $0x2  }
0x80: {  	v2 =	vadd.s32 v2, v4;
	_ =	sdelay $0x1  }
0x81: {  	(v2sf) =	vpush v3, $0x7  }
0x82: {  	[tilespmem:s9+$0x100] =	vst v2;
	v2 =	vmov v3  }
0x83: {  	(v2sf) =	vpush v2, $0x6  }
0x84: {  	(v2sf) =	vpush v2, $0xF  }
0x85: {  	(v2sf) =	vpush v2, $0xB  }
0x86: {  	(v2sf) =	vpush v2, $0x5  }
0x87: {  	(v2sf) =	vpush v2, $0xE;
	_ =	sdelay $0x5  }
0x88: {  	(v2sf) =	vpush v2, $0xA  }
0x89: {  	(v2sf) =	vpush v2, $0x4  }
0x8a: {  	(v2sf) =	vpush v2, $0xD  }
0x8b: {  	(v2sf) =	vpush v2, $0x9;
	s6 =	spop (v2sf)  }
0x8c: {  	p1 =	sne.s32 s1, $0x100;
	(v2sf) =	vpush v2, $0x3;
	s9 =	smulhi.u32 $0x55555556, s6  }
.Ltmp2:
0x8d: {  	(v2sf) =	vpush v2, $0xC;
	s7 =	spop (v2sf);
	(pc) =	sbr.rel @p1 .LBB2_2-.Ltmp2, $4  }
0x8e: {  	(v2sf) =	vpush v2, $0x8;
	s29 =	smulhi.u32 $0x55555556, s7;
	s11 =	spop (v2sf)  }
0x8f: {  	(v2sf) =	vpush v2, $0x2;
	s17 =	smulhi.u32 $0x55555556, s11;
	s10 =	spop (v2sf)  }
0x90: {  	s1 =	sadd.s32 $0x40, s1;
	(v2sf) =	vpush v2, $0x1;
	s16 =	smulhi.u32 $0x55555556, s10;
	s8 =	spop (v2sf)  }
0x91: {  	s28 =	smov.u32 s31;
	(v2sf) =	vpush v2, $0x0;
	s30 =	smulhi.u32 $0x55555556, s8;
	s5 =	spop (v2sf)  }
0x92: {  	_ =	sdelay $0x1  }
0x93: {  	s2 =	smulhi.u32 $0x55555556, s5;
	s22 =	sshra.s32 s5, $0x1F  }
0x94: {  	s5 =	smul.u32 $0x55555556, s22  }
0x95: {  	s31 =	sshra.s32 s10, $0x1F  }
0x96: {  	s2 =	sadd.s32 s5, s2;
	s5 =	smul.u32 $0x55555556, s31;
	s0 =	spop (v2sf)  }
0x97: {  	s1 =	spop (v2sf);
	s4 =	smulhi.u32 $0x55555556, s0;
	s0 =	sshra.s32 s0, $0x1F  }
0x98: {  	s3 =	spop (v2sf);
	s0 =	smul.u32 $0x55555556, s0  }
0x99: {  	s12 =	spop (v2sf);
	s13 =	smulhi.u32 $0x55555556, s3  }
0x9a: {  	s3 =	sshra.s32 s3, $0x1F;
	s15 =	smulhi.u32 $0x55555556, s12  }
0x9b: {  	s14 =	spop (v2sf);
	s3 =	smul.u32 $0x55555556, s3;
	s12 =	sshra.s32 s12, $0x1F  }
0x9c: {  	s18 =	spop (v2sf);
	s12 =	smul.u32 $0x55555556, s12  }
0x9d: {  	s19 =	smulhi.u32 $0x55555556, s18  }
0x9e: {  	s20 =	spop (v2sf);
	s3 =	sadd.s32 s3, s13;
	s13 =	smulhi.u32 $0x55555556, s1  }
0x9f: {  	s18 =	sshra.s32 s18, $0x1F;
	s21 =	smulhi.u32 $0x55555556, s20  }
0xa0: {  	s1 =	sshra.s32 s1, $0x1F;
	s18 =	smul.u32 $0x55555556, s18  }
0xa1: {  	s22 =	spop (v2sf);
	s20 =	sshra.s32 s20, $0x1F;
	s1 =	smul.u32 $0x55555556, s1  }
0xa2: {  	s8 =	sshra.s32 s8, $0x1F;
	s23 =	spop (v2sf);
	s20 =	smul.u32 $0x55555556, s20  }
0xa3: {  	s5 =	sadd.s32 s5, s16;
	s24 =	spop (v2sf);
	s26 =	smulhi.u32 $0x55555556, s23  }
0xa4: {  	s16 =	sshrl.u32 s5, $0x1F;
	s23 =	sshra.s32 s23, $0x1F;
	s25 =	smulhi.u32 $0x55555556, s24  }
0xa5: {  	s0 =	sadd.s32 s0, s4;
	s18 =	sadd.s32 s18, s19;
	s19 =	smul.u32 $0x55555556, s23  }
0xa6: {  	s24 =	sshra.s32 s24, $0x1F;
	s20 =	sadd.s32 s20, s21;
	s21 =	smulhi.u32 $0x55555556, s14  }
0xa7: {  	s12 =	sadd.s32 s12, s15;
	s14 =	sshra.s32 s14, $0x1F;
	s24 =	smul.u32 $0x55555556, s24  }
0xa8: {  	s23 =	sshra.s32 s11, $0x1F;
	v3 =	vmov s18;
	s18 =	sshrl.u32 s18, $0x1F;
	s14 =	smul.u32 $0x55555556, s14  }
0xa9: {  	v4 =	vmov s20;
	v3 =	vsel vm0, s3, v3;
	s3 =	sshrl.u32 s3, $0x1F;
	s10 =	sadd.s32 s19, s26;
	s19 =	sshrl.u32 s20, $0x1F  }
0xaa: {  	v5 =	vmov s18;
	s20 =	sshra.s32 s22, $0x1F;
	v4 =	vsel vm0, s12, v4;
	s15 =	sadd.s32 s24, s25;
	s24 =	smulhi.u32 $0x55555556, s22  }
0xab: {  	s12 =	sshrl.u32 s12, $0x1F;
	v5 =	vsel vm0, s3, v5;
	v3 =	vsel vm1, s2, v3;
	s2 =	sshrl.u32 s2, $0x1F;
	s25 =	smul.u32 $0x55555556, s23;
	v6 =	vmov s19  }
0xac: {  	s26 =	sadd.s32 s1, s13;
	s22 =	smul.u32 $0x55555556, s20;
	v5 =	vsel vm1, s2, v5;
	v4 =	vsel vm1, s0, v4;
	v7 =	vmov s15;
	s15 =	sshrl.u32 s15, $0x1F  }
0xad: {  	s23 =	smul.u32 $0x55555556, s8;
	s0 =	sshrl.u32 s0, $0x1F;
	v6 =	vsel vm0, s12, v6;
	s12 =	sshra.s32 s7, $0x1F;
	v8 =	vmov s15;
	v7 =	vnsel vm3, $0x0, v7  }
0xae: {  	v4 =	vsel vm2, s5, v4;
	s4 =	sadd.s32 s25, s17;
	s24 =	sadd.s32 s22, s24;
	v7 =	vsel vm0, s10, v7;
	v8 =	vnsel vm3, $0x0, v8;
	s10 =	sshrl.u32 s10, $0x1F  }
0xaf: {  	s25 =	sadd.s32 s14, s21;
	v6 =	vsel vm1, s0, v6;
	s14 =	sshra.s32 s6, $0x1F;
	v3 =	vsel vm2, s4, v3;
	s13 =	sshrl.u32 s24, $0x1F;
	v8 =	vsel vm0, s10, v8  }
0xb0: {  	s2 =	smul.u32 $0x55555556, s12;
	s4 =	sshrl.u32 s4, $0x1F;
	s15 =	sshrl.u32 s25, $0x1F;
	v6 =	vsel vm2, s16, v6;
	v7 =	vsel vm1, s24, v7;
	v8 =	vsel vm1, s13, v8  }
0xb1: {  	s31 =	sadd.s32 s23, s30;
	s0 =	sshrl.u32 s26, $0x1F;
	s3 =	smul.u32 $0x55555556, s14;
	v5 =	vsel vm2, s4, v5;
	v7 =	vsel vm2, s25, v7;
	v8 =	vsel vm2, s15, v8  }
0xb2: {  	s17 =	sshrl.u32 s31, $0x1F;
	s2 =	sadd.s32 s2, s29;
	v3 =	vcombine.low v4, v3;
	v7 =	vsel vm4, s26, v7;
	v4 =	vsel vm4, s0, v8  }
0xb3: {  	s18 =	sadd.s32 s3, s9;
	v5 =	vcombine.low v6, v5;
	s19 =	sshrl.u32 s2, $0x1F;
	v7 =	vsel vm5, s31, v7;
	v4 =	vsel vm5, s17, v4  }
0xb4: {  	v3 =	vperm.xlane v3, v0;
	s20 =	sshrl.u32 s18, $0x1F;
	v6 =	vsel vm6, s2, v7;
	v4 =	vsel vm6, s19, v4  }
0xb5: {  	v5 =	vperm.xlane v5, v0;
	v6 =	vsel vm7, s18, v6;
	v4 =	vsel vm7, s20, v4  }
0xb6: {  	v6 =	vperm.xlane v6, v1;
	v4 =	vperm.xlane v4, v1;
	_ =	sdelay $0x1  }
0xb7: {  	v3 =	vsel vm8, v6, v3;
	v4 =	vsel vm8, v4, v5  }
0xb8: {  	v3 =	vadd.s32 v4, v3  }
0xb9: {  	v4 =	vmul.u32 $0xFFFFFFFD, v3;
	_ =	sdelay $0x1  }
0xba: {  	s21 =	simm.s32 $0x0;
	s22 =	rddreg [dreg:$0x2];
	[tilespmem:s28+$0x80] =	vst v3;
	v2 =	vadd.s32 v2, v4  }
0xbb: {  	s23 =	simm.s32 $0x50;
	s30 =	simm.s32 $0x5180;
	s24 =	simm.s32 $0x180;
	[tilespmem:s28+$0x100] =	vst v2  }
0xbc: {  	[tilespmem:s24], [sflag:$0x1] =	stream.indirect.gather [hbm4b:s22+s23], $0x80, s21, s23, $0xb8;
	[tilespmem:$0xA180] =	vst v63  }
0xbd: {  	s4 =	simm.s32 $0x80;
	s25 =	rddreg [dreg:$0x4];
	s26 =	simm.s32 $0x2980  }
0xbe: {  	[tilespmem:s26], [sflag:$0x1] =	stream.indirect.gather [hbm4b:s25+s23], $0x80, s4, s23, $0xb8;
	[tilespmem:$0xA180] =	vst v63  }
0xbf: {  	s29 =	simm.s32 $0x100;
	s31 =	simm.s32 $0x1;
	s28 =	rddreg [dreg:$0x3]  }
0xc0: {  	[tilespmem:s30], [sflag:$0x1] =	stream.indirect.gather [hbm4b:s28+s23], $0x80, s29, s23, $0xb8;
	[tilespmem:$0xA180] =	vst v63  }
0xc1: {  	_ =	swait.ge [sflag:s31], $0x2800  }
0xc2: {  	[sflag:s31] =	ssyncset.done $0x0  }
0xc3: {  	[sflag:s31] =	ssyncadd.s32 $0xFFFFD800  }
0xc4: {  	_ =	swait.ge [sflag:s31], $0x2800  }
0xc5: {  	[sflag:s31] =	ssyncset.done $0x0  }
0xc6: {  	[sflag:s31] =	ssyncadd.s32 $0xFFFFD800  }
0xc7: {  	_ =	swait.ge [sflag:s31], $0x2800  }
0xc8: {  	[sflag:s31] =	ssyncset.done $0x0  }
0xc9: {  	s1 =	simm.s32 $0x0;
	[sflag:s31] =	ssyncadd.s32 $0xFFFFD800  }
0xca: {  	v2 =	vld [tilespmem:s1+$0x1F0]  }
0xcb: {  	v3 =	vld [tilespmem:s1+$0x29F0]  }
0xcc: {  	v4 =	vld [tilespmem:s1+$0x180]  }
0xcd: {  	v5 =	vld [tilespmem:s1+$0x51F0]  }
0xce: {  	v6 =	vld [tilespmem:s1+$0x2980]  }
0xcf: {  	v7 =	vld [tilespmem:s1+$0x190]  }
0xd0: {  	v8 =	vld [tilespmem:s1+$0x2990]  }
0xd1: {  	v9 =	vld [tilespmem:s1+$0x29A0]  }
0xd2: {  	v11 =	vld [tilespmem:s1+$0x29B0]  }
0xd3: {  	v12 =	vld [tilespmem:s1+$0x1C0]  }
0xd4: {  	v13 =	vld [tilespmem:s1+$0x29C0]  }
0xd5: {  	v14 =	vld [tilespmem:s1+$0x1D0]  }
0xd6: {  	v15 =	vld [tilespmem:s1+$0x29D0]  }
0xd7: {  	v16 =	vld [tilespmem:s1+$0x1E0]  }
0xd8: {  	v17 =	vld [tilespmem:s1+$0x29E0]  }
0xd9: {  	v18 =	vld [tilespmem:s1+$0x5180]  }
0xda: {  	v2 =	vadd.f32 v3, v2;
	v3 =	vld [tilespmem:s1+$0x1A0]  }
0xdb: {  	v19 =	vld [tilespmem:s1+$0x5190]  }
0xdc: {  	v2 =	vadd.f32 v5, v2;
	v5 =	vld [tilespmem:s1+$0x1B0]  }
0xdd: {  	v20 =	vld [tilespmem:s1+$0x51A0]  }
0xde: {  	v10 =	vld [tilespmem:s1+$0x51B0];
	v4 =	vadd.f32 v6, v4;
	v21 =	vadd.f32 v8, v7  }
0xdf: {  	v7 =	vld [tilespmem:s1+$0x51C0];
	v6 =	vadd.f32 v15, v14;
	v22 =	vadd.f32 v9, v3  }
0xe0: {  	v8 =	vld [tilespmem:s1+$0x51D0];
	v3 =	vadd.f32 v13, v12;
	v12 =	vadd.f32 v18, v4  }
0xe1: {  	s3 =	simm.s32 $0x80;
	[tilespmem:s1+$0x79F0] =	vst v2;
	v9 =	vld [tilespmem:s1+$0x51E0];
	v2 =	vadd.f32 v11, v5;
	v11 =	vadd.f32 v19, v21  }
0xe2: {  	s6 =	simm.s32 $0x400;
	v4 =	vadd.f32 v17, v16;
	v5 =	vld [tilespmem:s3+$0x1F0];
	[tilespmem:s1+$0x7980] =	vst v12;
	v12 =	vadd.f32 v20, v22  }
.LBB2_4:
0xe3: {  	p1 =	sne.s32 s6, $0x9E00;
	v13 =	vld [tilespmem:s3+$0x29F0];
	[tilespmem:s1+$0x7990] =	vst v11;
	v2 =	vadd.f32 v10, v2  }
0xe4: {  	v10 =	vld [tilespmem:s3+$0x180];
	[tilespmem:s1+$0x79A0] =	vst v12;
	v3 =	vadd.f32 v7, v3  }
0xe5: {  	v7 =	vld [tilespmem:s3+$0x51F0];
	[tilespmem:s1+$0x79B0] =	vst v2;
	v2 =	vadd.f32 v8, v6  }
0xe6: {  	v6 =	vld [tilespmem:s3+$0x2980];
	[tilespmem:s1+$0x79C0] =	vst v3;
	v3 =	vadd.f32 v9, v4  }
0xe7: {  	v4 =	vld [tilespmem:s3+$0x190];
	[tilespmem:s1+$0x79D0] =	vst v2  }
0xe8: {  	v2 =	vld [tilespmem:s3+$0x2990];
	v5 =	vadd.f32 v13, v5;
	[tilespmem:s1+$0x79E0] =	vst v3;
	s1 =	smov.u32 s3  }
0xe9: {  	v3 =	vld [tilespmem:s1+$0x1A0]  }
0xea: {  	v8 =	vld [tilespmem:s1+$0x29A0];
	v5 =	vadd.f32 v7, v5  }
0xeb: {  	v9 =	vadd.f32 v6, v10;
	v6 =	vld [tilespmem:s1+$0x1B0]  }
0xec: {  	v7 =	vld [tilespmem:s1+$0x29B0];
	[tilespmem:s1+$0x79F0] =	vst v5  }
0xed: {  	v5 =	vadd.f32 v2, v4;
	v4 =	vld [tilespmem:s1+$0x1C0]  }
0xee: {  	v10 =	vld [tilespmem:s1+$0x29C0]  }
0xef: {  	v12 =	vadd.f32 v8, v3;
	v8 =	vld [tilespmem:s1+$0x1D0]  }
0xf0: {  	v11 =	vld [tilespmem:s1+$0x29D0]  }
0xf1: {  	v2 =	vadd.f32 v7, v6;
	v13 =	vld [tilespmem:s1+$0x1E0]  }
0xf2: {  	v14 =	vld [tilespmem:s1+$0x29E0]  }
0xf3: {  	v15 =	vld [tilespmem:s1+$0x5180];
	v3 =	vadd.f32 v10, v4  }
0xf4: {  	v16 =	vld [tilespmem:s1+$0x5190]  }
0xf5: {  	v17 =	vld [tilespmem:s1+$0x51A0];
	v6 =	vadd.f32 v11, v8  }
.Ltmp3:
0xf6: {  	v10 =	vld [tilespmem:s1+$0x51B0];
	(pc) =	sbr.rel @p1 .LBB2_4-.Ltmp3, $4  }
0xf7: {  	v7 =	vld [tilespmem:s1+$0x51C0];
	v4 =	vadd.f32 v14, v13  }
0xf8: {  	v13 =	vadd.f32 v15, v9;
	v8 =	vld [tilespmem:s1+$0x51D0]  }
0xf9: {  	s3 =	sshra.s32 s6, $0x2;
	v11 =	vadd.f32 v16, v5;
	v9 =	vld [tilespmem:s1+$0x51E0]  }
0xfa: {  	s6 =	sadd.s32 $0x200, s6;
	v5 =	vld [tilespmem:s3+$0x1F0];
	[tilespmem:s1+$0x7980] =	vst v13;
	v12 =	vadd.f32 v17, v12  }
0xfb: {  	v13 =	vld [tilespmem:s3+$0x29F0];
	[tilespmem:s1+$0x7990] =	vst v11;
	v2 =	vadd.f32 v10, v2  }
0xfc: {  	v11 =	vld [tilespmem:s3+$0x180];
	[tilespmem:s1+$0x79A0] =	vst v12;
	v3 =	vadd.f32 v7, v3  }
0xfd: {  	v49 =	vld [tilespmem:s3+$0x51F0];
	[tilespmem:s1+$0x79B0] =	vst v2;
	v6 =	vadd.f32 v8, v6  }
0xfe: {  	v2 =	vld [tilespmem:s3+$0x2980];
	[tilespmem:s1+$0x79C0] =	vst v3;
	v4 =	vadd.f32 v9, v4  }
0xff: {  	v3 =	vld [tilespmem:s3+$0x190];
	[tilespmem:s1+$0x79D0] =	vst v6  }
0x100: {  	v6 =	vld [tilespmem:s3+$0x2990];
	[tilespmem:s1+$0x79E0] =	vst v4  }
0x101: {  	v51 =	vld [tilespmem:s3+$0x1A0]  }
0x102: {  	v52 =	vld [tilespmem:s3+$0x29A0]  }
0x103: {  	v53 =	vld [tilespmem:s3+$0x1B0]  }
0x104: {  	v54 =	vld [tilespmem:s3+$0x29B0]  }
0x105: {  	v55 =	vld [tilespmem:s3+$0x1C0]  }
0x106: {  	v56 =	vld [tilespmem:s3+$0x29C0]  }
0x107: {  	v12 =	vld [tilespmem:s3+$0x1D0]  }
0x108: {  	v57 =	vld [tilespmem:s3+$0x29D0]  }
0x109: {  	v14 =	vld [tilespmem:s3+$0x1E0]  }
0x10a: {  	v15 =	vld [tilespmem:s3+$0x29E0]  }
0x10b: {  	v16 =	vld [tilespmem:s3+$0x5180]  }
0x10c: {  	v17 =	vld [tilespmem:s3+$0x5190]  }
0x10d: {  	v50 =	vadd.f32 v13, v5;
	v18 =	vld [tilespmem:s3+$0x51A0]  }
0x10e: {  	v58 =	vld [tilespmem:s3+$0x51B0];
	v2 =	vadd.f32 v2, v11  }
0x10f: {  	v59 =	vld [tilespmem:s3+$0x51C0];
	v4 =	vadd.f32 v49, v50;
	v3 =	vadd.f32 v6, v3  }
0x110: {  	v60 =	vld [tilespmem:s3+$0x51D0];
	v5 =	vadd.f32 v52, v51;
	v2 =	vadd.f32 v16, v2  }
0x111: {  	v61 =	vld [tilespmem:s3+$0x51E0];
	[tilespmem:s3+$0x79F0] =	vst v4;
	v8 =	vadd.f32 v54, v53;
	v3 =	vadd.f32 v17, v3  }
0x112: {  	v4 =	vadd.f32 v56, v55;
	[tilespmem:s3+$0x7980] =	vst v2;
	v2 =	vadd.f32 v18, v5  }
0x113: {  	v62 =	vadd.f32 v57, v12;
	[tilespmem:s3+$0x7990] =	vst v3;
	v3 =	vadd.f32 v58, v8  }
0x114: {  	v63 =	vadd.f32 v15, v14;
	[tilespmem:s3+$0x79A0] =	vst v2;
	v2 =	vadd.f32 v59, v4  }
0x115: {  	[tilespmem:s3+$0x79B0] =	vst v3;
	v3 =	vadd.f32 v60, v62  }
0x116: {  	[tilespmem:s3+$0x79C0] =	vst v2;
	v2 =	vadd.f32 v61, v63  }
0x117: {  	s0 =	simm.s32 $0x0;
	[tilespmem:s3+$0x79D0] =	vst v3  }
0x118: {  	s24 =	rddreg [dreg:$0x19];
	s2 =	simm.s32 $0x7980;
	s25 =	simm.s32 $0x2;
	[tilespmem:s3+$0x79E0] =	vst v2  }
0x119: {  	[hbm4b:s24+s0] =	stream.linear.scatter [tilespmem:s2], [sflag:$0x2], $0x2800, $0x38;
	[tilespmem:$0xA180] =	vst v63  }
0x11a: {  	_ =	swait.ge [sflag:s25], $0x2800  }
0x11b: {  	[sflag:s25] =	ssyncset.done $0x0  }
0x11c: {  	s26 =	rddreg [dreg:$0x1a];
	[sflag:s25] =	ssyncadd.s32 $0xFFFFD800  }
0x11d: {  	[tilespmem:s0], [sflag:$0x2] =	stream.linear.gather [hbm4b:s26+s0], $0x50, $0x38;
	[tilespmem:$0xA180] =	vst v63  }
0x11e: {  	_ =	swait.ge [sflag:s25], $0x50  }
0x11f: {  	[sflag:s25] =	ssyncset.done $0x0  }
0x120: {  	s31 =	rddreg [dreg:$0x1b];
	[sflag:s25] =	ssyncadd.s32 $0xFFFFFFB0  }
0x121: {  	[tilespmem:s4], [sflag:$0x2] =	stream.linear.gather [hbm4b:s31+s0], $0x50, $0x38;
	[tilespmem:$0xA180] =	vst v63  }
0x122: {  	_ =	swait.ge [sflag:s25], $0x50  }
0x123: {  	[sflag:s25] =	ssyncset.done $0x0  }
0x124: {  	s28 =	simm.s32 $0x0;
	[sflag:s25] =	ssyncadd.s32 $0xFFFFFFB0  }
0x125: {  	v2 =	vld [tilespmem:s28+$0x80];
	_ =	sdelay $0x4  }
0x126: {  	(v2sf) =	vpush v2, $0x7  }
0x127: {  	(v2sf) =	vpush v2, $0x6  }
0x128: {  	(v2sf) =	vpush v2, $0xF  }
0x129: {  	(v2sf) =	vpush v2, $0xB  }
0x12a: {  	(v2sf) =	vpush v2, $0x5  }
0x12b: {  	(v2sf) =	vpush v2, $0xE;
	_ =	sdelay $0x5  }
0x12c: {  	(v2sf) =	vpush v2, $0xA  }
0x12d: {  	(v2sf) =	vpush v2, $0x4  }
0x12e: {  	(v2sf) =	vpush v2, $0xD  }
0x12f: {  	(v2sf) =	vpush v2, $0x9  }
0x130: {  	(v2sf) =	vpush v2, $0x3;
	s6 =	spop (v2sf)  }
0x131: {  	(v2sf) =	vpush v2, $0xC;
	s9 =	smulhi.u32 $0x55555556, s6;
	s7 =	spop (v2sf)  }
0x132: {  	(v2sf) =	vpush v2, $0x8;
	s29 =	smulhi.u32 $0x55555556, s7;
	s11 =	spop (v2sf)  }
0x133: {  	(v2sf) =	vpush v2, $0x2;
	s17 =	smulhi.u32 $0x55555556, s11;
	s10 =	spop (v2sf)  }
0x134: {  	(v2sf) =	vpush v2, $0x1;
	s16 =	smulhi.u32 $0x55555556, s10;
	s8 =	spop (v2sf)  }
0x135: {  	s1 =	simm.s32 $0x40;
	(v2sf) =	vpush v2, $0x0;
	s30 =	smulhi.u32 $0x55555556, s8;
	s5 =	spop (v2sf)  }
.LBB2_6:
0x136: {  	s13 =	smulhi.u32 $0x55555556, s5;
	s6 =	sshra.s32 s6, $0x1F  }
0x137: {  	s7 =	sshra.s32 s7, $0x1F;
	s6 =	smul.u32 $0x55555556, s6  }
0x138: {  	s11 =	sshra.s32 s11, $0x1F;
	s7 =	smul.u32 $0x55555556, s7  }
0x139: {  	s10 =	sshra.s32 s10, $0x1F;
	s11 =	smul.u32 $0x55555556, s11  }
0x13a: {  	s15 =	sshra.s32 s5, $0x1F;
	s5 =	smul.u32 $0x55555556, s10  }
0x13b: {  	s8 =	sshra.s32 s8, $0x1F;
	s15 =	smul.u32 $0x55555556, s15  }
0x13c: {  	s8 =	smul.u32 $0x55555556, s8;
	s19 =	spop (v2sf)  }
0x13d: {  	s14 =	smulhi.u32 $0x55555556, s19;
	s20 =	spop (v2sf)  }
0x13e: {  	[dreg:$0x14] =	wrdreg s30;
	s19 =	sshra.s32 s19, $0x1F;
	s0 =	smulhi.u32 $0x55555556, s20  }
0x13f: {  	s21 =	spop (v2sf);
	s19 =	smul.u32 $0x55555556, s19  }
0x140: {  	[dreg:$0x10] =	wrdreg s29;
	s20 =	sshra.s32 s20, $0x1F;
	s2 =	smulhi.u32 $0x55555556, s21  }
0x141: {  	s22 =	spop (v2sf);
	s10 =	smul.u32 $0x55555556, s20  }
0x142: {  	[dreg:$0x8] =	wrdreg s9;
	s21 =	sshra.s32 s21, $0x1F;
	s4 =	smulhi.u32 $0x55555556, s22  }
0x143: {  	s23 =	spop (v2sf);
	s20 =	smul.u32 $0x55555556, s21  }
0x144: {  	s9 =	smov.u32 s28;
	s22 =	sshra.s32 s22, $0x1F;
	s12 =	smulhi.u32 $0x55555556, s23  }
0x145: {  	s13 =	sadd.s32 s15, s13;
	s24 =	spop (v2sf);
	s21 =	smul.u32 $0x55555556, s22  }
0x146: {  	[dreg:$0xd] =	wrdreg s0;
	s23 =	sshra.s32 s23, $0x1F;
	s25 =	smulhi.u32 $0x55555556, s24  }
0x147: {  	s14 =	sadd.s32 s19, s14;
	s26 =	spop (v2sf);
	s22 =	smul.u32 $0x55555556, s23  }
0x148: {  	s19 =	rddreg [dreg:$0x14];
	s24 =	sshra.s32 s24, $0x1F;
	s28 =	smulhi.u32 $0x55555556, s26  }
0x149: {  	s5 =	sadd.s32 s5, s16;
	s29 =	spop (v2sf);
	s23 =	smul.u32 $0x55555556, s24  }
0x14a: {  	s2 =	sadd.s32 s20, s2;
	s26 =	sshra.s32 s26, $0x1F;
	s18 =	smulhi.u32 $0x55555556, s29  }
0x14b: {  	s4 =	sadd.s32 s21, s4;
	s30 =	spop (v2sf);
	s24 =	smul.u32 $0x55555556, s26  }
0x14c: {  	s0 =	smulhi.u32 $0x55555556, s30;
	s31 =	spop (v2sf);
	s23 =	sadd.s32 s23, s25  }
0x14d: {  	s3 =	smulhi.u32 $0x55555556, s31;
	s31 =	sshra.s32 s31, $0x1F;
	s24 =	sadd.s32 s24, s28  }
0x14e: {  	s29 =	sshra.s32 s29, $0x1F;
	v3 =	vmov s23;
	s23 =	sshrl.u32 s23, $0x1F;
	s26 =	smul.u32 $0x55555556, s31;
	v4 =	vmov s24  }
0x14f: {  	s30 =	sshra.s32 s30, $0x1F;
	v3 =	vsel vm0, s2, v3;
	s24 =	sshrl.u32 s24, $0x1F;
	v6 =	vmov s23;
	s2 =	sshrl.u32 s2, $0x1F;
	v4 =	vsel vm0, s4, v4  }
0x150: {  	s31 =	smul.u32 $0x55555556, s30;
	v7 =	vmov s24;
	v3 =	vsel vm1, s13, v3;
	s4 =	sshrl.u32 s4, $0x1F;
	v6 =	vsel vm0, s2, v6;
	s3 =	sadd.s32 s26, s3  }
0x151: {  	s25 =	smul.u32 $0x55555556, s29;
	s13 =	sshrl.u32 s13, $0x1F;
	v4 =	vsel vm1, s14, v4;
	v7 =	vsel vm0, s4, v7;
	v5 =	vmov s3;
	s3 =	sshrl.u32 s3, $0x1F  }
0x152: {  	s15 =	sshrl.u32 s14, $0x1F;
	s0 =	sadd.s32 s31, s0;
	s26 =	sadd.s32 s11, s17;
	v6 =	vsel vm1, s13, v6;
	v5 =	vnsel vm3, $0x0, v5;
	v8 =	vmov s3  }
0x153: {  	s20 =	sshrl.u32 s5, $0x1F;
	s31 =	sadd.s32 s25, s18;
	v3 =	vsel vm2, s26, v3;
	v5 =	vsel vm0, s0, v5;
	v8 =	vnsel vm3, $0x0, v8;
	s0 =	sshrl.u32 s0, $0x1F  }
0x154: {  	s12 =	sadd.s32 s22, s12;
	s17 =	rddreg [dreg:$0xd];
	v4 =	vsel vm2, s5, v4;
	v7 =	vsel vm1, s15, v7;
	s16 =	sshrl.u32 s31, $0x1F;
	v8 =	vsel vm0, s0, v8  }
0x155: {  	s22 =	rddreg [dreg:$0x10];
	s18 =	sshrl.u32 s12, $0x1F;
	s2 =	sadd.s32 s10, s17;
	v3 =	vcombine.low v4, v3;
	v61 =	vsel vm1, s31, v5;
	v62 =	vsel vm1, s16, v8  }
0x156: {  	s4 =	sadd.s32 s8, s19;
	s3 =	sshrl.u32 s26, $0x1F;
	s21 =	sshrl.u32 s2, $0x1F;
	v7 =	vsel vm2, s20, v7;
	v4 =	vsel vm2, s12, v61;
	v5 =	vsel vm2, s18, v62  }
0x157: {  	s24 =	rddreg [dreg:$0x8];
	s23 =	sshrl.u32 s4, $0x1F;
	v6 =	vsel vm2, s3, v6;
	v4 =	vsel vm4, s2, v4;
	s2 =	sadd.s32 s7, s22;
	v5 =	vsel vm4, s21, v5  }
0x158: {  	s3 =	sadd.s32 s6, s24;
	v6 =	vcombine.low v7, v6;
	v4 =	vsel vm5, s4, v4;
	s25 =	sshrl.u32 s2, $0x1F;
	v5 =	vsel vm5, s23, v5  }
0x159: {  	v3 =	vperm.xlane v3, v0;
	s26 =	sshrl.u32 s3, $0x1F;
	v4 =	vsel vm6, s2, v4;
	v5 =	vsel vm6, s25, v5  }
0x15a: {  	v6 =	vperm.xlane v6, v0;
	v4 =	vsel vm7, s3, v4;
	v5 =	vsel vm7, s26, v5  }
0x15b: {  	v4 =	vperm.xlane v4, v1;
	v5 =	vperm.xlane v5, v1;
	_ =	sdelay $0x1  }
0x15c: {  	v3 =	vsel vm8, v4, v3;
	v63 =	vsel vm8, v5, v6  }
0x15d: {  	v3 =	vadd.s32 v63, v3  }
0x15e: {  	s31 =	sshra.s32 s1, $0x2;
	[tilespmem:s9+$0x80] =	vst v3  }
0x15f: {  	v4 =	vmul.u32 $0xFFFFFFFD, v3;
	v3 =	vld [tilespmem:s31+$0x80];
	_ =	sdelay $0x2  }
0x160: {  	v2 =	vadd.s32 v2, v4;
	_ =	sdelay $0x1  }
0x161: {  	(v2sf) =	vpush v3, $0x7  }
0x162: {  	[tilespmem:s9+$0x100] =	vst v2;
	v2 =	vmov v3  }
0x163: {  	(v2sf) =	vpush v2, $0x6  }
0x164: {  	(v2sf) =	vpush v2, $0xF  }
0x165: {  	(v2sf) =	vpush v2, $0xB  }
0x166: {  	(v2sf) =	vpush v2, $0x5  }
0x167: {  	(v2sf) =	vpush v2, $0xE;
	_ =	sdelay $0x5  }
0x168: {  	(v2sf) =	vpush v2, $0xA  }
0x169: {  	(v2sf) =	vpush v2, $0x4  }
0x16a: {  	(v2sf) =	vpush v2, $0xD  }
0x16b: {  	(v2sf) =	vpush v2, $0x9;
	s6 =	spop (v2sf)  }
0x16c: {  	p1 =	sne.s32 s1, $0x100;
	(v2sf) =	vpush v2, $0x3;
	s9 =	smulhi.u32 $0x55555556, s6  }
.Ltmp4:
0x16d: {  	(v2sf) =	vpush v2, $0xC;
	s7 =	spop (v2sf);
	(pc) =	sbr.rel @p1 .LBB2_6-.Ltmp4, $4  }
0x16e: {  	(v2sf) =	vpush v2, $0x8;
	s29 =	smulhi.u32 $0x55555556, s7;
	s11 =	spop (v2sf)  }
0x16f: {  	(v2sf) =	vpush v2, $0x2;
	s17 =	smulhi.u32 $0x55555556, s11;
	s10 =	spop (v2sf)  }
0x170: {  	s1 =	sadd.s32 $0x40, s1;
	(v2sf) =	vpush v2, $0x1;
	s16 =	smulhi.u32 $0x55555556, s10;
	s8 =	spop (v2sf)  }
0x171: {  	s28 =	smov.u32 s31;
	(v2sf) =	vpush v2, $0x0;
	s30 =	smulhi.u32 $0x55555556, s8;
	s5 =	spop (v2sf)  }
0x172: {  	_ =	sdelay $0x1  }
0x173: {  	s2 =	smulhi.u32 $0x55555556, s5;
	s22 =	sshra.s32 s5, $0x1F  }
0x174: {  	s5 =	smul.u32 $0x55555556, s22  }
0x175: {  	s31 =	sshra.s32 s10, $0x1F  }
0x176: {  	s2 =	sadd.s32 s5, s2;
	s5 =	smul.u32 $0x55555556, s31;
	s0 =	spop (v2sf)  }
0x177: {  	s1 =	spop (v2sf);
	s4 =	smulhi.u32 $0x55555556, s0;
	s0 =	sshra.s32 s0, $0x1F  }
0x178: {  	s3 =	spop (v2sf);
	s0 =	smul.u32 $0x55555556, s0  }
0x179: {  	s12 =	spop (v2sf);
	s13 =	smulhi.u32 $0x55555556, s3  }
0x17a: {  	s3 =	sshra.s32 s3, $0x1F;
	s15 =	smulhi.u32 $0x55555556, s12  }
0x17b: {  	s14 =	spop (v2sf);
	s3 =	smul.u32 $0x55555556, s3;
	s12 =	sshra.s32 s12, $0x1F  }
0x17c: {  	s18 =	spop (v2sf);
	s12 =	smul.u32 $0x55555556, s12  }
0x17d: {  	s19 =	smulhi.u32 $0x55555556, s18  }
0x17e: {  	s20 =	spop (v2sf);
	s3 =	sadd.s32 s3, s13;
	s13 =	smulhi.u32 $0x55555556, s1  }
0x17f: {  	s18 =	sshra.s32 s18, $0x1F;
	s21 =	smulhi.u32 $0x55555556, s20  }
0x180: {  	s1 =	sshra.s32 s1, $0x1F;
	s18 =	smul.u32 $0x55555556, s18  }
0x181: {  	s22 =	spop (v2sf);
	s20 =	sshra.s32 s20, $0x1F;
	s1 =	smul.u32 $0x55555556, s1  }
0x182: {  	s8 =	sshra.s32 s8, $0x1F;
	s23 =	spop (v2sf);
	s20 =	smul.u32 $0x55555556, s20  }
0x183: {  	s5 =	sadd.s32 s5, s16;
	s24 =	spop (v2sf);
	s26 =	smulhi.u32 $0x55555556, s23  }
0x184: {  	s16 =	sshrl.u32 s5, $0x1F;
	s23 =	sshra.s32 s23, $0x1F;
	s25 =	smulhi.u32 $0x55555556, s24  }
0x185: {  	s0 =	sadd.s32 s0, s4;
	s18 =	sadd.s32 s18, s19;
	s19 =	smul.u32 $0x55555556, s23  }
0x186: {  	s24 =	sshra.s32 s24, $0x1F;
	s20 =	sadd.s32 s20, s21;
	s21 =	smulhi.u32 $0x55555556, s14  }
0x187: {  	s12 =	sadd.s32 s12, s15;
	s14 =	sshra.s32 s14, $0x1F;
	s24 =	smul.u32 $0x55555556, s24  }
0x188: {  	s23 =	sshra.s32 s11, $0x1F;
	v3 =	vmov s18;
	s18 =	sshrl.u32 s18, $0x1F;
	s14 =	smul.u32 $0x55555556, s14  }
0x189: {  	v4 =	vmov s20;
	v3 =	vsel vm0, s3, v3;
	s3 =	sshrl.u32 s3, $0x1F;
	s10 =	sadd.s32 s19, s26;
	s19 =	sshrl.u32 s20, $0x1F  }
0x18a: {  	v5 =	vmov s18;
	s20 =	sshra.s32 s22, $0x1F;
	v4 =	vsel vm0, s12, v4;
	s15 =	sadd.s32 s24, s25;
	s24 =	smulhi.u32 $0x55555556, s22  }
0x18b: {  	s12 =	sshrl.u32 s12, $0x1F;
	v5 =	vsel vm0, s3, v5;
	v3 =	vsel vm1, s2, v3;
	s2 =	sshrl.u32 s2, $0x1F;
	s25 =	smul.u32 $0x55555556, s23;
	v6 =	vmov s19  }
0x18c: {  	s26 =	sadd.s32 s1, s13;
	s22 =	smul.u32 $0x55555556, s20;
	v5 =	vsel vm1, s2, v5;
	v4 =	vsel vm1, s0, v4;
	v7 =	vmov s15;
	s15 =	sshrl.u32 s15, $0x1F  }
0x18d: {  	s23 =	smul.u32 $0x55555556, s8;
	s0 =	sshrl.u32 s0, $0x1F;
	v6 =	vsel vm0, s12, v6;
	s12 =	sshra.s32 s7, $0x1F;
	v8 =	vmov s15;
	v7 =	vnsel vm3, $0x0, v7  }
0x18e: {  	v4 =	vsel vm2, s5, v4;
	s4 =	sadd.s32 s25, s17;
	s24 =	sadd.s32 s22, s24;
	v7 =	vsel vm0, s10, v7;
	v8 =	vnsel vm3, $0x0, v8;
	s10 =	sshrl.u32 s10, $0x1F  }
0x18f: {  	s25 =	sadd.s32 s14, s21;
	v6 =	vsel vm1, s0, v6;
	s14 =	sshra.s32 s6, $0x1F;
	v3 =	vsel vm2, s4, v3;
	s13 =	sshrl.u32 s24, $0x1F;
	v8 =	vsel vm0, s10, v8  }
0x190: {  	s2 =	smul.u32 $0x55555556, s12;
	s4 =	sshrl.u32 s4, $0x1F;
	s15 =	sshrl.u32 s25, $0x1F;
	v6 =	vsel vm2, s16, v6;
	v7 =	vsel vm1, s24, v7;
	v8 =	vsel vm1, s13, v8  }
0x191: {  	s31 =	sadd.s32 s23, s30;
	s0 =	sshrl.u32 s26, $0x1F;
	s3 =	smul.u32 $0x55555556, s14;
	v5 =	vsel vm2, s4, v5;
	v7 =	vsel vm2, s25, v7;
	v8 =	vsel vm2, s15, v8  }
0x192: {  	s17 =	sshrl.u32 s31, $0x1F;
	s2 =	sadd.s32 s2, s29;
	v3 =	vcombine.low v4, v3;
	v7 =	vsel vm4, s26, v7;
	v4 =	vsel vm4, s0, v8  }
0x193: {  	s18 =	sadd.s32 s3, s9;
	v5 =	vcombine.low v6, v5;
	s19 =	sshrl.u32 s2, $0x1F;
	v7 =	vsel vm5, s31, v7;
	v4 =	vsel vm5, s17, v4  }
0x194: {  	v3 =	vperm.xlane v3, v0;
	s20 =	sshrl.u32 s18, $0x1F;
	v6 =	vsel vm6, s2, v7;
	v4 =	vsel vm6, s19, v4  }
0x195: {  	v5 =	vperm.xlane v5, v0;
	v6 =	vsel vm7, s18, v6;
	v4 =	vsel vm7, s20, v4  }
0x196: {  	v6 =	vperm.xlane v6, v1;
	v4 =	vperm.xlane v4, v1;
	_ =	sdelay $0x1  }
0x197: {  	v3 =	vsel vm8, v6, v3;
	v4 =	vsel vm8, v4, v5  }
0x198: {  	v3 =	vadd.s32 v4, v3  }
0x199: {  	v4 =	vmul.u32 $0xFFFFFFFD, v3;
	_ =	sdelay $0x1  }
0x19a: {  	s21 =	simm.s32 $0x0;
	s22 =	rddreg [dreg:$0x2];
	[tilespmem:s28+$0x80] =	vst v3;
	v2 =	vadd.s32 v2, v4  }
0x19b: {  	s23 =	simm.s32 $0x50;
	s30 =	simm.s32 $0x5180;
	s24 =	simm.s32 $0x180;
	[tilespmem:s28+$0x100] =	vst v2  }
0x19c: {  	[tilespmem:s24], [sflag:$0x1] =	stream.indirect.gather [hbm4b:s22+s23], $0x80, s21, s23, $0xb8;
	[tilespmem:$0xA180] =	vst v63  }
0x19d: {  	s4 =	simm.s32 $0x80;
	s25 =	rddreg [dreg:$0x4];
	s26 =	simm.s32 $0x2980  }
0x19e: {  	[tilespmem:s26], [sflag:$0x1] =	stream.indirect.gather [hbm4b:s25+s23], $0x80, s4, s23, $0xb8;
	[tilespmem:$0xA180] =	vst v63  }
0x19f: {  	s29 =	simm.s32 $0x100;
	s31 =	simm.s32 $0x1;
	s28 =	rddreg [dreg:$0x3]  }
0x1a0: {  	[tilespmem:s30], [sflag:$0x1] =	stream.indirect.gather [hbm4b:s28+s23], $0x80, s29, s23, $0xb8;
	[tilespmem:$0xA180] =	vst v63  }
0x1a1: {  	_ =	swait.ge [sflag:s31], $0x2800  }
0x1a2: {  	[sflag:s31] =	ssyncset.done $0x0  }
0x1a3: {  	[sflag:s31] =	ssyncadd.s32 $0xFFFFD800  }
0x1a4: {  	_ =	swait.ge [sflag:s31], $0x2800  }
0x1a5: {  	[sflag:s31] =	ssyncset.done $0x0  }
0x1a6: {  	[sflag:s31] =	ssyncadd.s32 $0xFFFFD800  }
0x1a7: {  	_ =	swait.ge [sflag:s31], $0x2800  }
0x1a8: {  	[sflag:s31] =	ssyncset.done $0x0  }
0x1a9: {  	s1 =	simm.s32 $0x0;
	[sflag:s31] =	ssyncadd.s32 $0xFFFFD800  }
0x1aa: {  	v2 =	vld [tilespmem:s1+$0x1F0]  }
0x1ab: {  	v3 =	vld [tilespmem:s1+$0x29F0]  }
0x1ac: {  	v4 =	vld [tilespmem:s1+$0x180]  }
0x1ad: {  	v5 =	vld [tilespmem:s1+$0x51F0]  }
0x1ae: {  	v6 =	vld [tilespmem:s1+$0x2980]  }
0x1af: {  	v7 =	vld [tilespmem:s1+$0x190]  }
0x1b0: {  	v8 =	vld [tilespmem:s1+$0x2990]  }
0x1b1: {  	v9 =	vld [tilespmem:s1+$0x29A0]  }
0x1b2: {  	v11 =	vld [tilespmem:s1+$0x29B0]  }
0x1b3: {  	v12 =	vld [tilespmem:s1+$0x1C0]  }
0x1b4: {  	v13 =	vld [tilespmem:s1+$0x29C0]  }
0x1b5: {  	v14 =	vld [tilespmem:s1+$0x1D0]  }
0x1b6: {  	v15 =	vld [tilespmem:s1+$0x29D0]  }
0x1b7: {  	v16 =	vld [tilespmem:s1+$0x1E0]  }
0x1b8: {  	v17 =	vld [tilespmem:s1+$0x29E0]  }
0x1b9: {  	v18 =	vld [tilespmem:s1+$0x5180]  }
0x1ba: {  	v2 =	vadd.f32 v3, v2;
	v3 =	vld [tilespmem:s1+$0x1A0]  }
0x1bb: {  	v19 =	vld [tilespmem:s1+$0x5190]  }
0x1bc: {  	v2 =	vadd.f32 v5, v2;
	v5 =	vld [tilespmem:s1+$0x1B0]  }
0x1bd: {  	v20 =	vld [tilespmem:s1+$0x51A0]  }
0x1be: {  	v10 =	vld [tilespmem:s1+$0x51B0];
	v4 =	vadd.f32 v6, v4;
	v21 =	vadd.f32 v8, v7  }
0x1bf: {  	v7 =	vld [tilespmem:s1+$0x51C0];
	v6 =	vadd.f32 v15, v14;
	v22 =	vadd.f32 v9, v3  }
0x1c0: {  	v8 =	vld [tilespmem:s1+$0x51D0];
	v3 =	vadd.f32 v13, v12;
	v12 =	vadd.f32 v18, v4  }
0x1c1: {  	s3 =	simm.s32 $0x80;
	[tilespmem:s1+$0x79F0] =	vst v2;
	v9 =	vld [tilespmem:s1+$0x51E0];
	v2 =	vadd.f32 v11, v5;
	v11 =	vadd.f32 v19, v21  }
0x1c2: {  	s6 =	simm.s32 $0x400;
	v4 =	vadd.f32 v17, v16;
	v5 =	vld [tilespmem:s3+$0x1F0];
	[tilespmem:s1+$0x7980] =	vst v12;
	v12 =	vadd.f32 v20, v22  }
.LBB2_8:
0x1c3: {  	p1 =	sne.s32 s6, $0x9E00;
	v13 =	vld [tilespmem:s3+$0x29F0];
	[tilespmem:s1+$0x7990] =	vst v11;
	v2 =	vadd.f32 v10, v2  }
0x1c4: {  	v10 =	vld [tilespmem:s3+$0x180];
	[tilespmem:s1+$0x79A0] =	vst v12;
	v3 =	vadd.f32 v7, v3  }
0x1c5: {  	v7 =	vld [tilespmem:s3+$0x51F0];
	[tilespmem:s1+$0x79B0] =	vst v2;
	v2 =	vadd.f32 v8, v6  }
0x1c6: {  	v6 =	vld [tilespmem:s3+$0x2980];
	[tilespmem:s1+$0x79C0] =	vst v3;
	v3 =	vadd.f32 v9, v4  }
0x1c7: {  	v4 =	vld [tilespmem:s3+$0x190];
	[tilespmem:s1+$0x79D0] =	vst v2  }
0x1c8: {  	v2 =	vld [tilespmem:s3+$0x2990];
	v5 =	vadd.f32 v13, v5;
	[tilespmem:s1+$0x79E0] =	vst v3;
	s1 =	smov.u32 s3  }
0x1c9: {  	v3 =	vld [tilespmem:s1+$0x1A0]  }
0x1ca: {  	v8 =	vld [tilespmem:s1+$0x29A0];
	v5 =	vadd.f32 v7, v5  }
0x1cb: {  	v9 =	vadd.f32 v6, v10;
	v6 =	vld [tilespmem:s1+$0x1B0]  }
0x1cc: {  	v7 =	vld [tilespmem:s1+$0x29B0];
	[tilespmem:s1+$0x79F0] =	vst v5  }
0x1cd: {  	v5 =	vadd.f32 v2, v4;
	v4 =	vld [tilespmem:s1+$0x1C0]  }
0x1ce: {  	v10 =	vld [tilespmem:s1+$0x29C0]  }
0x1cf: {  	v12 =	vadd.f32 v8, v3;
	v8 =	vld [tilespmem:s1+$0x1D0]  }
0x1d0: {  	v11 =	vld [tilespmem:s1+$0x29D0]  }
0x1d1: {  	v2 =	vadd.f32 v7, v6;
	v13 =	vld [tilespmem:s1+$0x1E0]  }
0x1d2: {  	v14 =	vld [tilespmem:s1+$0x29E0]  }
0x1d3: {  	v15 =	vld [tilespmem:s1+$0x5180];
	v3 =	vadd.f32 v10, v4  }
0x1d4: {  	v16 =	vld [tilespmem:s1+$0x5190]  }
0x1d5: {  	v17 =	vld [tilespmem:s1+$0x51A0];
	v6 =	vadd.f32 v11, v8  }
.Ltmp5:
0x1d6: {  	v10 =	vld [tilespmem:s1+$0x51B0];
	(pc) =	sbr.rel @p1 .LBB2_8-.Ltmp5, $4  }
0x1d7: {  	v7 =	vld [tilespmem:s1+$0x51C0];
	v4 =	vadd.f32 v14, v13  }
0x1d8: {  	v13 =	vadd.f32 v15, v9;
	v8 =	vld [tilespmem:s1+$0x51D0]  }
0x1d9: {  	s3 =	sshra.s32 s6, $0x2;
	v11 =	vadd.f32 v16, v5;
	v9 =	vld [tilespmem:s1+$0x51E0]  }
0x1da: {  	s6 =	sadd.s32 $0x200, s6;
	v5 =	vld [tilespmem:s3+$0x1F0];
	[tilespmem:s1+$0x7980] =	vst v13;
	v12 =	vadd.f32 v17, v12  }
0x1db: {  	v13 =	vld [tilespmem:s3+$0x29F0];
	[tilespmem:s1+$0x7990] =	vst v11;
	v2 =	vadd.f32 v10, v2  }
0x1dc: {  	v11 =	vld [tilespmem:s3+$0x180];
	[tilespmem:s1+$0x79A0] =	vst v12;
	v3 =	vadd.f32 v7, v3  }
0x1dd: {  	v49 =	vld [tilespmem:s3+$0x51F0];
	[tilespmem:s1+$0x79B0] =	vst v2;
	v6 =	vadd.f32 v8, v6  }
0x1de: {  	v2 =	vld [tilespmem:s3+$0x2980];
	[tilespmem:s1+$0x79C0] =	vst v3;
	v4 =	vadd.f32 v9, v4  }
0x1df: {  	v3 =	vld [tilespmem:s3+$0x190];
	[tilespmem:s1+$0x79D0] =	vst v6  }
0x1e0: {  	v6 =	vld [tilespmem:s3+$0x2990];
	[tilespmem:s1+$0x79E0] =	vst v4  }
0x1e1: {  	v51 =	vld [tilespmem:s3+$0x1A0]  }
0x1e2: {  	v52 =	vld [tilespmem:s3+$0x29A0]  }
0x1e3: {  	v53 =	vld [tilespmem:s3+$0x1B0]  }
0x1e4: {  	v54 =	vld [tilespmem:s3+$0x29B0]  }
0x1e5: {  	v55 =	vld [tilespmem:s3+$0x1C0]  }
0x1e6: {  	v56 =	vld [tilespmem:s3+$0x29C0]  }
0x1e7: {  	v12 =	vld [tilespmem:s3+$0x1D0]  }
0x1e8: {  	v57 =	vld [tilespmem:s3+$0x29D0]  }
0x1e9: {  	v14 =	vld [tilespmem:s3+$0x1E0]  }
0x1ea: {  	v15 =	vld [tilespmem:s3+$0x29E0]  }
0x1eb: {  	v16 =	vld [tilespmem:s3+$0x5180]  }
0x1ec: {  	v17 =	vld [tilespmem:s3+$0x5190]  }
0x1ed: {  	v50 =	vadd.f32 v13, v5;
	v18 =	vld [tilespmem:s3+$0x51A0]  }
0x1ee: {  	v58 =	vld [tilespmem:s3+$0x51B0];
	v2 =	vadd.f32 v2, v11  }
0x1ef: {  	v59 =	vld [tilespmem:s3+$0x51C0];
	v4 =	vadd.f32 v49, v50;
	v3 =	vadd.f32 v6, v3  }
0x1f0: {  	v60 =	vld [tilespmem:s3+$0x51D0];
	v5 =	vadd.f32 v52, v51;
	v2 =	vadd.f32 v16, v2  }
0x1f1: {  	v61 =	vld [tilespmem:s3+$0x51E0];
	[tilespmem:s3+$0x79F0] =	vst v4;
	v8 =	vadd.f32 v54, v53;
	v3 =	vadd.f32 v17, v3  }
0x1f2: {  	v4 =	vadd.f32 v56, v55;
	[tilespmem:s3+$0x7980] =	vst v2;
	v2 =	vadd.f32 v18, v5  }
0x1f3: {  	v62 =	vadd.f32 v57, v12;
	[tilespmem:s3+$0x7990] =	vst v3;
	v3 =	vadd.f32 v58, v8  }
0x1f4: {  	v63 =	vadd.f32 v15, v14;
	[tilespmem:s3+$0x79A0] =	vst v2;
	v2 =	vadd.f32 v59, v4  }
0x1f5: {  	[tilespmem:s3+$0x79B0] =	vst v3;
	v3 =	vadd.f32 v60, v62  }
0x1f6: {  	[tilespmem:s3+$0x79C0] =	vst v2;
	v2 =	vadd.f32 v61, v63  }
0x1f7: {  	s0 =	simm.s32 $0x0;
	[tilespmem:s3+$0x79D0] =	vst v3  }
0x1f8: {  	s24 =	rddreg [dreg:$0x1c];
	s2 =	simm.s32 $0x7980;
	s25 =	simm.s32 $0x2;
	[tilespmem:s3+$0x79E0] =	vst v2  }
0x1f9: {  	[hbm4b:s24+s0] =	stream.linear.scatter [tilespmem:s2], [sflag:$0x2], $0x2800, $0x38;
	[tilespmem:$0xA180] =	vst v63  }
0x1fa: {  	_ =	swait.ge [sflag:s25], $0x2800  }
0x1fb: {  	[sflag:s25] =	ssyncset.done $0x0  }
0x1fc: {  	s26 =	rddreg [dreg:$0x1d];
	[sflag:s25] =	ssyncadd.s32 $0xFFFFD800  }
0x1fd: {  	[tilespmem:s0], [sflag:$0x2] =	stream.linear.gather [hbm4b:s26+s0], $0x50, $0x38;
	[tilespmem:$0xA180] =	vst v63  }
0x1fe: {  	_ =	swait.ge [sflag:s25], $0x50  }
0x1ff: {  	[sflag:s25] =	ssyncset.done $0x0  }
0x200: {  	s31 =	rddreg [dreg:$0x1e];
	[sflag:s25] =	ssyncadd.s32 $0xFFFFFFB0  }
0x201: {  	[tilespmem:s4], [sflag:$0x2] =	stream.linear.gather [hbm4b:s31+s0], $0x50, $0x38;
	[tilespmem:$0xA180] =	vst v63  }
0x202: {  	_ =	swait.ge [sflag:s25], $0x50  }
0x203: {  	[sflag:s25] =	ssyncset.done $0x0  }
0x204: {  	s28 =	simm.s32 $0x0;
	[sflag:s25] =	ssyncadd.s32 $0xFFFFFFB0  }
0x205: {  	v2 =	vld [tilespmem:s28+$0x80];
	_ =	sdelay $0x4  }
0x206: {  	(v2sf) =	vpush v2, $0x7  }
0x207: {  	(v2sf) =	vpush v2, $0x6  }
0x208: {  	(v2sf) =	vpush v2, $0xF  }
0x209: {  	(v2sf) =	vpush v2, $0xB  }
0x20a: {  	(v2sf) =	vpush v2, $0x5  }
0x20b: {  	(v2sf) =	vpush v2, $0xE;
	_ =	sdelay $0x5  }
0x20c: {  	(v2sf) =	vpush v2, $0xA  }
0x20d: {  	(v2sf) =	vpush v2, $0x4  }
0x20e: {  	(v2sf) =	vpush v2, $0xD  }
0x20f: {  	(v2sf) =	vpush v2, $0x9  }
0x210: {  	(v2sf) =	vpush v2, $0x3;
	s6 =	spop (v2sf)  }
0x211: {  	(v2sf) =	vpush v2, $0xC;
	s9 =	smulhi.u32 $0x55555556, s6;
	s7 =	spop (v2sf)  }
0x212: {  	(v2sf) =	vpush v2, $0x8;
	s29 =	smulhi.u32 $0x55555556, s7;
	s11 =	spop (v2sf)  }
0x213: {  	(v2sf) =	vpush v2, $0x2;
	s17 =	smulhi.u32 $0x55555556, s11;
	s10 =	spop (v2sf)  }
0x214: {  	(v2sf) =	vpush v2, $0x1;
	s16 =	smulhi.u32 $0x55555556, s10;
	s8 =	spop (v2sf)  }
0x215: {  	s1 =	simm.s32 $0x40;
	(v2sf) =	vpush v2, $0x0;
	s30 =	smulhi.u32 $0x55555556, s8;
	s5 =	spop (v2sf)  }
.LBB2_10:
0x216: {  	s13 =	smulhi.u32 $0x55555556, s5;
	s6 =	sshra.s32 s6, $0x1F  }
0x217: {  	s7 =	sshra.s32 s7, $0x1F;
	s6 =	smul.u32 $0x55555556, s6  }
0x218: {  	s11 =	sshra.s32 s11, $0x1F;
	s7 =	smul.u32 $0x55555556, s7  }
0x219: {  	s10 =	sshra.s32 s10, $0x1F;
	s11 =	smul.u32 $0x55555556, s11  }
0x21a: {  	s15 =	sshra.s32 s5, $0x1F;
	s5 =	smul.u32 $0x55555556, s10  }
0x21b: {  	s8 =	sshra.s32 s8, $0x1F;
	s15 =	smul.u32 $0x55555556, s15  }
0x21c: {  	s8 =	smul.u32 $0x55555556, s8;
	s19 =	spop (v2sf)  }
0x21d: {  	s14 =	smulhi.u32 $0x55555556, s19;
	s20 =	spop (v2sf)  }
0x21e: {  	[dreg:$0x15] =	wrdreg s30;
	s19 =	sshra.s32 s19, $0x1F;
	s0 =	smulhi.u32 $0x55555556, s20  }
0x21f: {  	s21 =	spop (v2sf);
	s19 =	smul.u32 $0x55555556, s19  }
0x220: {  	[dreg:$0x11] =	wrdreg s29;
	s20 =	sshra.s32 s20, $0x1F;
	s2 =	smulhi.u32 $0x55555556, s21  }
0x221: {  	s22 =	spop (v2sf);
	s10 =	smul.u32 $0x55555556, s20  }
0x222: {  	[dreg:$0x9] =	wrdreg s9;
	s21 =	sshra.s32 s21, $0x1F;
	s4 =	smulhi.u32 $0x55555556, s22  }
0x223: {  	s23 =	spop (v2sf);
	s20 =	smul.u32 $0x55555556, s21  }
0x224: {  	s9 =	smov.u32 s28;
	s22 =	sshra.s32 s22, $0x1F;
	s12 =	smulhi.u32 $0x55555556, s23  }
0x225: {  	s13 =	sadd.s32 s15, s13;
	s24 =	spop (v2sf);
	s21 =	smul.u32 $0x55555556, s22  }
0x226: {  	[dreg:$0xe] =	wrdreg s0;
	s23 =	sshra.s32 s23, $0x1F;
	s25 =	smulhi.u32 $0x55555556, s24  }
0x227: {  	s14 =	sadd.s32 s19, s14;
	s26 =	spop (v2sf);
	s22 =	smul.u32 $0x55555556, s23  }
0x228: {  	s19 =	rddreg [dreg:$0x15];
	s24 =	sshra.s32 s24, $0x1F;
	s28 =	smulhi.u32 $0x55555556, s26  }
0x229: {  	s5 =	sadd.s32 s5, s16;
	s29 =	spop (v2sf);
	s23 =	smul.u32 $0x55555556, s24  }
0x22a: {  	s2 =	sadd.s32 s20, s2;
	s26 =	sshra.s32 s26, $0x1F;
	s18 =	smulhi.u32 $0x55555556, s29  }
0x22b: {  	s4 =	sadd.s32 s21, s4;
	s30 =	spop (v2sf);
	s24 =	smul.u32 $0x55555556, s26  }
0x22c: {  	s0 =	smulhi.u32 $0x55555556, s30;
	s31 =	spop (v2sf);
	s23 =	sadd.s32 s23, s25  }
0x22d: {  	s3 =	smulhi.u32 $0x55555556, s31;
	s31 =	sshra.s32 s31, $0x1F;
	s24 =	sadd.s32 s24, s28  }
0x22e: {  	s29 =	sshra.s32 s29, $0x1F;
	v3 =	vmov s23;
	s23 =	sshrl.u32 s23, $0x1F;
	s26 =	smul.u32 $0x55555556, s31;
	v4 =	vmov s24  }
0x22f: {  	s30 =	sshra.s32 s30, $0x1F;
	v3 =	vsel vm0, s2, v3;
	s24 =	sshrl.u32 s24, $0x1F;
	v6 =	vmov s23;
	s2 =	sshrl.u32 s2, $0x1F;
	v4 =	vsel vm0, s4, v4  }
0x230: {  	s31 =	smul.u32 $0x55555556, s30;
	v7 =	vmov s24;
	v3 =	vsel vm1, s13, v3;
	s4 =	sshrl.u32 s4, $0x1F;
	v6 =	vsel vm0, s2, v6;
	s3 =	sadd.s32 s26, s3  }
0x231: {  	s25 =	smul.u32 $0x55555556, s29;
	s13 =	sshrl.u32 s13, $0x1F;
	v4 =	vsel vm1, s14, v4;
	v7 =	vsel vm0, s4, v7;
	v5 =	vmov s3;
	s3 =	sshrl.u32 s3, $0x1F  }
0x232: {  	s15 =	sshrl.u32 s14, $0x1F;
	s0 =	sadd.s32 s31, s0;
	s26 =	sadd.s32 s11, s17;
	v6 =	vsel vm1, s13, v6;
	v5 =	vnsel vm3, $0x0, v5;
	v8 =	vmov s3  }
0x233: {  	s20 =	sshrl.u32 s5, $0x1F;
	s31 =	sadd.s32 s25, s18;
	v3 =	vsel vm2, s26, v3;
	v5 =	vsel vm0, s0, v5;
	v8 =	vnsel vm3, $0x0, v8;
	s0 =	sshrl.u32 s0, $0x1F  }
0x234: {  	s12 =	sadd.s32 s22, s12;
	s17 =	rddreg [dreg:$0xe];
	v4 =	vsel vm2, s5, v4;
	v7 =	vsel vm1, s15, v7;
	s16 =	sshrl.u32 s31, $0x1F;
	v8 =	vsel vm0, s0, v8  }
0x235: {  	s22 =	rddreg [dreg:$0x11];
	s18 =	sshrl.u32 s12, $0x1F;
	s2 =	sadd.s32 s10, s17;
	v3 =	vcombine.low v4, v3;
	v61 =	vsel vm1, s31, v5;
	v62 =	vsel vm1, s16, v8  }
0x236: {  	s4 =	sadd.s32 s8, s19;
	s3 =	sshrl.u32 s26, $0x1F;
	s21 =	sshrl.u32 s2, $0x1F;
	v7 =	vsel vm2, s20, v7;
	v4 =	vsel vm2, s12, v61;
	v5 =	vsel vm2, s18, v62  }
0x237: {  	s24 =	rddreg [dreg:$0x9];
	s23 =	sshrl.u32 s4, $0x1F;
	v6 =	vsel vm2, s3, v6;
	v4 =	vsel vm4, s2, v4;
	s2 =	sadd.s32 s7, s22;
	v5 =	vsel vm4, s21, v5  }
0x238: {  	s3 =	sadd.s32 s6, s24;
	v6 =	vcombine.low v7, v6;
	v4 =	vsel vm5, s4, v4;
	s25 =	sshrl.u32 s2, $0x1F;
	v5 =	vsel vm5, s23, v5  }
0x239: {  	v3 =	vperm.xlane v3, v0;
	s26 =	sshrl.u32 s3, $0x1F;
	v4 =	vsel vm6, s2, v4;
	v5 =	vsel vm6, s25, v5  }
0x23a: {  	v6 =	vperm.xlane v6, v0;
	v4 =	vsel vm7, s3, v4;
	v5 =	vsel vm7, s26, v5  }
0x23b: {  	v4 =	vperm.xlane v4, v1;
	v5 =	vperm.xlane v5, v1;
	_ =	sdelay $0x1  }
0x23c: {  	v3 =	vsel vm8, v4, v3;
	v63 =	vsel vm8, v5, v6  }
0x23d: {  	v3 =	vadd.s32 v63, v3  }
0x23e: {  	s31 =	sshra.s32 s1, $0x2;
	[tilespmem:s9+$0x80] =	vst v3  }
0x23f: {  	v4 =	vmul.u32 $0xFFFFFFFD, v3;
	v3 =	vld [tilespmem:s31+$0x80];
	_ =	sdelay $0x2  }
0x240: {  	v2 =	vadd.s32 v2, v4;
	_ =	sdelay $0x1  }
0x241: {  	(v2sf) =	vpush v3, $0x7  }
0x242: {  	[tilespmem:s9+$0x100] =	vst v2;
	v2 =	vmov v3  }
0x243: {  	(v2sf) =	vpush v2, $0x6  }
0x244: {  	(v2sf) =	vpush v2, $0xF  }
0x245: {  	(v2sf) =	vpush v2, $0xB  }
0x246: {  	(v2sf) =	vpush v2, $0x5  }
0x247: {  	(v2sf) =	vpush v2, $0xE;
	_ =	sdelay $0x5  }
0x248: {  	(v2sf) =	vpush v2, $0xA  }
0x249: {  	(v2sf) =	vpush v2, $0x4  }
0x24a: {  	(v2sf) =	vpush v2, $0xD  }
0x24b: {  	(v2sf) =	vpush v2, $0x9;
	s6 =	spop (v2sf)  }
0x24c: {  	p1 =	sne.s32 s1, $0x100;
	(v2sf) =	vpush v2, $0x3;
	s9 =	smulhi.u32 $0x55555556, s6  }
.Ltmp6:
0x24d: {  	(v2sf) =	vpush v2, $0xC;
	s7 =	spop (v2sf);
	(pc) =	sbr.rel @p1 .LBB2_10-.Ltmp6, $4  }
0x24e: {  	(v2sf) =	vpush v2, $0x8;
	s29 =	smulhi.u32 $0x55555556, s7;
	s11 =	spop (v2sf)  }
0x24f: {  	(v2sf) =	vpush v2, $0x2;
	s17 =	smulhi.u32 $0x55555556, s11;
	s10 =	spop (v2sf)  }
0x250: {  	s1 =	sadd.s32 $0x40, s1;
	(v2sf) =	vpush v2, $0x1;
	s16 =	smulhi.u32 $0x55555556, s10;
	s8 =	spop (v2sf)  }
0x251: {  	s28 =	smov.u32 s31;
	(v2sf) =	vpush v2, $0x0;
	s30 =	smulhi.u32 $0x55555556, s8;
	s5 =	spop (v2sf)  }
0x252: {  	_ =	sdelay $0x1  }
0x253: {  	s2 =	smulhi.u32 $0x55555556, s5;
	s22 =	sshra.s32 s5, $0x1F  }
0x254: {  	s5 =	smul.u32 $0x55555556, s22  }
0x255: {  	s31 =	sshra.s32 s10, $0x1F  }
0x256: {  	s2 =	sadd.s32 s5, s2;
	s5 =	smul.u32 $0x55555556, s31;
	s0 =	spop (v2sf)  }
0x257: {  	s1 =	spop (v2sf);
	s4 =	smulhi.u32 $0x55555556, s0;
	s0 =	sshra.s32 s0, $0x1F  }
0x258: {  	s3 =	spop (v2sf);
	s0 =	smul.u32 $0x55555556, s0  }
0x259: {  	s12 =	spop (v2sf);
	s13 =	smulhi.u32 $0x55555556, s3  }
0x25a: {  	s3 =	sshra.s32 s3, $0x1F;
	s15 =	smulhi.u32 $0x55555556, s12  }
0x25b: {  	s14 =	spop (v2sf);
	s3 =	smul.u32 $0x55555556, s3;
	s12 =	sshra.s32 s12, $0x1F  }
0x25c: {  	s18 =	spop (v2sf);
	s12 =	smul.u32 $0x55555556, s12  }
0x25d: {  	s19 =	smulhi.u32 $0x55555556, s18  }
0x25e: {  	s20 =	spop (v2sf);
	s3 =	sadd.s32 s3, s13;
	s13 =	smulhi.u32 $0x55555556, s1  }
0x25f: {  	s18 =	sshra.s32 s18, $0x1F;
	s21 =	smulhi.u32 $0x55555556, s20  }
0x260: {  	s1 =	sshra.s32 s1, $0x1F;
	s18 =	smul.u32 $0x55555556, s18  }
0x261: {  	s22 =	spop (v2sf);
	s20 =	sshra.s32 s20, $0x1F;
	s1 =	smul.u32 $0x55555556, s1  }
0x262: {  	s8 =	sshra.s32 s8, $0x1F;
	s23 =	spop (v2sf);
	s20 =	smul.u32 $0x55555556, s20  }
0x263: {  	s5 =	sadd.s32 s5, s16;
	s24 =	spop (v2sf);
	s26 =	smulhi.u32 $0x55555556, s23  }
0x264: {  	s16 =	sshrl.u32 s5, $0x1F;
	s23 =	sshra.s32 s23, $0x1F;
	s25 =	smulhi.u32 $0x55555556, s24  }
0x265: {  	s0 =	sadd.s32 s0, s4;
	s18 =	sadd.s32 s18, s19;
	s19 =	smul.u32 $0x55555556, s23  }
0x266: {  	s24 =	sshra.s32 s24, $0x1F;
	s20 =	sadd.s32 s20, s21;
	s21 =	smulhi.u32 $0x55555556, s14  }
0x267: {  	s12 =	sadd.s32 s12, s15;
	s14 =	sshra.s32 s14, $0x1F;
	s24 =	smul.u32 $0x55555556, s24  }
0x268: {  	s23 =	sshra.s32 s11, $0x1F;
	v3 =	vmov s18;
	s18 =	sshrl.u32 s18, $0x1F;
	s14 =	smul.u32 $0x55555556, s14  }
0x269: {  	v4 =	vmov s20;
	v3 =	vsel vm0, s3, v3;
	s3 =	sshrl.u32 s3, $0x1F;
	s10 =	sadd.s32 s19, s26;
	s19 =	sshrl.u32 s20, $0x1F  }
0x26a: {  	v5 =	vmov s18;
	s20 =	sshra.s32 s22, $0x1F;
	v4 =	vsel vm0, s12, v4;
	s15 =	sadd.s32 s24, s25;
	s24 =	smulhi.u32 $0x55555556, s22  }
0x26b: {  	s12 =	sshrl.u32 s12, $0x1F;
	v5 =	vsel vm0, s3, v5;
	v3 =	vsel vm1, s2, v3;
	s2 =	sshrl.u32 s2, $0x1F;
	s25 =	smul.u32 $0x55555556, s23;
	v6 =	vmov s19  }
0x26c: {  	s26 =	sadd.s32 s1, s13;
	s22 =	smul.u32 $0x55555556, s20;
	v5 =	vsel vm1, s2, v5;
	v4 =	vsel vm1, s0, v4;
	v7 =	vmov s15;
	s15 =	sshrl.u32 s15, $0x1F  }
0x26d: {  	s23 =	smul.u32 $0x55555556, s8;
	s0 =	sshrl.u32 s0, $0x1F;
	v6 =	vsel vm0, s12, v6;
	s12 =	sshra.s32 s7, $0x1F;
	v8 =	vmov s15;
	v7 =	vnsel vm3, $0x0, v7  }
0x26e: {  	v4 =	vsel vm2, s5, v4;
	s4 =	sadd.s32 s25, s17;
	s24 =	sadd.s32 s22, s24;
	v7 =	vsel vm0, s10, v7;
	v8 =	vnsel vm3, $0x0, v8;
	s10 =	sshrl.u32 s10, $0x1F  }
0x26f: {  	s25 =	sadd.s32 s14, s21;
	v6 =	vsel vm1, s0, v6;
	s14 =	sshra.s32 s6, $0x1F;
	v3 =	vsel vm2, s4, v3;
	s13 =	sshrl.u32 s24, $0x1F;
	v8 =	vsel vm0, s10, v8  }
0x270: {  	s2 =	smul.u32 $0x55555556, s12;
	s4 =	sshrl.u32 s4, $0x1F;
	s15 =	sshrl.u32 s25, $0x1F;
	v6 =	vsel vm2, s16, v6;
	v7 =	vsel vm1, s24, v7;
	v8 =	vsel vm1, s13, v8  }
0x271: {  	s31 =	sadd.s32 s23, s30;
	s0 =	sshrl.u32 s26, $0x1F;
	s3 =	smul.u32 $0x55555556, s14;
	v5 =	vsel vm2, s4, v5;
	v7 =	vsel vm2, s25, v7;
	v8 =	vsel vm2, s15, v8  }
0x272: {  	s17 =	sshrl.u32 s31, $0x1F;
	s2 =	sadd.s32 s2, s29;
	v3 =	vcombine.low v4, v3;
	v7 =	vsel vm4, s26, v7;
	v4 =	vsel vm4, s0, v8  }
0x273: {  	s18 =	sadd.s32 s3, s9;
	v5 =	vcombine.low v6, v5;
	s19 =	sshrl.u32 s2, $0x1F;
	v7 =	vsel vm5, s31, v7;
	v4 =	vsel vm5, s17, v4  }
0x274: {  	v3 =	vperm.xlane v3, v0;
	s20 =	sshrl.u32 s18, $0x1F;
	v6 =	vsel vm6, s2, v7;
	v4 =	vsel vm6, s19, v4  }
0x275: {  	v5 =	vperm.xlane v5, v0;
	v6 =	vsel vm7, s18, v6;
	v4 =	vsel vm7, s20, v4  }
0x276: {  	v6 =	vperm.xlane v6, v1;
	v4 =	vperm.xlane v4, v1;
	_ =	sdelay $0x1  }
0x277: {  	v3 =	vsel vm8, v6, v3;
	v4 =	vsel vm8, v4, v5  }
0x278: {  	v3 =	vadd.s32 v4, v3  }
0x279: {  	v4 =	vmul.u32 $0xFFFFFFFD, v3;
	_ =	sdelay $0x1  }
0x27a: {  	s21 =	simm.s32 $0x0;
	s22 =	rddreg [dreg:$0x2];
	[tilespmem:s28+$0x80] =	vst v3;
	v2 =	vadd.s32 v2, v4  }
0x27b: {  	s23 =	simm.s32 $0x50;
	s30 =	simm.s32 $0x5180;
	s24 =	simm.s32 $0x180;
	[tilespmem:s28+$0x100] =	vst v2  }
0x27c: {  	[tilespmem:s24], [sflag:$0x1] =	stream.indirect.gather [hbm4b:s22+s23], $0x80, s21, s23, $0xb8;
	[tilespmem:$0xA180] =	vst v63  }
0x27d: {  	s4 =	simm.s32 $0x80;
	s25 =	rddreg [dreg:$0x4];
	s26 =	simm.s32 $0x2980  }
0x27e: {  	[tilespmem:s26], [sflag:$0x1] =	stream.indirect.gather [hbm4b:s25+s23], $0x80, s4, s23, $0xb8;
	[tilespmem:$0xA180] =	vst v63  }
0x27f: {  	s29 =	simm.s32 $0x100;
	s31 =	simm.s32 $0x1;
	s28 =	rddreg [dreg:$0x3]  }
0x280: {  	[tilespmem:s30], [sflag:$0x1] =	stream.indirect.gather [hbm4b:s28+s23], $0x80, s29, s23, $0xb8;
	[tilespmem:$0xA180] =	vst v63  }
0x281: {  	_ =	swait.ge [sflag:s31], $0x2800  }
0x282: {  	[sflag:s31] =	ssyncset.done $0x0  }
0x283: {  	[sflag:s31] =	ssyncadd.s32 $0xFFFFD800  }
0x284: {  	_ =	swait.ge [sflag:s31], $0x2800  }
0x285: {  	[sflag:s31] =	ssyncset.done $0x0  }
0x286: {  	[sflag:s31] =	ssyncadd.s32 $0xFFFFD800  }
0x287: {  	_ =	swait.ge [sflag:s31], $0x2800  }
0x288: {  	[sflag:s31] =	ssyncset.done $0x0  }
0x289: {  	s1 =	simm.s32 $0x0;
	[sflag:s31] =	ssyncadd.s32 $0xFFFFD800  }
0x28a: {  	v2 =	vld [tilespmem:s1+$0x1F0]  }
0x28b: {  	v3 =	vld [tilespmem:s1+$0x29F0]  }
0x28c: {  	v4 =	vld [tilespmem:s1+$0x180]  }
0x28d: {  	v5 =	vld [tilespmem:s1+$0x51F0]  }
0x28e: {  	v6 =	vld [tilespmem:s1+$0x2980]  }
0x28f: {  	v7 =	vld [tilespmem:s1+$0x190]  }
0x290: {  	v8 =	vld [tilespmem:s1+$0x2990]  }
0x291: {  	v9 =	vld [tilespmem:s1+$0x29A0]  }
0x292: {  	v11 =	vld [tilespmem:s1+$0x29B0]  }
0x293: {  	v12 =	vld [tilespmem:s1+$0x1C0]  }
0x294: {  	v13 =	vld [tilespmem:s1+$0x29C0]  }
0x295: {  	v14 =	vld [tilespmem:s1+$0x1D0]  }
0x296: {  	v15 =	vld [tilespmem:s1+$0x29D0]  }
0x297: {  	v16 =	vld [tilespmem:s1+$0x1E0]  }
0x298: {  	v17 =	vld [tilespmem:s1+$0x29E0]  }
0x299: {  	v18 =	vld [tilespmem:s1+$0x5180]  }
0x29a: {  	v2 =	vadd.f32 v3, v2;
	v3 =	vld [tilespmem:s1+$0x1A0]  }
0x29b: {  	v19 =	vld [tilespmem:s1+$0x5190]  }
0x29c: {  	v2 =	vadd.f32 v5, v2;
	v5 =	vld [tilespmem:s1+$0x1B0]  }
0x29d: {  	v20 =	vld [tilespmem:s1+$0x51A0]  }
0x29e: {  	v10 =	vld [tilespmem:s1+$0x51B0];
	v4 =	vadd.f32 v6, v4;
	v21 =	vadd.f32 v8, v7  }
0x29f: {  	v7 =	vld [tilespmem:s1+$0x51C0];
	v6 =	vadd.f32 v15, v14;
	v22 =	vadd.f32 v9, v3  }
0x2a0: {  	v8 =	vld [tilespmem:s1+$0x51D0];
	v3 =	vadd.f32 v13, v12;
	v12 =	vadd.f32 v18, v4  }
0x2a1: {  	s3 =	simm.s32 $0x80;
	[tilespmem:s1+$0x79F0] =	vst v2;
	v9 =	vld [tilespmem:s1+$0x51E0];
	v2 =	vadd.f32 v11, v5;
	v11 =	vadd.f32 v19, v21  }
0x2a2: {  	s6 =	simm.s32 $0x400;
	v4 =	vadd.f32 v17, v16;
	v5 =	vld [tilespmem:s3+$0x1F0];
	[tilespmem:s1+$0x7980] =	vst v12;
	v12 =	vadd.f32 v20, v22  }
.LBB2_12:
0x2a3: {  	p1 =	sne.s32 s6, $0x9E00;
	v13 =	vld [tilespmem:s3+$0x29F0];
	[tilespmem:s1+$0x7990] =	vst v11;
	v2 =	vadd.f32 v10, v2  }
0x2a4: {  	v10 =	vld [tilespmem:s3+$0x180];
	[tilespmem:s1+$0x79A0] =	vst v12;
	v3 =	vadd.f32 v7, v3  }
0x2a5: {  	v7 =	vld [tilespmem:s3+$0x51F0];
	[tilespmem:s1+$0x79B0] =	vst v2;
	v2 =	vadd.f32 v8, v6  }
0x2a6: {  	v6 =	vld [tilespmem:s3+$0x2980];
	[tilespmem:s1+$0x79C0] =	vst v3;
	v3 =	vadd.f32 v9, v4  }
0x2a7: {  	v4 =	vld [tilespmem:s3+$0x190];
	[tilespmem:s1+$0x79D0] =	vst v2  }
0x2a8: {  	v2 =	vld [tilespmem:s3+$0x2990];
	v5 =	vadd.f32 v13, v5;
	[tilespmem:s1+$0x79E0] =	vst v3;
	s1 =	smov.u32 s3  }
0x2a9: {  	v3 =	vld [tilespmem:s1+$0x1A0]  }
0x2aa: {  	v8 =	vld [tilespmem:s1+$0x29A0];
	v5 =	vadd.f32 v7, v5  }
0x2ab: {  	v9 =	vadd.f32 v6, v10;
	v6 =	vld [tilespmem:s1+$0x1B0]  }
0x2ac: {  	v7 =	vld [tilespmem:s1+$0x29B0];
	[tilespmem:s1+$0x79F0] =	vst v5  }
0x2ad: {  	v5 =	vadd.f32 v2, v4;
	v4 =	vld [tilespmem:s1+$0x1C0]  }
0x2ae: {  	v10 =	vld [tilespmem:s1+$0x29C0]  }
0x2af: {  	v12 =	vadd.f32 v8, v3;
	v8 =	vld [tilespmem:s1+$0x1D0]  }
0x2b0: {  	v11 =	vld [tilespmem:s1+$0x29D0]  }
0x2b1: {  	v2 =	vadd.f32 v7, v6;
	v13 =	vld [tilespmem:s1+$0x1E0]  }
0x2b2: {  	v14 =	vld [tilespmem:s1+$0x29E0]  }
0x2b3: {  	v15 =	vld [tilespmem:s1+$0x5180];
	v3 =	vadd.f32 v10, v4  }
0x2b4: {  	v16 =	vld [tilespmem:s1+$0x5190]  }
0x2b5: {  	v17 =	vld [tilespmem:s1+$0x51A0];
	v6 =	vadd.f32 v11, v8  }
.Ltmp7:
0x2b6: {  	v10 =	vld [tilespmem:s1+$0x51B0];
	(pc) =	sbr.rel @p1 .LBB2_12-.Ltmp7, $4  }
0x2b7: {  	v7 =	vld [tilespmem:s1+$0x51C0];
	v4 =	vadd.f32 v14, v13  }
0x2b8: {  	v13 =	vadd.f32 v15, v9;
	v8 =	vld [tilespmem:s1+$0x51D0]  }
0x2b9: {  	s3 =	sshra.s32 s6, $0x2;
	v11 =	vadd.f32 v16, v5;
	v9 =	vld [tilespmem:s1+$0x51E0]  }
0x2ba: {  	s6 =	sadd.s32 $0x200, s6;
	v5 =	vld [tilespmem:s3+$0x1F0];
	[tilespmem:s1+$0x7980] =	vst v13;
	v12 =	vadd.f32 v17, v12  }
0x2bb: {  	v13 =	vld [tilespmem:s3+$0x29F0];
	[tilespmem:s1+$0x7990] =	vst v11;
	v2 =	vadd.f32 v10, v2  }
0x2bc: {  	v11 =	vld [tilespmem:s3+$0x180];
	[tilespmem:s1+$0x79A0] =	vst v12;
	v3 =	vadd.f32 v7, v3  }
0x2bd: {  	v49 =	vld [tilespmem:s3+$0x51F0];
	[tilespmem:s1+$0x79B0] =	vst v2;
	v6 =	vadd.f32 v8, v6  }
0x2be: {  	v2 =	vld [tilespmem:s3+$0x2980];
	[tilespmem:s1+$0x79C0] =	vst v3;
	v4 =	vadd.f32 v9, v4  }
0x2bf: {  	v3 =	vld [tilespmem:s3+$0x190];
	[tilespmem:s1+$0x79D0] =	vst v6  }
0x2c0: {  	v6 =	vld [tilespmem:s3+$0x2990];
	[tilespmem:s1+$0x79E0] =	vst v4  }
0x2c1: {  	v51 =	vld [tilespmem:s3+$0x1A0]  }
0x2c2: {  	v52 =	vld [tilespmem:s3+$0x29A0]  }
0x2c3: {  	v53 =	vld [tilespmem:s3+$0x1B0]  }
0x2c4: {  	v54 =	vld [tilespmem:s3+$0x29B0]  }
0x2c5: {  	v55 =	vld [tilespmem:s3+$0x1C0]  }
0x2c6: {  	v56 =	vld [tilespmem:s3+$0x29C0]  }
0x2c7: {  	v12 =	vld [tilespmem:s3+$0x1D0]  }
0x2c8: {  	v57 =	vld [tilespmem:s3+$0x29D0]  }
0x2c9: {  	v14 =	vld [tilespmem:s3+$0x1E0]  }
0x2ca: {  	v15 =	vld [tilespmem:s3+$0x29E0]  }
0x2cb: {  	v16 =	vld [tilespmem:s3+$0x5180]  }
0x2cc: {  	v17 =	vld [tilespmem:s3+$0x5190]  }
0x2cd: {  	v50 =	vadd.f32 v13, v5;
	v18 =	vld [tilespmem:s3+$0x51A0]  }
0x2ce: {  	v58 =	vld [tilespmem:s3+$0x51B0];
	v2 =	vadd.f32 v2, v11  }
0x2cf: {  	v59 =	vld [tilespmem:s3+$0x51C0];
	v4 =	vadd.f32 v49, v50;
	v3 =	vadd.f32 v6, v3  }
0x2d0: {  	v60 =	vld [tilespmem:s3+$0x51D0];
	v5 =	vadd.f32 v52, v51;
	v2 =	vadd.f32 v16, v2  }
0x2d1: {  	v61 =	vld [tilespmem:s3+$0x51E0];
	[tilespmem:s3+$0x79F0] =	vst v4;
	v8 =	vadd.f32 v54, v53;
	v3 =	vadd.f32 v17, v3  }
0x2d2: {  	v4 =	vadd.f32 v56, v55;
	[tilespmem:s3+$0x7980] =	vst v2;
	v2 =	vadd.f32 v18, v5  }
0x2d3: {  	v62 =	vadd.f32 v57, v12;
	[tilespmem:s3+$0x7990] =	vst v3;
	v3 =	vadd.f32 v58, v8  }
0x2d4: {  	v63 =	vadd.f32 v15, v14;
	[tilespmem:s3+$0x79A0] =	vst v2;
	v2 =	vadd.f32 v59, v4  }
0x2d5: {  	[tilespmem:s3+$0x79B0] =	vst v3;
	v3 =	vadd.f32 v60, v62  }
0x2d6: {  	[tilespmem:s3+$0x79C0] =	vst v2;
	v2 =	vadd.f32 v61, v63  }
0x2d7: {  	s0 =	simm.s32 $0x0;
	s30 =	rddreg [dreg:$0x1f];
	[tilespmem:s3+$0x79D0] =	vst v3  }
.Ltmp8:
0x2d8: {  	s2 =	simm.s32 $0x7980;
	s31 =	simm.s32 $0x2;
	[tilespmem:s3+$0x79E0] =	vst v2;
	(pc) =	sbr.rel @p0 .LBB2_19-.Ltmp8, $4  }
0x2d9: {  	[hbm4b:s30+s0] =	stream.linear.scatter [tilespmem:s2], [sflag:$0x2], $0x2800, $0x38;
	[tilespmem:$0xA180] =	vst v63  }
0x2da: {  	_ =	swait.ge [sflag:s31], $0x2800  }
0x2db: {  	[sflag:s31] =	ssyncset.done $0x0  }
0x2dc: {  	s1 =	sld [smem:$0x7F9];
	[sflag:s31] =	ssyncadd.s32 $0xFFFFD800  }
0x2dd: {  	s1 =	sld [smem:$0x7FA];
	_ =	sdelay $0x1  }
0x2de: {  	s0 =	simm.s32 $0x0;
	s2 =	simm.s32 $0x2  }
0x2df: {  	[tilespmem:s0], [sflag:$0x2] =	stream.linear.gather [hbm4b:s1+s0], $0x50, $0x38;
	[tilespmem:$0xA180] =	vst v63  }
0x2e0: {  	_ =	swait.ge [sflag:s2], $0x50  }
0x2e1: {  	s31 =	sld [smem:$0x7FB]  }
0x2e2: {  	[sflag:s2] =	ssyncset.done $0x0  }
0x2e3: {  	[sflag:s2] =	ssyncadd.s32 $0xFFFFFFB0  }
0x2e4: {  	[tilespmem:s4], [sflag:$0x2] =	stream.linear.gather [hbm4b:s31+s0], $0x50, $0x38;
	[tilespmem:$0xA180] =	vst v63  }
0x2e5: {  	_ =	swait.ge [sflag:s2], $0x50  }
0x2e6: {  	[sflag:s2] =	ssyncset.done $0x0  }
0x2e7: {  	s28 =	simm.s32 $0x0;
	[sflag:s2] =	ssyncadd.s32 $0xFFFFFFB0  }
0x2e8: {  	v2 =	vld [tilespmem:s28+$0x80];
	_ =	sdelay $0x4  }
0x2e9: {  	(v2sf) =	vpush v2, $0x7  }
0x2ea: {  	(v2sf) =	vpush v2, $0x6  }
0x2eb: {  	(v2sf) =	vpush v2, $0xF  }
0x2ec: {  	(v2sf) =	vpush v2, $0xB  }
0x2ed: {  	(v2sf) =	vpush v2, $0x5  }
0x2ee: {  	(v2sf) =	vpush v2, $0xE;
	_ =	sdelay $0x5  }
0x2ef: {  	(v2sf) =	vpush v2, $0xA  }
0x2f0: {  	(v2sf) =	vpush v2, $0x4  }
0x2f1: {  	(v2sf) =	vpush v2, $0xD  }
0x2f2: {  	(v2sf) =	vpush v2, $0x9  }
0x2f3: {  	(v2sf) =	vpush v2, $0x3;
	s6 =	spop (v2sf)  }
0x2f4: {  	(v2sf) =	vpush v2, $0xC;
	s9 =	smulhi.u32 $0x55555556, s6;
	s7 =	spop (v2sf)  }
0x2f5: {  	(v2sf) =	vpush v2, $0x8;
	s29 =	smulhi.u32 $0x55555556, s7;
	s11 =	spop (v2sf)  }
0x2f6: {  	(v2sf) =	vpush v2, $0x2;
	s17 =	smulhi.u32 $0x55555556, s11;
	s10 =	spop (v2sf)  }
0x2f7: {  	(v2sf) =	vpush v2, $0x1;
	s16 =	smulhi.u32 $0x55555556, s10;
	s8 =	spop (v2sf)  }
0x2f8: {  	s1 =	simm.s32 $0x40;
	(v2sf) =	vpush v2, $0x0;
	s30 =	smulhi.u32 $0x55555556, s8;
	s5 =	spop (v2sf)  }
.LBB2_15:
0x2f9: {  	s13 =	smulhi.u32 $0x55555556, s5;
	s6 =	sshra.s32 s6, $0x1F  }
0x2fa: {  	s7 =	sshra.s32 s7, $0x1F;
	s6 =	smul.u32 $0x55555556, s6  }
0x2fb: {  	s11 =	sshra.s32 s11, $0x1F;
	s7 =	smul.u32 $0x55555556, s7  }
0x2fc: {  	s10 =	sshra.s32 s10, $0x1F;
	s11 =	smul.u32 $0x55555556, s11  }
0x2fd: {  	s15 =	sshra.s32 s5, $0x1F;
	s5 =	smul.u32 $0x55555556, s10  }
0x2fe: {  	s8 =	sshra.s32 s8, $0x1F;
	s15 =	smul.u32 $0x55555556, s15  }
0x2ff: {  	s8 =	smul.u32 $0x55555556, s8;
	s19 =	spop (v2sf)  }
0x300: {  	s14 =	smulhi.u32 $0x55555556, s19;
	s20 =	spop (v2sf)  }
0x301: {  	[dreg:$0x16] =	wrdreg s30;
	s19 =	sshra.s32 s19, $0x1F;
	s0 =	smulhi.u32 $0x55555556, s20  }
0x302: {  	s21 =	spop (v2sf);
	s19 =	smul.u32 $0x55555556, s19  }
0x303: {  	[dreg:$0x12] =	wrdreg s29;
	s20 =	sshra.s32 s20, $0x1F;
	s2 =	smulhi.u32 $0x55555556, s21  }
0x304: {  	s22 =	spop (v2sf);
	s10 =	smul.u32 $0x55555556, s20  }
0x305: {  	[dreg:$0xa] =	wrdreg s9;
	s21 =	sshra.s32 s21, $0x1F;
	s4 =	smulhi.u32 $0x55555556, s22  }
0x306: {  	s23 =	spop (v2sf);
	s20 =	smul.u32 $0x55555556, s21  }
0x307: {  	s9 =	smov.u32 s28;
	s22 =	sshra.s32 s22, $0x1F;
	s12 =	smulhi.u32 $0x55555556, s23  }
0x308: {  	s13 =	sadd.s32 s15, s13;
	s24 =	spop (v2sf);
	s21 =	smul.u32 $0x55555556, s22  }
0x309: {  	[dreg:$0xf] =	wrdreg s0;
	s23 =	sshra.s32 s23, $0x1F;
	s25 =	smulhi.u32 $0x55555556, s24  }
0x30a: {  	s14 =	sadd.s32 s19, s14;
	s26 =	spop (v2sf);
	s22 =	smul.u32 $0x55555556, s23  }
0x30b: {  	s19 =	rddreg [dreg:$0x16];
	s24 =	sshra.s32 s24, $0x1F;
	s28 =	smulhi.u32 $0x55555556, s26  }
0x30c: {  	s5 =	sadd.s32 s5, s16;
	s29 =	spop (v2sf);
	s23 =	smul.u32 $0x55555556, s24  }
0x30d: {  	s2 =	sadd.s32 s20, s2;
	s26 =	sshra.s32 s26, $0x1F;
	s18 =	smulhi.u32 $0x55555556, s29  }
0x30e: {  	s4 =	sadd.s32 s21, s4;
	s30 =	spop (v2sf);
	s24 =	smul.u32 $0x55555556, s26  }
0x30f: {  	s0 =	smulhi.u32 $0x55555556, s30;
	s31 =	spop (v2sf);
	s23 =	sadd.s32 s23, s25  }
0x310: {  	s3 =	smulhi.u32 $0x55555556, s31;
	s31 =	sshra.s32 s31, $0x1F;
	s24 =	sadd.s32 s24, s28  }
0x311: {  	s29 =	sshra.s32 s29, $0x1F;
	v3 =	vmov s23;
	s23 =	sshrl.u32 s23, $0x1F;
	s26 =	smul.u32 $0x55555556, s31;
	v4 =	vmov s24  }
0x312: {  	s30 =	sshra.s32 s30, $0x1F;
	v3 =	vsel vm0, s2, v3;
	s24 =	sshrl.u32 s24, $0x1F;
	v6 =	vmov s23;
	s2 =	sshrl.u32 s2, $0x1F;
	v4 =	vsel vm0, s4, v4  }
0x313: {  	s31 =	smul.u32 $0x55555556, s30;
	v7 =	vmov s24;
	v3 =	vsel vm1, s13, v3;
	s4 =	sshrl.u32 s4, $0x1F;
	v6 =	vsel vm0, s2, v6;
	s3 =	sadd.s32 s26, s3  }
0x314: {  	s25 =	smul.u32 $0x55555556, s29;
	s13 =	sshrl.u32 s13, $0x1F;
	v4 =	vsel vm1, s14, v4;
	v7 =	vsel vm0, s4, v7;
	v5 =	vmov s3;
	s3 =	sshrl.u32 s3, $0x1F  }
0x315: {  	s15 =	sshrl.u32 s14, $0x1F;
	s0 =	sadd.s32 s31, s0;
	s26 =	sadd.s32 s11, s17;
	v6 =	vsel vm1, s13, v6;
	v5 =	vnsel vm3, $0x0, v5;
	v8 =	vmov s3  }
0x316: {  	s20 =	sshrl.u32 s5, $0x1F;
	s31 =	sadd.s32 s25, s18;
	v3 =	vsel vm2, s26, v3;
	v5 =	vsel vm0, s0, v5;
	v8 =	vnsel vm3, $0x0, v8;
	s0 =	sshrl.u32 s0, $0x1F  }
0x317: {  	s12 =	sadd.s32 s22, s12;
	s17 =	rddreg [dreg:$0xf];
	v4 =	vsel vm2, s5, v4;
	v7 =	vsel vm1, s15, v7;
	s16 =	sshrl.u32 s31, $0x1F;
	v8 =	vsel vm0, s0, v8  }
0x318: {  	s22 =	rddreg [dreg:$0x12];
	s18 =	sshrl.u32 s12, $0x1F;
	s2 =	sadd.s32 s10, s17;
	v3 =	vcombine.low v4, v3;
	v61 =	vsel vm1, s31, v5;
	v62 =	vsel vm1, s16, v8  }
0x319: {  	s4 =	sadd.s32 s8, s19;
	s3 =	sshrl.u32 s26, $0x1F;
	s21 =	sshrl.u32 s2, $0x1F;
	v7 =	vsel vm2, s20, v7;
	v4 =	vsel vm2, s12, v61;
	v5 =	vsel vm2, s18, v62  }
0x31a: {  	s24 =	rddreg [dreg:$0xa];
	s23 =	sshrl.u32 s4, $0x1F;
	v6 =	vsel vm2, s3, v6;
	v4 =	vsel vm4, s2, v4;
	s2 =	sadd.s32 s7, s22;
	v5 =	vsel vm4, s21, v5  }
0x31b: {  	s3 =	sadd.s32 s6, s24;
	v6 =	vcombine.low v7, v6;
	v4 =	vsel vm5, s4, v4;
	s25 =	sshrl.u32 s2, $0x1F;
	v5 =	vsel vm5, s23, v5  }
0x31c: {  	v3 =	vperm.xlane v3, v0;
	s26 =	sshrl.u32 s3, $0x1F;
	v4 =	vsel vm6, s2, v4;
	v5 =	vsel vm6, s25, v5  }
0x31d: {  	v6 =	vperm.xlane v6, v0;
	v4 =	vsel vm7, s3, v4;
	v5 =	vsel vm7, s26, v5  }
0x31e: {  	v4 =	vperm.xlane v4, v1;
	v5 =	vperm.xlane v5, v1;
	_ =	sdelay $0x1  }
0x31f: {  	v3 =	vsel vm8, v4, v3;
	v63 =	vsel vm8, v5, v6  }
0x320: {  	v3 =	vadd.s32 v63, v3  }
0x321: {  	s31 =	sshra.s32 s1, $0x2;
	[tilespmem:s9+$0x80] =	vst v3  }
0x322: {  	v4 =	vmul.u32 $0xFFFFFFFD, v3;
	v3 =	vld [tilespmem:s31+$0x80];
	_ =	sdelay $0x2  }
0x323: {  	v2 =	vadd.s32 v2, v4;
	_ =	sdelay $0x1  }
0x324: {  	(v2sf) =	vpush v3, $0x7  }
0x325: {  	[tilespmem:s9+$0x100] =	vst v2;
	v2 =	vmov v3  }
0x326: {  	(v2sf) =	vpush v2, $0x6  }
0x327: {  	(v2sf) =	vpush v2, $0xF  }
0x328: {  	(v2sf) =	vpush v2, $0xB  }
0x329: {  	(v2sf) =	vpush v2, $0x5  }
0x32a: {  	(v2sf) =	vpush v2, $0xE;
	_ =	sdelay $0x5  }
0x32b: {  	(v2sf) =	vpush v2, $0xA  }
0x32c: {  	(v2sf) =	vpush v2, $0x4  }
0x32d: {  	(v2sf) =	vpush v2, $0xD  }
0x32e: {  	(v2sf) =	vpush v2, $0x9;
	s6 =	spop (v2sf)  }
0x32f: {  	p1 =	sne.s32 s1, $0x100;
	(v2sf) =	vpush v2, $0x3;
	s9 =	smulhi.u32 $0x55555556, s6  }
.Ltmp9:
0x330: {  	(v2sf) =	vpush v2, $0xC;
	s7 =	spop (v2sf);
	(pc) =	sbr.rel @p1 .LBB2_15-.Ltmp9, $4  }
0x331: {  	(v2sf) =	vpush v2, $0x8;
	s29 =	smulhi.u32 $0x55555556, s7;
	s11 =	spop (v2sf)  }
0x332: {  	(v2sf) =	vpush v2, $0x2;
	s17 =	smulhi.u32 $0x55555556, s11;
	s10 =	spop (v2sf)  }
0x333: {  	s1 =	sadd.s32 $0x40, s1;
	(v2sf) =	vpush v2, $0x1;
	s16 =	smulhi.u32 $0x55555556, s10;
	s8 =	spop (v2sf)  }
0x334: {  	s28 =	smov.u32 s31;
	(v2sf) =	vpush v2, $0x0;
	s30 =	smulhi.u32 $0x55555556, s8;
	s5 =	spop (v2sf)  }
0x335: {  	_ =	sdelay $0x1  }
0x336: {  	s2 =	smulhi.u32 $0x55555556, s5;
	s22 =	sshra.s32 s5, $0x1F  }
0x337: {  	s5 =	smul.u32 $0x55555556, s22  }
0x338: {  	s31 =	sshra.s32 s10, $0x1F  }
0x339: {  	s2 =	sadd.s32 s5, s2;
	s5 =	smul.u32 $0x55555556, s31;
	s0 =	spop (v2sf)  }
0x33a: {  	s1 =	spop (v2sf);
	s4 =	smulhi.u32 $0x55555556, s0;
	s0 =	sshra.s32 s0, $0x1F  }
0x33b: {  	s3 =	spop (v2sf);
	s0 =	smul.u32 $0x55555556, s0  }
0x33c: {  	s12 =	spop (v2sf);
	s13 =	smulhi.u32 $0x55555556, s3  }
0x33d: {  	s3 =	sshra.s32 s3, $0x1F;
	s15 =	smulhi.u32 $0x55555556, s12  }
0x33e: {  	s14 =	spop (v2sf);
	s3 =	smul.u32 $0x55555556, s3;
	s12 =	sshra.s32 s12, $0x1F  }
0x33f: {  	s18 =	spop (v2sf);
	s12 =	smul.u32 $0x55555556, s12  }
0x340: {  	s19 =	smulhi.u32 $0x55555556, s18  }
0x341: {  	s20 =	spop (v2sf);
	s3 =	sadd.s32 s3, s13;
	s13 =	smulhi.u32 $0x55555556, s1  }
0x342: {  	s18 =	sshra.s32 s18, $0x1F;
	s21 =	smulhi.u32 $0x55555556, s20  }
0x343: {  	s1 =	sshra.s32 s1, $0x1F;
	s18 =	smul.u32 $0x55555556, s18  }
0x344: {  	s22 =	spop (v2sf);
	s20 =	sshra.s32 s20, $0x1F;
	s1 =	smul.u32 $0x55555556, s1  }
0x345: {  	s8 =	sshra.s32 s8, $0x1F;
	s23 =	spop (v2sf);
	s20 =	smul.u32 $0x55555556, s20  }
0x346: {  	s5 =	sadd.s32 s5, s16;
	s24 =	spop (v2sf);
	s26 =	smulhi.u32 $0x55555556, s23  }
0x347: {  	s16 =	sshrl.u32 s5, $0x1F;
	s23 =	sshra.s32 s23, $0x1F;
	s25 =	smulhi.u32 $0x55555556, s24  }
0x348: {  	s0 =	sadd.s32 s0, s4;
	s18 =	sadd.s32 s18, s19;
	s19 =	smul.u32 $0x55555556, s23  }
0x349: {  	s24 =	sshra.s32 s24, $0x1F;
	s20 =	sadd.s32 s20, s21;
	s21 =	smulhi.u32 $0x55555556, s14  }
0x34a: {  	s12 =	sadd.s32 s12, s15;
	s14 =	sshra.s32 s14, $0x1F;
	s24 =	smul.u32 $0x55555556, s24  }
0x34b: {  	s23 =	sshra.s32 s11, $0x1F;
	v3 =	vmov s18;
	s18 =	sshrl.u32 s18, $0x1F;
	s14 =	smul.u32 $0x55555556, s14  }
0x34c: {  	v4 =	vmov s20;
	v3 =	vsel vm0, s3, v3;
	s3 =	sshrl.u32 s3, $0x1F;
	s10 =	sadd.s32 s19, s26;
	s19 =	sshrl.u32 s20, $0x1F  }
0x34d: {  	v5 =	vmov s18;
	s20 =	sshra.s32 s22, $0x1F;
	v4 =	vsel vm0, s12, v4;
	s15 =	sadd.s32 s24, s25;
	s24 =	smulhi.u32 $0x55555556, s22  }
0x34e: {  	s12 =	sshrl.u32 s12, $0x1F;
	v5 =	vsel vm0, s3, v5;
	v3 =	vsel vm1, s2, v3;
	s2 =	sshrl.u32 s2, $0x1F;
	s25 =	smul.u32 $0x55555556, s23;
	v6 =	vmov s19  }
0x34f: {  	s26 =	sadd.s32 s1, s13;
	s22 =	smul.u32 $0x55555556, s20;
	v5 =	vsel vm1, s2, v5;
	v4 =	vsel vm1, s0, v4;
	v7 =	vmov s15;
	s15 =	sshrl.u32 s15, $0x1F  }
0x350: {  	s23 =	smul.u32 $0x55555556, s8;
	s0 =	sshrl.u32 s0, $0x1F;
	v6 =	vsel vm0, s12, v6;
	s12 =	sshra.s32 s7, $0x1F;
	v8 =	vmov s15;
	v7 =	vnsel vm3, $0x0, v7  }
0x351: {  	v4 =	vsel vm2, s5, v4;
	s4 =	sadd.s32 s25, s17;
	s24 =	sadd.s32 s22, s24;
	v7 =	vsel vm0, s10, v7;
	v8 =	vnsel vm3, $0x0, v8;
	s10 =	sshrl.u32 s10, $0x1F  }
0x352: {  	s25 =	sadd.s32 s14, s21;
	v6 =	vsel vm1, s0, v6;
	s14 =	sshra.s32 s6, $0x1F;
	v3 =	vsel vm2, s4, v3;
	s13 =	sshrl.u32 s24, $0x1F;
	v8 =	vsel vm0, s10, v8  }
0x353: {  	s2 =	smul.u32 $0x55555556, s12;
	s4 =	sshrl.u32 s4, $0x1F;
	s15 =	sshrl.u32 s25, $0x1F;
	v6 =	vsel vm2, s16, v6;
	v7 =	vsel vm1, s24, v7;
	v8 =	vsel vm1, s13, v8  }
0x354: {  	s31 =	sadd.s32 s23, s30;
	s0 =	sshrl.u32 s26, $0x1F;
	s3 =	smul.u32 $0x55555556, s14;
	v5 =	vsel vm2, s4, v5;
	v7 =	vsel vm2, s25, v7;
	v8 =	vsel vm2, s15, v8  }
0x355: {  	s17 =	sshrl.u32 s31, $0x1F;
	s2 =	sadd.s32 s2, s29;
	v3 =	vcombine.low v4, v3;
	v7 =	vsel vm4, s26, v7;
	v4 =	vsel vm4, s0, v8  }
0x356: {  	s18 =	sadd.s32 s3, s9;
	v5 =	vcombine.low v6, v5;
	s19 =	sshrl.u32 s2, $0x1F;
	v7 =	vsel vm5, s31, v7;
	v4 =	vsel vm5, s17, v4  }
0x357: {  	v3 =	vperm.xlane v3, v0;
	s20 =	sshrl.u32 s18, $0x1F;
	v6 =	vsel vm6, s2, v7;
	v4 =	vsel vm6, s19, v4  }
0x358: {  	v5 =	vperm.xlane v5, v0;
	v6 =	vsel vm7, s18, v6;
	v4 =	vsel vm7, s20, v4  }
0x359: {  	v6 =	vperm.xlane v6, v1;
	v4 =	vperm.xlane v4, v1;
	_ =	sdelay $0x1  }
0x35a: {  	v3 =	vsel vm8, v6, v3;
	v4 =	vsel vm8, v4, v5  }
0x35b: {  	v3 =	vadd.s32 v4, v3  }
0x35c: {  	v4 =	vmul.u32 $0xFFFFFFFD, v3;
	_ =	sdelay $0x1  }
0x35d: {  	s21 =	simm.s32 $0x0;
	s22 =	rddreg [dreg:$0x2];
	[tilespmem:s28+$0x80] =	vst v3;
	v2 =	vadd.s32 v2, v4  }
0x35e: {  	s23 =	simm.s32 $0x50;
	s30 =	simm.s32 $0x5180;
	s24 =	simm.s32 $0x180;
	[tilespmem:s28+$0x100] =	vst v2  }
0x35f: {  	[tilespmem:s24], [sflag:$0x1] =	stream.indirect.gather [hbm4b:s22+s23], $0x80, s21, s23, $0xb8;
	[tilespmem:$0xA180] =	vst v63  }
0x360: {  	s4 =	simm.s32 $0x80;
	s25 =	rddreg [dreg:$0x4];
	s26 =	simm.s32 $0x2980  }
0x361: {  	[tilespmem:s26], [sflag:$0x1] =	stream.indirect.gather [hbm4b:s25+s23], $0x80, s4, s23, $0xb8;
	[tilespmem:$0xA180] =	vst v63  }
0x362: {  	s29 =	simm.s32 $0x100;
	s31 =	simm.s32 $0x1;
	s28 =	rddreg [dreg:$0x3]  }
0x363: {  	[tilespmem:s30], [sflag:$0x1] =	stream.indirect.gather [hbm4b:s28+s23], $0x80, s29, s23, $0xb8;
	[tilespmem:$0xA180] =	vst v63  }
0x364: {  	_ =	swait.ge [sflag:s31], $0x2800  }
0x365: {  	[sflag:s31] =	ssyncset.done $0x0  }
0x366: {  	[sflag:s31] =	ssyncadd.s32 $0xFFFFD800  }
0x367: {  	_ =	swait.ge [sflag:s31], $0x2800  }
0x368: {  	[sflag:s31] =	ssyncset.done $0x0  }
0x369: {  	[sflag:s31] =	ssyncadd.s32 $0xFFFFD800  }
0x36a: {  	_ =	swait.ge [sflag:s31], $0x2800  }
0x36b: {  	[sflag:s31] =	ssyncset.done $0x0  }
0x36c: {  	s1 =	simm.s32 $0x0;
	[sflag:s31] =	ssyncadd.s32 $0xFFFFD800  }
0x36d: {  	v2 =	vld [tilespmem:s1+$0x1F0]  }
0x36e: {  	v3 =	vld [tilespmem:s1+$0x29F0]  }
0x36f: {  	v4 =	vld [tilespmem:s1+$0x180]  }
0x370: {  	v5 =	vld [tilespmem:s1+$0x51F0]  }
0x371: {  	v6 =	vld [tilespmem:s1+$0x2980]  }
0x372: {  	v7 =	vld [tilespmem:s1+$0x190]  }
0x373: {  	v8 =	vld [tilespmem:s1+$0x2990]  }
0x374: {  	v9 =	vld [tilespmem:s1+$0x29A0]  }
0x375: {  	v11 =	vld [tilespmem:s1+$0x29B0]  }
0x376: {  	v12 =	vld [tilespmem:s1+$0x1C0]  }
0x377: {  	v13 =	vld [tilespmem:s1+$0x29C0]  }
0x378: {  	v14 =	vld [tilespmem:s1+$0x1D0]  }
0x379: {  	v15 =	vld [tilespmem:s1+$0x29D0]  }
0x37a: {  	v16 =	vld [tilespmem:s1+$0x1E0]  }
0x37b: {  	v17 =	vld [tilespmem:s1+$0x29E0]  }
0x37c: {  	v18 =	vld [tilespmem:s1+$0x5180]  }
0x37d: {  	v2 =	vadd.f32 v3, v2;
	v3 =	vld [tilespmem:s1+$0x1A0]  }
0x37e: {  	v19 =	vld [tilespmem:s1+$0x5190]  }
0x37f: {  	v2 =	vadd.f32 v5, v2;
	v5 =	vld [tilespmem:s1+$0x1B0]  }
0x380: {  	v20 =	vld [tilespmem:s1+$0x51A0]  }
0x381: {  	v10 =	vld [tilespmem:s1+$0x51B0];
	v4 =	vadd.f32 v6, v4;
	v21 =	vadd.f32 v8, v7  }
0x382: {  	v7 =	vld [tilespmem:s1+$0x51C0];
	v6 =	vadd.f32 v15, v14;
	v22 =	vadd.f32 v9, v3  }
0x383: {  	v8 =	vld [tilespmem:s1+$0x51D0];
	v3 =	vadd.f32 v13, v12;
	v12 =	vadd.f32 v18, v4  }
0x384: {  	s3 =	simm.s32 $0x80;
	[tilespmem:s1+$0x79F0] =	vst v2;
	v9 =	vld [tilespmem:s1+$0x51E0];
	v2 =	vadd.f32 v11, v5;
	v11 =	vadd.f32 v19, v21  }
0x385: {  	s6 =	simm.s32 $0x400;
	v4 =	vadd.f32 v17, v16;
	v5 =	vld [tilespmem:s3+$0x1F0];
	[tilespmem:s1+$0x7980] =	vst v12;
	v12 =	vadd.f32 v20, v22  }
.LBB2_17:
0x386: {  	p1 =	sne.s32 s6, $0x9E00;
	v13 =	vld [tilespmem:s3+$0x29F0];
	[tilespmem:s1+$0x7990] =	vst v11;
	v2 =	vadd.f32 v10, v2  }
0x387: {  	v3 =	vadd.f32 v7, v3;
	v10 =	vld [tilespmem:s3+$0x180];
	[tilespmem:s1+$0x79A0] =	vst v12  }
0x388: {  	v7 =	vld [tilespmem:s3+$0x51F0];
	[tilespmem:s1+$0x79B0] =	vst v2;
	v2 =	vadd.f32 v8, v6  }
0x389: {  	v6 =	vld [tilespmem:s3+$0x2980];
	[tilespmem:s1+$0x79C0] =	vst v3;
	v3 =	vadd.f32 v9, v4  }
0x38a: {  	v4 =	vld [tilespmem:s3+$0x190];
	[tilespmem:s1+$0x79D0] =	vst v2  }
0x38b: {  	v2 =	vld [tilespmem:s3+$0x2990];
	v5 =	vadd.f32 v13, v5;
	[tilespmem:s1+$0x79E0] =	vst v3;
	s1 =	smov.u32 s3  }
0x38c: {  	v3 =	vld [tilespmem:s1+$0x1A0]  }
0x38d: {  	v8 =	vld [tilespmem:s1+$0x29A0];
	v5 =	vadd.f32 v7, v5  }
0x38e: {  	v9 =	vadd.f32 v6, v10;
	v6 =	vld [tilespmem:s1+$0x1B0]  }
0x38f: {  	v7 =	vld [tilespmem:s1+$0x29B0];
	[tilespmem:s1+$0x79F0] =	vst v5  }
0x390: {  	v5 =	vadd.f32 v2, v4;
	v4 =	vld [tilespmem:s1+$0x1C0]  }
0x391: {  	v10 =	vld [tilespmem:s1+$0x29C0]  }
0x392: {  	v12 =	vadd.f32 v8, v3;
	v8 =	vld [tilespmem:s1+$0x1D0]  }
0x393: {  	v11 =	vld [tilespmem:s1+$0x29D0]  }
0x394: {  	v2 =	vadd.f32 v7, v6;
	v13 =	vld [tilespmem:s1+$0x1E0]  }
0x395: {  	v14 =	vld [tilespmem:s1+$0x29E0]  }
0x396: {  	v15 =	vld [tilespmem:s1+$0x5180];
	v3 =	vadd.f32 v10, v4  }
0x397: {  	v16 =	vld [tilespmem:s1+$0x5190]  }
0x398: {  	v17 =	vld [tilespmem:s1+$0x51A0];
	v6 =	vadd.f32 v11, v8  }
.Ltmp10:
0x399: {  	v10 =	vld [tilespmem:s1+$0x51B0];
	(pc) =	sbr.rel @p1 .LBB2_17-.Ltmp10, $4  }
0x39a: {  	v7 =	vld [tilespmem:s1+$0x51C0];
	v4 =	vadd.f32 v14, v13  }
0x39b: {  	v13 =	vadd.f32 v15, v9;
	v8 =	vld [tilespmem:s1+$0x51D0]  }
0x39c: {  	s3 =	sshra.s32 s6, $0x2;
	v11 =	vadd.f32 v16, v5;
	v9 =	vld [tilespmem:s1+$0x51E0]  }
0x39d: {  	s6 =	sadd.s32 $0x200, s6;
	v5 =	vld [tilespmem:s3+$0x1F0];
	[tilespmem:s1+$0x7980] =	vst v13;
	v12 =	vadd.f32 v17, v12  }
.Ltmp11:
0x39e: {  	_ = 	snop;
	(pc) =	sbr.rel .LBB2_18-.Ltmp11, $1  }
0x39f: {  	_ =	sdelay $0x3  }
.LBB2_20:
0x3a0: {  	_ =	sfence.sel $0x180000  }
0x3a1: {  	[bflag:$0x0] =	sbarrier.arrive $0xFFFF  }
0x3a2: {  	_ =	strace $0x90000047  }
0x3a3: {  	s0 =	stileid.u32;
	[bflag:$0x2] =	sbarrier.arrive $0xFFFF  }
0x3a4: {  	p0 =	sne.s32 s0, $0x0;
	s0 =	rddreg [dreg:$0x6]  }
0x3a5: {  	s0 =	sadd.s32 @!p0 $0x100000, s0  }
0x3a6: {  	[sflag:s0] =	ssyncadd.tile.s32 @!p0 $0x1;
	_ =	shalt  }
.Lfunc_end2:
_tile_overlayer_lowered:
.L_overlay_start_2:
0x3a7: {  	(tag) =	ssettag $0x2  }
0x3a8: {  	s0 =	rddreg [dreg:$0x0];
	s2 =	stileid.u32  }
0x3a9: {  	s1 =	rddreg [dreg:$0x1];
	p0 =	sne.s32 s2, $0x0  }
0x3aa: {  	s3 =	rddreg [dreg:$0x2];
	[bflag:$0x3] =	sbarrier.arrive $0xFFFF;
	s2 =	simm.s32 @!p0 $0x1C02  }
0x3ab: {  	[timem:s3], [sflag:s2] =	dma.local @!p0 [hbm:s0], s1  }
0x3ac: {  	s0 =	simm.s32 @!p0 $0x2  }
0x3ad: {  	_ =	swait.ge @!p0 [sflag:s0], s1  }
0x3ae: {  	s1 =	ssub.s32 @!p0 $0x0, s1;
	[sflag:s0] =	ssyncset.done @!p0 $0x0  }
0x3af: {  	[sflag:s0] =	ssyncadd.s32 @!p0 s1  }
0x3b0: {  	[bflag:$0x3] =	sbarrier.arrive $0xFFFF  }
0x3b1: {  	_ =	shalt  }

// kernel: kernel.13.cloned.1.call-start
scs
__scs_entry_jumppad:
0x0: {  	(pc) =	sbr.rel $0x88, $3  }
0x1: {  	(tag) =	ssettag $0x0;
	lr =	simm.s32 $0x1  }
0x2: {  	[smem:$0x3F96] =	sst lr;
	_ =	strace $0xD0000000  }
0x3: {  	_ = 	snop  }
0x4: {  	_ = 	snop  }
0x5: {  	_ = 	snop  }
0x6: {  	_ = 	snop  }
0x7: {  	_ = 	snop  }
__scs_overlays_trampoline_lowered:
0x8: {  	[smem:$0x3FA5] =	sst s0  }
0x9: {  	[smem:$0x3FA6] =	sst s1  }
0xa: {  	[smem:$0x3FA7] =	sst s2  }
0xb: {  	[smem:$0x3FA8] =	sst s3  }
0xc: {  	[smem:$0x3FA9] =	sst s4  }
0xd: {  	[smem:$0x3FAA] =	sst s5  }
0xe: {  	[smem:$0x3FAB] =	sst s6  }
0xf: {  	[smem:$0x3FAC] =	sst s7  }
0x10: {  	[smem:$0x3FAD] =	sst s8  }
0x11: {  	[smem:$0x3FAE] =	sst s9;
	s0 =	simm.s32 @!p0 $0x0  }
0x12: {  	s1 =	sld [smem:$0x3F94];
	s0 =	simm.s32 @p0 $0x1  }
0x13: {  	[smem:$0x3FAF] =	sst s0;
	s0 =	simm.s32 @!p1 $0x0  }
0x14: {  	s2 =	sld [smem:$0x3F93];
	s0 =	simm.s32 @p1 $0x1  }
0x15: {  	[smem:$0x3FB0] =	sst s0;
	s0 =	simm.s32 @!p2 $0x0  }
0x16: {  	s3 =	sld [smem:$0x3FDB];
	s0 =	simm.s32 @p2 $0x1  }
0x17: {  	s4 =	simm.s32 $0x1BF5;
	[smem:$0x3FB2] =	sst s0  }
0x18: {  	s0 =	sld [smem:$0x3F95];
	_ =	swait.ge [sflag:s4], $0x0  }
0x19: {  	s7 =	sld [smem:$0x3F96]  }
0x1a: {  	s8 =	sadd.s32 $0xFFFFE003, lr  }
0x1b: {  	s9 =	sadd.s32 $0xFFFFFEF7, lr;
	s5 =	simm.s32 $0xFFFFFFFF;
	p2 =	slt.u32 s8, $0xFFFFF086  }
0x1c: {  	p1 =	slt.u32 s9, $0xF7A;
	s5 =	simm.s32 @!p2 $0x0  }
0x1d: {  	s5 =	simm.s32 @p1 $0x1;
	p0 =	seq.s32 s7, s2  }
0x1e: {  	s7 =	smul.u32 @!p0 $0xF7A, s2;
	p2 =	seq.s32 @!p0 s5, $0x0  }
0x1f: {  	s9 =	smul.u32 $0xF7A, s1;
	s8 =	simm.s32 @!p0 $0x1BF5;
	p2 =	por !p2, p0  }
0x20: {  	[sflag:s8] =	ssyncset.s32 @!p0 $0xFFFFF086;
	s6 =	sadd.s32 @!p0 s3, s7;
	s7 =	simm.s32 @!p0 $0x108  }
0x21: {  	s3 =	sadd.s32 s3, s9;
	s6 =	sadd.s32 @!p0 $0x88, s6;
	s7 =	simm.s32 @p2 $0x1082  }
0x22: {  	[simem:s7], [sflag:s8] =	dma.local @!p0 [hbm:s6], $0xF7A  }
0x23: {  	s9 =	sor.u32 $0xD0000000, s2;
	s6 =	simm.s32 $0x108;
	_ =	swait.ge @!p0 [sflag:s8], $0x0  }
0x24: {  	s3 =	sadd.s32 $0x88, s3;
	s6 =	simm.s32 @!p1 $0x1082;
	[sflag:s4] =	ssyncset.s32 $0xFFFFF086  }
0x25: {  	[simem:s6], [sflag:s4] =	dma.local [hbm:s3], $0xF7A  }
0x26: {  	[smem:$0x3F96] =	sst s1;
	(tag) =	ssettag s2;
	_ =	strace s9  }
0x27: {  	s1 =	sld [smem:$0x3FA6]  }
0x28: {  	s2 =	sld [smem:$0x3FA7]  }
0x29: {  	s4 =	sld [smem:$0x3FA9]  }
0x2a: {  	p0 =	seq.s32 s5, $0x0;
	s5 =	sld [smem:$0x3FAA]  }
0x2b: {  	s6 =	sld [smem:$0x3FAB]  }
0x2c: {  	s7 =	sld [smem:$0x3FAC]  }
0x2d: {  	s3 =	simm.s32 $0x108;
	s8 =	sld [smem:$0x3FAD]  }
0x2e: {  	s3 =	simm.s32 @!p0 $0x1082;
	s9 =	sld [smem:$0x3FAE]  }
0x2f: {  	lr =	sadd.s32 s0, s3;
	s0 =	sld [smem:$0x3FA5]  }
0x30: {  	s3 =	sld [smem:$0x3FA8]  }
0x31: {  	[smem:$0x3FB1] =	sst s10  }
0x32: {  	s10 =	sld [smem:$0x3FAF];
	_ =	sdelay $0x3  }
0x33: {  	p0 =	seq.s32 s10, $0x1;
	s10 =	sld [smem:$0x3FB1];
	_ =	sdelay $0x3  }
0x34: {  	[smem:$0x3FB1] =	sst s10  }
0x35: {  	s10 =	sld [smem:$0x3FB0];
	_ =	sdelay $0x3  }
0x36: {  	p1 =	seq.s32 s10, $0x1;
	s10 =	sld [smem:$0x3FB1];
	_ =	sdelay $0x3  }
0x37: {  	[smem:$0x3FB1] =	sst s10  }
0x38: {  	s10 =	sld [smem:$0x3FB2]  }
0x39: {  	_ = 	snop;
	(pc) =	sbr.ind lr, $3  }
0x3a: {  	_ = 	snop  }
0x3b: {  	_ = 	snop  }
0x3c: {  	p2 =	seq.s32 s10, $0x1;
	s10 =	sld [smem:$0x3FB1]  }
0x3d: {  	_ =	shalt  }
0x3e: {  	_ =	shalt  }
0x3f: {  	_ =	shalt  }
0x40: {  	_ =	shalt  }
0x41: {  	_ =	shalt  }
0x42: {  	_ =	shalt  }
0x43: {  	_ =	shalt  }
0x44: {  	_ =	shalt  }
0x45: {  	_ =	shalt  }
0x46: {  	_ =	shalt  }
0x47: {  	_ =	shalt  }
0x48: {  	_ =	shalt  }
0x49: {  	_ =	shalt  }
0x4a: {  	_ =	shalt  }
0x4b: {  	_ =	shalt  }
0x4c: {  	_ =	shalt  }
0x4d: {  	_ =	shalt  }
0x4e: {  	_ =	shalt  }
0x4f: {  	_ =	shalt  }
0x50: {  	_ =	shalt  }
0x51: {  	_ =	shalt  }
0x52: {  	_ =	shalt  }
0x53: {  	_ =	shalt  }
0x54: {  	_ =	shalt  }
0x55: {  	_ =	shalt  }
0x56: {  	_ =	shalt  }
0x57: {  	_ =	shalt  }
0x58: {  	_ =	shalt  }
0x59: {  	_ =	shalt  }
0x5a: {  	_ =	shalt  }
0x5b: {  	_ =	shalt  }
0x5c: {  	_ =	shalt  }
0x5d: {  	_ =	shalt  }
0x5e: {  	_ =	shalt  }
0x5f: {  	_ =	shalt  }
0x60: {  	_ =	shalt  }
0x61: {  	_ =	shalt  }
0x62: {  	_ =	shalt  }
0x63: {  	_ =	shalt  }
0x64: {  	_ =	shalt  }
0x65: {  	_ =	shalt  }
0x66: {  	_ =	shalt  }
0x67: {  	_ =	shalt  }
0x68: {  	_ =	shalt  }
0x69: {  	_ =	shalt  }
0x6a: {  	_ =	shalt  }
0x6b: {  	_ =	shalt  }
0x6c: {  	_ =	shalt  }
0x6d: {  	_ =	shalt  }
0x6e: {  	_ =	shalt  }
0x6f: {  	_ =	shalt  }
0x70: {  	_ =	shalt  }
0x71: {  	_ =	shalt  }
0x72: {  	_ =	shalt  }
0x73: {  	_ =	shalt  }
0x74: {  	_ =	shalt  }
0x75: {  	_ =	shalt  }
0x76: {  	_ =	shalt  }
0x77: {  	_ =	shalt  }
0x78: {  	_ =	shalt  }
0x79: {  	_ =	shalt  }
0x7a: {  	_ =	shalt  }
0x7b: {  	_ =	shalt  }
0x7c: {  	_ =	shalt  }
0x7d: {  	_ =	shalt  }
0x7e: {  	_ =	shalt  }
0x7f: {  	_ =	shalt  }
0x80: {  	_ =	shalt  }
0x81: {  	_ =	shalt  }
0x82: {  	_ =	shalt  }
0x83: {  	_ =	shalt  }
0x84: {  	_ =	shalt  }
0x85: {  	_ =	shalt  }
0x86: {  	_ =	shalt  }
0x87: {  	_ =	shalt  }
.Lfunc_end0:
.L_simem_size_0:
called_computation.1_lowered:
.L_overlay_start_0:
0x88: {  	s2 =	sld [smem:$0x3FD9]  }
0x89: {  	s3 =	sld [smem:$0x3FFE];
	_ =	sdelay $0x1  }
0x8a: {  	s1 =	srdreg.scid  }
0x8b: {  	s0 =	sand.u32 $0x1, s1  }
0x8c: {  	s17 =	sshll.u32 s0, $0xA;
	s2 =	sadd.s32 s3, s2  }
0x8d: {  	s2 =	sadd.s32 s2, s17  }
0x8e: {  	[smem:$0x3FBD] =	sst s2  }
0x8f: {  	_ = 	snop  }
0x90: {  	s2 =	sld [smem:$0x3FD0];
	(tm) =	ssettm $0x1  }
0x91: {  	s18 =	sld [smem:$0x3FFB];
	_ =	sdelay $0x3  }
0x92: {  	_ =	strace s18  }
0x93: {  	s3 =	sld [smem:$0x3FFC];
	_ =	sdelay $0x3  }
0x94: {  	_ =	strace s3  }
0x95: {  	s3 =	sld [smem:$0x3FFD];
	_ =	sdelay $0x3  }
0x96: {  	_ =	strace s3  }
0x97: {  	_ =	strace $0x8FFFFFFF  }
0x98: {  	s19 =	sld [smem:$0x3FDB];
	_ =	sdelay $0x1  }
0x99: {  	s4 =	simm.s32 $_scs_section_size  }
0x9a: {  	s5 =	simm.s32 $_size__tile_overlayer_lowered;
	s6 =	simm.s32 $_tile_overlayer_lowered  }
0x9b: {  	s22 =	simm.s32 $0x1BFF;
	s21 =	sshll.u32 s6, $0x1;
	s3 =	sadd.s32 s4, s19  }
0x9c: {  	s7 =	simm.s32 $0x0;
	s20 =	sshll.u32 s5, $0x1;
	s5 =	sadd.s32 s21, s3  }
0x9d: {  	[timem:s7], [sflag:s22] =	dma.local [hbm:s5], s20  }
0x9e: {  	_ =	swait.ge [sflag:s22], s20  }
0x9f: {  	s4 =	ssub.s32 $0x0, s20;
	[sflag:s22] =	ssyncset.done $0x0  }
0xa0: {  	[sflag:s22] =	ssyncadd.s32 s4;
	_ =	sdelay $0x1  }
0xa1: {  	s23 =	simm.s32 $0x1B8B  }
0xa2: {  	_ =	swait.ge [sflag:s23], $0x1  }
0xa3: {  	[sflag:s23] =	ssyncset.done $0x0  }
0xa4: {  	s25 =	simm.s32 $0x1B8E;
	s24 =	sld [smem:$0x3FFE];
	[sflag:s23] =	ssyncadd.s32 $0xFFFFFFFF  }
0xa5: {  	s26 =	simm.s32 $execute0_lowered;
	[smem:$0x3FD2] =	sst s25  }
0xa6: {  	s5 =	sshll.u32 s26, $0x1;
	_ =	strace $0x80000049;
	[dreg:$0x1] =	wrdreg $0xFFFFFFFF  }
0xa7: {  	s28 =	simm.s32 $_size_execute0_lowered;
	s3 =	sadd.s32 s3, s5;
	[dreg:$0x0] =	wrdreg $0x0  }
0xa8: {  	s5 =	sshll.u32 s28, $0x1;
	[dreg:$0x2] =	wrdreg s3  }
0xa9: {  	[dreg:$0x3] =	wrdreg s5  }
0xaa: {  	[dreg:$0x4] =	wrdreg $0xC0  }
0xab: {  	_ =	task [dreg:s7], $0x5FFFF  }
0xac: {  	[dreg:$0x1] =	wrdreg $0xFFFFFFFF  }
0xad: {  	[dreg:$0x0] =	wrdreg $0x60  }
0xae: {  	[dreg:$0x2] =	wrdreg s24  }
0xaf: {  	[dreg:$0x3] =	wrdreg s2  }
0xb0: {  	[dreg:$0x4] =	wrdreg $0x51800  }
0xb1: {  	[dreg:$0x5] =	wrdreg $0xEF000  }
0xb2: {  	[dreg:$0x6] =	wrdreg $0x9  }
0xb3: {  	_ =	task.clear_ibuf [dreg:s7], $0x7FFFF;
	_ =	strace $0x90000049  }
0xb4: {  	s29 =	simm.s32 $0x9;
	_ =	strace $0x8000004B  }
0xb5: {  	_ =	swait.ge [sflag:s29], $0x1  }
0xb6: {  	[sflag:s29] =	ssyncadd.s32 $0xFFFFFFFF  }
0xb7: {  	_ =	strace $0x9000004B  }
0xb8: {  	_ =	sfence  }
0xb9: {  	s30 =	sld [smem:$0x0];
	_ =	sdelay $0x2  }
0xba: {  	s31 =	sshll.u32 s1, $0xD;
	s1 =	sshrl.u32 s1, $0x2  }
0xbb: {  	s3 =	sand.u32 $0x4000, s31;
	s1 =	sadd.s32 s1, s30  }
0xbc: {  	s0 =	sor.u32 s3, s0;
	s1 =	sshll.u32 s1, $0x11  }
0xbd: {  	s0 =	sor.u32 s1, s0  }
0xbe: {  	s0 =	sadd.s32 $0x8F2B, s0  }
0xbf: {  	[sflag:s0] =	ssyncadd.remote.s32 $0x1  }
0xc0: {  	_ =	sfence.sel $0xFFFF  }
0xc1: {  	[dreg:$0x0] =	wrdreg $0xFFFFFFFF;
	(pc) =	sbr.abs _section_cstart, $3  }
0xc2: {  	[dreg:$0x1] =	wrdreg $0xFFFFFFFF  }
0xc3: {  	_ =	task.clear_ibuf [dreg:s7], $0x2FFFF;
	_ =	strace $0x9FFFFFFF  }
0xc4: {  	(tm) =	ssettm $0x7FFFFFFF  }
0xc5: {  	_ =	shalt  }
tec
execute0_lowered:
.L_overlay_start_1:
0x0: {  	(tag) =	ssettag $0x1  }
0x1: {  	s0 =	rddreg [dreg:$0x0]  }
0x2: {  	s4 =	rddreg [dreg:$0x1]  }
0x3: {  	s1 =	rddreg [dreg:$0x2]  }
0x4: {  	s2 =	rddreg [dreg:$0x3];
	s3 =	simm.s32 $0x0;
	s28 =	stileid.u32  }
0x5: {  	s9 =	srdreg.scid;
	s29 =	simm.s32 $0x2980;
	s30 =	simm.s32 $0x1  }
0x6: {  	s31 =	simm.s32 $0x80;
	[smem:$0x7FF] =	sst s3;
	s11 =	smul.u32 $0x50, s28  }
0x7: {  	s5 =	sadd.s32 $0x17C00, s0;
	s13 =	smul.u32 $0x2800, s28;
	s10 =	sor.u32 $0x10, s28  }
0x8: {  	s23 =	sor.u32 $0x20, s28;
	s20 =	smin.u32 s28, $0xE;
	s28 =	smul.u32 $0x4E20, s28  }
0x9: {  	s6 =	sadd.s32 $0x3EE00, s0;
	s7 =	sadd.s32 $0x66000, s0;
	s15 =	smul.u32 $0x50, s10  }
0xa: {  	s8 =	sadd.s32 $0xDE00, s0;
	s12 =	sand.u32 $0x1, s9;
	s17 =	smul.u32 $0x2800, s10  }
0xb: {  	s9 =	sadd.s32 $0x4000, s0;
	s0 =	sadd.s32 $0x8D200, s0;
	s18 =	smul.u32 $0x13B0, s12  }
0xc: {  	s14 =	ssub.s32 $0x2, s12;
	s19 =	smul.u32 $0x50, s23;
	s20 =	sor.u32 $0x30, s20  }
0xd: {  	_ =	strace $0x8000004A;
	s16 =	sshrl.u32 s14, $0x1;
	s24 =	smul.u32 $0x50, s20  }
0xe: {  	s10 =	sadd.s32 s13, s1;
	s25 =	smul.u32 $0x2800, s20;
	s14 =	ssub.s32 s14, s16  }
0xf: {  	s16 =	smul.u32 $0x2800, s23;
	s21 =	sadd.s32 s11, s18;
	s11 =	sadd.s32 s13, s2  }
0x10: {  	s15 =	sadd.s32 s18, s15;
	s19 =	sadd.s32 s18, s19;
	s21 =	sshll.u32 s21, $0x4  }
0x11: {  	s20 =	sadd.s32 s17, s1;
	s15 =	sshll.u32 s15, $0x4;
	s26 =	sadd.s32 s4, s21  }
0x12: {  	s19 =	sshll.u32 s19, $0x4;
	s22 =	sadd.s32 s0, s21;
	[dreg:$0x5] =	wrdreg s26  }
0x13: {  	s13 =	sadd.s32 s18, s24;
	s23 =	sadd.s32 s4, s15;
	[dreg:$0x6] =	wrdreg s22  }
0x14: {  	s18 =	smul.u32 $0xFFFFEC78, s12;
	s15 =	sadd.s32 s0, s15;
	[dreg:$0x7] =	wrdreg s23  }
0x15: {  	s12 =	simm.s32 $0x100;
	s24 =	sadd.s32 s4, s19;
	[dreg:$0x8] =	wrdreg s15  }
0x16: {  	s13 =	sshll.u32 s13, $0x4;
	s21 =	sadd.s32 s17, s2;
	[dreg:$0x9] =	wrdreg s24  }
0x17: {  	s26 =	sadd.s32 s0, s19;
	s4 =	sadd.s32 s4, s13;
	s19 =	sadd.s32 s0, s13  }
0x18: {  	s22 =	sadd.s32 s16, s1;
	s23 =	sadd.s32 s16, s2;
	s24 =	sadd.s32 s25, s1  }
0x19: {  	s25 =	sadd.s32 s25, s2;
	s0 =	simm.s32 $0x50;
	[dreg:$0xa] =	wrdreg s26  }
0x1a: {  	v1 =	vimm.f32 $0.0e+00;
	v0 =	vmov s18;
	[dreg:$0xb] =	wrdreg s4;
	s26 =	smax.u32 s14, $0x1;
	s4 =	simm.s32 $0x180  }
.LBB2_1:
0x1b: {  	s13 =	simm.s32 $0x0;
	s14 =	simm.s32 $0x200  }
.LBB2_2:
0x1c: {  	p0 =	sne.s32 s14, $0x9E00;
	[tilespmem:s13+$0x29F0] =	vst v1  }
0x1d: {  	[tilespmem:s13+$0x2980] =	vst v1  }
0x1e: {  	[tilespmem:s13+$0x2990] =	vst v1  }
.Ltmp0:
0x1f: {  	[tilespmem:s13+$0x29A0] =	vst v1;
	(pc) =	sbr.rel @p0 .LBB2_2-.Ltmp0, $4  }
0x20: {  	[tilespmem:s13+$0x29B0] =	vst v1  }
0x21: {  	[tilespmem:s13+$0x29C0] =	vst v1  }
0x22: {  	[tilespmem:s13+$0x29D0] =	vst v1  }
0x23: {  	[tilespmem:s13+$0x29E0] =	vst v1;
	s13 =	sshra.s32 s14, $0x2;
	s14 =	sadd.s32 $0x200, s14  }
0x24: {  	[tilespmem:s13+$0x29F0] =	vst v1  }
0x25: {  	[tilespmem:s13+$0x2980] =	vst v1  }
0x26: {  	[tilespmem:s13+$0x2990] =	vst v1  }
0x27: {  	[tilespmem:s13+$0x29A0] =	vst v1  }
0x28: {  	[tilespmem:s13+$0x29B0] =	vst v1  }
0x29: {  	[tilespmem:s13+$0x29C0] =	vst v1  }
0x2a: {  	[tilespmem:s13+$0x29D0] =	vst v1  }
0x2b: {  	[tilespmem:s13+$0x29E0] =	vst v1  }
0x2c: {  	[spmem:s10] =	stream.linear.scatter [tilespmem:s29], [sflag:$0x1], $0x2800, $0x38;
	[tilespmem:$0x18C80] =	vst v63  }
0x2d: {  	_ =	swait.ge [sflag:s30], $0x2800  }
0x2e: {  	[sflag:s30] =	ssyncset.done $0x0  }
0x2f: {  	[sflag:s30] =	ssyncadd.s32 $0xFFFFD800  }
0x30: {  	[spmem:s11] =	stream.linear.scatter [tilespmem:s29], [sflag:$0x1], $0x2800, $0x38;
	[tilespmem:$0x18C80] =	vst v63  }
0x31: {  	_ =	swait.ge [sflag:s30], $0x2800  }
0x32: {  	[sflag:s30] =	ssyncset.done $0x0  }
0x33: {  	[sflag:s30] =	ssyncadd.s32 $0xFFFFD800  }
0x34: {  	[spmem:s20] =	stream.linear.scatter [tilespmem:s29], [sflag:$0x1], $0x2800, $0x38;
	[tilespmem:$0x18C80] =	vst v63  }
0x35: {  	_ =	swait.ge [sflag:s30], $0x2800  }
0x36: {  	[sflag:s30] =	ssyncset.done $0x0  }
0x37: {  	[sflag:s30] =	ssyncadd.s32 $0xFFFFD800  }
0x38: {  	[spmem:s21] =	stream.linear.scatter [tilespmem:s29], [sflag:$0x1], $0x2800, $0x38;
	[tilespmem:$0x18C80] =	vst v63  }
0x39: {  	_ =	swait.ge [sflag:s30], $0x2800  }
0x3a: {  	[sflag:s30] =	ssyncset.done $0x0  }
0x3b: {  	[sflag:s30] =	ssyncadd.s32 $0xFFFFD800  }
0x3c: {  	[spmem:s22] =	stream.linear.scatter [tilespmem:s29], [sflag:$0x1], $0x2800, $0x38;
	[tilespmem:$0x18C80] =	vst v63  }
0x3d: {  	_ =	swait.ge [sflag:s30], $0x2800  }
0x3e: {  	[sflag:s30] =	ssyncset.done $0x0  }
0x3f: {  	[sflag:s30] =	ssyncadd.s32 $0xFFFFD800  }
0x40: {  	[spmem:s23] =	stream.linear.scatter [tilespmem:s29], [sflag:$0x1], $0x2800, $0x38;
	[tilespmem:$0x18C80] =	vst v63  }
0x41: {  	_ =	swait.ge [sflag:s30], $0x2800  }
0x42: {  	[sflag:s30] =	ssyncset.done $0x0  }
0x43: {  	[sflag:s30] =	ssyncadd.s32 $0xFFFFD800  }
0x44: {  	[spmem:s24] =	stream.linear.scatter [tilespmem:s29], [sflag:$0x1], $0x2800, $0x38;
	[tilespmem:$0x18C80] =	vst v63  }
0x45: {  	_ =	swait.ge [sflag:s30], $0x2800  }
0x46: {  	[sflag:s30] =	ssyncset.done $0x0  }
0x47: {  	[sflag:s30] =	ssyncadd.s32 $0xFFFFD800  }
0x48: {  	[spmem:s25] =	stream.linear.scatter [tilespmem:s29], [sflag:$0x1], $0x2800, $0x38;
	[tilespmem:$0x18C80] =	vst v63  }
0x49: {  	_ =	swait.ge [sflag:s30], $0x2800  }
0x4a: {  	[sflag:s30] =	ssyncset.done $0x0  }
0x4b: {  	[sflag:s30] =	ssyncadd.s32 $0xFFFFD800  }
0x4c: {  	s13 =	simm.s32 $0x0;
	s14 =	simm.s32 $0x0;
	[bflag:$0x0] =	sbarrier.arrive $0xFFFF  }
.LBB2_4:
0x4d: {  	s15 =	smul.u32 $0x50, s14;
	_ =	sdelay $0x1  }
0x4e: {  	s15 =	sadd.s32 s28, s15  }
0x4f: {  	s15 =	sshrl.u32 s15, $0x3  }
0x50: {  	s16 =	sadd.s32 s8, s15  }
0x51: {  	[tilespmem:s13], [sflag:$0x1] =	stream.linear.gather [hbm4b:s16+s13], $0x50, $0x38;
	[tilespmem:$0x18C80] =	vst v63  }
0x52: {  	s15 =	sadd.s32 s9, s15  }
0x53: {  	[tilespmem:s31], [sflag:$0x1] =	stream.linear.gather [hbm4b:s15+s13], $0x50, $0x38;
	[tilespmem:$0x18C80] =	vst v63  }
0x54: {  	_ =	swait.ge [sflag:s30], $0x50  }
0x55: {  	[sflag:s30] =	ssyncset.done $0x0  }
0x56: {  	[sflag:s30] =	ssyncadd.s32 $0xFFFFFFB0  }
0x57: {  	_ =	swait.ge [sflag:s30], $0x50  }
0x58: {  	[sflag:s30] =	ssyncset.done $0x0  }
0x59: {  	[sflag:s30] =	ssyncadd.s32 $0xFFFFFFB0  }
0x5a: {  	v2 =	vld [tilespmem:$0x80]  }
0x5b: {  	v3 =	vld [tilespmem:$0x90]  }
0x5c: {  	v4 =	vld [tilespmem:$0xA0]  }
0x5d: {  	v5 =	vld [tilespmem:$0xB0]  }
0x5e: {  	v6 =	vld [tilespmem:$0xC0]  }
0x5f: {  	v2 =	vadd.s32 v0, v2  }
0x60: {  	v3 =	vadd.s32 v0, v3;
	v2 =	vmin.u32 v2, $0x1388  }
0x61: {  	[tilespmem:$0x100] =	vst v2;
	v2 =	vmin.u32 v3, $0x1388;
	v3 =	vadd.s32 v0, v4  }
0x62: {  	[tilespmem:$0x110] =	vst v2;
	v2 =	vmin.u32 v3, $0x1388;
	v3 =	vadd.s32 v0, v5  }
0x63: {  	[tilespmem:$0x120] =	vst v2;
	v2 =	vmin.u32 v3, $0x1388;
	v3 =	vadd.s32 v0, v6  }
0x64: {  	[tilespmem:$0x130] =	vst v2;
	v2 =	vmin.u32 v3, $0x1388  }
0x65: {  	[tilespmem:$0x140] =	vst v2  }
0x66: {  	[tilespmem:s4], [sflag:$0x1] =	stream.indirect.gather [hbm4b:s6+s0], $0x80, s13, s0, $0xb8;
	[tilespmem:$0x18C80] =	vst v63  }
0x67: {  	_ = 	snop  }
0x68: {  	[tilespmem:s29], [sflag:$0x1] =	stream.indirect.gather [hbm4b:s5+s0], $0x80, s31, s0, $0xb8;
	[tilespmem:$0x18C80] =	vst v63  }
0x69: {  	_ =	swait.ge [sflag:s30], $0x2800  }
0x6a: {  	[sflag:s30] =	ssyncset.done $0x0  }
0x6b: {  	[sflag:s30] =	ssyncadd.s32 $0xFFFFD800  }
0x6c: {  	_ =	swait.ge [sflag:s30], $0x2800  }
0x6d: {  	[sflag:s30] =	ssyncset.done $0x0  }
0x6e: {  	s16 =	simm.s32 $0x0;
	[sflag:s30] =	ssyncadd.s32 $0xFFFFD800  }
0x6f: {  	v2 =	vld [tilespmem:s16+$0x1E0]  }
0x70: {  	v3 =	vld [tilespmem:s16+$0x29E0];
	_ =	sdelay $0x4  }
0x71: {  	v2 =	vmul.f32 v3, v2;
	_ =	sdelay $0x1  }
0x72: {  	(xrf2) =	vadd.scan.msk.f32 $0xffff, v2;
	_ =	sdelay $0x2  }
0x73: {  	v3 =	vld [tilespmem:s16+$0x1A0]  }
0x74: {  	v2 =	vld [tilespmem:s16+$0x29A0];
	_ =	sdelay $0x4  }
0x75: {  	v2 =	vmul.f32 v2, v3  }
0x76: {  	v4 =	vld [tilespmem:s16+$0x1B0];
	v3, _, _ =	vpop (xrf2)  }
0x77: {  	(xrf2) =	vadd.scan.msk.f32 $0xffff, v2;
	v2 =	vld [tilespmem:s16+$0x29B0];
	v3 =	vmul.f32 $1.442695020e+00, v3;
	_ =	sdelay $0x1  }
0x78: {  	v3 =	vbroadcast v3, $0xF;
	_ =	sdelay $0x1  }
0x79: {  	v5 =	vld [tilespmem:s16+$0x29F0];
	(erf) = vpow2.f32 v3  }
0x7a: {  	v2 =	vmul.f32 v2, v4;
	v3 =	vld [tilespmem:s16+$0x1F0];
	_ =	sdelay $0x1  }
0x7b: {  	(xrf2) =	vadd.scan.msk.f32 $0xffff, v2  }
0x7c: {  	v4 =	vld [tilespmem:s16+$0x2990]  }
0x7d: {  	v2 =	vld [tilespmem:s16+$0x190]  }
0x7e: {  	v6, _, _ =	vpop (xrf2);
	v3 =	vmul.f32 v5, v3  }
0x7f: {  	v5 =	vmul.f32 $1.442695020e+00, v6  }
0x80: {  	(xrf2) =	vadd.scan.msk.f32 $0xffff, v3  }
0x81: {  	v3 =	vbroadcast v5, $0xF;
	v6 =	vpop (erf)  }
0x82: {  	s15 =	simm.s32 $0x80;
	v2 =	vmul.f32 v4, v2;
	[tilespmem:s16+$0x1E0] =	vst v6  }
0x83: {  	(erf) = vpow2.f32 v3;
	v3 =	vld [tilespmem:s15+$0x1E0]  }
0x84: {  	(xrf2) =	vadd.scan.msk.f32 $0xffff, v2;
	v2 =	vld [tilespmem:s15+$0x29E0]  }
0x85: {  	v7 =	vld [tilespmem:s16+$0x1D0];
	v4, _, _ =	vpop (xrf2)  }
0x86: {  	v6 =	vld [tilespmem:s16+$0x29D0];
	v4 =	vmul.f32 $1.442695020e+00, v4;
	_ =	sdelay $0x1  }
0x87: {  	v8 =	vld [tilespmem:s16+$0x180];
	v4 =	vbroadcast v4, $0xF  }
0x88: {  	v9 =	vld [tilespmem:s16+$0x29C0];
	v2 =	vmul.f32 v2, v3  }
0x89: {  	v5 =	vld [tilespmem:s16+$0x2980];
	(erf) = vpow2.f32 v4;
	v3, _, _ =	vpop (xrf2)  }
0x8a: {  	v10 =	vld [tilespmem:s16+$0x1C0];
	v3 =	vmul.f32 $1.442695020e+00, v3;
	(xrf2) =	vadd.scan.msk.f32 $0xffff, v2;
	v2 =	vmul.f32 v6, v7;
	_ =	sdelay $0x1  }
0x8b: {  	v4 =	vpop (erf);
	v3 =	vbroadcast v3, $0xF;
	(xrf2) =	vadd.scan.msk.f32 $0xffff, v2  }
0x8c: {  	[tilespmem:s16+$0x1A0] =	vst v4  }
0x8d: {  	v5 =	vmul.f32 v5, v8;
	v6, _, _ =	vpop (xrf2);
	v4 =	vld [tilespmem:s15+$0x29A0];
	(erf) = vpow2.f32 v3  }
0x8e: {  	v7 =	vld [tilespmem:s15+$0x1A0];
	v2 =	vmul.f32 $1.442695020e+00, v6;
	v3 =	vmul.f32 v9, v10  }
0x8f: {  	(xrf2) =	vadd.scan.msk.f32 $0xffff, v5  }
0x90: {  	v2 =	vbroadcast v2, $0xF;
	_ =	sdelay $0x1  }
0x91: {  	(erf) = vpow2.f32 v2;
	(xrf2) =	vadd.scan.msk.f32 $0xffff, v3;
	v3 =	vpop (erf)  }
0x92: {  	v2 =	vmul.f32 v4, v7;
	v4 =	vld [tilespmem:s15+$0x29B0];
	[tilespmem:s16+$0x1B0] =	vst v3;
	v3, _, _ =	vpop (xrf2)  }
0x93: {  	v6 =	vmul.f32 $1.442695020e+00, v3  }
0x94: {  	(xrf2) =	vadd.scan.msk.f32 $0xffff, v2;
	v2 =	vld [tilespmem:s15+$0x1B0];
	v8, _, _ =	vpop (xrf2)  }
0x95: {  	v5 =	vld [tilespmem:s15+$0x29F0];
	v7 =	vpop (erf);
	v6 =	vbroadcast v6, $0xF  }
0x96: {  	v3 =	vld [tilespmem:s15+$0x2990];
	[tilespmem:s16+$0x1F0] =	vst v7;
	v7 =	vmul.f32 $1.442695020e+00, v8  }
0x97: {  	(erf) = vpow2.f32 v6  }
0x98: {  	v62, _, _ =	vpop (xrf2)  }
0x99: {  	v9 =	vmul.f32 $1.442695020e+00, v62;
	v8 =	vld [tilespmem:s15+$0x1F0];
	v6 =	vbroadcast v7, $0xF  }
0x9a: {  	v63 =	vmul.f32 v4, v2;
	v7 =	vpop (erf)  }
0x9b: {  	v2 =	vbroadcast v9, $0xF;
	v4, _, _ =	vpop (xrf2);
	(erf) = vpow2.f32 v6;
	[tilespmem:s16+$0x190] =	vst v7  }
0x9c: {  	v7 =	vmul.f32 $1.442695020e+00, v4;
	v4 =	vld [tilespmem:s15+$0x190]  }
0x9d: {  	(xrf2) =	vadd.scan.msk.f32 $0xffff, v63;
	(erf) = vpow2.f32 v2  }
0x9e: {  	v6 =	vmul.f32 v5, v8;
	v5, _, _ =	vpop (xrf2);
	v7 =	vbroadcast v7, $0xF  }
0x9f: {  	s17 =	simm.s32 $0x400;
	v2 =	vld [tilespmem:s15+$0x2980];
	v5 =	vmul.f32 $1.442695020e+00, v5  }
.LBB2_5:
0xa0: {  	p0 =	sne.s32 s17, $0x9E00;
	v8 =	vpop (erf);
	(xrf2) =	vadd.scan.msk.f32 $0xffff, v6;
	(erf) = vpow2.f32 v7;
	s18 =	smov.u32 s17;
	s17 =	sadd.s32 $0x200, s17  }
0xa1: {  	s18 =	sshra.s32 s18, $0x2;
	v7 =	vmul.f32 v3, v4;
	v4 =	vbroadcast v5, $0xF;
	[tilespmem:s15+$0x1E0] =	vst v8  }
0xa2: {  	v5 =	vld [tilespmem:s18+$0x1E0]  }
0xa3: {  	v6 =	vld [tilespmem:s18+$0x29E0];
	(xrf2) =	vadd.scan.msk.f32 $0xffff, v7;
	(erf) = vpow2.f32 v4  }
0xa4: {  	v3 =	vpop (erf)  }
0xa5: {  	v4 =	vld [tilespmem:s15+$0x29D0];
	[tilespmem:s16+$0x1D0] =	vst v3  }
0xa6: {  	v3 =	vld [tilespmem:s15+$0x1D0];
	v7 =	vpop (erf)  }
0xa7: {  	v8, _, _ =	vpop (xrf2);
	[tilespmem:s16+$0x180] =	vst v7  }
0xa8: {  	v5 =	vmul.f32 v6, v5;
	v9 =	vmul.f32 $1.442695020e+00, v8  }
0xa9: {  	v7 =	vld [tilespmem:s15+$0x180];
	v8 =	vpop (erf)  }
0xaa: {  	(xrf2) =	vadd.scan.msk.f32 $0xffff, v5;
	v10 =	vbroadcast v9, $0xF;
	v6, _, _ =	vpop (xrf2)  }
0xab: {  	v9 =	vld [tilespmem:s15+$0x29C0];
	v3 =	vmul.f32 v4, v3;
	v4 =	vmul.f32 $1.442695020e+00, v6;
	[tilespmem:s16+$0x1C0] =	vst v8;
	s16 =	smov.u32 s15;
	s15 =	smov.u32 s18  }
0xac: {  	v6 =	vld [tilespmem:s16+$0x1C0];
	v8 =	vpop (erf);
	(erf) = vpow2.f32 v10  }
0xad: {  	[tilespmem:s16+$0x1A0] =	vst v8;
	v4 =	vbroadcast v4, $0xF;
	v5, _, _ =	vpop (xrf2);
	(xrf2) =	vadd.scan.msk.f32 $0xffff, v3  }
0xae: {  	v3 =	vld [tilespmem:s15+$0x29A0];
	v2 =	vmul.f32 v2, v7;
	v5 =	vmul.f32 $1.442695020e+00, v5  }
0xaf: {  	v7 =	vld [tilespmem:s15+$0x1A0];
	(erf) = vpow2.f32 v4  }
0xb0: {  	v4 =	vbroadcast v5, $0xF;
	(xrf2) =	vadd.scan.msk.f32 $0xffff, v2  }
0xb1: {  	v2 =	vld [tilespmem:s15+$0x29B0];
	v5 =	vmul.f32 v9, v6  }
0xb2: {  	(erf) = vpow2.f32 v4  }
0xb3: {  	(xrf2) =	vadd.scan.msk.f32 $0xffff, v5  }
0xb4: {  	v3 =	vmul.f32 v3, v7;
	v4, _, _ =	vpop (xrf2)  }
0xb5: {  	v4 =	vmul.f32 $1.442695020e+00, v4;
	v5 =	vpop (erf)  }
0xb6: {  	(xrf2) =	vadd.scan.msk.f32 $0xffff, v3;
	[tilespmem:s16+$0x1B0] =	vst v5  }
0xb7: {  	v5 =	vld [tilespmem:s15+$0x1B0];
	v4 =	vbroadcast v4, $0xF;
	v6, _, _ =	vpop (xrf2)  }
0xb8: {  	v7 =	vld [tilespmem:s15+$0x29F0];
	v8 =	vpop (erf)  }
0xb9: {  	v3 =	vld [tilespmem:s15+$0x2990];
	(erf) = vpow2.f32 v4;
	v4 =	vmul.f32 $1.442695020e+00, v6;
	[tilespmem:s16+$0x1F0] =	vst v8  }
0xba: {  	v6 =	vld [tilespmem:s15+$0x1F0];
	v8, _, _ =	vpop (xrf2)  }
0xbb: {  	v8 =	vmul.f32 $1.442695020e+00, v8;
	v4 =	vbroadcast v4, $0xF;
	v9 =	vpop (erf)  }
0xbc: {  	v5 =	vmul.f32 v2, v5;
	[tilespmem:s16+$0x190] =	vst v9  }
.Ltmp1:
0xbd: {  	v8 =	vbroadcast v8, $0xF;
	v2, _, _ =	vpop (xrf2);
	(erf) = vpow2.f32 v4;
	(pc) =	sbr.rel @p0 .LBB2_5-.Ltmp1, $4  }
0xbe: {  	v4 =	vld [tilespmem:s15+$0x190];
	v9 =	vmul.f32 $1.442695020e+00, v2  }
0xbf: {  	v2 =	vld [tilespmem:s15+$0x2980];
	v6 =	vmul.f32 v7, v6;
	(xrf2) =	vadd.scan.msk.f32 $0xffff, v5;
	(erf) = vpow2.f32 v8  }
0xc0: {  	v5, _, _ =	vpop (xrf2);
	v7 =	vbroadcast v9, $0xF  }
0xc1: {  	v5 =	vmul.f32 $1.442695020e+00, v5  }
0xc2: {  	(erf) = vpow2.f32 v7;
	_ =	sdelay $0x4  }
0xc3: {  	v7 =	vpop (erf)  }
0xc4: {  	[tilespmem:s15+$0x1E0] =	vst v7;
	v7 =	vpop (erf)  }
0xc5: {  	v8 =	vld [tilespmem:s15+$0x29D0];
	[tilespmem:s16+$0x1D0] =	vst v7;
	v9 =	vpop (erf)  }
0xc6: {  	v7 =	vld [tilespmem:s15+$0x1D0];
	[tilespmem:s16+$0x180] =	vst v9  }
0xc7: {  	v9 =	vld [tilespmem:s15+$0x180];
	v10 =	vpop (erf)  }
0xc8: {  	v11 =	vld [tilespmem:s15+$0x29C0];
	[tilespmem:s16+$0x1C0] =	vst v10  }
0xc9: {  	v10 =	vld [tilespmem:s15+$0x1C0]  }
0xca: {  	(xrf2) =	vadd.scan.msk.f32 $0xffff, v6  }
0xcb: {  	v3 =	vmul.f32 v3, v4  }
0xcc: {  	v4 =	vmul.f32 v8, v7  }
0xcd: {  	(xrf2) =	vadd.scan.msk.f32 $0xffff, v3;
	v2 =	vmul.f32 v2, v9  }
0xce: {  	(xrf2) =	vadd.scan.msk.f32 $0xffff, v4;
	v3 =	vmul.f32 v11, v10  }
0xcf: {  	(xrf2) =	vadd.scan.msk.f32 $0xffff, v2  }
0xd0: {  	(xrf2) =	vadd.scan.msk.f32 $0xffff, v3;
	_ =	sdelay $0x2  }
0xd1: {  	v2, _, _ =	vpop (xrf2)  }
0xd2: {  	v4 =	vbroadcast v5, $0xF;
	v2 =	vmul.f32 $1.442695020e+00, v2;
	v3, _, _ =	vpop (xrf2)  }
0xd3: {  	v3 =	vmul.f32 $1.442695020e+00, v3  }
0xd4: {  	v2 =	vbroadcast v2, $0xF  }
0xd5: {  	(erf) = vpow2.f32 v4;
	v5, _, _ =	vpop (xrf2);
	v3 =	vbroadcast v3, $0xF  }
0xd6: {  	(erf) = vpow2.f32 v2;
	v2 =	vmul.f32 $1.442695020e+00, v5;
	v4, _, _ =	vpop (xrf2)  }
0xd7: {  	(erf) = vpow2.f32 v3;
	v3 =	vmul.f32 $1.442695020e+00, v4;
	v4, _, _ =	vpop (xrf2)  }
0xd8: {  	v2 =	vbroadcast v2, $0xF;
	v4 =	vmul.f32 $1.442695020e+00, v4;
	v5, _, _ =	vpop (xrf2)  }
0xd9: {  	v3 =	vbroadcast v3, $0xF;
	v5 =	vmul.f32 $1.442695020e+00, v5  }
0xda: {  	(erf) = vpow2.f32 v2;
	v2 =	vbroadcast v4, $0xF  }
0xdb: {  	(erf) = vpow2.f32 v3;
	v3 =	vbroadcast v5, $0xF  }
0xdc: {  	(erf) = vpow2.f32 v2  }
0xdd: {  	(erf) = vpow2.f32 v3;
	_ =	sdelay $0x2  }
0xde: {  	v2 =	vpop (erf)  }
0xdf: {  	[tilespmem:s15+$0x1A0] =	vst v2;
	v3 =	vpop (erf)  }
0xe0: {  	v2 =	vpop (erf);
	[tilespmem:s15+$0x1B0] =	vst v3  }
0xe1: {  	[tilespmem:s15+$0x1F0] =	vst v2;
	v2 =	vpop (erf)  }
0xe2: {  	[tilespmem:s15+$0x190] =	vst v2;
	v2 =	vpop (erf)  }
0xe3: {  	[tilespmem:s15+$0x1D0] =	vst v2;
	v2 =	vpop (erf)  }
0xe4: {  	[tilespmem:s15+$0x180] =	vst v2;
	v2 =	vpop (erf)  }
0xe5: {  	s18 =	simm.s32 $0x0;
	[tilespmem:s15+$0x1C0] =	vst v2  }
0xe6: {  	[tilespmem:s29], [sflag:$0x1] =	stream.indirect.gather [hbm4b:s7+s0], $0x80, s18, s0, $0xb8;
	[tilespmem:$0x18C80] =	vst v63  }
0xe7: {  	_ =	swait.ge [sflag:s30], $0x2800  }
0xe8: {  	[sflag:s30] =	ssyncset.done $0x0  }
0xe9: {  	s15 =	simm.s32 $0x0;
	[sflag:s30] =	ssyncadd.s32 $0xFFFFD800  }
0xea: {  	v9 =	vld [tilespmem:s15+$0x180]  }
0xeb: {  	v13 =	vld [tilespmem:s15+$0x190]  }
0xec: {  	v7 =	vld [tilespmem:s15+$0x1A0]  }
0xed: {  	v6 =	vld [tilespmem:s15+$0x1B0]  }
0xee: {  	v5 =	vld [tilespmem:s15+$0x1C0]  }
0xef: {  	v4 =	vld [tilespmem:s15+$0x1D0]  }
0xf0: {  	v3 =	vld [tilespmem:s15+$0x1E0]  }
0xf1: {  	v2 =	vld [tilespmem:s15+$0x1F0]  }
0xf2: {  	v14 =	vld [tilespmem:s15+$0x2980]  }
0xf3: {  	v15 =	vld [tilespmem:s15+$0x2990]  }
0xf4: {  	v12 =	vld [tilespmem:s15+$0x29A0]  }
0xf5: {  	v11 =	vld [tilespmem:s15+$0x29B0]  }
0xf6: {  	v10 =	vld [tilespmem:s15+$0x29C0]  }
0xf7: {  	v8 =	vld [tilespmem:s15+$0x29D0];
	v14 =	vmul.f32 v9, v14  }
0xf8: {  	s16 =	simm.s32 $0x200;
	v13 =	vmul.f32 v13, v15;
	v9 =	vld [tilespmem:s15+$0x29E0]  }
.LBB2_7:
0xf9: {  	s17 =	sshra.s32 s16, $0x2;
	p0 =	sne.s32 s16, $0x9E00;
	[tilespmem:s15+$0x2980] =	vst v14;
	v7 =	vmul.f32 v7, v12;
	v12 =	vld [tilespmem:s15+$0x29F0]  }
0xfa: {  	v14 =	vld [tilespmem:s17+$0x180];
	[tilespmem:s15+$0x2990] =	vst v13;
	v6 =	vmul.f32 v6, v11  }
0xfb: {  	v13 =	vld [tilespmem:s17+$0x190];
	[tilespmem:s15+$0x29A0] =	vst v7;
	v5 =	vmul.f32 v5, v10  }
0xfc: {  	v7 =	vld [tilespmem:s17+$0x1A0];
	[tilespmem:s15+$0x29B0] =	vst v6;
	v4 =	vmul.f32 v4, v8  }
0xfd: {  	v6 =	vld [tilespmem:s17+$0x1B0];
	[tilespmem:s15+$0x29C0] =	vst v5;
	v3 =	vmul.f32 v3, v9  }
0xfe: {  	v5 =	vld [tilespmem:s17+$0x1C0];
	[tilespmem:s15+$0x29D0] =	vst v4;
	v2 =	vmul.f32 v2, v12  }
0xff: {  	v4 =	vld [tilespmem:s17+$0x1D0];
	[tilespmem:s15+$0x29E0] =	vst v3  }
0x100: {  	v3 =	vld [tilespmem:s17+$0x1E0];
	[tilespmem:s15+$0x29F0] =	vst v2;
	s15 =	smov.u32 s17  }
0x101: {  	v2 =	vld [tilespmem:s15+$0x1F0]  }
0x102: {  	v8 =	vld [tilespmem:s15+$0x2980]  }
0x103: {  	v9 =	vld [tilespmem:s15+$0x2990]  }
.Ltmp2:
0x104: {  	v12 =	vld [tilespmem:s15+$0x29A0];
	(pc) =	sbr.rel @p0 .LBB2_7-.Ltmp2, $4  }
0x105: {  	v11 =	vld [tilespmem:s15+$0x29B0]  }
0x106: {  	v10 =	vld [tilespmem:s15+$0x29C0]  }
0x107: {  	v14 =	vmul.f32 v14, v8;
	v8 =	vld [tilespmem:s15+$0x29D0]  }
0x108: {  	s16 =	sadd.s32 $0x200, s16;
	v13 =	vmul.f32 v13, v9;
	v9 =	vld [tilespmem:s15+$0x29E0]  }
0x109: {  	[tilespmem:s15+$0x2980] =	vst v14;
	v7 =	vmul.f32 v7, v12;
	v63 =	vld [tilespmem:s15+$0x29F0]  }
0x10a: {  	[tilespmem:s15+$0x2990] =	vst v13;
	v6 =	vmul.f32 v6, v11  }
0x10b: {  	[tilespmem:s15+$0x29A0] =	vst v7;
	v5 =	vmul.f32 v5, v10  }
0x10c: {  	[tilespmem:s15+$0x29B0] =	vst v6;
	v4 =	vmul.f32 v4, v8  }
0x10d: {  	[tilespmem:s15+$0x29C0] =	vst v5;
	v3 =	vmul.f32 v3, v9  }
0x10e: {  	[tilespmem:s15+$0x29D0] =	vst v4;
	v2 =	vmul.f32 v2, v63  }
0x10f: {  	[tilespmem:s15+$0x29E0] =	vst v3  }
0x110: {  	[tilespmem:s15+$0x29F0] =	vst v2  }
0x111: {  	[spmem:s1] =	stream.indirect.scatter.add.f32 [tilespmem:s29], [sflag:$0x1], $0x80, s12, s0, $0xb8;
	[tilespmem:$0x18C80] =	vst v63  }
0x112: {  	s14 =	sadd.s32 $0x1, s14;
	_ =	swait.ge [sflag:s30], $0x2800  }
0x113: {  	p0 =	sne.s32 s14, $0xFA;
	[sflag:s30] =	ssyncset.done $0x0  }
.Ltmp3:
0x114: {  	[sflag:s30] =	ssyncadd.s32 $0xFFFFD800;
	(pc) =	sbr.rel @p0 .LBB2_4-.Ltmp3, $4  }
0x115: {  	[spmem:s2] =	stream.indirect.scatter.add.f32 [tilespmem:s4], [sflag:$0x1], $0x80, s12, s0, $0xb8;
	[tilespmem:$0x18C80] =	vst v63  }
0x116: {  	_ =	swait.ge [sflag:s30], $0x2800  }
0x117: {  	[sflag:s30] =	ssyncset.done $0x0  }
0x118: {  	[sflag:s30] =	ssyncadd.s32 $0xFFFFD800  }
0x119: {  	s13 =	stileid.u32  }
0x11a: {  	[bflag:$0x0] =	sbarrier.arrive $0xFFFF;
	s13 =	sshll.u32 s13, $0x6  }
0x11b: {  	s14 =	sshrl.u32 s10, $0x3;
	s15 =	rddreg [dreg:$0x5];
	s13 =	sor.u32 $0x1C01, s13  }
0x11c: {  	[hbm:s15], [sflag:s13] =	dma.local [spmem:s14], $0x500  }
0x11d: {  	_ =	swait.ge [sflag:s30], $0x500  }
0x11e: {  	[sflag:s30] =	ssyncset.done $0x0  }
0x11f: {  	s17 =	sshrl.u32 s11, $0x3;
	s18 =	rddreg [dreg:$0x6];
	[sflag:s30] =	ssyncadd.s32 $0xFFFFFB00  }
0x120: {  	[hbm:s18], [sflag:s13] =	dma.local [spmem:s17], $0x500  }
0x121: {  	_ =	swait.ge [sflag:s30], $0x500  }
0x122: {  	[sflag:s30] =	ssyncset.done $0x0  }
0x123: {  	s15 =	sshrl.u32 s20, $0x3;
	s16 =	rddreg [dreg:$0x7];
	[sflag:s30] =	ssyncadd.s32 $0xFFFFFB00  }
0x124: {  	[hbm:s16], [sflag:s13] =	dma.local [spmem:s15], $0x500  }
0x125: {  	_ =	swait.ge [sflag:s30], $0x500  }
0x126: {  	[sflag:s30] =	ssyncset.done $0x0  }
0x127: {  	s17 =	sshrl.u32 s21, $0x3;
	s18 =	rddreg [dreg:$0x8];
	[sflag:s30] =	ssyncadd.s32 $0xFFFFFB00  }
0x128: {  	[hbm:s18], [sflag:s13] =	dma.local [spmem:s17], $0x500  }
0x129: {  	_ =	swait.ge [sflag:s30], $0x500  }
0x12a: {  	[sflag:s30] =	ssyncset.done $0x0  }
0x12b: {  	s15 =	sshrl.u32 s22, $0x3;
	s16 =	rddreg [dreg:$0x9];
	[sflag:s30] =	ssyncadd.s32 $0xFFFFFB00  }
0x12c: {  	[hbm:s16], [sflag:s13] =	dma.local [spmem:s15], $0x500  }
0x12d: {  	_ =	swait.ge [sflag:s30], $0x500  }
0x12e: {  	[sflag:s30] =	ssyncset.done $0x0  }
0x12f: {  	s17 =	sshrl.u32 s23, $0x3;
	s18 =	rddreg [dreg:$0xa];
	[sflag:s30] =	ssyncadd.s32 $0xFFFFFB00  }
0x130: {  	[hbm:s18], [sflag:s13] =	dma.local [spmem:s17], $0x500  }
0x131: {  	_ =	swait.ge [sflag:s30], $0x500  }
0x132: {  	[sflag:s30] =	ssyncset.done $0x0  }
0x133: {  	s16 =	sshrl.u32 s24, $0x3;
	s17 =	rddreg [dreg:$0xb];
	[sflag:s30] =	ssyncadd.s32 $0xFFFFFB00  }
0x134: {  	[hbm:s17], [sflag:s13] =	dma.local [spmem:s16], $0x500  }
0x135: {  	s3 =	sadd.s32 $0x1, s3;
	_ =	swait.ge [sflag:s30], $0x500  }
0x136: {  	p0 =	sne.s32 s3, s26;
	[sflag:s30] =	ssyncset.done $0x0  }
.Ltmp4:
0x137: {  	s18 =	sshrl.u32 s25, $0x3;
	[sflag:s30] =	ssyncadd.s32 $0xFFFFFB00;
	(pc) =	sbr.rel @p0 .LBB2_1-.Ltmp4, $4  }
0x138: {  	[hbm:s19], [sflag:s13] =	dma.local [spmem:s18], $0x500  }
0x139: {  	_ =	swait.ge [sflag:s30], $0x500  }
0x13a: {  	[sflag:s30] =	ssyncset.done $0x0  }
0x13b: {  	[sflag:s30] =	ssyncadd.s32 $0xFFFFFB00  }
0x13c: {  	_ =	sfence.sel $0x180000  }
0x13d: {  	[bflag:$0x0] =	sbarrier.arrive $0xFFFF  }
0x13e: {  	_ =	strace $0x9000004A  }
0x13f: {  	s0 =	stileid.u32;
	[bflag:$0x2] =	sbarrier.arrive $0xFFFF  }
0x140: {  	p0 =	sne.s32 s0, $0x0;
	s0 =	rddreg [dreg:$0x4]  }
0x141: {  	s0 =	sadd.s32 @!p0 $0x100000, s0  }
0x142: {  	[sflag:s0] =	ssyncadd.tile.s32 @!p0 $0x1;
	_ =	shalt  }
.Lfunc_end2:
_tile_overlayer_lowered:
.L_overlay_start_2:
0x143: {  	(tag) =	ssettag $0x2  }
0x144: {  	s0 =	rddreg [dreg:$0x0];
	s2 =	stileid.u32  }
0x145: {  	s1 =	rddreg [dreg:$0x1];
	p0 =	sne.s32 s2, $0x0  }
0x146: {  	s3 =	rddreg [dreg:$0x2];
	[bflag:$0x3] =	sbarrier.arrive $0xFFFF;
	s2 =	simm.s32 @!p0 $0x1C02  }
0x147: {  	[timem:s3], [sflag:s2] =	dma.local @!p0 [hbm:s0], s1  }
0x148: {  	s0 =	simm.s32 @!p0 $0x2  }
0x149: {  	_ =	swait.ge @!p0 [sflag:s0], s1  }
0x14a: {  	s1 =	ssub.s32 @!p0 $0x0, s1;
	[sflag:s0] =	ssyncset.done @!p0 $0x0  }
0x14b: {  	[sflag:s0] =	ssyncadd.s32 @!p0 s1  }
0x14c: {  	[bflag:$0x3] =	sbarrier.arrive $0xFFFF  }
0x14d: {  	_ =	shalt  }

// kernel: kernel.16.cloned.1.call-start
scs
__scs_entry_jumppad:
0x0: {  	(pc) =	sbr.rel $0x88, $3  }
0x1: {  	(tag) =	ssettag $0x0;
	lr =	simm.s32 $0x1  }
0x2: {  	[smem:$0x3F96] =	sst lr;
	_ =	strace $0xD0000000  }
0x3: {  	_ = 	snop  }
0x4: {  	_ = 	snop  }
0x5: {  	_ = 	snop  }
0x6: {  	_ = 	snop  }
0x7: {  	_ = 	snop  }
__scs_overlays_trampoline_lowered:
0x8: {  	[smem:$0x3FA5] =	sst s0  }
0x9: {  	[smem:$0x3FA6] =	sst s1  }
0xa: {  	[smem:$0x3FA7] =	sst s2  }
0xb: {  	[smem:$0x3FA8] =	sst s3  }
0xc: {  	[smem:$0x3FA9] =	sst s4  }
0xd: {  	[smem:$0x3FAA] =	sst s5  }
0xe: {  	[smem:$0x3FAB] =	sst s6  }
0xf: {  	[smem:$0x3FAC] =	sst s7  }
0x10: {  	[smem:$0x3FAD] =	sst s8  }
0x11: {  	[smem:$0x3FAE] =	sst s9;
	s0 =	simm.s32 @!p0 $0x0  }
0x12: {  	s1 =	sld [smem:$0x3F94];
	s0 =	simm.s32 @p0 $0x1  }
0x13: {  	[smem:$0x3FAF] =	sst s0;
	s0 =	simm.s32 @!p1 $0x0  }
0x14: {  	s2 =	sld [smem:$0x3F93];
	s0 =	simm.s32 @p1 $0x1  }
0x15: {  	[smem:$0x3FB0] =	sst s0;
	s0 =	simm.s32 @!p2 $0x0  }
0x16: {  	s3 =	sld [smem:$0x3FDB];
	s0 =	simm.s32 @p2 $0x1  }
0x17: {  	s4 =	simm.s32 $0x1BF5;
	[smem:$0x3FB2] =	sst s0  }
0x18: {  	s0 =	sld [smem:$0x3F95];
	_ =	swait.ge [sflag:s4], $0x0  }
0x19: {  	s7 =	sld [smem:$0x3F96]  }
0x1a: {  	s8 =	sadd.s32 $0xFFFFE003, lr  }
0x1b: {  	s9 =	sadd.s32 $0xFFFFFEF7, lr;
	s5 =	simm.s32 $0xFFFFFFFF;
	p2 =	slt.u32 s8, $0xFFFFF086  }
0x1c: {  	p1 =	slt.u32 s9, $0xF7A;
	s5 =	simm.s32 @!p2 $0x0  }
0x1d: {  	s5 =	simm.s32 @p1 $0x1;
	p0 =	seq.s32 s7, s2  }
0x1e: {  	s7 =	smul.u32 @!p0 $0xF7A, s2;
	p2 =	seq.s32 @!p0 s5, $0x0  }
0x1f: {  	s9 =	smul.u32 $0xF7A, s1;
	s8 =	simm.s32 @!p0 $0x1BF5;
	p2 =	por !p2, p0  }
0x20: {  	[sflag:s8] =	ssyncset.s32 @!p0 $0xFFFFF086;
	s6 =	sadd.s32 @!p0 s3, s7;
	s7 =	simm.s32 @!p0 $0x108  }
0x21: {  	s3 =	sadd.s32 s3, s9;
	s6 =	sadd.s32 @!p0 $0x88, s6;
	s7 =	simm.s32 @p2 $0x1082  }
0x22: {  	[simem:s7], [sflag:s8] =	dma.local @!p0 [hbm:s6], $0xF7A  }
0x23: {  	s9 =	sor.u32 $0xD0000000, s2;
	s6 =	simm.s32 $0x108;
	_ =	swait.ge @!p0 [sflag:s8], $0x0  }
0x24: {  	s3 =	sadd.s32 $0x88, s3;
	s6 =	simm.s32 @!p1 $0x1082;
	[sflag:s4] =	ssyncset.s32 $0xFFFFF086  }
0x25: {  	[simem:s6], [sflag:s4] =	dma.local [hbm:s3], $0xF7A  }
0x26: {  	[smem:$0x3F96] =	sst s1;
	(tag) =	ssettag s2;
	_ =	strace s9  }
0x27: {  	s1 =	sld [smem:$0x3FA6]  }
0x28: {  	s2 =	sld [smem:$0x3FA7]  }
0x29: {  	s4 =	sld [smem:$0x3FA9]  }
0x2a: {  	p0 =	seq.s32 s5, $0x0;
	s5 =	sld [smem:$0x3FAA]  }
0x2b: {  	s6 =	sld [smem:$0x3FAB]  }
0x2c: {  	s7 =	sld [smem:$0x3FAC]  }
0x2d: {  	s3 =	simm.s32 $0x108;
	s8 =	sld [smem:$0x3FAD]  }
0x2e: {  	s3 =	simm.s32 @!p0 $0x1082;
	s9 =	sld [smem:$0x3FAE]  }
0x2f: {  	lr =	sadd.s32 s0, s3;
	s0 =	sld [smem:$0x3FA5]  }
0x30: {  	s3 =	sld [smem:$0x3FA8]  }
0x31: {  	[smem:$0x3FB1] =	sst s10  }
0x32: {  	s10 =	sld [smem:$0x3FAF];
	_ =	sdelay $0x3  }
0x33: {  	p0 =	seq.s32 s10, $0x1;
	s10 =	sld [smem:$0x3FB1];
	_ =	sdelay $0x3  }
0x34: {  	[smem:$0x3FB1] =	sst s10  }
0x35: {  	s10 =	sld [smem:$0x3FB0];
	_ =	sdelay $0x3  }
0x36: {  	p1 =	seq.s32 s10, $0x1;
	s10 =	sld [smem:$0x3FB1];
	_ =	sdelay $0x3  }
0x37: {  	[smem:$0x3FB1] =	sst s10  }
0x38: {  	s10 =	sld [smem:$0x3FB2]  }
0x39: {  	_ = 	snop;
	(pc) =	sbr.ind lr, $3  }
0x3a: {  	_ = 	snop  }
0x3b: {  	_ = 	snop  }
0x3c: {  	p2 =	seq.s32 s10, $0x1;
	s10 =	sld [smem:$0x3FB1]  }
0x3d: {  	_ =	shalt  }
0x3e: {  	_ =	shalt  }
0x3f: {  	_ =	shalt  }
0x40: {  	_ =	shalt  }
0x41: {  	_ =	shalt  }
0x42: {  	_ =	shalt  }
0x43: {  	_ =	shalt  }
0x44: {  	_ =	shalt  }
0x45: {  	_ =	shalt  }
0x46: {  	_ =	shalt  }
0x47: {  	_ =	shalt  }
0x48: {  	_ =	shalt  }
0x49: {  	_ =	shalt  }
0x4a: {  	_ =	shalt  }
0x4b: {  	_ =	shalt  }
0x4c: {  	_ =	shalt  }
0x4d: {  	_ =	shalt  }
0x4e: {  	_ =	shalt  }
0x4f: {  	_ =	shalt  }
0x50: {  	_ =	shalt  }
0x51: {  	_ =	shalt  }
0x52: {  	_ =	shalt  }
0x53: {  	_ =	shalt  }
0x54: {  	_ =	shalt  }
0x55: {  	_ =	shalt  }
0x56: {  	_ =	shalt  }
0x57: {  	_ =	shalt  }
0x58: {  	_ =	shalt  }
0x59: {  	_ =	shalt  }
0x5a: {  	_ =	shalt  }
0x5b: {  	_ =	shalt  }
0x5c: {  	_ =	shalt  }
0x5d: {  	_ =	shalt  }
0x5e: {  	_ =	shalt  }
0x5f: {  	_ =	shalt  }
0x60: {  	_ =	shalt  }
0x61: {  	_ =	shalt  }
0x62: {  	_ =	shalt  }
0x63: {  	_ =	shalt  }
0x64: {  	_ =	shalt  }
0x65: {  	_ =	shalt  }
0x66: {  	_ =	shalt  }
0x67: {  	_ =	shalt  }
0x68: {  	_ =	shalt  }
0x69: {  	_ =	shalt  }
0x6a: {  	_ =	shalt  }
0x6b: {  	_ =	shalt  }
0x6c: {  	_ =	shalt  }
0x6d: {  	_ =	shalt  }
0x6e: {  	_ =	shalt  }
0x6f: {  	_ =	shalt  }
0x70: {  	_ =	shalt  }
0x71: {  	_ =	shalt  }
0x72: {  	_ =	shalt  }
0x73: {  	_ =	shalt  }
0x74: {  	_ =	shalt  }
0x75: {  	_ =	shalt  }
0x76: {  	_ =	shalt  }
0x77: {  	_ =	shalt  }
0x78: {  	_ =	shalt  }
0x79: {  	_ =	shalt  }
0x7a: {  	_ =	shalt  }
0x7b: {  	_ =	shalt  }
0x7c: {  	_ =	shalt  }
0x7d: {  	_ =	shalt  }
0x7e: {  	_ =	shalt  }
0x7f: {  	_ =	shalt  }
0x80: {  	_ =	shalt  }
0x81: {  	_ =	shalt  }
0x82: {  	_ =	shalt  }
0x83: {  	_ =	shalt  }
0x84: {  	_ =	shalt  }
0x85: {  	_ =	shalt  }
0x86: {  	_ =	shalt  }
0x87: {  	_ =	shalt  }
.Lfunc_end0:
.L_simem_size_0:
called_computation.2_lowered:
.L_overlay_start_0:
0x88: {  	s2 =	sld [smem:$0x3FD9]  }
0x89: {  	s3 =	sld [smem:$0x3FFE];
	_ =	sdelay $0x1  }
0x8a: {  	s1 =	srdreg.scid  }
0x8b: {  	s0 =	sand.u32 $0x1, s1  }
0x8c: {  	s17 =	sshll.u32 s0, $0xA;
	s2 =	sadd.s32 s3, s2  }
0x8d: {  	s2 =	sadd.s32 s2, s17  }
0x8e: {  	[smem:$0x3FBD] =	sst s2  }
0x8f: {  	_ = 	snop  }
0x90: {  	s2 =	sld [smem:$0x3FD0];
	(tm) =	ssettm $0x1  }
0x91: {  	s18 =	sld [smem:$0x3FFB];
	_ =	sdelay $0x3  }
0x92: {  	_ =	strace s18  }
0x93: {  	s3 =	sld [smem:$0x3FFC];
	_ =	sdelay $0x3  }
0x94: {  	_ =	strace s3  }
0x95: {  	s3 =	sld [smem:$0x3FFD];
	_ =	sdelay $0x3  }
0x96: {  	_ =	strace s3  }
0x97: {  	_ =	strace $0x8FFFFFFF  }
0x98: {  	s19 =	sld [smem:$0x3FDB];
	_ =	sdelay $0x1  }
0x99: {  	s4 =	simm.s32 $_scs_section_size  }
0x9a: {  	s5 =	simm.s32 $_size__tile_overlayer_lowered;
	s6 =	simm.s32 $_tile_overlayer_lowered  }
0x9b: {  	s22 =	simm.s32 $0x1BFF;
	s21 =	sshll.u32 s6, $0x1;
	s3 =	sadd.s32 s4, s19  }
0x9c: {  	s7 =	simm.s32 $0x0;
	s20 =	sshll.u32 s5, $0x1;
	s5 =	sadd.s32 s21, s3  }
0x9d: {  	[timem:s7], [sflag:s22] =	dma.local [hbm:s5], s20  }
0x9e: {  	_ =	swait.ge [sflag:s22], s20  }
0x9f: {  	s4 =	ssub.s32 $0x0, s20;
	[sflag:s22] =	ssyncset.done $0x0  }
0xa0: {  	[sflag:s22] =	ssyncadd.s32 s4;
	_ =	sdelay $0x1  }
0xa1: {  	s23 =	simm.s32 $0x1B8B  }
0xa2: {  	_ =	swait.ge [sflag:s23], $0x1  }
0xa3: {  	[sflag:s23] =	ssyncset.done $0x0  }
0xa4: {  	s25 =	simm.s32 $0x1B8E;
	s24 =	sld [smem:$0x3FFE];
	[sflag:s23] =	ssyncadd.s32 $0xFFFFFFFF  }
0xa5: {  	s26 =	simm.s32 $execute0_lowered;
	[smem:$0x3FD2] =	sst s25  }
0xa6: {  	s5 =	sshll.u32 s26, $0x1;
	_ =	strace $0x8000004C;
	[dreg:$0x1] =	wrdreg $0xFFFFFFFF  }
0xa7: {  	s28 =	simm.s32 $_size_execute0_lowered;
	s3 =	sadd.s32 s3, s5;
	[dreg:$0x0] =	wrdreg $0x0  }
0xa8: {  	s5 =	sshll.u32 s28, $0x1;
	[dreg:$0x2] =	wrdreg s3  }
0xa9: {  	[dreg:$0x3] =	wrdreg s5  }
0xaa: {  	[dreg:$0x4] =	wrdreg $0xC0  }
0xab: {  	_ =	task [dreg:s7], $0x5FFFF  }
0xac: {  	[dreg:$0x1] =	wrdreg $0xFFFFFFFF  }
0xad: {  	[dreg:$0x0] =	wrdreg $0x60  }
0xae: {  	[dreg:$0x2] =	wrdreg s24  }
0xaf: {  	[dreg:$0x3] =	wrdreg s2  }
0xb0: {  	[dreg:$0x4] =	wrdreg $0x51800  }
0xb1: {  	[dreg:$0x5] =	wrdreg $0xEF000  }
0xb2: {  	[dreg:$0x6] =	wrdreg $0x9  }
0xb3: {  	_ =	task.clear_ibuf [dreg:s7], $0x7FFFF;
	_ =	strace $0x9000004C  }
0xb4: {  	s29 =	simm.s32 $0x9;
	_ =	strace $0x8000004E  }
0xb5: {  	_ =	swait.ge [sflag:s29], $0x1  }
0xb6: {  	[sflag:s29] =	ssyncadd.s32 $0xFFFFFFFF  }
0xb7: {  	_ =	strace $0x9000004E  }
0xb8: {  	_ =	sfence  }
0xb9: {  	s30 =	sld [smem:$0x0];
	_ =	sdelay $0x2  }
0xba: {  	s31 =	sshll.u32 s1, $0xD;
	s1 =	sshrl.u32 s1, $0x2  }
0xbb: {  	s3 =	sand.u32 $0x4000, s31;
	s1 =	sadd.s32 s1, s30  }
0xbc: {  	s0 =	sor.u32 s3, s0;
	s1 =	sshll.u32 s1, $0x11  }
0xbd: {  	s0 =	sor.u32 s1, s0  }
0xbe: {  	s0 =	sadd.s32 $0x8F2B, s0  }
0xbf: {  	[sflag:s0] =	ssyncadd.remote.s32 $0x1  }
0xc0: {  	_ =	sfence.sel $0xFFFF  }
0xc1: {  	[dreg:$0x0] =	wrdreg $0xFFFFFFFF;
	(pc) =	sbr.abs _section_cstart, $3  }
0xc2: {  	[dreg:$0x1] =	wrdreg $0xFFFFFFFF  }
0xc3: {  	_ =	task.clear_ibuf [dreg:s7], $0x2FFFF;
	_ =	strace $0x9FFFFFFF  }
0xc4: {  	(tm) =	ssettm $0x7FFFFFFF  }
0xc5: {  	_ =	shalt  }
tec
execute0_lowered:
.L_overlay_start_1:
0x0: {  	(tag) =	ssettag $0x1  }
0x1: {  	s0 =	rddreg [dreg:$0x0]  }
0x2: {  	s4 =	rddreg [dreg:$0x1]  }
0x3: {  	s1 =	rddreg [dreg:$0x2]  }
0x4: {  	s2 =	rddreg [dreg:$0x3];
	s3 =	simm.s32 $0x0;
	s28 =	stileid.u32  }
0x5: {  	s9 =	srdreg.scid;
	s29 =	simm.s32 $0x2980;
	s30 =	simm.s32 $0x1  }
0x6: {  	s31 =	simm.s32 $0x80;
	[smem:$0x7FF] =	sst s3;
	s11 =	smul.u32 $0x50, s28  }
0x7: {  	s5 =	sadd.s32 $0x17C00, s0;
	s13 =	smul.u32 $0x2800, s28;
	s10 =	sor.u32 $0x10, s28  }
0x8: {  	s23 =	sor.u32 $0x20, s28;
	s20 =	smin.u32 s28, $0xE;
	s28 =	smul.u32 $0x4E20, s28  }
0x9: {  	s6 =	sadd.s32 $0x3EE00, s0;
	s7 =	sadd.s32 $0x66000, s0;
	s15 =	smul.u32 $0x50, s10  }
0xa: {  	s8 =	sadd.s32 $0xDE00, s0;
	s12 =	sand.u32 $0x1, s9;
	s17 =	smul.u32 $0x2800, s10  }
0xb: {  	s9 =	sadd.s32 $0x4000, s0;
	s0 =	sadd.s32 $0x8D200, s0;
	s18 =	smul.u32 $0x13B0, s12  }
0xc: {  	s14 =	ssub.s32 $0x2, s12;
	s19 =	smul.u32 $0x50, s23;
	s20 =	sor.u32 $0x30, s20  }
0xd: {  	_ =	strace $0x8000004D;
	s16 =	sshrl.u32 s14, $0x1;
	s24 =	smul.u32 $0x50, s20  }
0xe: {  	s10 =	sadd.s32 s13, s1;
	s25 =	smul.u32 $0x2800, s20;
	s14 =	ssub.s32 s14, s16  }
0xf: {  	s16 =	smul.u32 $0x2800, s23;
	s21 =	sadd.s32 s11, s18;
	s11 =	sadd.s32 s13, s2  }
0x10: {  	s15 =	sadd.s32 s18, s15;
	s19 =	sadd.s32 s18, s19;
	s21 =	sshll.u32 s21, $0x4  }
0x11: {  	s20 =	sadd.s32 s17, s1;
	s15 =	sshll.u32 s15, $0x4;
	s26 =	sadd.s32 s4, s21  }
0x12: {  	s19 =	sshll.u32 s19, $0x4;
	s22 =	sadd.s32 s0, s21;
	[dreg:$0x5] =	wrdreg s26  }
0x13: {  	s13 =	sadd.s32 s18, s24;
	s23 =	sadd.s32 s4, s15;
	[dreg:$0x6] =	wrdreg s22  }
0x14: {  	s18 =	smul.u32 $0xFFFFEC78, s12;
	s15 =	sadd.s32 s0, s15;
	[dreg:$0x7] =	wrdreg s23  }
0x15: {  	s12 =	simm.s32 $0x100;
	s24 =	sadd.s32 s4, s19;
	[dreg:$0x8] =	wrdreg s15  }
0x16: {  	s13 =	sshll.u32 s13, $0x4;
	s21 =	sadd.s32 s17, s2;
	[dreg:$0x9] =	wrdreg s24  }
0x17: {  	s26 =	sadd.s32 s0, s19;
	s4 =	sadd.s32 s4, s13;
	s19 =	sadd.s32 s0, s13  }
0x18: {  	s22 =	sadd.s32 s16, s1;
	s23 =	sadd.s32 s16, s2;
	s24 =	sadd.s32 s25, s1  }
0x19: {  	s25 =	sadd.s32 s25, s2;
	s0 =	simm.s32 $0x50;
	[dreg:$0xa] =	wrdreg s26  }
0x1a: {  	v1 =	vimm.f32 $0.0e+00;
	v0 =	vmov s18;
	[dreg:$0xb] =	wrdreg s4;
	s26 =	smax.u32 s14, $0x1;
	s4 =	simm.s32 $0x180  }
.LBB2_1:
0x1b: {  	s13 =	simm.s32 $0x0;
	s14 =	simm.s32 $0x200  }
.LBB2_2:
0x1c: {  	p0 =	sne.s32 s14, $0x9E00;
	[tilespmem:s13+$0x29F0] =	vst v1  }
0x1d: {  	[tilespmem:s13+$0x2980] =	vst v1  }
0x1e: {  	[tilespmem:s13+$0x2990] =	vst v1  }
.Ltmp0:
0x1f: {  	[tilespmem:s13+$0x29A0] =	vst v1;
	(pc) =	sbr.rel @p0 .LBB2_2-.Ltmp0, $4  }
0x20: {  	[tilespmem:s13+$0x29B0] =	vst v1  }
0x21: {  	[tilespmem:s13+$0x29C0] =	vst v1  }
0x22: {  	[tilespmem:s13+$0x29D0] =	vst v1  }
0x23: {  	[tilespmem:s13+$0x29E0] =	vst v1;
	s13 =	sshra.s32 s14, $0x2;
	s14 =	sadd.s32 $0x200, s14  }
0x24: {  	[tilespmem:s13+$0x29F0] =	vst v1  }
0x25: {  	[tilespmem:s13+$0x2980] =	vst v1  }
0x26: {  	[tilespmem:s13+$0x2990] =	vst v1  }
0x27: {  	[tilespmem:s13+$0x29A0] =	vst v1  }
0x28: {  	[tilespmem:s13+$0x29B0] =	vst v1  }
0x29: {  	[tilespmem:s13+$0x29C0] =	vst v1  }
0x2a: {  	[tilespmem:s13+$0x29D0] =	vst v1  }
0x2b: {  	[tilespmem:s13+$0x29E0] =	vst v1  }
0x2c: {  	[spmem:s10] =	stream.linear.scatter [tilespmem:s29], [sflag:$0x1], $0x2800, $0x38;
	[tilespmem:$0x18C80] =	vst v63  }
0x2d: {  	_ =	swait.ge [sflag:s30], $0x2800  }
0x2e: {  	[sflag:s30] =	ssyncset.done $0x0  }
0x2f: {  	[sflag:s30] =	ssyncadd.s32 $0xFFFFD800  }
0x30: {  	[spmem:s11] =	stream.linear.scatter [tilespmem:s29], [sflag:$0x1], $0x2800, $0x38;
	[tilespmem:$0x18C80] =	vst v63  }
0x31: {  	_ =	swait.ge [sflag:s30], $0x2800  }
0x32: {  	[sflag:s30] =	ssyncset.done $0x0  }
0x33: {  	[sflag:s30] =	ssyncadd.s32 $0xFFFFD800  }
0x34: {  	[spmem:s20] =	stream.linear.scatter [tilespmem:s29], [sflag:$0x1], $0x2800, $0x38;
	[tilespmem:$0x18C80] =	vst v63  }
0x35: {  	_ =	swait.ge [sflag:s30], $0x2800  }
0x36: {  	[sflag:s30] =	ssyncset.done $0x0  }
0x37: {  	[sflag:s30] =	ssyncadd.s32 $0xFFFFD800  }
0x38: {  	[spmem:s21] =	stream.linear.scatter [tilespmem:s29], [sflag:$0x1], $0x2800, $0x38;
	[tilespmem:$0x18C80] =	vst v63  }
0x39: {  	_ =	swait.ge [sflag:s30], $0x2800  }
0x3a: {  	[sflag:s30] =	ssyncset.done $0x0  }
0x3b: {  	[sflag:s30] =	ssyncadd.s32 $0xFFFFD800  }
0x3c: {  	[spmem:s22] =	stream.linear.scatter [tilespmem:s29], [sflag:$0x1], $0x2800, $0x38;
	[tilespmem:$0x18C80] =	vst v63  }
0x3d: {  	_ =	swait.ge [sflag:s30], $0x2800  }
0x3e: {  	[sflag:s30] =	ssyncset.done $0x0  }
0x3f: {  	[sflag:s30] =	ssyncadd.s32 $0xFFFFD800  }
0x40: {  	[spmem:s23] =	stream.linear.scatter [tilespmem:s29], [sflag:$0x1], $0x2800, $0x38;
	[tilespmem:$0x18C80] =	vst v63  }
0x41: {  	_ =	swait.ge [sflag:s30], $0x2800  }
0x42: {  	[sflag:s30] =	ssyncset.done $0x0  }
0x43: {  	[sflag:s30] =	ssyncadd.s32 $0xFFFFD800  }
0x44: {  	[spmem:s24] =	stream.linear.scatter [tilespmem:s29], [sflag:$0x1], $0x2800, $0x38;
	[tilespmem:$0x18C80] =	vst v63  }
0x45: {  	_ =	swait.ge [sflag:s30], $0x2800  }
0x46: {  	[sflag:s30] =	ssyncset.done $0x0  }
0x47: {  	[sflag:s30] =	ssyncadd.s32 $0xFFFFD800  }
0x48: {  	[spmem:s25] =	stream.linear.scatter [tilespmem:s29], [sflag:$0x1], $0x2800, $0x38;
	[tilespmem:$0x18C80] =	vst v63  }
0x49: {  	_ =	swait.ge [sflag:s30], $0x2800  }
0x4a: {  	[sflag:s30] =	ssyncset.done $0x0  }
0x4b: {  	[sflag:s30] =	ssyncadd.s32 $0xFFFFD800  }
0x4c: {  	s13 =	simm.s32 $0x0;
	s14 =	simm.s32 $0x0;
	[bflag:$0x0] =	sbarrier.arrive $0xFFFF  }
.LBB2_4:
0x4d: {  	s15 =	smul.u32 $0x50, s14;
	_ =	sdelay $0x1  }
0x4e: {  	s15 =	sadd.s32 s28, s15  }
0x4f: {  	s15 =	sshrl.u32 s15, $0x3  }
0x50: {  	s16 =	sadd.s32 s8, s15  }
0x51: {  	[tilespmem:s13], [sflag:$0x1] =	stream.linear.gather [hbm4b:s16+s13], $0x50, $0x38;
	[tilespmem:$0x18C80] =	vst v63  }
0x52: {  	s15 =	sadd.s32 s9, s15  }
0x53: {  	[tilespmem:s31], [sflag:$0x1] =	stream.linear.gather [hbm4b:s15+s13], $0x50, $0x38;
	[tilespmem:$0x18C80] =	vst v63  }
0x54: {  	_ =	swait.ge [sflag:s30], $0x50  }
0x55: {  	[sflag:s30] =	ssyncset.done $0x0  }
0x56: {  	[sflag:s30] =	ssyncadd.s32 $0xFFFFFFB0  }
0x57: {  	_ =	swait.ge [sflag:s30], $0x50  }
0x58: {  	[sflag:s30] =	ssyncset.done $0x0  }
0x59: {  	[sflag:s30] =	ssyncadd.s32 $0xFFFFFFB0  }
0x5a: {  	v2 =	vld [tilespmem:$0x80]  }
0x5b: {  	v3 =	vld [tilespmem:$0x90]  }
0x5c: {  	v4 =	vld [tilespmem:$0xA0]  }
0x5d: {  	v5 =	vld [tilespmem:$0xB0]  }
0x5e: {  	v6 =	vld [tilespmem:$0xC0]  }
0x5f: {  	v2 =	vadd.s32 v0, v2  }
0x60: {  	v3 =	vadd.s32 v0, v3;
	v2 =	vmin.u32 v2, $0x1388  }
0x61: {  	[tilespmem:$0x100] =	vst v2;
	v2 =	vmin.u32 v3, $0x1388;
	v3 =	vadd.s32 v0, v4  }
0x62: {  	[tilespmem:$0x110] =	vst v2;
	v2 =	vmin.u32 v3, $0x1388;
	v3 =	vadd.s32 v0, v5  }
0x63: {  	[tilespmem:$0x120] =	vst v2;
	v2 =	vmin.u32 v3, $0x1388;
	v3 =	vadd.s32 v0, v6  }
0x64: {  	[tilespmem:$0x130] =	vst v2;
	v2 =	vmin.u32 v3, $0x1388  }
0x65: {  	[tilespmem:$0x140] =	vst v2  }
0x66: {  	[tilespmem:s4], [sflag:$0x1] =	stream.indirect.gather [hbm4b:s6+s0], $0x80, s13, s0, $0xb8;
	[tilespmem:$0x18C80] =	vst v63  }
0x67: {  	_ = 	snop  }
0x68: {  	[tilespmem:s29], [sflag:$0x1] =	stream.indirect.gather [hbm4b:s5+s0], $0x80, s31, s0, $0xb8;
	[tilespmem:$0x18C80] =	vst v63  }
0x69: {  	_ =	swait.ge [sflag:s30], $0x2800  }
0x6a: {  	[sflag:s30] =	ssyncset.done $0x0  }
0x6b: {  	[sflag:s30] =	ssyncadd.s32 $0xFFFFD800  }
0x6c: {  	_ =	swait.ge [sflag:s30], $0x2800  }
0x6d: {  	[sflag:s30] =	ssyncset.done $0x0  }
0x6e: {  	s16 =	simm.s32 $0x0;
	[sflag:s30] =	ssyncadd.s32 $0xFFFFD800  }
0x6f: {  	v2 =	vld [tilespmem:s16+$0x1E0]  }
0x70: {  	v3 =	vld [tilespmem:s16+$0x29E0];
	_ =	sdelay $0x4  }
0x71: {  	v2 =	vmul.f32 v3, v2;
	_ =	sdelay $0x1  }
0x72: {  	(xrf2) =	vadd.scan.msk.f32 $0xffff, v2;
	_ =	sdelay $0x2  }
0x73: {  	v3 =	vld [tilespmem:s16+$0x1A0]  }
0x74: {  	v2 =	vld [tilespmem:s16+$0x29A0];
	_ =	sdelay $0x4  }
0x75: {  	v2 =	vmul.f32 v2, v3  }
0x76: {  	v4 =	vld [tilespmem:s16+$0x1B0];
	v3, _, _ =	vpop (xrf2)  }
0x77: {  	(xrf2) =	vadd.scan.msk.f32 $0xffff, v2;
	v2 =	vld [tilespmem:s16+$0x29B0];
	v3 =	vmul.f32 $1.442695020e+00, v3;
	_ =	sdelay $0x1  }
0x78: {  	v3 =	vbroadcast v3, $0xF;
	_ =	sdelay $0x1  }
0x79: {  	v5 =	vld [tilespmem:s16+$0x29F0];
	(erf) = vpow2.f32 v3  }
0x7a: {  	v2 =	vmul.f32 v2, v4;
	v3 =	vld [tilespmem:s16+$0x1F0];
	_ =	sdelay $0x1  }
0x7b: {  	(xrf2) =	vadd.scan.msk.f32 $0xffff, v2  }
0x7c: {  	v4 =	vld [tilespmem:s16+$0x2990]  }
0x7d: {  	v2 =	vld [tilespmem:s16+$0x190]  }
0x7e: {  	v6, _, _ =	vpop (xrf2);
	v3 =	vmul.f32 v5, v3  }
0x7f: {  	v5 =	vmul.f32 $1.442695020e+00, v6  }
0x80: {  	(xrf2) =	vadd.scan.msk.f32 $0xffff, v3  }
0x81: {  	v3 =	vbroadcast v5, $0xF;
	v6 =	vpop (erf)  }
0x82: {  	s15 =	simm.s32 $0x80;
	v2 =	vmul.f32 v4, v2;
	[tilespmem:s16+$0x1E0] =	vst v6  }
0x83: {  	(erf) = vpow2.f32 v3;
	v3 =	vld [tilespmem:s15+$0x1E0]  }
0x84: {  	(xrf2) =	vadd.scan.msk.f32 $0xffff, v2;
	v2 =	vld [tilespmem:s15+$0x29E0]  }
0x85: {  	v7 =	vld [tilespmem:s16+$0x1D0];
	v4, _, _ =	vpop (xrf2)  }
0x86: {  	v6 =	vld [tilespmem:s16+$0x29D0];
	v4 =	vmul.f32 $1.442695020e+00, v4;
	_ =	sdelay $0x1  }
0x87: {  	v8 =	vld [tilespmem:s16+$0x180];
	v4 =	vbroadcast v4, $0xF  }
0x88: {  	v9 =	vld [tilespmem:s16+$0x29C0];
	v2 =	vmul.f32 v2, v3  }
0x89: {  	v5 =	vld [tilespmem:s16+$0x2980];
	(erf) = vpow2.f32 v4;
	v3, _, _ =	vpop (xrf2)  }
0x8a: {  	v10 =	vld [tilespmem:s16+$0x1C0];
	v3 =	vmul.f32 $1.442695020e+00, v3;
	(xrf2) =	vadd.scan.msk.f32 $0xffff, v2;
	v2 =	vmul.f32 v6, v7;
	_ =	sdelay $0x1  }
0x8b: {  	v4 =	vpop (erf);
	v3 =	vbroadcast v3, $0xF;
	(xrf2) =	vadd.scan.msk.f32 $0xffff, v2  }
0x8c: {  	[tilespmem:s16+$0x1A0] =	vst v4  }
0x8d: {  	v5 =	vmul.f32 v5, v8;
	v6, _, _ =	vpop (xrf2);
	v4 =	vld [tilespmem:s15+$0x29A0];
	(erf) = vpow2.f32 v3  }
0x8e: {  	v7 =	vld [tilespmem:s15+$0x1A0];
	v2 =	vmul.f32 $1.442695020e+00, v6;
	v3 =	vmul.f32 v9, v10  }
0x8f: {  	(xrf2) =	vadd.scan.msk.f32 $0xffff, v5  }
0x90: {  	v2 =	vbroadcast v2, $0xF;
	_ =	sdelay $0x1  }
0x91: {  	(erf) = vpow2.f32 v2;
	(xrf2) =	vadd.scan.msk.f32 $0xffff, v3;
	v3 =	vpop (erf)  }
0x92: {  	v2 =	vmul.f32 v4, v7;
	v4 =	vld [tilespmem:s15+$0x29B0];
	[tilespmem:s16+$0x1B0] =	vst v3;
	v3, _, _ =	vpop (xrf2)  }
0x93: {  	v6 =	vmul.f32 $1.442695020e+00, v3  }
0x94: {  	(xrf2) =	vadd.scan.msk.f32 $0xffff, v2;
	v2 =	vld [tilespmem:s15+$0x1B0];
	v8, _, _ =	vpop (xrf2)  }
0x95: {  	v5 =	vld [tilespmem:s15+$0x29F0];
	v7 =	vpop (erf);
	v6 =	vbroadcast v6, $0xF  }
0x96: {  	v3 =	vld [tilespmem:s15+$0x2990];
	[tilespmem:s16+$0x1F0] =	vst v7;
	v7 =	vmul.f32 $1.442695020e+00, v8  }
0x97: {  	(erf) = vpow2.f32 v6  }
0x98: {  	v62, _, _ =	vpop (xrf2)  }
0x99: {  	v9 =	vmul.f32 $1.442695020e+00, v62;
	v8 =	vld [tilespmem:s15+$0x1F0];
	v6 =	vbroadcast v7, $0xF  }
0x9a: {  	v63 =	vmul.f32 v4, v2;
	v7 =	vpop (erf)  }
0x9b: {  	v2 =	vbroadcast v9, $0xF;
	v4, _, _ =	vpop (xrf2);
	(erf) = vpow2.f32 v6;
	[tilespmem:s16+$0x190] =	vst v7  }
0x9c: {  	v7 =	vmul.f32 $1.442695020e+00, v4;
	v4 =	vld [tilespmem:s15+$0x190]  }
0x9d: {  	(xrf2) =	vadd.scan.msk.f32 $0xffff, v63;
	(erf) = vpow2.f32 v2  }
0x9e: {  	v6 =	vmul.f32 v5, v8;
	v5, _, _ =	vpop (xrf2);
	v7 =	vbroadcast v7, $0xF  }
0x9f: {  	s17 =	simm.s32 $0x400;
	v2 =	vld [tilespmem:s15+$0x2980];
	v5 =	vmul.f32 $1.442695020e+00, v5  }
.LBB2_5:
0xa0: {  	p0 =	sne.s32 s17, $0x9E00;
	v8 =	vpop (erf);
	(xrf2) =	vadd.scan.msk.f32 $0xffff, v6;
	(erf) = vpow2.f32 v7;
	s18 =	smov.u32 s17;
	s17 =	sadd.s32 $0x200, s17  }
0xa1: {  	s18 =	sshra.s32 s18, $0x2;
	v7 =	vmul.f32 v3, v4;
	v4 =	vbroadcast v5, $0xF;
	[tilespmem:s15+$0x1E0] =	vst v8  }
0xa2: {  	v5 =	vld [tilespmem:s18+$0x1E0]  }
0xa3: {  	v6 =	vld [tilespmem:s18+$0x29E0];
	(xrf2) =	vadd.scan.msk.f32 $0xffff, v7;
	(erf) = vpow2.f32 v4  }
0xa4: {  	v3 =	vpop (erf)  }
0xa5: {  	v4 =	vld [tilespmem:s15+$0x29D0];
	[tilespmem:s16+$0x1D0] =	vst v3  }
0xa6: {  	v3 =	vld [tilespmem:s15+$0x1D0];
	v7 =	vpop (erf)  }
0xa7: {  	v8, _, _ =	vpop (xrf2);
	[tilespmem:s16+$0x180] =	vst v7  }
0xa8: {  	v5 =	vmul.f32 v6, v5;
	v9 =	vmul.f32 $1.442695020e+00, v8  }
0xa9: {  	v7 =	vld [tilespmem:s15+$0x180];
	v8 =	vpop (erf)  }
0xaa: {  	(xrf2) =	vadd.scan.msk.f32 $0xffff, v5;
	v10 =	vbroadcast v9, $0xF;
	v6, _, _ =	vpop (xrf2)  }
0xab: {  	v9 =	vld [tilespmem:s15+$0x29C0];
	v3 =	vmul.f32 v4, v3;
	v4 =	vmul.f32 $1.442695020e+00, v6;
	[tilespmem:s16+$0x1C0] =	vst v8;
	s16 =	smov.u32 s15;
	s15 =	smov.u32 s18  }
0xac: {  	v6 =	vld [tilespmem:s16+$0x1C0];
	v8 =	vpop (erf);
	(erf) = vpow2.f32 v10  }
0xad: {  	[tilespmem:s16+$0x1A0] =	vst v8;
	v4 =	vbroadcast v4, $0xF;
	v5, _, _ =	vpop (xrf2);
	(xrf2) =	vadd.scan.msk.f32 $0xffff, v3  }
0xae: {  	v3 =	vld [tilespmem:s15+$0x29A0];
	v2 =	vmul.f32 v2, v7;
	v5 =	vmul.f32 $1.442695020e+00, v5  }
0xaf: {  	v7 =	vld [tilespmem:s15+$0x1A0];
	(erf) = vpow2.f32 v4  }
0xb0: {  	v4 =	vbroadcast v5, $0xF;
	(xrf2) =	vadd.scan.msk.f32 $0xffff, v2  }
0xb1: {  	v2 =	vld [tilespmem:s15+$0x29B0];
	v5 =	vmul.f32 v9, v6  }
0xb2: {  	(erf) = vpow2.f32 v4  }
0xb3: {  	(xrf2) =	vadd.scan.msk.f32 $0xffff, v5  }
0xb4: {  	v3 =	vmul.f32 v3, v7;
	v4, _, _ =	vpop (xrf2)  }
0xb5: {  	v4 =	vmul.f32 $1.442695020e+00, v4;
	v5 =	vpop (erf)  }
0xb6: {  	(xrf2) =	vadd.scan.msk.f32 $0xffff, v3;
	[tilespmem:s16+$0x1B0] =	vst v5  }
0xb7: {  	v5 =	vld [tilespmem:s15+$0x1B0];
	v4 =	vbroadcast v4, $0xF;
	v6, _, _ =	vpop (xrf2)  }
0xb8: {  	v7 =	vld [tilespmem:s15+$0x29F0];
	v8 =	vpop (erf)  }
0xb9: {  	v3 =	vld [tilespmem:s15+$0x2990];
	(erf) = vpow2.f32 v4;
	v4 =	vmul.f32 $1.442695020e+00, v6;
	[tilespmem:s16+$0x1F0] =	vst v8  }
0xba: {  	v6 =	vld [tilespmem:s15+$0x1F0];
	v8, _, _ =	vpop (xrf2)  }
0xbb: {  	v8 =	vmul.f32 $1.442695020e+00, v8;
	v4 =	vbroadcast v4, $0xF;
	v9 =	vpop (erf)  }
0xbc: {  	v5 =	vmul.f32 v2, v5;
	[tilespmem:s16+$0x190] =	vst v9  }
.Ltmp1:
0xbd: {  	v8 =	vbroadcast v8, $0xF;
	v2, _, _ =	vpop (xrf2);
	(erf) = vpow2.f32 v4;
	(pc) =	sbr.rel @p0 .LBB2_5-.Ltmp1, $4  }
0xbe: {  	v4 =	vld [tilespmem:s15+$0x190];
	v9 =	vmul.f32 $1.442695020e+00, v2  }
0xbf: {  	v2 =	vld [tilespmem:s15+$0x2980];
	v6 =	vmul.f32 v7, v6;
	(xrf2) =	vadd.scan.msk.f32 $0xffff, v5;
	(erf) = vpow2.f32 v8  }
0xc0: {  	v5, _, _ =	vpop (xrf2);
	v7 =	vbroadcast v9, $0xF  }
0xc1: {  	v5 =	vmul.f32 $1.442695020e+00, v5  }
0xc2: {  	(erf) = vpow2.f32 v7;
	_ =	sdelay $0x4  }
0xc3: {  	v7 =	vpop (erf)  }
0xc4: {  	[tilespmem:s15+$0x1E0] =	vst v7;
	v7 =	vpop (erf)  }
0xc5: {  	v8 =	vld [tilespmem:s15+$0x29D0];
	[tilespmem:s16+$0x1D0] =	vst v7;
	v9 =	vpop (erf)  }
0xc6: {  	v7 =	vld [tilespmem:s15+$0x1D0];
	[tilespmem:s16+$0x180] =	vst v9  }
0xc7: {  	v9 =	vld [tilespmem:s15+$0x180];
	v10 =	vpop (erf)  }
0xc8: {  	v11 =	vld [tilespmem:s15+$0x29C0];
	[tilespmem:s16+$0x1C0] =	vst v10  }
0xc9: {  	v10 =	vld [tilespmem:s15+$0x1C0]  }
0xca: {  	(xrf2) =	vadd.scan.msk.f32 $0xffff, v6  }
0xcb: {  	v3 =	vmul.f32 v3, v4  }
0xcc: {  	v4 =	vmul.f32 v8, v7  }
0xcd: {  	(xrf2) =	vadd.scan.msk.f32 $0xffff, v3;
	v2 =	vmul.f32 v2, v9  }
0xce: {  	(xrf2) =	vadd.scan.msk.f32 $0xffff, v4;
	v3 =	vmul.f32 v11, v10  }
0xcf: {  	(xrf2) =	vadd.scan.msk.f32 $0xffff, v2  }
0xd0: {  	(xrf2) =	vadd.scan.msk.f32 $0xffff, v3;
	_ =	sdelay $0x2  }
0xd1: {  	v2, _, _ =	vpop (xrf2)  }
0xd2: {  	v4 =	vbroadcast v5, $0xF;
	v2 =	vmul.f32 $1.442695020e+00, v2;
	v3, _, _ =	vpop (xrf2)  }
0xd3: {  	v3 =	vmul.f32 $1.442695020e+00, v3  }
0xd4: {  	v2 =	vbroadcast v2, $0xF  }
0xd5: {  	(erf) = vpow2.f32 v4;
	v5, _, _ =	vpop (xrf2);
	v3 =	vbroadcast v3, $0xF  }
0xd6: {  	(erf) = vpow2.f32 v2;
	v2 =	vmul.f32 $1.442695020e+00, v5;
	v4, _, _ =	vpop (xrf2)  }
0xd7: {  	(erf) = vpow2.f32 v3;
	v3 =	vmul.f32 $1.442695020e+00, v4;
	v4, _, _ =	vpop (xrf2)  }
0xd8: {  	v2 =	vbroadcast v2, $0xF;
	v4 =	vmul.f32 $1.442695020e+00, v4;
	v5, _, _ =	vpop (xrf2)  }
0xd9: {  	v3 =	vbroadcast v3, $0xF;
	v5 =	vmul.f32 $1.442695020e+00, v5  }
0xda: {  	(erf) = vpow2.f32 v2;
	v2 =	vbroadcast v4, $0xF  }
0xdb: {  	(erf) = vpow2.f32 v3;
	v3 =	vbroadcast v5, $0xF  }
0xdc: {  	(erf) = vpow2.f32 v2  }
0xdd: {  	(erf) = vpow2.f32 v3;
	_ =	sdelay $0x2  }
0xde: {  	v2 =	vpop (erf)  }
0xdf: {  	[tilespmem:s15+$0x1A0] =	vst v2;
	v3 =	vpop (erf)  }
0xe0: {  	v2 =	vpop (erf);
	[tilespmem:s15+$0x1B0] =	vst v3  }
0xe1: {  	[tilespmem:s15+$0x1F0] =	vst v2;
	v2 =	vpop (erf)  }
0xe2: {  	[tilespmem:s15+$0x190] =	vst v2;
	v2 =	vpop (erf)  }
0xe3: {  	[tilespmem:s15+$0x1D0] =	vst v2;
	v2 =	vpop (erf)  }
0xe4: {  	[tilespmem:s15+$0x180] =	vst v2;
	v2 =	vpop (erf)  }
0xe5: {  	s18 =	simm.s32 $0x0;
	[tilespmem:s15+$0x1C0] =	vst v2  }
0xe6: {  	[tilespmem:s29], [sflag:$0x1] =	stream.indirect.gather [hbm4b:s7+s0], $0x80, s18, s0, $0xb8;
	[tilespmem:$0x18C80] =	vst v63  }
0xe7: {  	_ =	swait.ge [sflag:s30], $0x2800  }
0xe8: {  	[sflag:s30] =	ssyncset.done $0x0  }
0xe9: {  	s15 =	simm.s32 $0x0;
	[sflag:s30] =	ssyncadd.s32 $0xFFFFD800  }
0xea: {  	v9 =	vld [tilespmem:s15+$0x180]  }
0xeb: {  	v13 =	vld [tilespmem:s15+$0x190]  }
0xec: {  	v7 =	vld [tilespmem:s15+$0x1A0]  }
0xed: {  	v6 =	vld [tilespmem:s15+$0x1B0]  }
0xee: {  	v5 =	vld [tilespmem:s15+$0x1C0]  }
0xef: {  	v4 =	vld [tilespmem:s15+$0x1D0]  }
0xf0: {  	v3 =	vld [tilespmem:s15+$0x1E0]  }
0xf1: {  	v2 =	vld [tilespmem:s15+$0x1F0]  }
0xf2: {  	v14 =	vld [tilespmem:s15+$0x2980]  }
0xf3: {  	v15 =	vld [tilespmem:s15+$0x2990]  }
0xf4: {  	v12 =	vld [tilespmem:s15+$0x29A0]  }
0xf5: {  	v11 =	vld [tilespmem:s15+$0x29B0]  }
0xf6: {  	v10 =	vld [tilespmem:s15+$0x29C0]  }
0xf7: {  	v8 =	vld [tilespmem:s15+$0x29D0];
	v14 =	vmul.f32 v9, v14  }
0xf8: {  	s16 =	simm.s32 $0x200;
	v13 =	vmul.f32 v13, v15;
	v9 =	vld [tilespmem:s15+$0x29E0]  }
.LBB2_7:
0xf9: {  	s17 =	sshra.s32 s16, $0x2;
	p0 =	sne.s32 s16, $0x9E00;
	[tilespmem:s15+$0x2980] =	vst v14;
	v7 =	vmul.f32 v7, v12;
	v12 =	vld [tilespmem:s15+$0x29F0]  }
0xfa: {  	v14 =	vld [tilespmem:s17+$0x180];
	[tilespmem:s15+$0x2990] =	vst v13;
	v6 =	vmul.f32 v6, v11  }
0xfb: {  	v13 =	vld [tilespmem:s17+$0x190];
	[tilespmem:s15+$0x29A0] =	vst v7;
	v5 =	vmul.f32 v5, v10  }
0xfc: {  	v7 =	vld [tilespmem:s17+$0x1A0];
	[tilespmem:s15+$0x29B0] =	vst v6;
	v4 =	vmul.f32 v4, v8  }
0xfd: {  	v6 =	vld [tilespmem:s17+$0x1B0];
	[tilespmem:s15+$0x29C0] =	vst v5;
	v3 =	vmul.f32 v3, v9  }
0xfe: {  	v5 =	vld [tilespmem:s17+$0x1C0];
	[tilespmem:s15+$0x29D0] =	vst v4;
	v2 =	vmul.f32 v2, v12  }
0xff: {  	v4 =	vld [tilespmem:s17+$0x1D0];
	[tilespmem:s15+$0x29E0] =	vst v3  }
0x100: {  	v3 =	vld [tilespmem:s17+$0x1E0];
	[tilespmem:s15+$0x29F0] =	vst v2;
	s15 =	smov.u32 s17  }
0x101: {  	v2 =	vld [tilespmem:s15+$0x1F0]  }
0x102: {  	v8 =	vld [tilespmem:s15+$0x2980]  }
0x103: {  	v9 =	vld [tilespmem:s15+$0x2990]  }
.Ltmp2:
0x104: {  	v12 =	vld [tilespmem:s15+$0x29A0];
	(pc) =	sbr.rel @p0 .LBB2_7-.Ltmp2, $4  }
0x105: {  	v11 =	vld [tilespmem:s15+$0x29B0]  }
0x106: {  	v10 =	vld [tilespmem:s15+$0x29C0]  }
0x107: {  	v14 =	vmul.f32 v14, v8;
	v8 =	vld [tilespmem:s15+$0x29D0]  }
0x108: {  	s16 =	sadd.s32 $0x200, s16;
	v13 =	vmul.f32 v13, v9;
	v9 =	vld [tilespmem:s15+$0x29E0]  }
0x109: {  	[tilespmem:s15+$0x2980] =	vst v14;
	v7 =	vmul.f32 v7, v12;
	v63 =	vld [tilespmem:s15+$0x29F0]  }
0x10a: {  	[tilespmem:s15+$0x2990] =	vst v13;
	v6 =	vmul.f32 v6, v11  }
0x10b: {  	[tilespmem:s15+$0x29A0] =	vst v7;
	v5 =	vmul.f32 v5, v10  }
0x10c: {  	[tilespmem:s15+$0x29B0] =	vst v6;
	v4 =	vmul.f32 v4, v8  }
0x10d: {  	[tilespmem:s15+$0x29C0] =	vst v5;
	v3 =	vmul.f32 v3, v9  }
0x10e: {  	[tilespmem:s15+$0x29D0] =	vst v4;
	v2 =	vmul.f32 v2, v63  }
0x10f: {  	[tilespmem:s15+$0x29E0] =	vst v3  }
0x110: {  	[tilespmem:s15+$0x29F0] =	vst v2  }
0x111: {  	[spmem:s1] =	stream.indirect.scatter.add.f32 [tilespmem:s29], [sflag:$0x1], $0x80, s12, s0, $0xb8;
	[tilespmem:$0x18C80] =	vst v63  }
0x112: {  	s14 =	sadd.s32 $0x1, s14;
	_ =	swait.ge [sflag:s30], $0x2800  }
0x113: {  	p0 =	sne.s32 s14, $0xFA;
	[sflag:s30] =	ssyncset.done $0x0  }
.Ltmp3:
0x114: {  	[sflag:s30] =	ssyncadd.s32 $0xFFFFD800;
	(pc) =	sbr.rel @p0 .LBB2_4-.Ltmp3, $4  }
0x115: {  	[spmem:s2] =	stream.indirect.scatter.add.f32 [tilespmem:s4], [sflag:$0x1], $0x80, s12, s0, $0xb8;
	[tilespmem:$0x18C80] =	vst v63  }
0x116: {  	_ =	swait.ge [sflag:s30], $0x2800  }
0x117: {  	[sflag:s30] =	ssyncset.done $0x0  }
0x118: {  	[sflag:s30] =	ssyncadd.s32 $0xFFFFD800  }
0x119: {  	s13 =	stileid.u32  }
0x11a: {  	[bflag:$0x0] =	sbarrier.arrive $0xFFFF;
	s13 =	sshll.u32 s13, $0x6  }
0x11b: {  	s14 =	sshrl.u32 s10, $0x3;
	s15 =	rddreg [dreg:$0x5];
	s13 =	sor.u32 $0x1C01, s13  }
0x11c: {  	[hbm:s15], [sflag:s13] =	dma.local [spmem:s14], $0x500  }
0x11d: {  	_ =	swait.ge [sflag:s30], $0x500  }
0x11e: {  	[sflag:s30] =	ssyncset.done $0x0  }
0x11f: {  	s17 =	sshrl.u32 s11, $0x3;
	s18 =	rddreg [dreg:$0x6];
	[sflag:s30] =	ssyncadd.s32 $0xFFFFFB00  }
0x120: {  	[hbm:s18], [sflag:s13] =	dma.local [spmem:s17], $0x500  }
0x121: {  	_ =	swait.ge [sflag:s30], $0x500  }
0x122: {  	[sflag:s30] =	ssyncset.done $0x0  }
0x123: {  	s15 =	sshrl.u32 s20, $0x3;
	s16 =	rddreg [dreg:$0x7];
	[sflag:s30] =	ssyncadd.s32 $0xFFFFFB00  }
0x124: {  	[hbm:s16], [sflag:s13] =	dma.local [spmem:s15], $0x500  }
0x125: {  	_ =	swait.ge [sflag:s30], $0x500  }
0x126: {  	[sflag:s30] =	ssyncset.done $0x0  }
0x127: {  	s17 =	sshrl.u32 s21, $0x3;
	s18 =	rddreg [dreg:$0x8];
	[sflag:s30] =	ssyncadd.s32 $0xFFFFFB00  }
0x128: {  	[hbm:s18], [sflag:s13] =	dma.local [spmem:s17], $0x500  }
0x129: {  	_ =	swait.ge [sflag:s30], $0x500  }
0x12a: {  	[sflag:s30] =	ssyncset.done $0x0  }
0x12b: {  	s15 =	sshrl.u32 s22, $0x3;
	s16 =	rddreg [dreg:$0x9];
	[sflag:s30] =	ssyncadd.s32 $0xFFFFFB00  }
0x12c: {  	[hbm:s16], [sflag:s13] =	dma.local [spmem:s15], $0x500  }
0x12d: {  	_ =	swait.ge [sflag:s30], $0x500  }
0x12e: {  	[sflag:s30] =	ssyncset.done $0x0  }
0x12f: {  	s17 =	sshrl.u32 s23, $0x3;
	s18 =	rddreg [dreg:$0xa];
	[sflag:s30] =	ssyncadd.s32 $0xFFFFFB00  }
0x130: {  	[hbm:s18], [sflag:s13] =	dma.local [spmem:s17], $0x500  }
0x131: {  	_ =	swait.ge [sflag:s30], $0x500  }
0x132: {  	[sflag:s30] =	ssyncset.done $0x0  }
0x133: {  	s16 =	sshrl.u32 s24, $0x3;
	s17 =	rddreg [dreg:$0xb];
	[sflag:s30] =	ssyncadd.s32 $0xFFFFFB00  }
0x134: {  	[hbm:s17], [sflag:s13] =	dma.local [spmem:s16], $0x500  }
0x135: {  	s3 =	sadd.s32 $0x1, s3;
	_ =	swait.ge [sflag:s30], $0x500  }
0x136: {  	p0 =	sne.s32 s3, s26;
	[sflag:s30] =	ssyncset.done $0x0  }
.Ltmp4:
0x137: {  	s18 =	sshrl.u32 s25, $0x3;
	[sflag:s30] =	ssyncadd.s32 $0xFFFFFB00;
	(pc) =	sbr.rel @p0 .LBB2_1-.Ltmp4, $4  }
0x138: {  	[hbm:s19], [sflag:s13] =	dma.local [spmem:s18], $0x500  }
0x139: {  	_ =	swait.ge [sflag:s30], $0x500  }
0x13a: {  	[sflag:s30] =	ssyncset.done $0x0  }
0x13b: {  	[sflag:s30] =	ssyncadd.s32 $0xFFFFFB00  }
0x13c: {  	_ =	sfence.sel $0x180000  }
0x13d: {  	[bflag:$0x0] =	sbarrier.arrive $0xFFFF  }
0x13e: {  	_ =	strace $0x9000004D  }
0x13f: {  	s0 =	stileid.u32;
	[bflag:$0x2] =	sbarrier.arrive $0xFFFF  }
0x140: {  	p0 =	sne.s32 s0, $0x0;
	s0 =	rddreg [dreg:$0x4]  }
0x141: {  	s0 =	sadd.s32 @!p0 $0x100000, s0  }
0x142: {  	[sflag:s0] =	ssyncadd.tile.s32 @!p0 $0x1;
	_ =	shalt  }
.Lfunc_end2:
_tile_overlayer_lowered:
.L_overlay_start_2:
0x143: {  	(tag) =	ssettag $0x2  }
0x144: {  	s0 =	rddreg [dreg:$0x0];
	s2 =	stileid.u32  }
0x145: {  	s1 =	rddreg [dreg:$0x1];
	p0 =	sne.s32 s2, $0x0  }
0x146: {  	s3 =	rddreg [dreg:$0x2];
	[bflag:$0x3] =	sbarrier.arrive $0xFFFF;
	s2 =	simm.s32 @!p0 $0x1C02  }
0x147: {  	[timem:s3], [sflag:s2] =	dma.local @!p0 [hbm:s0], s1  }
0x148: {  	s0 =	simm.s32 @!p0 $0x2  }
0x149: {  	_ =	swait.ge @!p0 [sflag:s0], s1  }
0x14a: {  	s1 =	ssub.s32 @!p0 $0x0, s1;
	[sflag:s0] =	ssyncset.done @!p0 $0x0  }
0x14b: {  	[sflag:s0] =	ssyncadd.s32 @!p0 s1  }
0x14c: {  	[bflag:$0x3] =	sbarrier.arrive $0xFFFF  }
0x14d: {  	_ =	shalt  }

</sc_bundles>
